<compile_context>
chip_gen: v7x
topology: tpu7x:2x2x1
jax: 0.10.2.dev20260603
libtpu: 0.0.44.dev20260713+nightly
codegen_flags: <defaults>
</compile_context>

<pallas_src>
import jax
import jax.numpy as jnp
from jax import lax
from jax.experimental import pallas as pl
from jax.experimental.pallas import tpu as pltpu
from jax.experimental.pallas import tpu_sc as plsc

N = 10000
NPAD = 10240
D = 256
H = 256
E_OUT = 4
NE = 160000

NC = 2
NS = 16
C = 128
NCH = 80
EPAD = NS * NCH * C
DW = 16
RB = 1000
GRID = N // RB

_sc_mesh = plsc.VectorSubcoreMesh(
    core_axis_name="c", subcore_axis_name="s", num_cores=NC, num_subcores=NS)


def _deg_body(pk, out, pkv, idxd, ones, zbuf, acc):
    c = lax.axis_index("c")
    s = lax.axis_index("s")
    pltpu.sync_copy(pk.at[s], pkv)

    def _fill(i, _):
        zbuf[i, :] = jnp.zeros((DW,), jnp.float32)
        ones[i, :] = jnp.ones((DW,), jnp.float32)
        return 0
    lax.fori_loop(0, C, _fill, 0)
    for t in range(5):
        pltpu.sync_copy(zbuf, acc.at[pl.ds(s * 640 + t * C, C)])
    plsc.subcore_barrier()

    def _chunk(j, _):
        for k in range(8):
            idxd[0, pl.ds(k * 16, 16)] = pkv[j, pl.ds(k * 16, 16)] & 32767
        pltpu.sync_copy(ones, acc.at[idxd.at[0]], add=True)
        return 0
    lax.fori_loop(0, NCH, _chunk, 0)
    plsc.subcore_barrier()

    @pl.when(c == 0)
    def _():
        pltpu.sync_copy(acc.at[pl.ds(s * 640, 640)],
                        out.at[pl.ds(s * 640, 640)])


_deg_kernel = pl.kernel(
    _deg_body,
    out_type=jax.ShapeDtypeStruct((NPAD, DW), jnp.float32),
    mesh=_sc_mesh,
    compiler_params=pltpu.CompilerParams(use_tc_tiling_on_sc=False),
    scratch_types=[
        pltpu.VMEM((NCH, C), jnp.int32),
        pltpu.VMEM((1, C), jnp.int32),
        pltpu.VMEM((C, DW), jnp.float32),
        pltpu.VMEM((C, DW), jnp.float32),
        pltpu.VMEM_SHARED((NPAD, DW), jnp.float32),
    ],
)


def _agg_body(h2d, pk, out, pkv, idxg, idxd, rowbuf, acc, sem):
    c = lax.axis_index("c")
    s = lax.axis_index("s")
    pltpu.sync_copy(pk.at[s], pkv)

    def _unpack(j, b):
        for k in range(8):
            p = pkv[j, pl.ds(k * 16, 16)]
            idxg[b, pl.ds(k * 16, 16)] = (p >> 15) + c
            idxd[b, pl.ds(k * 16, 16)] = p & 32767

    def _zfill(i, _):
        for k in range(8):
            rowbuf[0, i, pl.ds(k * 16, 16)] = jnp.zeros((16,), jnp.float32)
        return 0
    lax.fori_loop(0, C, _zfill, 0)
    for t in range(5):
        pltpu.sync_copy(rowbuf.at[0], acc.at[pl.ds(s * 640 + t * C, C)])
    _unpack(0, 0)
    pltpu.async_copy(h2d.at[idxg.at[0]], rowbuf.at[0], sem.at[0])
    plsc.subcore_barrier()

    @pl.loop(0, NCH, step=2)
    def _pair(j):
        _unpack(j + 1, 1)
        pltpu.async_copy(h2d.at[idxg.at[1]], rowbuf.at[1], sem.at[1])
        pltpu.make_async_copy(
            h2d.at[idxg.at[0]], rowbuf.at[0], sem.at[0]).wait()
        pltpu.sync_copy(rowbuf.at[0], acc.at[idxd.at[0]], add=True)

        @pl.when(j + 2 < NCH)
        def _():
            _unpack(j + 2, 0)
            pltpu.async_copy(h2d.at[idxg.at[0]], rowbuf.at[0], sem.at[0])

        pltpu.make_async_copy(
            h2d.at[idxg.at[1]], rowbuf.at[1], sem.at[1]).wait()
        pltpu.sync_copy(rowbuf.at[1], acc.at[idxd.at[1]], add=True)

    plsc.subcore_barrier()
    pltpu.sync_copy(acc.at[pl.ds(s * 640, 640)],
                    out.at[c, pl.ds(s * 640, 640)])


_agg_kernel = pl.kernel(
    _agg_body,
    out_type=jax.ShapeDtypeStruct((NC, NPAD, 128), jnp.float32),
    mesh=_sc_mesh,
    compiler_params=pltpu.CompilerParams(use_tc_tiling_on_sc=False),
    scratch_types=[
        pltpu.VMEM((NCH, C), jnp.int32),
        pltpu.VMEM((2, C), jnp.int32),
        pltpu.VMEM((2, C), jnp.int32),
        pltpu.VMEM((2, C, 128), jnp.float32),
        pltpu.VMEM_SHARED((NPAD, 128), jnp.float32),
        pltpu.SemaphoreType.DMA((2,)),
    ],
)


def _tc1_body(x_ref, w1_ref, deg_ref, h1p_ref, dinv_ref):
    dinv = lax.rsqrt(deg_ref[:, 0:1] + 1.0)
    h = jnp.dot(x_ref[...], w1_ref[...], preferred_element_type=jnp.float32)
    hp = h * dinv
    h1p_ref[:, 0, :] = hp[:, :128]
    h1p_ref[:, 1, :] = hp[:, 128:]
    dinv_ref[...] = dinv


_tc1 = pl.pallas_call(
    _tc1_body,
    grid=(GRID,),
    in_specs=[
        pl.BlockSpec((RB, D), lambda i: (i, 0)),
        pl.BlockSpec((D, H), lambda i: (0, 0)),
        pl.BlockSpec((RB, DW), lambda i: (i, 0)),
    ],
    out_specs=[
        pl.BlockSpec((RB, 2, 128), lambda i: (i, 0, 0)),
        pl.BlockSpec((RB, 1), lambda i: (i, 0)),
    ],
    out_shape=[
        jax.ShapeDtypeStruct((N, 2, 128), jnp.float32),
        jax.ShapeDtypeStruct((N, 1), jnp.float32),
    ],
)


def _tc2_body(a0_ref, a1_ref, h1p_ref, dinv_ref, b1_ref, w2_ref, h2p_ref):
    dinv = dinv_ref[...]
    aggc = jnp.concatenate(
        [a0_ref[0], a1_ref[0]], axis=-1).astype(jnp.float32)
    h1p = jnp.concatenate(
        [h1p_ref[:, 0, :], h1p_ref[:, 1, :]], axis=-1).astype(jnp.float32)
    pre = (aggc + h1p) * dinv + b1_ref[...]
    r = jnp.maximum(pre, 0.0)
    h2 = jnp.dot(r, w2_ref[...], preferred_element_type=jnp.float32)
    h2p = h2 * dinv
    h2p_ref[:, 0, :] = h2p[:, :128]
    h2p_ref[:, 1, :] = h2p[:, 128:]


_AGG_SPECS = [
    pl.BlockSpec((1, RB, 128), lambda i: (0, i, 0)),
    pl.BlockSpec((1, RB, 128), lambda i: (1, i, 0)),
]

_tc2 = pl.pallas_call(
    _tc2_body,
    grid=(GRID,),
    in_specs=[
        *_AGG_SPECS,
        pl.BlockSpec((RB, 2, 128), lambda i: (i, 0, 0)),
        pl.BlockSpec((RB, 1), lambda i: (i, 0)),
        pl.BlockSpec((H,), lambda i: (0,)),
        pl.BlockSpec((H, H), lambda i: (0, 0)),
    ],
    out_specs=pl.BlockSpec((RB, 2, 128), lambda i: (i, 0, 0)),
    out_shape=jax.ShapeDtypeStruct((N, 2, 128), jnp.float32),
)


def _tc3_body(a0_ref, a1_ref, h2p_ref, dinv_ref, b2_ref,
              wc1_ref, bc1_ref, wc2_ref, bc2_ref, out_ref):
    dinv = dinv_ref[...]
    aggc = jnp.concatenate(
        [a0_ref[0], a1_ref[0]], axis=-1).astype(jnp.float32)
    h2p = jnp.concatenate(
        [h2p_ref[:, 0, :], h2p_ref[:, 1, :]], axis=-1).astype(jnp.float32)
    pre = (aggc + h2p) * dinv + b2_ref[...]
    t = jnp.tanh(pre)
    e = jnp.maximum(
        jnp.dot(t, wc1_ref[...], preferred_element_type=jnp.float32)
        + bc1_ref[...], 0.0)
    e2 = jnp.maximum(
        jnp.dot(e, wc2_ref[...], preferred_element_type=jnp.float32)
        + bc2_ref[...], 0.0)
    out_ref[...] = e2


_tc3 = pl.pallas_call(
    _tc3_body,
    grid=(GRID,),
    in_specs=[
        *_AGG_SPECS,
        pl.BlockSpec((RB, 2, 128), lambda i: (i, 0, 0)),
        pl.BlockSpec((RB, 1), lambda i: (i, 0)),
        pl.BlockSpec((H,), lambda i: (0,)),
        pl.BlockSpec((H, H), lambda i: (0, 0)),
        pl.BlockSpec((H,), lambda i: (0,)),
        pl.BlockSpec((H, E_OUT), lambda i: (0, 0)),
        pl.BlockSpec((E_OUT,), lambda i: (0,)),
    ],
    out_specs=pl.BlockSpec((RB, E_OUT), lambda i: (i, 0)),
    out_shape=jax.ShapeDtypeStruct((N, E_OUT), jnp.float32),
)


def kernel(x, edge_index, W1, b1, W2, b2, Wc1, bc1, Wc2, bc2):
    pk0 = (edge_index[0] << 16) | edge_index[1]
    fill = jnp.full((EPAD - NE,), NPAD - 1, jnp.int32)
    pk = jnp.concatenate([pk0, fill]).reshape(NS, NCH, C)

    deg = _deg_kernel(pk)
    h1p, dinv = _tc1(x, W1, deg)
    agg1 = _agg_kernel(h1p.reshape(2 * N, 128), pk)
    h2p = _tc2(agg1, agg1, h1p, dinv, b1, W2)
    agg2 = _agg_kernel(h2p.reshape(2 * N, 128), pk)
    out = _tc3(agg2, agg2, h2p, dinv, b2, Wc1, bc1, Wc2, bc2)
    return out

# --- scband reference (transcript-rebuilt; emitter-appended) ---
"""Pipeline reference for scband-model-22419729285702 (READ-ONLY COPY).

The authoritative reference and input builder live on the scoring server;
editing this copy changes nothing except your own understanding.
"""

import jax, jax.numpy as jnp
import numpy as np

N = 10000
D = 256
H = 256
E_ENV = 4
NE = 160000

def gcn_conv(x, src, dst, W, b):
    # GCNConv with self-loops and symmetric normalization
    n = x.shape[0]
    loop = jnp.arange(n, dtype=src.dtype)
    s = jnp.concatenate([src, loop])
    t = jnp.concatenate([dst, loop])
    h = x @ W
    deg = jnp.zeros((n,), h.dtype).at[t].add(1.0)
    dinv = jax.lax.rsqrt(jnp.maximum(deg, 1.0))
    coef = (dinv[s] * dinv[t])[:, None]
    msg = h[s] * coef
    out = jnp.zeros_like(h).at[t].add(msg)
    return out + b

def setup_inputs(seed: int = 0) -> dict:
    key = jax.random.key(seed)
    ks = jax.random.split(key, 12)
    x = jax.random.normal(ks[0], (N, D), dtype=jnp.float32)
    edge_index = jax.random.randint(ks[1], (2, NE), 0, N, dtype=jnp.int32)
    s1 = 1.0 / np.sqrt(D)
    s2 = 1.0 / np.sqrt(H)
    W1 = jax.random.uniform(ks[2], (D, H), jnp.float32, -s1, s1)
    b1 = jnp.zeros((H,), jnp.float32)
    W2 = jax.random.uniform(ks[3], (H, H), jnp.float32, -s2, s2)
    b2 = jnp.zeros((H,), jnp.float32)
    Wc1 = jax.random.uniform(ks[4], (H, H), jnp.float32, -s2, s2)
    bc1 = jnp.zeros((H,), jnp.float32)
    Wc2 = jax.random.uniform(ks[5], (H, E_ENV), jnp.float32, -s2, s2)
    bc2 = jnp.zeros((E_ENV,), jnp.float32)
    return {"x": x, "edge_index": edge_index, "W1": W1, "b1": b1, "W2": W2, "b2": b2, "Wc1": Wc1, "bc1": bc1, "Wc2": Wc2, "bc2": bc2}

def reference(x, edge_index, W1, b1, W2, b2, Wc1, bc1, Wc2, bc2):
    src, dst = edge_index[0], edge_index[1]
    # irrelavant_Learner: 2-layer GCN + tanh
    h = gcn_conv(x, src, dst, W1, b1)
    h = jax.nn.relu(h)
    h = gcn_conv(h, src, dst, W2, b2)
    ir_feature = jnp.tanh(h)
    # Environment_Cls: lin -> relu -> lin -> relu
    e = ir_feature @ Wc1 + bc1
    e = jax.nn.relu(e)
    e = e @ Wc2 + bc2
    e_new = jax.nn.relu(e)
    return e_new

if __name__ == "__main__":
    import jax
    _d = setup_inputs()
    print(jax.jit(kernel)(*tuple(_d.values())))

</pallas_src>

<mosaic_0001>
#map = affine_map<(d0, d1) -> (0, 0)>
#map1 = affine_map<(d0, d1) -> (0, 0, 0)>
module attributes {stable_mosaic.version = 14 : i64} {
  func.func @_agg_body(%arg0: i32, %arg1: i32, %arg2: memref<20000x128xf32, #tpu.memory_space<hbm>>, %arg3: memref<16x80x128xi32, #tpu.memory_space<hbm>>, %arg4: memref<2x10240x128xf32, #tpu.memory_space<hbm>>, %arg5: memref<80x128xi32, #tpu.memory_space<vmem>>, %arg6: memref<2x128xi32, #tpu.memory_space<vmem>>, %arg7: memref<2x128xi32, #tpu.memory_space<vmem>>, %arg8: memref<2x128x128xf32, #tpu.memory_space<vmem>>, %arg9: memref<10240x128xf32, #tpu.memory_space<vmem_shared>>, %arg10: memref<2x!tpu.dma_semaphore, #tpu.memory_space<semaphore_mem>>) attributes {dimension_semantics = [#tpu.dimension_semantics<core_parallel>, #tpu.dimension_semantics<subcore_parallel>], iteration_bounds = array<i64: 2, 16>, scalar_prefetch = 0 : i64, scratch_operands = 6 : i64, tpu.core_type = #tpu.core_type<sc_vector_subcore>, window_params = [{transform_indices = #map}, {transform_indices = #map1}, {transform_indices = #map1}]} {
    "tpu.region"() ({
      %run_scoped3A_248 = tpu.sem_alloc : memref<!tpu.dma_semaphore, #tpu.memory_space<semaphore_mem>>
      %dma_start3A_249 = arith.constant 0 : i32
      %dma_start3A_250 = arith.constant 0 : i32
      %dma_start3A_251 = tpu.memref_slice %arg3[%arg1, %dma_start3A_249, %dma_start3A_250] : memref<16x80x128xi32, #tpu.memory_space<hbm>> -> memref<1x80x128xi32, #tpu.memory_space<hbm>>
      %dma_start3A_252 = tpu.memref_squeeze %dma_start3A_251 : memref<1x80x128xi32, #tpu.memory_space<hbm>> -> memref<80x128xi32, #tpu.memory_space<hbm>>
      %dma_start3A_253 = arith.constant 0 : i32
      %dma_start3A_254 = arith.constant 0 : i32
      %dma_start3A_255 = tpu.memref_slice %arg3[%arg1, %dma_start3A_253, %dma_start3A_254] : memref<16x80x128xi32, #tpu.memory_space<hbm>> -> memref<1x80x128xi32, #tpu.memory_space<hbm>>
      %dma_start3A_256 = tpu.memref_squeeze %dma_start3A_255 : memref<1x80x128xi32, #tpu.memory_space<hbm>> -> memref<80x128xi32, #tpu.memory_space<hbm>>
      tpu.enqueue_dma source(%dma_start3A_256 : memref<80x128xi32, #tpu.memory_space<hbm>>) target(%arg5 : memref<80x128xi32, #tpu.memory_space<vmem>>) target_semaphore(%run_scoped3A_248 : memref<!tpu.dma_semaphore, #tpu.memory_space<semaphore_mem>>)
      %dma_wait3A = arith.constant 0 : i32
      %dma_wait3A_257 = arith.constant 0 : i32
      %dma_wait3A_258 = tpu.memref_slice %arg3[%arg1, %dma_wait3A, %dma_wait3A_257] : memref<16x80x128xi32, #tpu.memory_space<hbm>> -> memref<1x80x128xi32, #tpu.memory_space<hbm>>
      %dma_wait3A_259 = tpu.memref_squeeze %dma_wait3A_258 : memref<1x80x128xi32, #tpu.memory_space<hbm>> -> memref<80x128xi32, #tpu.memory_space<hbm>>
      %dma_wait3A_260 = arith.constant 0 : i32
      %dma_wait3A_261 = arith.constant 0 : i32
      %dma_wait3A_262 = tpu.memref_slice %arg3[%arg1, %dma_wait3A_260, %dma_wait3A_261] : memref<16x80x128xi32, #tpu.memory_space<hbm>> -> memref<1x80x128xi32, #tpu.memory_space<hbm>>
      %dma_wait3A_263 = tpu.memref_squeeze %dma_wait3A_262 : memref<1x80x128xi32, #tpu.memory_space<hbm>> -> memref<80x128xi32, #tpu.memory_space<hbm>>
      tpu.wait_dma2 semaphore(%run_scoped3A_248 : memref<!tpu.dma_semaphore, #tpu.memory_space<semaphore_mem>>) src(%dma_wait3A_263 : memref<80x128xi32, #tpu.memory_space<hbm>>) dst(%arg5 : memref<80x128xi32, #tpu.memory_space<vmem>>)
      tpu.yield
    }) : () -> ()
    %scan3A = arith.constant 0 : i32
    %scan3A_0 = arith.constant 0 : i32
    %scan3A_1 = arith.constant 128 : i32
    %scan3A_2 = arith.addi %scan3A_0, %scan3A_1 : i32
    %scan3A_3 = arith.constant 1 : i32
    %scan3A_4 = scf.for %scan3A_248 = %scan3A_0 to %scan3A_2 step %scan3A_3 iter_args(%scan3A_249 = %scan3A) -> (i32)  : i32 {
      %broadcast_in_dim3A = arith.constant 0.000000e+00 : f32
      %broadcast_in_dim3A_250 = vector.broadcast %broadcast_in_dim3A : f32 to vector<16xf32>
      %swap3A_251 = arith.constant 0 : i32
      %swap3A_252 = arith.index_cast %swap3A_251 : i32 to index
      %swap3A_253 = arith.index_cast %scan3A_248 : i32 to index
      %swap3A_254 = arith.constant 0 : index
      %swap3A_255 = tpu.vector_load %arg8[%swap3A_252, %swap3A_253, %swap3A_254] {strides = array<i32>} : memref<2x128x128xf32, #tpu.memory_space<vmem>>, vector<1x1x16xf32>,
      %swap3A_256 = vector.shape_cast %swap3A_255 : vector<1x1x16xf32> to vector<16xf32>
      %swap3A_257 = vector.shape_cast %broadcast_in_dim3A_250 : vector<16xf32> to vector<1x1x16xf32>
      tpu.vector_store %arg8[%swap3A_252, %swap3A_253, %swap3A_254], %swap3A_257 {strides = array<i32>} : memref<2x128x128xf32, #tpu.memory_space<vmem>>, vector<1x1x16xf32>,
      %broadcast_in_dim3A_258 = arith.constant 0.000000e+00 : f32
      %broadcast_in_dim3A_259 = vector.broadcast %broadcast_in_dim3A_258 : f32 to vector<16xf32>
      %swap3A_260 = arith.constant 0 : i32
      %swap3A_261 = arith.index_cast %swap3A_260 : i32 to index
      %swap3A_262 = arith.index_cast %scan3A_248 : i32 to index
      %swap3A_263 = arith.constant 16 : index
      %swap3A_264 = tpu.vector_load %arg8[%swap3A_261, %swap3A_262, %swap3A_263] {strides = array<i32>} : memref<2x128x128xf32, #tpu.memory_space<vmem>>, vector<1x1x16xf32>,
      %swap3A_265 = vector.shape_cast %swap3A_264 : vector<1x1x16xf32> to vector<16xf32>
      %swap3A_266 = vector.shape_cast %broadcast_in_dim3A_259 : vector<16xf32> to vector<1x1x16xf32>
      tpu.vector_store %arg8[%swap3A_261, %swap3A_262, %swap3A_263], %swap3A_266 {strides = array<i32>} : memref<2x128x128xf32, #tpu.memory_space<vmem>>, vector<1x1x16xf32>,
      %broadcast_in_dim3A_267 = arith.constant 0.000000e+00 : f32
      %broadcast_in_dim3A_268 = vector.broadcast %broadcast_in_dim3A_267 : f32 to vector<16xf32>
      %swap3A_269 = arith.constant 0 : i32
      %swap3A_270 = arith.index_cast %swap3A_269 : i32 to index
      %swap3A_271 = arith.index_cast %scan3A_248 : i32 to index
      %swap3A_272 = arith.constant 32 : index
      %swap3A_273 = tpu.vector_load %arg8[%swap3A_270, %swap3A_271, %swap3A_272] {strides = array<i32>} : memref<2x128x128xf32, #tpu.memory_space<vmem>>, vector<1x1x16xf32>,
      %swap3A_274 = vector.shape_cast %swap3A_273 : vector<1x1x16xf32> to vector<16xf32>
      %swap3A_275 = vector.shape_cast %broadcast_in_dim3A_268 : vector<16xf32> to vector<1x1x16xf32>
      tpu.vector_store %arg8[%swap3A_270, %swap3A_271, %swap3A_272], %swap3A_275 {strides = array<i32>} : memref<2x128x128xf32, #tpu.memory_space<vmem>>, vector<1x1x16xf32>,
      %broadcast_in_dim3A_276 = arith.constant 0.000000e+00 : f32
      %broadcast_in_dim3A_277 = vector.broadcast %broadcast_in_dim3A_276 : f32 to vector<16xf32>
      %swap3A_278 = arith.constant 0 : i32
      %swap3A_279 = arith.index_cast %swap3A_278 : i32 to index
      %swap3A_280 = arith.index_cast %scan3A_248 : i32 to index
      %swap3A_281 = arith.constant 48 : index
      %swap3A_282 = tpu.vector_load %arg8[%swap3A_279, %swap3A_280, %swap3A_281] {strides = array<i32>} : memref<2x128x128xf32, #tpu.memory_space<vmem>>, vector<1x1x16xf32>,
      %swap3A_283 = vector.shape_cast %swap3A_282 : vector<1x1x16xf32> to vector<16xf32>
      %swap3A_284 = vector.shape_cast %broadcast_in_dim3A_277 : vector<16xf32> to vector<1x1x16xf32>
      tpu.vector_store %arg8[%swap3A_279, %swap3A_280, %swap3A_281], %swap3A_284 {strides = array<i32>} : memref<2x128x128xf32, #tpu.memory_space<vmem>>, vector<1x1x16xf32>,
      %broadcast_in_dim3A_285 = arith.constant 0.000000e+00 : f32
      %broadcast_in_dim3A_286 = vector.broadcast %broadcast_in_dim3A_285 : f32 to vector<16xf32>
      %swap3A_287 = arith.constant 0 : i32
      %swap3A_288 = arith.index_cast %swap3A_287 : i32 to index
      %swap3A_289 = arith.index_cast %scan3A_248 : i32 to index
      %swap3A_290 = arith.constant 64 : index
      %swap3A_291 = tpu.vector_load %arg8[%swap3A_288, %swap3A_289, %swap3A_290] {strides = array<i32>} : memref<2x128x128xf32, #tpu.memory_space<vmem>>, vector<1x1x16xf32>,
      %swap3A_292 = vector.shape_cast %swap3A_291 : vector<1x1x16xf32> to vector<16xf32>
      %swap3A_293 = vector.shape_cast %broadcast_in_dim3A_286 : vector<16xf32> to vector<1x1x16xf32>
      tpu.vector_store %arg8[%swap3A_288, %swap3A_289, %swap3A_290], %swap3A_293 {strides = array<i32>} : memref<2x128x128xf32, #tpu.memory_space<vmem>>, vector<1x1x16xf32>,
      %broadcast_in_dim3A_294 = arith.constant 0.000000e+00 : f32
      %broadcast_in_dim3A_295 = vector.broadcast %broadcast_in_dim3A_294 : f32 to vector<16xf32>
      %swap3A_296 = arith.constant 0 : i32
      %swap3A_297 = arith.index_cast %swap3A_296 : i32 to index
      %swap3A_298 = arith.index_cast %scan3A_248 : i32 to index
      %swap3A_299 = arith.constant 80 : index
      %swap3A_300 = tpu.vector_load %arg8[%swap3A_297, %swap3A_298, %swap3A_299] {strides = array<i32>} : memref<2x128x128xf32, #tpu.memory_space<vmem>>, vector<1x1x16xf32>,
      %swap3A_301 = vector.shape_cast %swap3A_300 : vector<1x1x16xf32> to vector<16xf32>
      %swap3A_302 = vector.shape_cast %broadcast_in_dim3A_295 : vector<16xf32> to vector<1x1x16xf32>
      tpu.vector_store %arg8[%swap3A_297, %swap3A_298, %swap3A_299], %swap3A_302 {strides = array<i32>} : memref<2x128x128xf32, #tpu.memory_space<vmem>>, vector<1x1x16xf32>,
      %broadcast_in_dim3A_303 = arith.constant 0.000000e+00 : f32
      %broadcast_in_dim3A_304 = vector.broadcast %broadcast_in_dim3A_303 : f32 to vector<16xf32>
      %swap3A_305 = arith.constant 0 : i32
      %swap3A_306 = arith.index_cast %swap3A_305 : i32 to index
      %swap3A_307 = arith.index_cast %scan3A_248 : i32 to index
      %swap3A_308 = arith.constant 96 : index
      %swap3A_309 = tpu.vector_load %arg8[%swap3A_306, %swap3A_307, %swap3A_308] {strides = array<i32>} : memref<2x128x128xf32, #tpu.memory_space<vmem>>, vector<1x1x16xf32>,
      %swap3A_310 = vector.shape_cast %swap3A_309 : vector<1x1x16xf32> to vector<16xf32>
      %swap3A_311 = vector.shape_cast %broadcast_in_dim3A_304 : vector<16xf32> to vector<1x1x16xf32>
      tpu.vector_store %arg8[%swap3A_306, %swap3A_307, %swap3A_308], %swap3A_311 {strides = array<i32>} : memref<2x128x128xf32, #tpu.memory_space<vmem>>, vector<1x1x16xf32>,
      %broadcast_in_dim3A_312 = arith.constant 0.000000e+00 : f32
      %broadcast_in_dim3A_313 = vector.broadcast %broadcast_in_dim3A_312 : f32 to vector<16xf32>
      %swap3A_314 = arith.constant 0 : i32
      %swap3A_315 = arith.index_cast %swap3A_314 : i32 to index
      %swap3A_316 = arith.index_cast %scan3A_248 : i32 to index
      %swap3A_317 = arith.constant 112 : index
      %swap3A_318 = tpu.vector_load %arg8[%swap3A_315, %swap3A_316, %swap3A_317] {strides = array<i32>} : memref<2x128x128xf32, #tpu.memory_space<vmem>>, vector<1x1x16xf32>,
      %swap3A_319 = vector.shape_cast %swap3A_318 : vector<1x1x16xf32> to vector<16xf32>
      %swap3A_320 = vector.shape_cast %broadcast_in_dim3A_313 : vector<16xf32> to vector<1x1x16xf32>
      tpu.vector_store %arg8[%swap3A_315, %swap3A_316, %swap3A_317], %swap3A_320 {strides = array<i32>} : memref<2x128x128xf32, #tpu.memory_space<vmem>>, vector<1x1x16xf32>,
      %scan3A_321 = arith.constant 0 : i32
      scf.yield %scan3A_321 : i32
    }
    %scan3A_5 = arith.constant 128 : i32
    %mul3A = arith.constant 640 : i32
    %mul3A_6 = arith.muli %arg1, %mul3A : i32
    %add3A = arith.constant 0 : i32
    %add3A_7 = arith.addi %mul3A_6, %add3A : i32
    %run_scoped3A = arith.constant 0 : i32
    "tpu.region"() ({
      %run_scoped3A_248 = tpu.sem_alloc : memref<!tpu.dma_semaphore, #tpu.memory_space<semaphore_mem>>
      %dma_start3A_249 = arith.constant 0 : i32
      %dma_start3A_250 = arith.constant 0 : i32
      %dma_start3A_251 = tpu.memref_slice %arg8[%run_scoped3A, %dma_start3A_249, %dma_start3A_250] : memref<2x128x128xf32, #tpu.memory_space<vmem>> -> memref<1x128x128xf32, #tpu.memory_space<vmem>>
      %dma_start3A_252 = tpu.memref_squeeze %dma_start3A_251 : memref<1x128x128xf32, #tpu.memory_space<vmem>> -> memref<128x128xf32, #tpu.memory_space<vmem>>
      %dma_start3A_253 = arith.constant 0 : i32
      %dma_start3A_254 = tpu.memref_slice %arg9[%add3A_7, %dma_start3A_253] : memref<10240x128xf32, #tpu.memory_space<vmem_shared>> -> memref<128x128xf32, #tpu.memory_space<vmem_shared>>
      %dma_start3A_255 = arith.constant 0 : i32
      %dma_start3A_256 = tpu.memref_slice %arg9[%add3A_7, %dma_start3A_255] : memref<10240x128xf32, #tpu.memory_space<vmem_shared>> -> memref<128x128xf32, #tpu.memory_space<vmem_shared>>
      %dma_start3A_257 = arith.constant 0 : i32
      %dma_start3A_258 = arith.constant 0 : i32
      %dma_start3A_259 = tpu.memref_slice %arg8[%run_scoped3A, %dma_start3A_257, %dma_start3A_258] : memref<2x128x128xf32, #tpu.memory_space<vmem>> -> memref<1x128x128xf32, #tpu.memory_space<vmem>>
      %dma_start3A_260 = tpu.memref_squeeze %dma_start3A_259 : memref<1x128x128xf32, #tpu.memory_space<vmem>> -> memref<128x128xf32, #tpu.memory_space<vmem>>
      tpu.enqueue_dma source(%dma_start3A_260 : memref<128x128xf32, #tpu.memory_space<vmem>>) target(%dma_start3A_256 : memref<128x128xf32, #tpu.memory_space<vmem_shared>>) target_semaphore(%run_scoped3A_248 : memref<!tpu.dma_semaphore, #tpu.memory_space<semaphore_mem>>)
      %dma_wait3A = arith.constant 0 : i32
      %dma_wait3A_261 = arith.constant 0 : i32
      %dma_wait3A_262 = tpu.memref_slice %arg8[%run_scoped3A, %dma_wait3A, %dma_wait3A_261] : memref<2x128x128xf32, #tpu.memory_space<vmem>> -> memref<1x128x128xf32, #tpu.memory_space<vmem>>
      %dma_wait3A_263 = tpu.memref_squeeze %dma_wait3A_262 : memref<1x128x128xf32, #tpu.memory_space<vmem>> -> memref<128x128xf32, #tpu.memory_space<vmem>>
      %dma_wait3A_264 = arith.constant 0 : i32
      %dma_wait3A_265 = tpu.memref_slice %arg9[%add3A_7, %dma_wait3A_264] : memref<10240x128xf32, #tpu.memory_space<vmem_shared>> -> memref<128x128xf32, #tpu.memory_space<vmem_shared>>
      %dma_wait3A_266 = arith.constant 0 : i32
      %dma_wait3A_267 = tpu.memref_slice %arg9[%add3A_7, %dma_wait3A_266] : memref<10240x128xf32, #tpu.memory_space<vmem_shared>> -> memref<128x128xf32, #tpu.memory_space<vmem_shared>>
      %dma_wait3A_268 = arith.constant 0 : i32
      %dma_wait3A_269 = arith.constant 0 : i32
      %dma_wait3A_270 = tpu.memref_slice %arg8[%run_scoped3A, %dma_wait3A_268, %dma_wait3A_269] : memref<2x128x128xf32, #tpu.memory_space<vmem>> -> memref<1x128x128xf32, #tpu.memory_space<vmem>>
      %dma_wait3A_271 = tpu.memref_squeeze %dma_wait3A_270 : memref<1x128x128xf32, #tpu.memory_space<vmem>> -> memref<128x128xf32, #tpu.memory_space<vmem>>
      tpu.wait_dma2 semaphore(%run_scoped3A_248 : memref<!tpu.dma_semaphore, #tpu.memory_space<semaphore_mem>>) src(%dma_wait3A_271 : memref<128x128xf32, #tpu.memory_space<vmem>>) dst(%dma_wait3A_267 : memref<128x128xf32, #tpu.memory_space<vmem_shared>>)
      tpu.yield
    }) : () -> ()
    %mul3A_8 = arith.constant 640 : i32
    %mul3A_9 = arith.muli %arg1, %mul3A_8 : i32
    %add3A_10 = arith.constant 128 : i32
    %add3A_11 = arith.addi %mul3A_9, %add3A_10 : i32
    %run_scoped3A_12 = arith.constant 0 : i32
    "tpu.region"() ({
      %run_scoped3A_248 = tpu.sem_alloc : memref<!tpu.dma_semaphore, #tpu.memory_space<semaphore_mem>>
      %dma_start3A_249 = arith.constant 0 : i32
      %dma_start3A_250 = arith.constant 0 : i32
      %dma_start3A_251 = tpu.memref_slice %arg8[%run_scoped3A_12, %dma_start3A_249, %dma_start3A_250] : memref<2x128x128xf32, #tpu.memory_space<vmem>> -> memref<1x128x128xf32, #tpu.memory_space<vmem>>
      %dma_start3A_252 = tpu.memref_squeeze %dma_start3A_251 : memref<1x128x128xf32, #tpu.memory_space<vmem>> -> memref<128x128xf32, #tpu.memory_space<vmem>>
      %dma_start3A_253 = arith.constant 0 : i32
      %dma_start3A_254 = tpu.memref_slice %arg9[%add3A_11, %dma_start3A_253] : memref<10240x128xf32, #tpu.memory_space<vmem_shared>> -> memref<128x128xf32, #tpu.memory_space<vmem_shared>>
      %dma_start3A_255 = arith.constant 0 : i32
      %dma_start3A_256 = tpu.memref_slice %arg9[%add3A_11, %dma_start3A_255] : memref<10240x128xf32, #tpu.memory_space<vmem_shared>> -> memref<128x128xf32, #tpu.memory_space<vmem_shared>>
      %dma_start3A_257 = arith.constant 0 : i32
      %dma_start3A_258 = arith.constant 0 : i32
      %dma_start3A_259 = tpu.memref_slice %arg8[%run_scoped3A_12, %dma_start3A_257, %dma_start3A_258] : memref<2x128x128xf32, #tpu.memory_space<vmem>> -> memref<1x128x128xf32, #tpu.memory_space<vmem>>
      %dma_start3A_260 = tpu.memref_squeeze %dma_start3A_259 : memref<1x128x128xf32, #tpu.memory_space<vmem>> -> memref<128x128xf32, #tpu.memory_space<vmem>>
      tpu.enqueue_dma source(%dma_start3A_260 : memref<128x128xf32, #tpu.memory_space<vmem>>) target(%dma_start3A_256 : memref<128x128xf32, #tpu.memory_space<vmem_shared>>) target_semaphore(%run_scoped3A_248 : memref<!tpu.dma_semaphore, #tpu.memory_space<semaphore_mem>>)
      %dma_wait3A = arith.constant 0 : i32
      %dma_wait3A_261 = arith.constant 0 : i32
      %dma_wait3A_262 = tpu.memref_slice %arg8[%run_scoped3A_12, %dma_wait3A, %dma_wait3A_261] : memref<2x128x128xf32, #tpu.memory_space<vmem>> -> memref<1x128x128xf32, #tpu.memory_space<vmem>>
      %dma_wait3A_263 = tpu.memref_squeeze %dma_wait3A_262 : memref<1x128x128xf32, #tpu.memory_space<vmem>> -> memref<128x128xf32, #tpu.memory_space<vmem>>
      %dma_wait3A_264 = arith.constant 0 : i32
      %dma_wait3A_265 = tpu.memref_slice %arg9[%add3A_11, %dma_wait3A_264] : memref<10240x128xf32, #tpu.memory_space<vmem_shared>> -> memref<128x128xf32, #tpu.memory_space<vmem_shared>>
      %dma_wait3A_266 = arith.constant 0 : i32
      %dma_wait3A_267 = tpu.memref_slice %arg9[%add3A_11, %dma_wait3A_266] : memref<10240x128xf32, #tpu.memory_space<vmem_shared>> -> memref<128x128xf32, #tpu.memory_space<vmem_shared>>
      %dma_wait3A_268 = arith.constant 0 : i32
      %dma_wait3A_269 = arith.constant 0 : i32
      %dma_wait3A_270 = tpu.memref_slice %arg8[%run_scoped3A_12, %dma_wait3A_268, %dma_wait3A_269] : memref<2x128x128xf32, #tpu.memory_space<vmem>> -> memref<1x128x128xf32, #tpu.memory_space<vmem>>
      %dma_wait3A_271 = tpu.memref_squeeze %dma_wait3A_270 : memref<1x128x128xf32, #tpu.memory_space<vmem>> -> memref<128x128xf32, #tpu.memory_space<vmem>>
      tpu.wait_dma2 semaphore(%run_scoped3A_248 : memref<!tpu.dma_semaphore, #tpu.memory_space<semaphore_mem>>) src(%dma_wait3A_271 : memref<128x128xf32, #tpu.memory_space<vmem>>) dst(%dma_wait3A_267 : memref<128x128xf32, #tpu.memory_space<vmem_shared>>)
      tpu.yield
    }) : () -> ()
    %mul3A_13 = arith.constant 640 : i32
    %mul3A_14 = arith.muli %arg1, %mul3A_13 : i32
    %add3A_15 = arith.constant 256 : i32
    %add3A_16 = arith.addi %mul3A_14, %add3A_15 : i32
    %run_scoped3A_17 = arith.constant 0 : i32
    "tpu.region"() ({
      %run_scoped3A_248 = tpu.sem_alloc : memref<!tpu.dma_semaphore, #tpu.memory_space<semaphore_mem>>
      %dma_start3A_249 = arith.constant 0 : i32
      %dma_start3A_250 = arith.constant 0 : i32
      %dma_start3A_251 = tpu.memref_slice %arg8[%run_scoped3A_17, %dma_start3A_249, %dma_start3A_250] : memref<2x128x128xf32, #tpu.memory_space<vmem>> -> memref<1x128x128xf32, #tpu.memory_space<vmem>>
      %dma_start3A_252 = tpu.memref_squeeze %dma_start3A_251 : memref<1x128x128xf32, #tpu.memory_space<vmem>> -> memref<128x128xf32, #tpu.memory_space<vmem>>
      %dma_start3A_253 = arith.constant 0 : i32
      %dma_start3A_254 = tpu.memref_slice %arg9[%add3A_16, %dma_start3A_253] : memref<10240x128xf32, #tpu.memory_space<vmem_shared>> -> memref<128x128xf32, #tpu.memory_space<vmem_shared>>
      %dma_start3A_255 = arith.constant 0 : i32
      %dma_start3A_256 = tpu.memref_slice %arg9[%add3A_16, %dma_start3A_255] : memref<10240x128xf32, #tpu.memory_space<vmem_shared>> -> memref<128x128xf32, #tpu.memory_space<vmem_shared>>
      %dma_start3A_257 = arith.constant 0 : i32
      %dma_start3A_258 = arith.constant 0 : i32
      %dma_start3A_259 = tpu.memref_slice %arg8[%run_scoped3A_17, %dma_start3A_257, %dma_start3A_258] : memref<2x128x128xf32, #tpu.memory_space<vmem>> -> memref<1x128x128xf32, #tpu.memory_space<vmem>>
      %dma_start3A_260 = tpu.memref_squeeze %dma_start3A_259 : memref<1x128x128xf32, #tpu.memory_space<vmem>> -> memref<128x128xf32, #tpu.memory_space<vmem>>
      tpu.enqueue_dma source(%dma_start3A_260 : memref<128x128xf32, #tpu.memory_space<vmem>>) target(%dma_start3A_256 : memref<128x128xf32, #tpu.memory_space<vmem_shared>>) target_semaphore(%run_scoped3A_248 : memref<!tpu.dma_semaphore, #tpu.memory_space<semaphore_mem>>)
      %dma_wait3A = arith.constant 0 : i32
      %dma_wait3A_261 = arith.constant 0 : i32
      %dma_wait3A_262 = tpu.memref_slice %arg8[%run_scoped3A_17, %dma_wait3A, %dma_wait3A_261] : memref<2x128x128xf32, #tpu.memory_space<vmem>> -> memref<1x128x128xf32, #tpu.memory_space<vmem>>
      %dma_wait3A_263 = tpu.memref_squeeze %dma_wait3A_262 : memref<1x128x128xf32, #tpu.memory_space<vmem>> -> memref<128x128xf32, #tpu.memory_space<vmem>>
      %dma_wait3A_264 = arith.constant 0 : i32
      %dma_wait3A_265 = tpu.memref_slice %arg9[%add3A_16, %dma_wait3A_264] : memref<10240x128xf32, #tpu.memory_space<vmem_shared>> -> memref<128x128xf32, #tpu.memory_space<vmem_shared>>
      %dma_wait3A_266 = arith.constant 0 : i32
      %dma_wait3A_267 = tpu.memref_slice %arg9[%add3A_16, %dma_wait3A_266] : memref<10240x128xf32, #tpu.memory_space<vmem_shared>> -> memref<128x128xf32, #tpu.memory_space<vmem_shared>>
      %dma_wait3A_268 = arith.constant 0 : i32
      %dma_wait3A_269 = arith.constant 0 : i32
      %dma_wait3A_270 = tpu.memref_slice %arg8[%run_scoped3A_17, %dma_wait3A_268, %dma_wait3A_269] : memref<2x128x128xf32, #tpu.memory_space<vmem>> -> memref<1x128x128xf32, #tpu.memory_space<vmem>>
      %dma_wait3A_271 = tpu.memref_squeeze %dma_wait3A_270 : memref<1x128x128xf32, #tpu.memory_space<vmem>> -> memref<128x128xf32, #tpu.memory_space<vmem>>
      tpu.wait_dma2 semaphore(%run_scoped3A_248 : memref<!tpu.dma_semaphore, #tpu.memory_space<semaphore_mem>>) src(%dma_wait3A_271 : memref<128x128xf32, #tpu.memory_space<vmem>>) dst(%dma_wait3A_267 : memref<128x128xf32, #tpu.memory_space<vmem_shared>>)
      tpu.yield
    }) : () -> ()
    %mul3A_18 = arith.constant 640 : i32
    %mul3A_19 = arith.muli %arg1, %mul3A_18 : i32
    %add3A_20 = arith.constant 384 : i32
    %add3A_21 = arith.addi %mul3A_19, %add3A_20 : i32
    %run_scoped3A_22 = arith.constant 0 : i32
    "tpu.region"() ({
      %run_scoped3A_248 = tpu.sem_alloc : memref<!tpu.dma_semaphore, #tpu.memory_space<semaphore_mem>>
      %dma_start3A_249 = arith.constant 0 : i32
      %dma_start3A_250 = arith.constant 0 : i32
      %dma_start3A_251 = tpu.memref_slice %arg8[%run_scoped3A_22, %dma_start3A_249, %dma_start3A_250] : memref<2x128x128xf32, #tpu.memory_space<vmem>> -> memref<1x128x128xf32, #tpu.memory_space<vmem>>
      %dma_start3A_252 = tpu.memref_squeeze %dma_start3A_251 : memref<1x128x128xf32, #tpu.memory_space<vmem>> -> memref<128x128xf32, #tpu.memory_space<vmem>>
      %dma_start3A_253 = arith.constant 0 : i32
      %dma_start3A_254 = tpu.memref_slice %arg9[%add3A_21, %dma_start3A_253] : memref<10240x128xf32, #tpu.memory_space<vmem_shared>> -> memref<128x128xf32, #tpu.memory_space<vmem_shared>>
      %dma_start3A_255 = arith.constant 0 : i32
      %dma_start3A_256 = tpu.memref_slice %arg9[%add3A_21, %dma_start3A_255] : memref<10240x128xf32, #tpu.memory_space<vmem_shared>> -> memref<128x128xf32, #tpu.memory_space<vmem_shared>>
      %dma_start3A_257 = arith.constant 0 : i32
      %dma_start3A_258 = arith.constant 0 : i32
      %dma_start3A_259 = tpu.memref_slice %arg8[%run_scoped3A_22, %dma_start3A_257, %dma_start3A_258] : memref<2x128x128xf32, #tpu.memory_space<vmem>> -> memref<1x128x128xf32, #tpu.memory_space<vmem>>
      %dma_start3A_260 = tpu.memref_squeeze %dma_start3A_259 : memref<1x128x128xf32, #tpu.memory_space<vmem>> -> memref<128x128xf32, #tpu.memory_space<vmem>>
      tpu.enqueue_dma source(%dma_start3A_260 : memref<128x128xf32, #tpu.memory_space<vmem>>) target(%dma_start3A_256 : memref<128x128xf32, #tpu.memory_space<vmem_shared>>) target_semaphore(%run_scoped3A_248 : memref<!tpu.dma_semaphore, #tpu.memory_space<semaphore_mem>>)
      %dma_wait3A = arith.constant 0 : i32
      %dma_wait3A_261 = arith.constant 0 : i32
      %dma_wait3A_262 = tpu.memref_slice %arg8[%run_scoped3A_22, %dma_wait3A, %dma_wait3A_261] : memref<2x128x128xf32, #tpu.memory_space<vmem>> -> memref<1x128x128xf32, #tpu.memory_space<vmem>>
      %dma_wait3A_263 = tpu.memref_squeeze %dma_wait3A_262 : memref<1x128x128xf32, #tpu.memory_space<vmem>> -> memref<128x128xf32, #tpu.memory_space<vmem>>
      %dma_wait3A_264 = arith.constant 0 : i32
      %dma_wait3A_265 = tpu.memref_slice %arg9[%add3A_21, %dma_wait3A_264] : memref<10240x128xf32, #tpu.memory_space<vmem_shared>> -> memref<128x128xf32, #tpu.memory_space<vmem_shared>>
      %dma_wait3A_266 = arith.constant 0 : i32
      %dma_wait3A_267 = tpu.memref_slice %arg9[%add3A_21, %dma_wait3A_266] : memref<10240x128xf32, #tpu.memory_space<vmem_shared>> -> memref<128x128xf32, #tpu.memory_space<vmem_shared>>
      %dma_wait3A_268 = arith.constant 0 : i32
      %dma_wait3A_269 = arith.constant 0 : i32
      %dma_wait3A_270 = tpu.memref_slice %arg8[%run_scoped3A_22, %dma_wait3A_268, %dma_wait3A_269] : memref<2x128x128xf32, #tpu.memory_space<vmem>> -> memref<1x128x128xf32, #tpu.memory_space<vmem>>
      %dma_wait3A_271 = tpu.memref_squeeze %dma_wait3A_270 : memref<1x128x128xf32, #tpu.memory_space<vmem>> -> memref<128x128xf32, #tpu.memory_space<vmem>>
      tpu.wait_dma2 semaphore(%run_scoped3A_248 : memref<!tpu.dma_semaphore, #tpu.memory_space<semaphore_mem>>) src(%dma_wait3A_271 : memref<128x128xf32, #tpu.memory_space<vmem>>) dst(%dma_wait3A_267 : memref<128x128xf32, #tpu.memory_space<vmem_shared>>)
      tpu.yield
    }) : () -> ()
    %mul3A_23 = arith.constant 640 : i32
    %mul3A_24 = arith.muli %arg1, %mul3A_23 : i32
    %add3A_25 = arith.constant 512 : i32
    %add3A_26 = arith.addi %mul3A_24, %add3A_25 : i32
    %run_scoped3A_27 = arith.constant 0 : i32
    "tpu.region"() ({
      %run_scoped3A_248 = tpu.sem_alloc : memref<!tpu.dma_semaphore, #tpu.memory_space<semaphore_mem>>
      %dma_start3A_249 = arith.constant 0 : i32
      %dma_start3A_250 = arith.constant 0 : i32
      %dma_start3A_251 = tpu.memref_slice %arg8[%run_scoped3A_27, %dma_start3A_249, %dma_start3A_250] : memref<2x128x128xf32, #tpu.memory_space<vmem>> -> memref<1x128x128xf32, #tpu.memory_space<vmem>>
      %dma_start3A_252 = tpu.memref_squeeze %dma_start3A_251 : memref<1x128x128xf32, #tpu.memory_space<vmem>> -> memref<128x128xf32, #tpu.memory_space<vmem>>
      %dma_start3A_253 = arith.constant 0 : i32
      %dma_start3A_254 = tpu.memref_slice %arg9[%add3A_26, %dma_start3A_253] : memref<10240x128xf32, #tpu.memory_space<vmem_shared>> -> memref<128x128xf32, #tpu.memory_space<vmem_shared>>
      %dma_start3A_255 = arith.constant 0 : i32
      %dma_start3A_256 = tpu.memref_slice %arg9[%add3A_26, %dma_start3A_255] : memref<10240x128xf32, #tpu.memory_space<vmem_shared>> -> memref<128x128xf32, #tpu.memory_space<vmem_shared>>
      %dma_start3A_257 = arith.constant 0 : i32
      %dma_start3A_258 = arith.constant 0 : i32
      %dma_start3A_259 = tpu.memref_slice %arg8[%run_scoped3A_27, %dma_start3A_257, %dma_start3A_258] : memref<2x128x128xf32, #tpu.memory_space<vmem>> -> memref<1x128x128xf32, #tpu.memory_space<vmem>>
      %dma_start3A_260 = tpu.memref_squeeze %dma_start3A_259 : memref<1x128x128xf32, #tpu.memory_space<vmem>> -> memref<128x128xf32, #tpu.memory_space<vmem>>
      tpu.enqueue_dma source(%dma_start3A_260 : memref<128x128xf32, #tpu.memory_space<vmem>>) target(%dma_start3A_256 : memref<128x128xf32, #tpu.memory_space<vmem_shared>>) target_semaphore(%run_scoped3A_248 : memref<!tpu.dma_semaphore, #tpu.memory_space<semaphore_mem>>)
      %dma_wait3A = arith.constant 0 : i32
      %dma_wait3A_261 = arith.constant 0 : i32
      %dma_wait3A_262 = tpu.memref_slice %arg8[%run_scoped3A_27, %dma_wait3A, %dma_wait3A_261] : memref<2x128x128xf32, #tpu.memory_space<vmem>> -> memref<1x128x128xf32, #tpu.memory_space<vmem>>
      %dma_wait3A_263 = tpu.memref_squeeze %dma_wait3A_262 : memref<1x128x128xf32, #tpu.memory_space<vmem>> -> memref<128x128xf32, #tpu.memory_space<vmem>>
      %dma_wait3A_264 = arith.constant 0 : i32
      %dma_wait3A_265 = tpu.memref_slice %arg9[%add3A_26, %dma_wait3A_264] : memref<10240x128xf32, #tpu.memory_space<vmem_shared>> -> memref<128x128xf32, #tpu.memory_space<vmem_shared>>
      %dma_wait3A_266 = arith.constant 0 : i32
      %dma_wait3A_267 = tpu.memref_slice %arg9[%add3A_26, %dma_wait3A_266] : memref<10240x128xf32, #tpu.memory_space<vmem_shared>> -> memref<128x128xf32, #tpu.memory_space<vmem_shared>>
      %dma_wait3A_268 = arith.constant 0 : i32
      %dma_wait3A_269 = arith.constant 0 : i32
      %dma_wait3A_270 = tpu.memref_slice %arg8[%run_scoped3A_27, %dma_wait3A_268, %dma_wait3A_269] : memref<2x128x128xf32, #tpu.memory_space<vmem>> -> memref<1x128x128xf32, #tpu.memory_space<vmem>>
      %dma_wait3A_271 = tpu.memref_squeeze %dma_wait3A_270 : memref<1x128x128xf32, #tpu.memory_space<vmem>> -> memref<128x128xf32, #tpu.memory_space<vmem>>
      tpu.wait_dma2 semaphore(%run_scoped3A_248 : memref<!tpu.dma_semaphore, #tpu.memory_space<semaphore_mem>>) src(%dma_wait3A_271 : memref<128x128xf32, #tpu.memory_space<vmem>>) dst(%dma_wait3A_267 : memref<128x128xf32, #tpu.memory_space<vmem_shared>>)
      tpu.yield
    }) : () -> ()
    %get3A = arith.constant 0 : i32
    %get3A_28 = arith.index_cast %get3A : i32 to index
    %get3A_29 = arith.constant 0 : index
    %get3A_30 = tpu.vector_load %arg5[%get3A_28, %get3A_29] {strides = array<i32>} : memref<80x128xi32, #tpu.memory_space<vmem>>, vector<1x16xi32>,
    %get3A_31 = vector.shape_cast %get3A_30 : vector<1x16xi32> to vector<16xi32>
    %shift_right_arithmetic3A = arith.constant 15 : i32
    %shift_right_arithmetic3A_32 = vector.broadcast %shift_right_arithmetic3A : i32 to vector<16xi32>
    %shift_right_arithmetic3A_33 = arith.shrsi %get3A_31, %shift_right_arithmetic3A_32 : vector<16xi32>
    %add3A_34 = vector.broadcast %arg0 : i32 to vector<16xi32>
    %add3A_35 = arith.addi %shift_right_arithmetic3A_33, %add3A_34 : vector<16xi32>
    %swap3A = arith.constant 0 : i32
    %swap3A_36 = arith.index_cast %swap3A : i32 to index
    %swap3A_37 = arith.constant 0 : index
    %swap3A_38 = tpu.vector_load %arg6[%swap3A_36, %swap3A_37] {strides = array<i32>} : memref<2x128xi32, #tpu.memory_space<vmem>>, vector<1x16xi32>,
    %swap3A_39 = vector.shape_cast %swap3A_38 : vector<1x16xi32> to vector<16xi32>
    %swap3A_40 = vector.shape_cast %add3A_35 : vector<16xi32> to vector<1x16xi32>
    tpu.vector_store %arg6[%swap3A_36, %swap3A_37], %swap3A_40 {strides = array<i32>} : memref<2x128xi32, #tpu.memory_space<vmem>>, vector<1x16xi32>,
    %and3A = arith.constant 32767 : i32
    %and3A_41 = vector.broadcast %and3A : i32 to vector<16xi32>
    %and3A_42 = arith.andi %get3A_31, %and3A_41 : vector<16xi32>
    %swap3A_43 = arith.constant 0 : i32
    %swap3A_44 = arith.index_cast %swap3A_43 : i32 to index
    %swap3A_45 = arith.constant 0 : index
    %swap3A_46 = tpu.vector_load %arg7[%swap3A_44, %swap3A_45] {strides = array<i32>} : memref<2x128xi32, #tpu.memory_space<vmem>>, vector<1x16xi32>,
    %swap3A_47 = vector.shape_cast %swap3A_46 : vector<1x16xi32> to vector<16xi32>
    %swap3A_48 = vector.shape_cast %and3A_42 : vector<16xi32> to vector<1x16xi32>
    tpu.vector_store %arg7[%swap3A_44, %swap3A_45], %swap3A_48 {strides = array<i32>} : memref<2x128xi32, #tpu.memory_space<vmem>>, vector<1x16xi32>,
    %get3A_49 = arith.constant 0 : i32
    %get3A_50 = arith.index_cast %get3A_49 : i32 to index
    %get3A_51 = arith.constant 16 : index
    %get3A_52 = tpu.vector_load %arg5[%get3A_50, %get3A_51] {strides = array<i32>} : memref<80x128xi32, #tpu.memory_space<vmem>>, vector<1x16xi32>,
    %get3A_53 = vector.shape_cast %get3A_52 : vector<1x16xi32> to vector<16xi32>
    %shift_right_arithmetic3A_54 = arith.constant 15 : i32
    %shift_right_arithmetic3A_55 = vector.broadcast %shift_right_arithmetic3A_54 : i32 to vector<16xi32>
    %shift_right_arithmetic3A_56 = arith.shrsi %get3A_53, %shift_right_arithmetic3A_55 : vector<16xi32>
    %add3A_57 = vector.broadcast %arg0 : i32 to vector<16xi32>
    %add3A_58 = arith.addi %shift_right_arithmetic3A_56, %add3A_57 : vector<16xi32>
    %swap3A_59 = arith.constant 0 : i32
    %swap3A_60 = arith.index_cast %swap3A_59 : i32 to index
    %swap3A_61 = arith.constant 16 : index
    %swap3A_62 = tpu.vector_load %arg6[%swap3A_60, %swap3A_61] {strides = array<i32>} : memref<2x128xi32, #tpu.memory_space<vmem>>, vector<1x16xi32>,
    %swap3A_63 = vector.shape_cast %swap3A_62 : vector<1x16xi32> to vector<16xi32>
    %swap3A_64 = vector.shape_cast %add3A_58 : vector<16xi32> to vector<1x16xi32>
    tpu.vector_store %arg6[%swap3A_60, %swap3A_61], %swap3A_64 {strides = array<i32>} : memref<2x128xi32, #tpu.memory_space<vmem>>, vector<1x16xi32>,
    %and3A_65 = arith.constant 32767 : i32
    %and3A_66 = vector.broadcast %and3A_65 : i32 to vector<16xi32>
    %and3A_67 = arith.andi %get3A_53, %and3A_66 : vector<16xi32>
    %swap3A_68 = arith.constant 0 : i32
    %swap3A_69 = arith.index_cast %swap3A_68 : i32 to index
    %swap3A_70 = arith.constant 16 : index
    %swap3A_71 = tpu.vector_load %arg7[%swap3A_69, %swap3A_70] {strides = array<i32>} : memref<2x128xi32, #tpu.memory_space<vmem>>, vector<1x16xi32>,
    %swap3A_72 = vector.shape_cast %swap3A_71 : vector<1x16xi32> to vector<16xi32>
    %swap3A_73 = vector.shape_cast %and3A_67 : vector<16xi32> to vector<1x16xi32>
    tpu.vector_store %arg7[%swap3A_69, %swap3A_70], %swap3A_73 {strides = array<i32>} : memref<2x128xi32, #tpu.memory_space<vmem>>, vector<1x16xi32>,
    %get3A_74 = arith.constant 0 : i32
    %get3A_75 = arith.index_cast %get3A_74 : i32 to index
    %get3A_76 = arith.constant 32 : index
    %get3A_77 = tpu.vector_load %arg5[%get3A_75, %get3A_76] {strides = array<i32>} : memref<80x128xi32, #tpu.memory_space<vmem>>, vector<1x16xi32>,
    %get3A_78 = vector.shape_cast %get3A_77 : vector<1x16xi32> to vector<16xi32>
    %shift_right_arithmetic3A_79 = arith.constant 15 : i32
    %shift_right_arithmetic3A_80 = vector.broadcast %shift_right_arithmetic3A_79 : i32 to vector<16xi32>
    %shift_right_arithmetic3A_81 = arith.shrsi %get3A_78, %shift_right_arithmetic3A_80 : vector<16xi32>
    %add3A_82 = vector.broadcast %arg0 : i32 to vector<16xi32>
    %add3A_83 = arith.addi %shift_right_arithmetic3A_81, %add3A_82 : vector<16xi32>
    %swap3A_84 = arith.constant 0 : i32
    %swap3A_85 = arith.index_cast %swap3A_84 : i32 to index
    %swap3A_86 = arith.constant 32 : index
    %swap3A_87 = tpu.vector_load %arg6[%swap3A_85, %swap3A_86] {strides = array<i32>} : memref<2x128xi32, #tpu.memory_space<vmem>>, vector<1x16xi32>,
    %swap3A_88 = vector.shape_cast %swap3A_87 : vector<1x16xi32> to vector<16xi32>
    %swap3A_89 = vector.shape_cast %add3A_83 : vector<16xi32> to vector<1x16xi32>
    tpu.vector_store %arg6[%swap3A_85, %swap3A_86], %swap3A_89 {strides = array<i32>} : memref<2x128xi32, #tpu.memory_space<vmem>>, vector<1x16xi32>,
    %and3A_90 = arith.constant 32767 : i32
    %and3A_91 = vector.broadcast %and3A_90 : i32 to vector<16xi32>
    %and3A_92 = arith.andi %get3A_78, %and3A_91 : vector<16xi32>
    %swap3A_93 = arith.constant 0 : i32
    %swap3A_94 = arith.index_cast %swap3A_93 : i32 to index
    %swap3A_95 = arith.constant 32 : index
    %swap3A_96 = tpu.vector_load %arg7[%swap3A_94, %swap3A_95] {strides = array<i32>} : memref<2x128xi32, #tpu.memory_space<vmem>>, vector<1x16xi32>,
    %swap3A_97 = vector.shape_cast %swap3A_96 : vector<1x16xi32> to vector<16xi32>
    %swap3A_98 = vector.shape_cast %and3A_92 : vector<16xi32> to vector<1x16xi32>
    tpu.vector_store %arg7[%swap3A_94, %swap3A_95], %swap3A_98 {strides = array<i32>} : memref<2x128xi32, #tpu.memory_space<vmem>>, vector<1x16xi32>,
    %get3A_99 = arith.constant 0 : i32
    %get3A_100 = arith.index_cast %get3A_99 : i32 to index
    %get3A_101 = arith.constant 48 : index
    %get3A_102 = tpu.vector_load %arg5[%get3A_100, %get3A_101] {strides = array<i32>} : memref<80x128xi32, #tpu.memory_space<vmem>>, vector<1x16xi32>,
    %get3A_103 = vector.shape_cast %get3A_102 : vector<1x16xi32> to vector<16xi32>
    %shift_right_arithmetic3A_104 = arith.constant 15 : i32
    %shift_right_arithmetic3A_105 = vector.broadcast %shift_right_arithmetic3A_104 : i32 to vector<16xi32>
    %shift_right_arithmetic3A_106 = arith.shrsi %get3A_103, %shift_right_arithmetic3A_105 : vector<16xi32>
    %add3A_107 = vector.broadcast %arg0 : i32 to vector<16xi32>
    %add3A_108 = arith.addi %shift_right_arithmetic3A_106, %add3A_107 : vector<16xi32>
    %swap3A_109 = arith.constant 0 : i32
    %swap3A_110 = arith.index_cast %swap3A_109 : i32 to index
    %swap3A_111 = arith.constant 48 : index
    %swap3A_112 = tpu.vector_load %arg6[%swap3A_110, %swap3A_111] {strides = array<i32>} : memref<2x128xi32, #tpu.memory_space<vmem>>, vector<1x16xi32>,
    %swap3A_113 = vector.shape_cast %swap3A_112 : vector<1x16xi32> to vector<16xi32>
    %swap3A_114 = vector.shape_cast %add3A_108 : vector<16xi32> to vector<1x16xi32>
    tpu.vector_store %arg6[%swap3A_110, %swap3A_111], %swap3A_114 {strides = array<i32>} : memref<2x128xi32, #tpu.memory_space<vmem>>, vector<1x16xi32>,
    %and3A_115 = arith.constant 32767 : i32
    %and3A_116 = vector.broadcast %and3A_115 : i32 to vector<16xi32>
    %and3A_117 = arith.andi %get3A_103, %and3A_116 : vector<16xi32>
    %swap3A_118 = arith.constant 0 : i32
    %swap3A_119 = arith.index_cast %swap3A_118 : i32 to index
    %swap3A_120 = arith.constant 48 : index
    %swap3A_121 = tpu.vector_load %arg7[%swap3A_119, %swap3A_120] {strides = array<i32>} : memref<2x128xi32, #tpu.memory_space<vmem>>, vector<1x16xi32>,
    %swap3A_122 = vector.shape_cast %swap3A_121 : vector<1x16xi32> to vector<16xi32>
    %swap3A_123 = vector.shape_cast %and3A_117 : vector<16xi32> to vector<1x16xi32>
    tpu.vector_store %arg7[%swap3A_119, %swap3A_120], %swap3A_123 {strides = array<i32>} : memref<2x128xi32, #tpu.memory_space<vmem>>, vector<1x16xi32>,
    %get3A_124 = arith.constant 0 : i32
    %get3A_125 = arith.index_cast %get3A_124 : i32 to index
    %get3A_126 = arith.constant 64 : index
    %get3A_127 = tpu.vector_load %arg5[%get3A_125, %get3A_126] {strides = array<i32>} : memref<80x128xi32, #tpu.memory_space<vmem>>, vector<1x16xi32>,
    %get3A_128 = vector.shape_cast %get3A_127 : vector<1x16xi32> to vector<16xi32>
    %shift_right_arithmetic3A_129 = arith.constant 15 : i32
    %shift_right_arithmetic3A_130 = vector.broadcast %shift_right_arithmetic3A_129 : i32 to vector<16xi32>
    %shift_right_arithmetic3A_131 = arith.shrsi %get3A_128, %shift_right_arithmetic3A_130 : vector<16xi32>
    %add3A_132 = vector.broadcast %arg0 : i32 to vector<16xi32>
    %add3A_133 = arith.addi %shift_right_arithmetic3A_131, %add3A_132 : vector<16xi32>
    %swap3A_134 = arith.constant 0 : i32
    %swap3A_135 = arith.index_cast %swap3A_134 : i32 to index
    %swap3A_136 = arith.constant 64 : index
    %swap3A_137 = tpu.vector_load %arg6[%swap3A_135, %swap3A_136] {strides = array<i32>} : memref<2x128xi32, #tpu.memory_space<vmem>>, vector<1x16xi32>,
    %swap3A_138 = vector.shape_cast %swap3A_137 : vector<1x16xi32> to vector<16xi32>
    %swap3A_139 = vector.shape_cast %add3A_133 : vector<16xi32> to vector<1x16xi32>
    tpu.vector_store %arg6[%swap3A_135, %swap3A_136], %swap3A_139 {strides = array<i32>} : memref<2x128xi32, #tpu.memory_space<vmem>>, vector<1x16xi32>,
    %and3A_140 = arith.constant 32767 : i32
    %and3A_141 = vector.broadcast %and3A_140 : i32 to vector<16xi32>
    %and3A_142 = arith.andi %get3A_128, %and3A_141 : vector<16xi32>
    %swap3A_143 = arith.constant 0 : i32
    %swap3A_144 = arith.index_cast %swap3A_143 : i32 to index
    %swap3A_145 = arith.constant 64 : index
    %swap3A_146 = tpu.vector_load %arg7[%swap3A_144, %swap3A_145] {strides = array<i32>} : memref<2x128xi32, #tpu.memory_space<vmem>>, vector<1x16xi32>,
    %swap3A_147 = vector.shape_cast %swap3A_146 : vector<1x16xi32> to vector<16xi32>
    %swap3A_148 = vector.shape_cast %and3A_142 : vector<16xi32> to vector<1x16xi32>
    tpu.vector_store %arg7[%swap3A_144, %swap3A_145], %swap3A_148 {strides = array<i32>} : memref<2x128xi32, #tpu.memory_space<vmem>>, vector<1x16xi32>,
    %get3A_149 = arith.constant 0 : i32
    %get3A_150 = arith.index_cast %get3A_149 : i32 to index
    %get3A_151 = arith.constant 80 : index
    %get3A_152 = tpu.vector_load %arg5[%get3A_150, %get3A_151] {strides = array<i32>} : memref<80x128xi32, #tpu.memory_space<vmem>>, vector<1x16xi32>,
    %get3A_153 = vector.shape_cast %get3A_152 : vector<1x16xi32> to vector<16xi32>
    %shift_right_arithmetic3A_154 = arith.constant 15 : i32
    %shift_right_arithmetic3A_155 = vector.broadcast %shift_right_arithmetic3A_154 : i32 to vector<16xi32>
    %shift_right_arithmetic3A_156 = arith.shrsi %get3A_153, %shift_right_arithmetic3A_155 : vector<16xi32>
    %add3A_157 = vector.broadcast %arg0 : i32 to vector<16xi32>
    %add3A_158 = arith.addi %shift_right_arithmetic3A_156, %add3A_157 : vector<16xi32>
    %swap3A_159 = arith.constant 0 : i32
    %swap3A_160 = arith.index_cast %swap3A_159 : i32 to index
    %swap3A_161 = arith.constant 80 : index
    %swap3A_162 = tpu.vector_load %arg6[%swap3A_160, %swap3A_161] {strides = array<i32>} : memref<2x128xi32, #tpu.memory_space<vmem>>, vector<1x16xi32>,
    %swap3A_163 = vector.shape_cast %swap3A_162 : vector<1x16xi32> to vector<16xi32>
    %swap3A_164 = vector.shape_cast %add3A_158 : vector<16xi32> to vector<1x16xi32>
    tpu.vector_store %arg6[%swap3A_160, %swap3A_161], %swap3A_164 {strides = array<i32>} : memref<2x128xi32, #tpu.memory_space<vmem>>, vector<1x16xi32>,
    %and3A_165 = arith.constant 32767 : i32
    %and3A_166 = vector.broadcast %and3A_165 : i32 to vector<16xi32>
    %and3A_167 = arith.andi %get3A_153, %and3A_166 : vector<16xi32>
    %swap3A_168 = arith.constant 0 : i32
    %swap3A_169 = arith.index_cast %swap3A_168 : i32 to index
    %swap3A_170 = arith.constant 80 : index
    %swap3A_171 = tpu.vector_load %arg7[%swap3A_169, %swap3A_170] {strides = array<i32>} : memref<2x128xi32, #tpu.memory_space<vmem>>, vector<1x16xi32>,
    %swap3A_172 = vector.shape_cast %swap3A_171 : vector<1x16xi32> to vector<16xi32>
    %swap3A_173 = vector.shape_cast %and3A_167 : vector<16xi32> to vector<1x16xi32>
    tpu.vector_store %arg7[%swap3A_169, %swap3A_170], %swap3A_173 {strides = array<i32>} : memref<2x128xi32, #tpu.memory_space<vmem>>, vector<1x16xi32>,
    %get3A_174 = arith.constant 0 : i32
    %get3A_175 = arith.index_cast %get3A_174 : i32 to index
    %get3A_176 = arith.constant 96 : index
    %get3A_177 = tpu.vector_load %arg5[%get3A_175, %get3A_176] {strides = array<i32>} : memref<80x128xi32, #tpu.memory_space<vmem>>, vector<1x16xi32>,
    %get3A_178 = vector.shape_cast %get3A_177 : vector<1x16xi32> to vector<16xi32>
    %shift_right_arithmetic3A_179 = arith.constant 15 : i32
    %shift_right_arithmetic3A_180 = vector.broadcast %shift_right_arithmetic3A_179 : i32 to vector<16xi32>
    %shift_right_arithmetic3A_181 = arith.shrsi %get3A_178, %shift_right_arithmetic3A_180 : vector<16xi32>
    %add3A_182 = vector.broadcast %arg0 : i32 to vector<16xi32>
    %add3A_183 = arith.addi %shift_right_arithmetic3A_181, %add3A_182 : vector<16xi32>
    %swap3A_184 = arith.constant 0 : i32
    %swap3A_185 = arith.index_cast %swap3A_184 : i32 to index
    %swap3A_186 = arith.constant 96 : index
    %swap3A_187 = tpu.vector_load %arg6[%swap3A_185, %swap3A_186] {strides = array<i32>} : memref<2x128xi32, #tpu.memory_space<vmem>>, vector<1x16xi32>,
    %swap3A_188 = vector.shape_cast %swap3A_187 : vector<1x16xi32> to vector<16xi32>
    %swap3A_189 = vector.shape_cast %add3A_183 : vector<16xi32> to vector<1x16xi32>
    tpu.vector_store %arg6[%swap3A_185, %swap3A_186], %swap3A_189 {strides = array<i32>} : memref<2x128xi32, #tpu.memory_space<vmem>>, vector<1x16xi32>,
    %and3A_190 = arith.constant 32767 : i32
    %and3A_191 = vector.broadcast %and3A_190 : i32 to vector<16xi32>
    %and3A_192 = arith.andi %get3A_178, %and3A_191 : vector<16xi32>
    %swap3A_193 = arith.constant 0 : i32
    %swap3A_194 = arith.index_cast %swap3A_193 : i32 to index
    %swap3A_195 = arith.constant 96 : index
    %swap3A_196 = tpu.vector_load %arg7[%swap3A_194, %swap3A_195] {strides = array<i32>} : memref<2x128xi32, #tpu.memory_space<vmem>>, vector<1x16xi32>,
    %swap3A_197 = vector.shape_cast %swap3A_196 : vector<1x16xi32> to vector<16xi32>
    %swap3A_198 = vector.shape_cast %and3A_192 : vector<16xi32> to vector<1x16xi32>
    tpu.vector_store %arg7[%swap3A_194, %swap3A_195], %swap3A_198 {strides = array<i32>} : memref<2x128xi32, #tpu.memory_space<vmem>>, vector<1x16xi32>,
    %get3A_199 = arith.constant 0 : i32
    %get3A_200 = arith.index_cast %get3A_199 : i32 to index
    %get3A_201 = arith.constant 112 : index
    %get3A_202 = tpu.vector_load %arg5[%get3A_200, %get3A_201] {strides = array<i32>} : memref<80x128xi32, #tpu.memory_space<vmem>>, vector<1x16xi32>,
    %get3A_203 = vector.shape_cast %get3A_202 : vector<1x16xi32> to vector<16xi32>
    %shift_right_arithmetic3A_204 = arith.constant 15 : i32
    %shift_right_arithmetic3A_205 = vector.broadcast %shift_right_arithmetic3A_204 : i32 to vector<16xi32>
    %shift_right_arithmetic3A_206 = arith.shrsi %get3A_203, %shift_right_arithmetic3A_205 : vector<16xi32>
    %add3A_207 = vector.broadcast %arg0 : i32 to vector<16xi32>
    %add3A_208 = arith.addi %shift_right_arithmetic3A_206, %add3A_207 : vector<16xi32>
    %swap3A_209 = arith.constant 0 : i32
    %swap3A_210 = arith.index_cast %swap3A_209 : i32 to index
    %swap3A_211 = arith.constant 112 : index
    %swap3A_212 = tpu.vector_load %arg6[%swap3A_210, %swap3A_211] {strides = array<i32>} : memref<2x128xi32, #tpu.memory_space<vmem>>, vector<1x16xi32>,
    %swap3A_213 = vector.shape_cast %swap3A_212 : vector<1x16xi32> to vector<16xi32>
    %swap3A_214 = vector.shape_cast %add3A_208 : vector<16xi32> to vector<1x16xi32>
    tpu.vector_store %arg6[%swap3A_210, %swap3A_211], %swap3A_214 {strides = array<i32>} : memref<2x128xi32, #tpu.memory_space<vmem>>, vector<1x16xi32>,
    %and3A_215 = arith.constant 32767 : i32
    %and3A_216 = vector.broadcast %and3A_215 : i32 to vector<16xi32>
    %and3A_217 = arith.andi %get3A_203, %and3A_216 : vector<16xi32>
    %swap3A_218 = arith.constant 0 : i32
    %swap3A_219 = arith.index_cast %swap3A_218 : i32 to index
    %swap3A_220 = arith.constant 112 : index
    %swap3A_221 = tpu.vector_load %arg7[%swap3A_219, %swap3A_220] {strides = array<i32>} : memref<2x128xi32, #tpu.memory_space<vmem>>, vector<1x16xi32>,
    %swap3A_222 = vector.shape_cast %swap3A_221 : vector<1x16xi32> to vector<16xi32>
    %swap3A_223 = vector.shape_cast %and3A_217 : vector<16xi32> to vector<1x16xi32>
    tpu.vector_store %arg7[%swap3A_219, %swap3A_220], %swap3A_223 {strides = array<i32>} : memref<2x128xi32, #tpu.memory_space<vmem>>, vector<1x16xi32>,
    %dma_start3A = arith.constant 0 : i32
    %dma_start3A_224 = arith.constant 0 : i32
    %dma_start3A_225 = arith.constant 0 : i32
    %dma_start3A_226 = arith.constant 0 : i32
    %dma_start3A_227 = arith.constant 0 : i32
    %dma_start3A_228 = tpu.memref_slice %arg8[%dma_start3A_224, %dma_start3A_226, %dma_start3A_227] : memref<2x128x128xf32, #tpu.memory_space<vmem>> -> memref<1x128x128xf32, #tpu.memory_space<vmem>>
    %dma_start3A_229 = tpu.memref_squeeze %dma_start3A_228 : memref<1x128x128xf32, #tpu.memory_space<vmem>> -> memref<128x128xf32, #tpu.memory_space<vmem>>
    %dma_start3A_230 = arith.constant 0 : i32
    %dma_start3A_231 = tpu.memref_slice %arg6[%dma_start3A, %dma_start3A_230] : memref<2x128xi32, #tpu.memory_space<vmem>> -> memref<1x128xi32, #tpu.memory_space<vmem>>
    %dma_start3A_232 = tpu.memref_squeeze %dma_start3A_231 : memref<1x128xi32, #tpu.memory_space<vmem>> -> memref<128xi32, #tpu.memory_space<vmem>>
    %dma_start3A_233 = arith.constant 0 : i32
    %dma_start3A_234 = arith.constant 0 : i32
    %dma_start3A_235 = tpu.memref_slice %arg2[%dma_start3A_233, %dma_start3A_234] : memref<20000x128xf32, #tpu.memory_space<hbm>> -> memref<20000x128xf32, #tpu.memory_space<hbm>>
    %dma_start3A_236 = tpu.memref_slice %arg10[%dma_start3A_225] : memref<2x!tpu.dma_semaphore, #tpu.memory_space<semaphore_mem>> -> memref<1x!tpu.dma_semaphore, #tpu.memory_space<semaphore_mem>>
    %dma_start3A_237 = tpu.memref_squeeze %dma_start3A_236 : memref<1x!tpu.dma_semaphore, #tpu.memory_space<semaphore_mem>> -> memref<!tpu.dma_semaphore, #tpu.memory_space<semaphore_mem>>
    tpu.enqueue_indirect_dma source(%dma_start3A_235 : memref<20000x128xf32, #tpu.memory_space<hbm>>) target(%dma_start3A_229 : memref<128x128xf32, #tpu.memory_space<vmem>>) offsets(%dma_start3A_232 : memref<128xi32, #tpu.memory_space<vmem>>) semaphore(%dma_start3A_237 : memref<!tpu.dma_semaphore, #tpu.memory_space<semaphore_mem>>)
    %barrier3A = arith.constant 0 : index
    tpu.barrier barrier_id(%barrier3A)
    %scan3A_238 = arith.constant 0 : i32
    %scan3A_239 = arith.constant 40 : i32
    %scan3A_240 = arith.addi %scan3A_238, %scan3A_239 : i32
    %scan3A_241 = arith.constant 1 : i32
    scf.for %scan3A_248 = %scan3A_238 to %scan3A_240 step %scan3A_241  : i32 {
      %mul3A_249 = arith.constant 2 : i32
      %mul3A_250 = arith.muli %scan3A_248, %mul3A_249 : i32
      %add3A_251 = arith.constant 0 : i32
      %add3A_252 = arith.addi %add3A_251, %mul3A_250 : i32
      %add3A_253 = arith.constant 1 : i32
      %add3A_254 = arith.addi %add3A_252, %add3A_253 : i32
      %get3A_255 = arith.index_cast %add3A_254 : i32 to index
      %get3A_256 = arith.constant 0 : index
      %get3A_257 = tpu.vector_load %arg5[%get3A_255, %get3A_256] {strides = array<i32>} : memref<80x128xi32, #tpu.memory_space<vmem>>, vector<1x16xi32>,
      %get3A_258 = vector.shape_cast %get3A_257 : vector<1x16xi32> to vector<16xi32>
      %shift_right_arithmetic3A_259 = arith.constant 15 : i32
      %shift_right_arithmetic3A_260 = vector.broadcast %shift_right_arithmetic3A_259 : i32 to vector<16xi32>
      %shift_right_arithmetic3A_261 = arith.shrsi %get3A_258, %shift_right_arithmetic3A_260 : vector<16xi32>
      %add3A_262 = vector.broadcast %arg0 : i32 to vector<16xi32>
      %add3A_263 = arith.addi %shift_right_arithmetic3A_261, %add3A_262 : vector<16xi32>
      %swap3A_264 = arith.constant 1 : i32
      %swap3A_265 = arith.index_cast %swap3A_264 : i32 to index
      %swap3A_266 = arith.constant 0 : index
      %swap3A_267 = tpu.vector_load %arg6[%swap3A_265, %swap3A_266] {strides = array<i32>} : memref<2x128xi32, #tpu.memory_space<vmem>>, vector<1x16xi32>,
      %swap3A_268 = vector.shape_cast %swap3A_267 : vector<1x16xi32> to vector<16xi32>
      %swap3A_269 = vector.shape_cast %add3A_263 : vector<16xi32> to vector<1x16xi32>
      tpu.vector_store %arg6[%swap3A_265, %swap3A_266], %swap3A_269 {strides = array<i32>} : memref<2x128xi32, #tpu.memory_space<vmem>>, vector<1x16xi32>,
      %and3A_270 = arith.constant 32767 : i32
      %and3A_271 = vector.broadcast %and3A_270 : i32 to vector<16xi32>
      %and3A_272 = arith.andi %get3A_258, %and3A_271 : vector<16xi32>
      %swap3A_273 = arith.constant 1 : i32
      %swap3A_274 = arith.index_cast %swap3A_273 : i32 to index
      %swap3A_275 = arith.constant 0 : index
      %swap3A_276 = tpu.vector_load %arg7[%swap3A_274, %swap3A_275] {strides = array<i32>} : memref<2x128xi32, #tpu.memory_space<vmem>>, vector<1x16xi32>,
      %swap3A_277 = vector.shape_cast %swap3A_276 : vector<1x16xi32> to vector<16xi32>
      %swap3A_278 = vector.shape_cast %and3A_272 : vector<16xi32> to vector<1x16xi32>
      tpu.vector_store %arg7[%swap3A_274, %swap3A_275], %swap3A_278 {strides = array<i32>} : memref<2x128xi32, #tpu.memory_space<vmem>>, vector<1x16xi32>,
      %get3A_279 = arith.index_cast %add3A_254 : i32 to index
      %get3A_280 = arith.constant 16 : index
      %get3A_281 = tpu.vector_load %arg5[%get3A_279, %get3A_280] {strides = array<i32>} : memref<80x128xi32, #tpu.memory_space<vmem>>, vector<1x16xi32>,
      %get3A_282 = vector.shape_cast %get3A_281 : vector<1x16xi32> to vector<16xi32>
      %shift_right_arithmetic3A_283 = arith.constant 15 : i32
      %shift_right_arithmetic3A_284 = vector.broadcast %shift_right_arithmetic3A_283 : i32 to vector<16xi32>
      %shift_right_arithmetic3A_285 = arith.shrsi %get3A_282, %shift_right_arithmetic3A_284 : vector<16xi32>
      %add3A_286 = vector.broadcast %arg0 : i32 to vector<16xi32>
      %add3A_287 = arith.addi %shift_right_arithmetic3A_285, %add3A_286 : vector<16xi32>
      %swap3A_288 = arith.constant 1 : i32
      %swap3A_289 = arith.index_cast %swap3A_288 : i32 to index
      %swap3A_290 = arith.constant 16 : index
      %swap3A_291 = tpu.vector_load %arg6[%swap3A_289, %swap3A_290] {strides = array<i32>} : memref<2x128xi32, #tpu.memory_space<vmem>>, vector<1x16xi32>,
      %swap3A_292 = vector.shape_cast %swap3A_291 : vector<1x16xi32> to vector<16xi32>
      %swap3A_293 = vector.shape_cast %add3A_287 : vector<16xi32> to vector<1x16xi32>
      tpu.vector_store %arg6[%swap3A_289, %swap3A_290], %swap3A_293 {strides = array<i32>} : memref<2x128xi32, #tpu.memory_space<vmem>>, vector<1x16xi32>,
      %and3A_294 = arith.constant 32767 : i32
      %and3A_295 = vector.broadcast %and3A_294 : i32 to vector<16xi32>
      %and3A_296 = arith.andi %get3A_282, %and3A_295 : vector<16xi32>
      %swap3A_297 = arith.constant 1 : i32
      %swap3A_298 = arith.index_cast %swap3A_297 : i32 to index
      %swap3A_299 = arith.constant 16 : index
      %swap3A_300 = tpu.vector_load %arg7[%swap3A_298, %swap3A_299] {strides = array<i32>} : memref<2x128xi32, #tpu.memory_space<vmem>>, vector<1x16xi32>,
      %swap3A_301 = vector.shape_cast %swap3A_300 : vector<1x16xi32> to vector<16xi32>
      %swap3A_302 = vector.shape_cast %and3A_296 : vector<16xi32> to vector<1x16xi32>
      tpu.vector_store %arg7[%swap3A_298, %swap3A_299], %swap3A_302 {strides = array<i32>} : memref<2x128xi32, #tpu.memory_space<vmem>>, vector<1x16xi32>,
      %get3A_303 = arith.index_cast %add3A_254 : i32 to index
      %get3A_304 = arith.constant 32 : index
      %get3A_305 = tpu.vector_load %arg5[%get3A_303, %get3A_304] {strides = array<i32>} : memref<80x128xi32, #tpu.memory_space<vmem>>, vector<1x16xi32>,
      %get3A_306 = vector.shape_cast %get3A_305 : vector<1x16xi32> to vector<16xi32>
      %shift_right_arithmetic3A_307 = arith.constant 15 : i32
      %shift_right_arithmetic3A_308 = vector.broadcast %shift_right_arithmetic3A_307 : i32 to vector<16xi32>
      %shift_right_arithmetic3A_309 = arith.shrsi %get3A_306, %shift_right_arithmetic3A_308 : vector<16xi32>
      %add3A_310 = vector.broadcast %arg0 : i32 to vector<16xi32>
      %add3A_311 = arith.addi %shift_right_arithmetic3A_309, %add3A_310 : vector<16xi32>
      %swap3A_312 = arith.constant 1 : i32
      %swap3A_313 = arith.index_cast %swap3A_312 : i32 to index
      %swap3A_314 = arith.constant 32 : index
      %swap3A_315 = tpu.vector_load %arg6[%swap3A_313, %swap3A_314] {strides = array<i32>} : memref<2x128xi32, #tpu.memory_space<vmem>>, vector<1x16xi32>,
      %swap3A_316 = vector.shape_cast %swap3A_315 : vector<1x16xi32> to vector<16xi32>
      %swap3A_317 = vector.shape_cast %add3A_311 : vector<16xi32> to vector<1x16xi32>
      tpu.vector_store %arg6[%swap3A_313, %swap3A_314], %swap3A_317 {strides = array<i32>} : memref<2x128xi32, #tpu.memory_space<vmem>>, vector<1x16xi32>,
      %and3A_318 = arith.constant 32767 : i32
      %and3A_319 = vector.broadcast %and3A_318 : i32 to vector<16xi32>
      %and3A_320 = arith.andi %get3A_306, %and3A_319 : vector<16xi32>
      %swap3A_321 = arith.constant 1 : i32
      %swap3A_322 = arith.index_cast %swap3A_321 : i32 to index
      %swap3A_323 = arith.constant 32 : index
      %swap3A_324 = tpu.vector_load %arg7[%swap3A_322, %swap3A_323] {strides = array<i32>} : memref<2x128xi32, #tpu.memory_space<vmem>>, vector<1x16xi32>,
      %swap3A_325 = vector.shape_cast %swap3A_324 : vector<1x16xi32> to vector<16xi32>
      %swap3A_326 = vector.shape_cast %and3A_320 : vector<16xi32> to vector<1x16xi32>
      tpu.vector_store %arg7[%swap3A_322, %swap3A_323], %swap3A_326 {strides = array<i32>} : memref<2x128xi32, #tpu.memory_space<vmem>>, vector<1x16xi32>,
      %get3A_327 = arith.index_cast %add3A_254 : i32 to index
      %get3A_328 = arith.constant 48 : index
      %get3A_329 = tpu.vector_load %arg5[%get3A_327, %get3A_328] {strides = array<i32>} : memref<80x128xi32, #tpu.memory_space<vmem>>, vector<1x16xi32>,
      %get3A_330 = vector.shape_cast %get3A_329 : vector<1x16xi32> to vector<16xi32>
      %shift_right_arithmetic3A_331 = arith.constant 15 : i32
      %shift_right_arithmetic3A_332 = vector.broadcast %shift_right_arithmetic3A_331 : i32 to vector<16xi32>
      %shift_right_arithmetic3A_333 = arith.shrsi %get3A_330, %shift_right_arithmetic3A_332 : vector<16xi32>
      %add3A_334 = vector.broadcast %arg0 : i32 to vector<16xi32>
      %add3A_335 = arith.addi %shift_right_arithmetic3A_333, %add3A_334 : vector<16xi32>
      %swap3A_336 = arith.constant 1 : i32
      %swap3A_337 = arith.index_cast %swap3A_336 : i32 to index
      %swap3A_338 = arith.constant 48 : index
      %swap3A_339 = tpu.vector_load %arg6[%swap3A_337, %swap3A_338] {strides = array<i32>} : memref<2x128xi32, #tpu.memory_space<vmem>>, vector<1x16xi32>,
      %swap3A_340 = vector.shape_cast %swap3A_339 : vector<1x16xi32> to vector<16xi32>
      %swap3A_341 = vector.shape_cast %add3A_335 : vector<16xi32> to vector<1x16xi32>
      tpu.vector_store %arg6[%swap3A_337, %swap3A_338], %swap3A_341 {strides = array<i32>} : memref<2x128xi32, #tpu.memory_space<vmem>>, vector<1x16xi32>,
      %and3A_342 = arith.constant 32767 : i32
      %and3A_343 = vector.broadcast %and3A_342 : i32 to vector<16xi32>
      %and3A_344 = arith.andi %get3A_330, %and3A_343 : vector<16xi32>
      %swap3A_345 = arith.constant 1 : i32
      %swap3A_346 = arith.index_cast %swap3A_345 : i32 to index
      %swap3A_347 = arith.constant 48 : index
      %swap3A_348 = tpu.vector_load %arg7[%swap3A_346, %swap3A_347] {strides = array<i32>} : memref<2x128xi32, #tpu.memory_space<vmem>>, vector<1x16xi32>,
      %swap3A_349 = vector.shape_cast %swap3A_348 : vector<1x16xi32> to vector<16xi32>
      %swap3A_350 = vector.shape_cast %and3A_344 : vector<16xi32> to vector<1x16xi32>
      tpu.vector_store %arg7[%swap3A_346, %swap3A_347], %swap3A_350 {strides = array<i32>} : memref<2x128xi32, #tpu.memory_space<vmem>>, vector<1x16xi32>,
      %get3A_351 = arith.index_cast %add3A_254 : i32 to index
      %get3A_352 = arith.constant 64 : index
      %get3A_353 = tpu.vector_load %arg5[%get3A_351, %get3A_352] {strides = array<i32>} : memref<80x128xi32, #tpu.memory_space<vmem>>, vector<1x16xi32>,
      %get3A_354 = vector.shape_cast %get3A_353 : vector<1x16xi32> to vector<16xi32>
      %shift_right_arithmetic3A_355 = arith.constant 15 : i32
      %shift_right_arithmetic3A_356 = vector.broadcast %shift_right_arithmetic3A_355 : i32 to vector<16xi32>
      %shift_right_arithmetic3A_357 = arith.shrsi %get3A_354, %shift_right_arithmetic3A_356 : vector<16xi32>
      %add3A_358 = vector.broadcast %arg0 : i32 to vector<16xi32>
      %add3A_359 = arith.addi %shift_right_arithmetic3A_357, %add3A_358 : vector<16xi32>
      %swap3A_360 = arith.constant 1 : i32
      %swap3A_361 = arith.index_cast %swap3A_360 : i32 to index
      %swap3A_362 = arith.constant 64 : index
      %swap3A_363 = tpu.vector_load %arg6[%swap3A_361, %swap3A_362] {strides = array<i32>} : memref<2x128xi32, #tpu.memory_space<vmem>>, vector<1x16xi32>,
      %swap3A_364 = vector.shape_cast %swap3A_363 : vector<1x16xi32> to vector<16xi32>
      %swap3A_365 = vector.shape_cast %add3A_359 : vector<16xi32> to vector<1x16xi32>
      tpu.vector_store %arg6[%swap3A_361, %swap3A_362], %swap3A_365 {strides = array<i32>} : memref<2x128xi32, #tpu.memory_space<vmem>>, vector<1x16xi32>,
      %and3A_366 = arith.constant 32767 : i32
      %and3A_367 = vector.broadcast %and3A_366 : i32 to vector<16xi32>
      %and3A_368 = arith.andi %get3A_354, %and3A_367 : vector<16xi32>
      %swap3A_369 = arith.constant 1 : i32
      %swap3A_370 = arith.index_cast %swap3A_369 : i32 to index
      %swap3A_371 = arith.constant 64 : index
      %swap3A_372 = tpu.vector_load %arg7[%swap3A_370, %swap3A_371] {strides = array<i32>} : memref<2x128xi32, #tpu.memory_space<vmem>>, vector<1x16xi32>,
      %swap3A_373 = vector.shape_cast %swap3A_372 : vector<1x16xi32> to vector<16xi32>
      %swap3A_374 = vector.shape_cast %and3A_368 : vector<16xi32> to vector<1x16xi32>
      tpu.vector_store %arg7[%swap3A_370, %swap3A_371], %swap3A_374 {strides = array<i32>} : memref<2x128xi32, #tpu.memory_space<vmem>>, vector<1x16xi32>,
      %get3A_375 = arith.index_cast %add3A_254 : i32 to index
      %get3A_376 = arith.constant 80 : index
      %get3A_377 = tpu.vector_load %arg5[%get3A_375, %get3A_376] {strides = array<i32>} : memref<80x128xi32, #tpu.memory_space<vmem>>, vector<1x16xi32>,
      %get3A_378 = vector.shape_cast %get3A_377 : vector<1x16xi32> to vector<16xi32>
      %shift_right_arithmetic3A_379 = arith.constant 15 : i32
      %shift_right_arithmetic3A_380 = vector.broadcast %shift_right_arithmetic3A_379 : i32 to vector<16xi32>
      %shift_right_arithmetic3A_381 = arith.shrsi %get3A_378, %shift_right_arithmetic3A_380 : vector<16xi32>
      %add3A_382 = vector.broadcast %arg0 : i32 to vector<16xi32>
      %add3A_383 = arith.addi %shift_right_arithmetic3A_381, %add3A_382 : vector<16xi32>
      %swap3A_384 = arith.constant 1 : i32
      %swap3A_385 = arith.index_cast %swap3A_384 : i32 to index
      %swap3A_386 = arith.constant 80 : index
      %swap3A_387 = tpu.vector_load %arg6[%swap3A_385, %swap3A_386] {strides = array<i32>} : memref<2x128xi32, #tpu.memory_space<vmem>>, vector<1x16xi32>,
      %swap3A_388 = vector.shape_cast %swap3A_387 : vector<1x16xi32> to vector<16xi32>
      %swap3A_389 = vector.shape_cast %add3A_383 : vector<16xi32> to vector<1x16xi32>
      tpu.vector_store %arg6[%swap3A_385, %swap3A_386], %swap3A_389 {strides = array<i32>} : memref<2x128xi32, #tpu.memory_space<vmem>>, vector<1x16xi32>,
      %and3A_390 = arith.constant 32767 : i32
      %and3A_391 = vector.broadcast %and3A_390 : i32 to vector<16xi32>
      %and3A_392 = arith.andi %get3A_378, %and3A_391 : vector<16xi32>
      %swap3A_393 = arith.constant 1 : i32
      %swap3A_394 = arith.index_cast %swap3A_393 : i32 to index
      %swap3A_395 = arith.constant 80 : index
      %swap3A_396 = tpu.vector_load %arg7[%swap3A_394, %swap3A_395] {strides = array<i32>} : memref<2x128xi32, #tpu.memory_space<vmem>>, vector<1x16xi32>,
      %swap3A_397 = vector.shape_cast %swap3A_396 : vector<1x16xi32> to vector<16xi32>
      %swap3A_398 = vector.shape_cast %and3A_392 : vector<16xi32> to vector<1x16xi32>
      tpu.vector_store %arg7[%swap3A_394, %swap3A_395], %swap3A_398 {strides = array<i32>} : memref<2x128xi32, #tpu.memory_space<vmem>>, vector<1x16xi32>,
      %get3A_399 = arith.index_cast %add3A_254 : i32 to index
      %get3A_400 = arith.constant 96 : index
      %get3A_401 = tpu.vector_load %arg5[%get3A_399, %get3A_400] {strides = array<i32>} : memref<80x128xi32, #tpu.memory_space<vmem>>, vector<1x16xi32>,
      %get3A_402 = vector.shape_cast %get3A_401 : vector<1x16xi32> to vector<16xi32>
      %shift_right_arithmetic3A_403 = arith.constant 15 : i32
      %shift_right_arithmetic3A_404 = vector.broadcast %shift_right_arithmetic3A_403 : i32 to vector<16xi32>
      %shift_right_arithmetic3A_405 = arith.shrsi %get3A_402, %shift_right_arithmetic3A_404 : vector<16xi32>
      %add3A_406 = vector.broadcast %arg0 : i32 to vector<16xi32>
      %add3A_407 = arith.addi %shift_right_arithmetic3A_405, %add3A_406 : vector<16xi32>
      %swap3A_408 = arith.constant 1 : i32
      %swap3A_409 = arith.index_cast %swap3A_408 : i32 to index
      %swap3A_410 = arith.constant 96 : index
      %swap3A_411 = tpu.vector_load %arg6[%swap3A_409, %swap3A_410] {strides = array<i32>} : memref<2x128xi32, #tpu.memory_space<vmem>>, vector<1x16xi32>,
      %swap3A_412 = vector.shape_cast %swap3A_411 : vector<1x16xi32> to vector<16xi32>
      %swap3A_413 = vector.shape_cast %add3A_407 : vector<16xi32> to vector<1x16xi32>
      tpu.vector_store %arg6[%swap3A_409, %swap3A_410], %swap3A_413 {strides = array<i32>} : memref<2x128xi32, #tpu.memory_space<vmem>>, vector<1x16xi32>,
      %and3A_414 = arith.constant 32767 : i32
      %and3A_415 = vector.broadcast %and3A_414 : i32 to vector<16xi32>
      %and3A_416 = arith.andi %get3A_402, %and3A_415 : vector<16xi32>
      %swap3A_417 = arith.constant 1 : i32
      %swap3A_418 = arith.index_cast %swap3A_417 : i32 to index
      %swap3A_419 = arith.constant 96 : index
      %swap3A_420 = tpu.vector_load %arg7[%swap3A_418, %swap3A_419] {strides = array<i32>} : memref<2x128xi32, #tpu.memory_space<vmem>>, vector<1x16xi32>,
      %swap3A_421 = vector.shape_cast %swap3A_420 : vector<1x16xi32> to vector<16xi32>
      %swap3A_422 = vector.shape_cast %and3A_416 : vector<16xi32> to vector<1x16xi32>
      tpu.vector_store %arg7[%swap3A_418, %swap3A_419], %swap3A_422 {strides = array<i32>} : memref<2x128xi32, #tpu.memory_space<vmem>>, vector<1x16xi32>,
      %get3A_423 = arith.index_cast %add3A_254 : i32 to index
      %get3A_424 = arith.constant 112 : index
      %get3A_425 = tpu.vector_load %arg5[%get3A_423, %get3A_424] {strides = array<i32>} : memref<80x128xi32, #tpu.memory_space<vmem>>, vector<1x16xi32>,
      %get3A_426 = vector.shape_cast %get3A_425 : vector<1x16xi32> to vector<16xi32>
      %shift_right_arithmetic3A_427 = arith.constant 15 : i32
      %shift_right_arithmetic3A_428 = vector.broadcast %shift_right_arithmetic3A_427 : i32 to vector<16xi32>
      %shift_right_arithmetic3A_429 = arith.shrsi %get3A_426, %shift_right_arithmetic3A_428 : vector<16xi32>
      %add3A_430 = vector.broadcast %arg0 : i32 to vector<16xi32>
      %add3A_431 = arith.addi %shift_right_arithmetic3A_429, %add3A_430 : vector<16xi32>
      %swap3A_432 = arith.constant 1 : i32
      %swap3A_433 = arith.index_cast %swap3A_432 : i32 to index
      %swap3A_434 = arith.constant 112 : index
      %swap3A_435 = tpu.vector_load %arg6[%swap3A_433, %swap3A_434] {strides = array<i32>} : memref<2x128xi32, #tpu.memory_space<vmem>>, vector<1x16xi32>,
      %swap3A_436 = vector.shape_cast %swap3A_435 : vector<1x16xi32> to vector<16xi32>
      %swap3A_437 = vector.shape_cast %add3A_431 : vector<16xi32> to vector<1x16xi32>
      tpu.vector_store %arg6[%swap3A_433, %swap3A_434], %swap3A_437 {strides = array<i32>} : memref<2x128xi32, #tpu.memory_space<vmem>>, vector<1x16xi32>,
      %and3A_438 = arith.constant 32767 : i32
      %and3A_439 = vector.broadcast %and3A_438 : i32 to vector<16xi32>
      %and3A_440 = arith.andi %get3A_426, %and3A_439 : vector<16xi32>
      %swap3A_441 = arith.constant 1 : i32
      %swap3A_442 = arith.index_cast %swap3A_441 : i32 to index
      %swap3A_443 = arith.constant 112 : index
      %swap3A_444 = tpu.vector_load %arg7[%swap3A_442, %swap3A_443] {strides = array<i32>} : memref<2x128xi32, #tpu.memory_space<vmem>>, vector<1x16xi32>,
      %swap3A_445 = vector.shape_cast %swap3A_444 : vector<1x16xi32> to vector<16xi32>
      %swap3A_446 = vector.shape_cast %and3A_440 : vector<16xi32> to vector<1x16xi32>
      tpu.vector_store %arg7[%swap3A_442, %swap3A_443], %swap3A_446 {strides = array<i32>} : memref<2x128xi32, #tpu.memory_space<vmem>>, vector<1x16xi32>,
      %dma_start3A_447 = arith.constant 1 : i32
      %dma_start3A_448 = arith.constant 1 : i32
      %dma_start3A_449 = arith.constant 1 : i32
      %dma_start3A_450 = arith.constant 0 : i32
      %dma_start3A_451 = arith.constant 0 : i32
      %dma_start3A_452 = tpu.memref_slice %arg8[%dma_start3A_448, %dma_start3A_450, %dma_start3A_451] : memref<2x128x128xf32, #tpu.memory_space<vmem>> -> memref<1x128x128xf32, #tpu.memory_space<vmem>>
      %dma_start3A_453 = tpu.memref_squeeze %dma_start3A_452 : memref<1x128x128xf32, #tpu.memory_space<vmem>> -> memref<128x128xf32, #tpu.memory_space<vmem>>
      %dma_start3A_454 = arith.constant 0 : i32
      %dma_start3A_455 = tpu.memref_slice %arg6[%dma_start3A_447, %dma_start3A_454] : memref<2x128xi32, #tpu.memory_space<vmem>> -> memref<1x128xi32, #tpu.memory_space<vmem>>
      %dma_start3A_456 = tpu.memref_squeeze %dma_start3A_455 : memref<1x128xi32, #tpu.memory_space<vmem>> -> memref<128xi32, #tpu.memory_space<vmem>>
      %dma_start3A_457 = arith.constant 0 : i32
      %dma_start3A_458 = arith.constant 0 : i32
      %dma_start3A_459 = tpu.memref_slice %arg2[%dma_start3A_457, %dma_start3A_458] : memref<20000x128xf32, #tpu.memory_space<hbm>> -> memref<20000x128xf32, #tpu.memory_space<hbm>>
      %dma_start3A_460 = tpu.memref_slice %arg10[%dma_start3A_449] : memref<2x!tpu.dma_semaphore, #tpu.memory_space<semaphore_mem>> -> memref<1x!tpu.dma_semaphore, #tpu.memory_space<semaphore_mem>>
      %dma_start3A_461 = tpu.memref_squeeze %dma_start3A_460 : memref<1x!tpu.dma_semaphore, #tpu.memory_space<semaphore_mem>> -> memref<!tpu.dma_semaphore, #tpu.memory_space<semaphore_mem>>
      tpu.enqueue_indirect_dma source(%dma_start3A_459 : memref<20000x128xf32, #tpu.memory_space<hbm>>) target(%dma_start3A_453 : memref<128x128xf32, #tpu.memory_space<vmem>>) offsets(%dma_start3A_456 : memref<128xi32, #tpu.memory_space<vmem>>) semaphore(%dma_start3A_461 : memref<!tpu.dma_semaphore, #tpu.memory_space<semaphore_mem>>)
      %dma_wait3A = arith.constant 0 : i32
      %dma_wait3A_462 = arith.constant 0 : i32
      %dma_wait3A_463 = arith.constant 0 : i32
      %dma_wait3A_464 = arith.constant 0 : i32
      %dma_wait3A_465 = arith.constant 0 : i32
      %dma_wait3A_466 = tpu.memref_slice %arg8[%dma_wait3A_462, %dma_wait3A_464, %dma_wait3A_465] : memref<2x128x128xf32, #tpu.memory_space<vmem>> -> memref<1x128x128xf32, #tpu.memory_space<vmem>>
      %dma_wait3A_467 = tpu.memref_squeeze %dma_wait3A_466 : memref<1x128x128xf32, #tpu.memory_space<vmem>> -> memref<128x128xf32, #tpu.memory_space<vmem>>
      %dma_wait3A_468 = arith.constant 0 : i32
      %dma_wait3A_469 = tpu.memref_slice %arg6[%dma_wait3A, %dma_wait3A_468] : memref<2x128xi32, #tpu.memory_space<vmem>> -> memref<1x128xi32, #tpu.memory_space<vmem>>
      %dma_wait3A_470 = tpu.memref_squeeze %dma_wait3A_469 : memref<1x128xi32, #tpu.memory_space<vmem>> -> memref<128xi32, #tpu.memory_space<vmem>>
      %dma_wait3A_471 = arith.constant 0 : i32
      %dma_wait3A_472 = arith.constant 0 : i32
      %dma_wait3A_473 = tpu.memref_slice %arg2[%dma_wait3A_471, %dma_wait3A_472] : memref<20000x128xf32, #tpu.memory_space<hbm>> -> memref<20000x128xf32, #tpu.memory_space<hbm>>
      %dma_wait3A_474 = tpu.memref_slice %arg10[%dma_wait3A_463] : memref<2x!tpu.dma_semaphore, #tpu.memory_space<semaphore_mem>> -> memref<1x!tpu.dma_semaphore, #tpu.memory_space<semaphore_mem>>
      %dma_wait3A_475 = tpu.memref_squeeze %dma_wait3A_474 : memref<1x!tpu.dma_semaphore, #tpu.memory_space<semaphore_mem>> -> memref<!tpu.dma_semaphore, #tpu.memory_space<semaphore_mem>>
      tpu.wait_indirect_dma semaphore(%dma_wait3A_475 : memref<!tpu.dma_semaphore, #tpu.memory_space<semaphore_mem>>) src(%dma_wait3A_473 : memref<20000x128xf32, #tpu.memory_space<hbm>>) dst(%dma_wait3A_467 : memref<128x128xf32, #tpu.memory_space<vmem>>)
      %run_scoped3A_476 = arith.constant 0 : i32
      %run_scoped3A_477 = arith.constant 0 : i32
      "tpu.region"() ({
        %run_scoped3A_499 = tpu.sem_alloc : memref<!tpu.dma_semaphore, #tpu.memory_space<semaphore_mem>>
        %dma_start3A_500 = arith.constant 0 : i32
        %dma_start3A_501 = arith.constant 0 : i32
        %dma_start3A_502 = tpu.memref_slice %arg8[%run_scoped3A_476, %dma_start3A_500, %dma_start3A_501] : memref<2x128x128xf32, #tpu.memory_space<vmem>> -> memref<1x128x128xf32, #tpu.memory_space<vmem>>
        %dma_start3A_503 = tpu.memref_squeeze %dma_start3A_502 : memref<1x128x128xf32, #tpu.memory_space<vmem>> -> memref<128x128xf32, #tpu.memory_space<vmem>>
        %dma_start3A_504 = arith.constant 0 : i32
        %dma_start3A_505 = tpu.memref_slice %arg7[%run_scoped3A_477, %dma_start3A_504] : memref<2x128xi32, #tpu.memory_space<vmem>> -> memref<1x128xi32, #tpu.memory_space<vmem>>
        %dma_start3A_506 = tpu.memref_squeeze %dma_start3A_505 : memref<1x128xi32, #tpu.memory_space<vmem>> -> memref<128xi32, #tpu.memory_space<vmem>>
        %dma_start3A_507 = arith.constant 0 : i32
        %dma_start3A_508 = arith.constant 0 : i32
        %dma_start3A_509 = tpu.memref_slice %arg9[%dma_start3A_507, %dma_start3A_508] : memref<10240x128xf32, #tpu.memory_space<vmem_shared>> -> memref<10240x128xf32, #tpu.memory_space<vmem_shared>>
        tpu.enqueue_indirect_dma source(%dma_start3A_503 : memref<128x128xf32, #tpu.memory_space<vmem>>) target(%dma_start3A_509 : memref<10240x128xf32, #tpu.memory_space<vmem_shared>>) offsets(%dma_start3A_506 : memref<128xi32, #tpu.memory_space<vmem>>) semaphore(%run_scoped3A_499 : memref<!tpu.dma_semaphore, #tpu.memory_space<semaphore_mem>>) {add = true}
        %dma_wait3A_510 = arith.constant 0 : i32
        %dma_wait3A_511 = arith.constant 0 : i32
        %dma_wait3A_512 = tpu.memref_slice %arg8[%run_scoped3A_476, %dma_wait3A_510, %dma_wait3A_511] : memref<2x128x128xf32, #tpu.memory_space<vmem>> -> memref<1x128x128xf32, #tpu.memory_space<vmem>>
        %dma_wait3A_513 = tpu.memref_squeeze %dma_wait3A_512 : memref<1x128x128xf32, #tpu.memory_space<vmem>> -> memref<128x128xf32, #tpu.memory_space<vmem>>
        %dma_wait3A_514 = arith.constant 0 : i32
        %dma_wait3A_515 = tpu.memref_slice %arg7[%run_scoped3A_477, %dma_wait3A_514] : memref<2x128xi32, #tpu.memory_space<vmem>> -> memref<1x128xi32, #tpu.memory_space<vmem>>
        %dma_wait3A_516 = tpu.memref_squeeze %dma_wait3A_515 : memref<1x128xi32, #tpu.memory_space<vmem>> -> memref<128xi32, #tpu.memory_space<vmem>>
        %dma_wait3A_517 = arith.constant 0 : i32
        %dma_wait3A_518 = arith.constant 0 : i32
        %dma_wait3A_519 = tpu.memref_slice %arg9[%dma_wait3A_517, %dma_wait3A_518] : memref<10240x128xf32, #tpu.memory_space<vmem_shared>> -> memref<10240x128xf32, #tpu.memory_space<vmem_shared>>
        tpu.wait_indirect_dma semaphore(%run_scoped3A_499 : memref<!tpu.dma_semaphore, #tpu.memory_space<semaphore_mem>>) src(%dma_wait3A_513 : memref<128x128xf32, #tpu.memory_space<vmem>>) dst(%dma_wait3A_519 : memref<10240x128xf32, #tpu.memory_space<vmem_shared>>)
        tpu.yield
      }) : () -> ()
      %add3A_478 = arith.constant 2 : i32
      %add3A_479 = arith.addi %add3A_252, %add3A_478 : i32
      %lt3A = arith.constant 80 : i32
      %lt3A_480 = arith.cmpi slt, %add3A_479, %lt3A : i32
      %convert_element_type3A = arith.extui %lt3A_480 : i1 to i32
      %cond3A = arith.constant 0 : i32
      %cond3A_481 = arith.cmpi ne, %convert_element_type3A, %cond3A : i32
      scf.if %cond3A_481 {
        %add3A_499 = arith.constant 2 : i32
        %add3A_500 = arith.addi %add3A_252, %add3A_499 : i32
        %get3A_501 = arith.index_cast %add3A_500 : i32 to index
        %get3A_502 = arith.constant 0 : index
        %get3A_503 = tpu.vector_load %arg5[%get3A_501, %get3A_502] {strides = array<i32>} : memref<80x128xi32, #tpu.memory_space<vmem>>, vector<1x16xi32>,
        %get3A_504 = vector.shape_cast %get3A_503 : vector<1x16xi32> to vector<16xi32>
        %shift_right_arithmetic3A_505 = arith.constant 15 : i32
        %shift_right_arithmetic3A_506 = vector.broadcast %shift_right_arithmetic3A_505 : i32 to vector<16xi32>
        %shift_right_arithmetic3A_507 = arith.shrsi %get3A_504, %shift_right_arithmetic3A_506 : vector<16xi32>
        %add3A_508 = vector.broadcast %arg0 : i32 to vector<16xi32>
        %add3A_509 = arith.addi %shift_right_arithmetic3A_507, %add3A_508 : vector<16xi32>
        %swap3A_510 = arith.constant 0 : i32
        %swap3A_511 = arith.index_cast %swap3A_510 : i32 to index
        %swap3A_512 = arith.constant 0 : index
        %swap3A_513 = tpu.vector_load %arg6[%swap3A_511, %swap3A_512] {strides = array<i32>} : memref<2x128xi32, #tpu.memory_space<vmem>>, vector<1x16xi32>,
        %swap3A_514 = vector.shape_cast %swap3A_513 : vector<1x16xi32> to vector<16xi32>
        %swap3A_515 = vector.shape_cast %add3A_509 : vector<16xi32> to vector<1x16xi32>
        tpu.vector_store %arg6[%swap3A_511, %swap3A_512], %swap3A_515 {strides = array<i32>} : memref<2x128xi32, #tpu.memory_space<vmem>>, vector<1x16xi32>,
        %and3A_516 = arith.constant 32767 : i32
        %and3A_517 = vector.broadcast %and3A_516 : i32 to vector<16xi32>
        %and3A_518 = arith.andi %get3A_504, %and3A_517 : vector<16xi32>
        %swap3A_519 = arith.constant 0 : i32
        %swap3A_520 = arith.index_cast %swap3A_519 : i32 to index
        %swap3A_521 = arith.constant 0 : index
        %swap3A_522 = tpu.vector_load %arg7[%swap3A_520, %swap3A_521] {strides = array<i32>} : memref<2x128xi32, #tpu.memory_space<vmem>>, vector<1x16xi32>,
        %swap3A_523 = vector.shape_cast %swap3A_522 : vector<1x16xi32> to vector<16xi32>
        %swap3A_524 = vector.shape_cast %and3A_518 : vector<16xi32> to vector<1x16xi32>
        tpu.vector_store %arg7[%swap3A_520, %swap3A_521], %swap3A_524 {strides = array<i32>} : memref<2x128xi32, #tpu.memory_space<vmem>>, vector<1x16xi32>,
        %get3A_525 = arith.index_cast %add3A_500 : i32 to index
        %get3A_526 = arith.constant 16 : index
        %get3A_527 = tpu.vector_load %arg5[%get3A_525, %get3A_526] {strides = array<i32>} : memref<80x128xi32, #tpu.memory_space<vmem>>, vector<1x16xi32>,
        %get3A_528 = vector.shape_cast %get3A_527 : vector<1x16xi32> to vector<16xi32>
        %shift_right_arithmetic3A_529 = arith.constant 15 : i32
        %shift_right_arithmetic3A_530 = vector.broadcast %shift_right_arithmetic3A_529 : i32 to vector<16xi32>
        %shift_right_arithmetic3A_531 = arith.shrsi %get3A_528, %shift_right_arithmetic3A_530 : vector<16xi32>
        %add3A_532 = vector.broadcast %arg0 : i32 to vector<16xi32>
        %add3A_533 = arith.addi %shift_right_arithmetic3A_531, %add3A_532 : vector<16xi32>
        %swap3A_534 = arith.constant 0 : i32
        %swap3A_535 = arith.index_cast %swap3A_534 : i32 to index
        %swap3A_536 = arith.constant 16 : index
        %swap3A_537 = tpu.vector_load %arg6[%swap3A_535, %swap3A_536] {strides = array<i32>} : memref<2x128xi32, #tpu.memory_space<vmem>>, vector<1x16xi32>,
        %swap3A_538 = vector.shape_cast %swap3A_537 : vector<1x16xi32> to vector<16xi32>
        %swap3A_539 = vector.shape_cast %add3A_533 : vector<16xi32> to vector<1x16xi32>
        tpu.vector_store %arg6[%swap3A_535, %swap3A_536], %swap3A_539 {strides = array<i32>} : memref<2x128xi32, #tpu.memory_space<vmem>>, vector<1x16xi32>,
        %and3A_540 = arith.constant 32767 : i32
        %and3A_541 = vector.broadcast %and3A_540 : i32 to vector<16xi32>
        %and3A_542 = arith.andi %get3A_528, %and3A_541 : vector<16xi32>
        %swap3A_543 = arith.constant 0 : i32
        %swap3A_544 = arith.index_cast %swap3A_543 : i32 to index
        %swap3A_545 = arith.constant 16 : index
        %swap3A_546 = tpu.vector_load %arg7[%swap3A_544, %swap3A_545] {strides = array<i32>} : memref<2x128xi32, #tpu.memory_space<vmem>>, vector<1x16xi32>,
        %swap3A_547 = vector.shape_cast %swap3A_546 : vector<1x16xi32> to vector<16xi32>
        %swap3A_548 = vector.shape_cast %and3A_542 : vector<16xi32> to vector<1x16xi32>
        tpu.vector_store %arg7[%swap3A_544, %swap3A_545], %swap3A_548 {strides = array<i32>} : memref<2x128xi32, #tpu.memory_space<vmem>>, vector<1x16xi32>,
        %get3A_549 = arith.index_cast %add3A_500 : i32 to index
        %get3A_550 = arith.constant 32 : index
        %get3A_551 = tpu.vector_load %arg5[%get3A_549, %get3A_550] {strides = array<i32>} : memref<80x128xi32, #tpu.memory_space<vmem>>, vector<1x16xi32>,
        %get3A_552 = vector.shape_cast %get3A_551 : vector<1x16xi32> to vector<16xi32>
        %shift_right_arithmetic3A_553 = arith.constant 15 : i32
        %shift_right_arithmetic3A_554 = vector.broadcast %shift_right_arithmetic3A_553 : i32 to vector<16xi32>
        %shift_right_arithmetic3A_555 = arith.shrsi %get3A_552, %shift_right_arithmetic3A_554 : vector<16xi32>
        %add3A_556 = vector.broadcast %arg0 : i32 to vector<16xi32>
        %add3A_557 = arith.addi %shift_right_arithmetic3A_555, %add3A_556 : vector<16xi32>
        %swap3A_558 = arith.constant 0 : i32
        %swap3A_559 = arith.index_cast %swap3A_558 : i32 to index
        %swap3A_560 = arith.constant 32 : index
        %swap3A_561 = tpu.vector_load %arg6[%swap3A_559, %swap3A_560] {strides = array<i32>} : memref<2x128xi32, #tpu.memory_space<vmem>>, vector<1x16xi32>,
        %swap3A_562 = vector.shape_cast %swap3A_561 : vector<1x16xi32> to vector<16xi32>
        %swap3A_563 = vector.shape_cast %add3A_557 : vector<16xi32> to vector<1x16xi32>
        tpu.vector_store %arg6[%swap3A_559, %swap3A_560], %swap3A_563 {strides = array<i32>} : memref<2x128xi32, #tpu.memory_space<vmem>>, vector<1x16xi32>,
        %and3A_564 = arith.constant 32767 : i32
        %and3A_565 = vector.broadcast %and3A_564 : i32 to vector<16xi32>
        %and3A_566 = arith.andi %get3A_552, %and3A_565 : vector<16xi32>
        %swap3A_567 = arith.constant 0 : i32
        %swap3A_568 = arith.index_cast %swap3A_567 : i32 to index
        %swap3A_569 = arith.constant 32 : index
        %swap3A_570 = tpu.vector_load %arg7[%swap3A_568, %swap3A_569] {strides = array<i32>} : memref<2x128xi32, #tpu.memory_space<vmem>>, vector<1x16xi32>,
        %swap3A_571 = vector.shape_cast %swap3A_570 : vector<1x16xi32> to vector<16xi32>
        %swap3A_572 = vector.shape_cast %and3A_566 : vector<16xi32> to vector<1x16xi32>
        tpu.vector_store %arg7[%swap3A_568, %swap3A_569], %swap3A_572 {strides = array<i32>} : memref<2x128xi32, #tpu.memory_space<vmem>>, vector<1x16xi32>,
        %get3A_573 = arith.index_cast %add3A_500 : i32 to index
        %get3A_574 = arith.constant 48 : index
        %get3A_575 = tpu.vector_load %arg5[%get3A_573, %get3A_574] {strides = array<i32>} : memref<80x128xi32, #tpu.memory_space<vmem>>, vector<1x16xi32>,
        %get3A_576 = vector.shape_cast %get3A_575 : vector<1x16xi32> to vector<16xi32>
        %shift_right_arithmetic3A_577 = arith.constant 15 : i32
        %shift_right_arithmetic3A_578 = vector.broadcast %shift_right_arithmetic3A_577 : i32 to vector<16xi32>
        %shift_right_arithmetic3A_579 = arith.shrsi %get3A_576, %shift_right_arithmetic3A_578 : vector<16xi32>
        %add3A_580 = vector.broadcast %arg0 : i32 to vector<16xi32>
        %add3A_581 = arith.addi %shift_right_arithmetic3A_579, %add3A_580 : vector<16xi32>
        %swap3A_582 = arith.constant 0 : i32
        %swap3A_583 = arith.index_cast %swap3A_582 : i32 to index
        %swap3A_584 = arith.constant 48 : index
        %swap3A_585 = tpu.vector_load %arg6[%swap3A_583, %swap3A_584] {strides = array<i32>} : memref<2x128xi32, #tpu.memory_space<vmem>>, vector<1x16xi32>,
        %swap3A_586 = vector.shape_cast %swap3A_585 : vector<1x16xi32> to vector<16xi32>
        %swap3A_587 = vector.shape_cast %add3A_581 : vector<16xi32> to vector<1x16xi32>
        tpu.vector_store %arg6[%swap3A_583, %swap3A_584], %swap3A_587 {strides = array<i32>} : memref<2x128xi32, #tpu.memory_space<vmem>>, vector<1x16xi32>,
        %and3A_588 = arith.constant 32767 : i32
        %and3A_589 = vector.broadcast %and3A_588 : i32 to vector<16xi32>
        %and3A_590 = arith.andi %get3A_576, %and3A_589 : vector<16xi32>
        %swap3A_591 = arith.constant 0 : i32
        %swap3A_592 = arith.index_cast %swap3A_591 : i32 to index
        %swap3A_593 = arith.constant 48 : index
        %swap3A_594 = tpu.vector_load %arg7[%swap3A_592, %swap3A_593] {strides = array<i32>} : memref<2x128xi32, #tpu.memory_space<vmem>>, vector<1x16xi32>,
        %swap3A_595 = vector.shape_cast %swap3A_594 : vector<1x16xi32> to vector<16xi32>
        %swap3A_596 = vector.shape_cast %and3A_590 : vector<16xi32> to vector<1x16xi32>
        tpu.vector_store %arg7[%swap3A_592, %swap3A_593], %swap3A_596 {strides = array<i32>} : memref<2x128xi32, #tpu.memory_space<vmem>>, vector<1x16xi32>,
        %get3A_597 = arith.index_cast %add3A_500 : i32 to index
        %get3A_598 = arith.constant 64 : index
        %get3A_599 = tpu.vector_load %arg5[%get3A_597, %get3A_598] {strides = array<i32>} : memref<80x128xi32, #tpu.memory_space<vmem>>, vector<1x16xi32>,
        %get3A_600 = vector.shape_cast %get3A_599 : vector<1x16xi32> to vector<16xi32>
        %shift_right_arithmetic3A_601 = arith.constant 15 : i32
        %shift_right_arithmetic3A_602 = vector.broadcast %shift_right_arithmetic3A_601 : i32 to vector<16xi32>
        %shift_right_arithmetic3A_603 = arith.shrsi %get3A_600, %shift_right_arithmetic3A_602 : vector<16xi32>
        %add3A_604 = vector.broadcast %arg0 : i32 to vector<16xi32>
        %add3A_605 = arith.addi %shift_right_arithmetic3A_603, %add3A_604 : vector<16xi32>
        %swap3A_606 = arith.constant 0 : i32
        %swap3A_607 = arith.index_cast %swap3A_606 : i32 to index
        %swap3A_608 = arith.constant 64 : index
        %swap3A_609 = tpu.vector_load %arg6[%swap3A_607, %swap3A_608] {strides = array<i32>} : memref<2x128xi32, #tpu.memory_space<vmem>>, vector<1x16xi32>,
        %swap3A_610 = vector.shape_cast %swap3A_609 : vector<1x16xi32> to vector<16xi32>
        %swap3A_611 = vector.shape_cast %add3A_605 : vector<16xi32> to vector<1x16xi32>
        tpu.vector_store %arg6[%swap3A_607, %swap3A_608], %swap3A_611 {strides = array<i32>} : memref<2x128xi32, #tpu.memory_space<vmem>>, vector<1x16xi32>,
        %and3A_612 = arith.constant 32767 : i32
        %and3A_613 = vector.broadcast %and3A_612 : i32 to vector<16xi32>
        %and3A_614 = arith.andi %get3A_600, %and3A_613 : vector<16xi32>
        %swap3A_615 = arith.constant 0 : i32
        %swap3A_616 = arith.index_cast %swap3A_615 : i32 to index
        %swap3A_617 = arith.constant 64 : index
        %swap3A_618 = tpu.vector_load %arg7[%swap3A_616, %swap3A_617] {strides = array<i32>} : memref<2x128xi32, #tpu.memory_space<vmem>>, vector<1x16xi32>,
        %swap3A_619 = vector.shape_cast %swap3A_618 : vector<1x16xi32> to vector<16xi32>
        %swap3A_620 = vector.shape_cast %and3A_614 : vector<16xi32> to vector<1x16xi32>
        tpu.vector_store %arg7[%swap3A_616, %swap3A_617], %swap3A_620 {strides = array<i32>} : memref<2x128xi32, #tpu.memory_space<vmem>>, vector<1x16xi32>,
        %get3A_621 = arith.index_cast %add3A_500 : i32 to index
        %get3A_622 = arith.constant 80 : index
        %get3A_623 = tpu.vector_load %arg5[%get3A_621, %get3A_622] {strides = array<i32>} : memref<80x128xi32, #tpu.memory_space<vmem>>, vector<1x16xi32>,
        %get3A_624 = vector.shape_cast %get3A_623 : vector<1x16xi32> to vector<16xi32>
        %shift_right_arithmetic3A_625 = arith.constant 15 : i32
        %shift_right_arithmetic3A_626 = vector.broadcast %shift_right_arithmetic3A_625 : i32 to vector<16xi32>
        %shift_right_arithmetic3A_627 = arith.shrsi %get3A_624, %shift_right_arithmetic3A_626 : vector<16xi32>
        %add3A_628 = vector.broadcast %arg0 : i32 to vector<16xi32>
        %add3A_629 = arith.addi %shift_right_arithmetic3A_627, %add3A_628 : vector<16xi32>
        %swap3A_630 = arith.constant 0 : i32
        %swap3A_631 = arith.index_cast %swap3A_630 : i32 to index
        %swap3A_632 = arith.constant 80 : index
        %swap3A_633 = tpu.vector_load %arg6[%swap3A_631, %swap3A_632] {strides = array<i32>} : memref<2x128xi32, #tpu.memory_space<vmem>>, vector<1x16xi32>,
        %swap3A_634 = vector.shape_cast %swap3A_633 : vector<1x16xi32> to vector<16xi32>
        %swap3A_635 = vector.shape_cast %add3A_629 : vector<16xi32> to vector<1x16xi32>
        tpu.vector_store %arg6[%swap3A_631, %swap3A_632], %swap3A_635 {strides = array<i32>} : memref<2x128xi32, #tpu.memory_space<vmem>>, vector<1x16xi32>,
        %and3A_636 = arith.constant 32767 : i32
        %and3A_637 = vector.broadcast %and3A_636 : i32 to vector<16xi32>
        %and3A_638 = arith.andi %get3A_624, %and3A_637 : vector<16xi32>
        %swap3A_639 = arith.constant 0 : i32
        %swap3A_640 = arith.index_cast %swap3A_639 : i32 to index
        %swap3A_641 = arith.constant 80 : index
        %swap3A_642 = tpu.vector_load %arg7[%swap3A_640, %swap3A_641] {strides = array<i32>} : memref<2x128xi32, #tpu.memory_space<vmem>>, vector<1x16xi32>,
        %swap3A_643 = vector.shape_cast %swap3A_642 : vector<1x16xi32> to vector<16xi32>
        %swap3A_644 = vector.shape_cast %and3A_638 : vector<16xi32> to vector<1x16xi32>
        tpu.vector_store %arg7[%swap3A_640, %swap3A_641], %swap3A_644 {strides = array<i32>} : memref<2x128xi32, #tpu.memory_space<vmem>>, vector<1x16xi32>,
        %get3A_645 = arith.index_cast %add3A_500 : i32 to index
        %get3A_646 = arith.constant 96 : index
        %get3A_647 = tpu.vector_load %arg5[%get3A_645, %get3A_646] {strides = array<i32>} : memref<80x128xi32, #tpu.memory_space<vmem>>, vector<1x16xi32>,
        %get3A_648 = vector.shape_cast %get3A_647 : vector<1x16xi32> to vector<16xi32>
        %shift_right_arithmetic3A_649 = arith.constant 15 : i32
        %shift_right_arithmetic3A_650 = vector.broadcast %shift_right_arithmetic3A_649 : i32 to vector<16xi32>
        %shift_right_arithmetic3A_651 = arith.shrsi %get3A_648, %shift_right_arithmetic3A_650 : vector<16xi32>
        %add3A_652 = vector.broadcast %arg0 : i32 to vector<16xi32>
        %add3A_653 = arith.addi %shift_right_arithmetic3A_651, %add3A_652 : vector<16xi32>
        %swap3A_654 = arith.constant 0 : i32
        %swap3A_655 = arith.index_cast %swap3A_654 : i32 to index
        %swap3A_656 = arith.constant 96 : index
        %swap3A_657 = tpu.vector_load %arg6[%swap3A_655, %swap3A_656] {strides = array<i32>} : memref<2x128xi32, #tpu.memory_space<vmem>>, vector<1x16xi32>,
        %swap3A_658 = vector.shape_cast %swap3A_657 : vector<1x16xi32> to vector<16xi32>
        %swap3A_659 = vector.shape_cast %add3A_653 : vector<16xi32> to vector<1x16xi32>
        tpu.vector_store %arg6[%swap3A_655, %swap3A_656], %swap3A_659 {strides = array<i32>} : memref<2x128xi32, #tpu.memory_space<vmem>>, vector<1x16xi32>,
        %and3A_660 = arith.constant 32767 : i32
        %and3A_661 = vector.broadcast %and3A_660 : i32 to vector<16xi32>
        %and3A_662 = arith.andi %get3A_648, %and3A_661 : vector<16xi32>
        %swap3A_663 = arith.constant 0 : i32
        %swap3A_664 = arith.index_cast %swap3A_663 : i32 to index
        %swap3A_665 = arith.constant 96 : index
        %swap3A_666 = tpu.vector_load %arg7[%swap3A_664, %swap3A_665] {strides = array<i32>} : memref<2x128xi32, #tpu.memory_space<vmem>>, vector<1x16xi32>,
        %swap3A_667 = vector.shape_cast %swap3A_666 : vector<1x16xi32> to vector<16xi32>
        %swap3A_668 = vector.shape_cast %and3A_662 : vector<16xi32> to vector<1x16xi32>
        tpu.vector_store %arg7[%swap3A_664, %swap3A_665], %swap3A_668 {strides = array<i32>} : memref<2x128xi32, #tpu.memory_space<vmem>>, vector<1x16xi32>,
        %get3A_669 = arith.index_cast %add3A_500 : i32 to index
        %get3A_670 = arith.constant 112 : index
        %get3A_671 = tpu.vector_load %arg5[%get3A_669, %get3A_670] {strides = array<i32>} : memref<80x128xi32, #tpu.memory_space<vmem>>, vector<1x16xi32>,
        %get3A_672 = vector.shape_cast %get3A_671 : vector<1x16xi32> to vector<16xi32>
        %shift_right_arithmetic3A_673 = arith.constant 15 : i32
        %shift_right_arithmetic3A_674 = vector.broadcast %shift_right_arithmetic3A_673 : i32 to vector<16xi32>
        %shift_right_arithmetic3A_675 = arith.shrsi %get3A_672, %shift_right_arithmetic3A_674 : vector<16xi32>
        %add3A_676 = vector.broadcast %arg0 : i32 to vector<16xi32>
        %add3A_677 = arith.addi %shift_right_arithmetic3A_675, %add3A_676 : vector<16xi32>
        %swap3A_678 = arith.constant 0 : i32
        %swap3A_679 = arith.index_cast %swap3A_678 : i32 to index
        %swap3A_680 = arith.constant 112 : index
        %swap3A_681 = tpu.vector_load %arg6[%swap3A_679, %swap3A_680] {strides = array<i32>} : memref<2x128xi32, #tpu.memory_space<vmem>>, vector<1x16xi32>,
        %swap3A_682 = vector.shape_cast %swap3A_681 : vector<1x16xi32> to vector<16xi32>
        %swap3A_683 = vector.shape_cast %add3A_677 : vector<16xi32> to vector<1x16xi32>
        tpu.vector_store %arg6[%swap3A_679, %swap3A_680], %swap3A_683 {strides = array<i32>} : memref<2x128xi32, #tpu.memory_space<vmem>>, vector<1x16xi32>,
        %and3A_684 = arith.constant 32767 : i32
        %and3A_685 = vector.broadcast %and3A_684 : i32 to vector<16xi32>
        %and3A_686 = arith.andi %get3A_672, %and3A_685 : vector<16xi32>
        %swap3A_687 = arith.constant 0 : i32
        %swap3A_688 = arith.index_cast %swap3A_687 : i32 to index
        %swap3A_689 = arith.constant 112 : index
        %swap3A_690 = tpu.vector_load %arg7[%swap3A_688, %swap3A_689] {strides = array<i32>} : memref<2x128xi32, #tpu.memory_space<vmem>>, vector<1x16xi32>,
        %swap3A_691 = vector.shape_cast %swap3A_690 : vector<1x16xi32> to vector<16xi32>
        %swap3A_692 = vector.shape_cast %and3A_686 : vector<16xi32> to vector<1x16xi32>
        tpu.vector_store %arg7[%swap3A_688, %swap3A_689], %swap3A_692 {strides = array<i32>} : memref<2x128xi32, #tpu.memory_space<vmem>>, vector<1x16xi32>,
        %dma_start3A_693 = arith.constant 0 : i32
        %dma_start3A_694 = arith.constant 0 : i32
        %dma_start3A_695 = arith.constant 0 : i32
        %dma_start3A_696 = arith.constant 0 : i32
        %dma_start3A_697 = arith.constant 0 : i32
        %dma_start3A_698 = tpu.memref_slice %arg8[%dma_start3A_694, %dma_start3A_696, %dma_start3A_697] : memref<2x128x128xf32, #tpu.memory_space<vmem>> -> memref<1x128x128xf32, #tpu.memory_space<vmem>>
        %dma_start3A_699 = tpu.memref_squeeze %dma_start3A_698 : memref<1x128x128xf32, #tpu.memory_space<vmem>> -> memref<128x128xf32, #tpu.memory_space<vmem>>
        %dma_start3A_700 = arith.constant 0 : i32
        %dma_start3A_701 = tpu.memref_slice %arg6[%dma_start3A_693, %dma_start3A_700] : memref<2x128xi32, #tpu.memory_space<vmem>> -> memref<1x128xi32, #tpu.memory_space<vmem>>
        %dma_start3A_702 = tpu.memref_squeeze %dma_start3A_701 : memref<1x128xi32, #tpu.memory_space<vmem>> -> memref<128xi32, #tpu.memory_space<vmem>>
        %dma_start3A_703 = arith.constant 0 : i32
        %dma_start3A_704 = arith.constant 0 : i32
        %dma_start3A_705 = tpu.memref_slice %arg2[%dma_start3A_703, %dma_start3A_704] : memref<20000x128xf32, #tpu.memory_space<hbm>> -> memref<20000x128xf32, #tpu.memory_space<hbm>>
        %dma_start3A_706 = tpu.memref_slice %arg10[%dma_start3A_695] : memref<2x!tpu.dma_semaphore, #tpu.memory_space<semaphore_mem>> -> memref<1x!tpu.dma_semaphore, #tpu.memory_space<semaphore_mem>>
        %dma_start3A_707 = tpu.memref_squeeze %dma_start3A_706 : memref<1x!tpu.dma_semaphore, #tpu.memory_space<semaphore_mem>> -> memref<!tpu.dma_semaphore, #tpu.memory_space<semaphore_mem>>
        tpu.enqueue_indirect_dma source(%dma_start3A_705 : memref<20000x128xf32, #tpu.memory_space<hbm>>) target(%dma_start3A_699 : memref<128x128xf32, #tpu.memory_space<vmem>>) offsets(%dma_start3A_702 : memref<128xi32, #tpu.memory_space<vmem>>) semaphore(%dma_start3A_707 : memref<!tpu.dma_semaphore, #tpu.memory_space<semaphore_mem>>)
      } else {
      }
      %dma_wait3A_482 = arith.constant 1 : i32
      %dma_wait3A_483 = arith.constant 1 : i32
      %dma_wait3A_484 = arith.constant 1 : i32
      %dma_wait3A_485 = arith.constant 0 : i32
      %dma_wait3A_486 = arith.constant 0 : i32
      %dma_wait3A_487 = tpu.memref_slice %arg8[%dma_wait3A_483, %dma_wait3A_485, %dma_wait3A_486] : memref<2x128x128xf32, #tpu.memory_space<vmem>> -> memref<1x128x128xf32, #tpu.memory_space<vmem>>
      %dma_wait3A_488 = tpu.memref_squeeze %dma_wait3A_487 : memref<1x128x128xf32, #tpu.memory_space<vmem>> -> memref<128x128xf32, #tpu.memory_space<vmem>>
      %dma_wait3A_489 = arith.constant 0 : i32
      %dma_wait3A_490 = tpu.memref_slice %arg6[%dma_wait3A_482, %dma_wait3A_489] : memref<2x128xi32, #tpu.memory_space<vmem>> -> memref<1x128xi32, #tpu.memory_space<vmem>>
      %dma_wait3A_491 = tpu.memref_squeeze %dma_wait3A_490 : memref<1x128xi32, #tpu.memory_space<vmem>> -> memref<128xi32, #tpu.memory_space<vmem>>
      %dma_wait3A_492 = arith.constant 0 : i32
      %dma_wait3A_493 = arith.constant 0 : i32
      %dma_wait3A_494 = tpu.memref_slice %arg2[%dma_wait3A_492, %dma_wait3A_493] : memref<20000x128xf32, #tpu.memory_space<hbm>> -> memref<20000x128xf32, #tpu.memory_space<hbm>>
      %dma_wait3A_495 = tpu.memref_slice %arg10[%dma_wait3A_484] : memref<2x!tpu.dma_semaphore, #tpu.memory_space<semaphore_mem>> -> memref<1x!tpu.dma_semaphore, #tpu.memory_space<semaphore_mem>>
      %dma_wait3A_496 = tpu.memref_squeeze %dma_wait3A_495 : memref<1x!tpu.dma_semaphore, #tpu.memory_space<semaphore_mem>> -> memref<!tpu.dma_semaphore, #tpu.memory_space<semaphore_mem>>
      tpu.wait_indirect_dma semaphore(%dma_wait3A_496 : memref<!tpu.dma_semaphore, #tpu.memory_space<semaphore_mem>>) src(%dma_wait3A_494 : memref<20000x128xf32, #tpu.memory_space<hbm>>) dst(%dma_wait3A_488 : memref<128x128xf32, #tpu.memory_space<vmem>>)
      %run_scoped3A_497 = arith.constant 1 : i32
      %run_scoped3A_498 = arith.constant 1 : i32
      "tpu.region"() ({
        %run_scoped3A_499 = tpu.sem_alloc : memref<!tpu.dma_semaphore, #tpu.memory_space<semaphore_mem>>
        %dma_start3A_500 = arith.constant 0 : i32
        %dma_start3A_501 = arith.constant 0 : i32
        %dma_start3A_502 = tpu.memref_slice %arg8[%run_scoped3A_497, %dma_start3A_500, %dma_start3A_501] : memref<2x128x128xf32, #tpu.memory_space<vmem>> -> memref<1x128x128xf32, #tpu.memory_space<vmem>>
        %dma_start3A_503 = tpu.memref_squeeze %dma_start3A_502 : memref<1x128x128xf32, #tpu.memory_space<vmem>> -> memref<128x128xf32, #tpu.memory_space<vmem>>
        %dma_start3A_504 = arith.constant 0 : i32
        %dma_start3A_505 = tpu.memref_slice %arg7[%run_scoped3A_498, %dma_start3A_504] : memref<2x128xi32, #tpu.memory_space<vmem>> -> memref<1x128xi32, #tpu.memory_space<vmem>>
        %dma_start3A_506 = tpu.memref_squeeze %dma_start3A_505 : memref<1x128xi32, #tpu.memory_space<vmem>> -> memref<128xi32, #tpu.memory_space<vmem>>
        %dma_start3A_507 = arith.constant 0 : i32
        %dma_start3A_508 = arith.constant 0 : i32
        %dma_start3A_509 = tpu.memref_slice %arg9[%dma_start3A_507, %dma_start3A_508] : memref<10240x128xf32, #tpu.memory_space<vmem_shared>> -> memref<10240x128xf32, #tpu.memory_space<vmem_shared>>
        tpu.enqueue_indirect_dma source(%dma_start3A_503 : memref<128x128xf32, #tpu.memory_space<vmem>>) target(%dma_start3A_509 : memref<10240x128xf32, #tpu.memory_space<vmem_shared>>) offsets(%dma_start3A_506 : memref<128xi32, #tpu.memory_space<vmem>>) semaphore(%run_scoped3A_499 : memref<!tpu.dma_semaphore, #tpu.memory_space<semaphore_mem>>) {add = true}
        %dma_wait3A_510 = arith.constant 0 : i32
        %dma_wait3A_511 = arith.constant 0 : i32
        %dma_wait3A_512 = tpu.memref_slice %arg8[%run_scoped3A_497, %dma_wait3A_510, %dma_wait3A_511] : memref<2x128x128xf32, #tpu.memory_space<vmem>> -> memref<1x128x128xf32, #tpu.memory_space<vmem>>
        %dma_wait3A_513 = tpu.memref_squeeze %dma_wait3A_512 : memref<1x128x128xf32, #tpu.memory_space<vmem>> -> memref<128x128xf32, #tpu.memory_space<vmem>>
        %dma_wait3A_514 = arith.constant 0 : i32
        %dma_wait3A_515 = tpu.memref_slice %arg7[%run_scoped3A_498, %dma_wait3A_514] : memref<2x128xi32, #tpu.memory_space<vmem>> -> memref<1x128xi32, #tpu.memory_space<vmem>>
        %dma_wait3A_516 = tpu.memref_squeeze %dma_wait3A_515 : memref<1x128xi32, #tpu.memory_space<vmem>> -> memref<128xi32, #tpu.memory_space<vmem>>
        %dma_wait3A_517 = arith.constant 0 : i32
        %dma_wait3A_518 = arith.constant 0 : i32
        %dma_wait3A_519 = tpu.memref_slice %arg9[%dma_wait3A_517, %dma_wait3A_518] : memref<10240x128xf32, #tpu.memory_space<vmem_shared>> -> memref<10240x128xf32, #tpu.memory_space<vmem_shared>>
        tpu.wait_indirect_dma semaphore(%run_scoped3A_499 : memref<!tpu.dma_semaphore, #tpu.memory_space<semaphore_mem>>) src(%dma_wait3A_513 : memref<128x128xf32, #tpu.memory_space<vmem>>) dst(%dma_wait3A_519 : memref<10240x128xf32, #tpu.memory_space<vmem_shared>>)
        tpu.yield
      }) : () -> ()
    }
    %scan3A_242 = arith.constant 40 : i32
    %barrier3A_243 = arith.constant 0 : index
    tpu.barrier barrier_id(%barrier3A_243)
    %mul3A_244 = arith.constant 640 : i32
    %mul3A_245 = arith.muli %arg1, %mul3A_244 : i32
    %mul3A_246 = arith.constant 640 : i32
    %mul3A_247 = arith.muli %arg1, %mul3A_246 : i32
    "tpu.region"() ({
      %run_scoped3A_248 = tpu.sem_alloc : memref<!tpu.dma_semaphore, #tpu.memory_space<semaphore_mem>>
      %dma_start3A_249 = arith.constant 0 : i32
      %dma_start3A_250 = tpu.memref_slice %arg4[%arg0, %mul3A_247, %dma_start3A_249] : memref<2x10240x128xf32, #tpu.memory_space<hbm>> -> memref<1x640x128xf32, #tpu.memory_space<hbm>>
      %dma_start3A_251 = tpu.memref_squeeze %dma_start3A_250 : memref<1x640x128xf32, #tpu.memory_space<hbm>> -> memref<640x128xf32, #tpu.memory_space<hbm>>
      %dma_start3A_252 = arith.constant 0 : i32
      %dma_start3A_253 = tpu.memref_slice %arg9[%mul3A_245, %dma_start3A_252] : memref<10240x128xf32, #tpu.memory_space<vmem_shared>> -> memref<640x128xf32, #tpu.memory_space<vmem_shared>>
      tpu.enqueue_dma source(%dma_start3A_253 : memref<640x128xf32, #tpu.memory_space<vmem_shared>>) target(%dma_start3A_251 : memref<640x128xf32, #tpu.memory_space<hbm>>) target_semaphore(%run_scoped3A_248 : memref<!tpu.dma_semaphore, #tpu.memory_space<semaphore_mem>>)
      %dma_wait3A = arith.constant 0 : i32
      %dma_wait3A_254 = tpu.memref_slice %arg4[%arg0, %mul3A_247, %dma_wait3A] : memref<2x10240x128xf32, #tpu.memory_space<hbm>> -> memref<1x640x128xf32, #tpu.memory_space<hbm>>
      %dma_wait3A_255 = tpu.memref_squeeze %dma_wait3A_254 : memref<1x640x128xf32, #tpu.memory_space<hbm>> -> memref<640x128xf32, #tpu.memory_space<hbm>>
      %dma_wait3A_256 = arith.constant 0 : i32
      %dma_wait3A_257 = tpu.memref_slice %arg9[%mul3A_245, %dma_wait3A_256] : memref<10240x128xf32, #tpu.memory_space<vmem_shared>> -> memref<640x128xf32, #tpu.memory_space<vmem_shared>>
      tpu.wait_dma2 semaphore(%run_scoped3A_248 : memref<!tpu.dma_semaphore, #tpu.memory_space<semaphore_mem>>) src(%dma_wait3A_257 : memref<640x128xf32, #tpu.memory_space<vmem_shared>>) dst(%dma_wait3A_255 : memref<640x128xf32, #tpu.memory_space<hbm>>)
      tpu.yield
    }) : () -> ()
    return
  }
}

#map = affine_map<(d0, d1) -> (0, 0, 0)>
#map1 = affine_map<(d0, d1) -> (0, 0)>
module attributes {stable_mosaic.version = 14 : i64} {
  func.func @_deg_body(%arg0: i32, %arg1: i32, %arg2: memref<16x80x128xi32, #tpu.memory_space<hbm>>, %arg3: memref<10240x16xf32, #tpu.memory_space<hbm>>, %arg4: memref<80x128xi32, #tpu.memory_space<vmem>>, %arg5: memref<1x128xi32, #tpu.memory_space<vmem>>, %arg6: memref<128x16xf32, #tpu.memory_space<vmem>>, %arg7: memref<128x16xf32, #tpu.memory_space<vmem>>, %arg8: memref<10240x16xf32, #tpu.memory_space<vmem_shared>>) attributes {dimension_semantics = [#tpu.dimension_semantics<core_parallel>, #tpu.dimension_semantics<subcore_parallel>], iteration_bounds = array<i64: 2, 16>, scalar_prefetch = 0 : i64, scratch_operands = 5 : i64, tpu.core_type = #tpu.core_type<sc_vector_subcore>, window_params = [{transform_indices = #map}, {transform_indices = #map1}]} {
    "tpu.region"() ({
      %run_scoped3A = tpu.sem_alloc : memref<!tpu.dma_semaphore, #tpu.memory_space<semaphore_mem>>
      %dma_start3A = arith.constant 0 : i32
      %dma_start3A_34 = arith.constant 0 : i32
      %dma_start3A_35 = tpu.memref_slice %arg2[%arg1, %dma_start3A, %dma_start3A_34] : memref<16x80x128xi32, #tpu.memory_space<hbm>> -> memref<1x80x128xi32, #tpu.memory_space<hbm>>
      %dma_start3A_36 = tpu.memref_squeeze %dma_start3A_35 : memref<1x80x128xi32, #tpu.memory_space<hbm>> -> memref<80x128xi32, #tpu.memory_space<hbm>>
      %dma_start3A_37 = arith.constant 0 : i32
      %dma_start3A_38 = arith.constant 0 : i32
      %dma_start3A_39 = tpu.memref_slice %arg2[%arg1, %dma_start3A_37, %dma_start3A_38] : memref<16x80x128xi32, #tpu.memory_space<hbm>> -> memref<1x80x128xi32, #tpu.memory_space<hbm>>
      %dma_start3A_40 = tpu.memref_squeeze %dma_start3A_39 : memref<1x80x128xi32, #tpu.memory_space<hbm>> -> memref<80x128xi32, #tpu.memory_space<hbm>>
      tpu.enqueue_dma source(%dma_start3A_40 : memref<80x128xi32, #tpu.memory_space<hbm>>) target(%arg4 : memref<80x128xi32, #tpu.memory_space<vmem>>) target_semaphore(%run_scoped3A : memref<!tpu.dma_semaphore, #tpu.memory_space<semaphore_mem>>)
      %dma_wait3A = arith.constant 0 : i32
      %dma_wait3A_41 = arith.constant 0 : i32
      %dma_wait3A_42 = tpu.memref_slice %arg2[%arg1, %dma_wait3A, %dma_wait3A_41] : memref<16x80x128xi32, #tpu.memory_space<hbm>> -> memref<1x80x128xi32, #tpu.memory_space<hbm>>
      %dma_wait3A_43 = tpu.memref_squeeze %dma_wait3A_42 : memref<1x80x128xi32, #tpu.memory_space<hbm>> -> memref<80x128xi32, #tpu.memory_space<hbm>>
      %dma_wait3A_44 = arith.constant 0 : i32
      %dma_wait3A_45 = arith.constant 0 : i32
      %dma_wait3A_46 = tpu.memref_slice %arg2[%arg1, %dma_wait3A_44, %dma_wait3A_45] : memref<16x80x128xi32, #tpu.memory_space<hbm>> -> memref<1x80x128xi32, #tpu.memory_space<hbm>>
      %dma_wait3A_47 = tpu.memref_squeeze %dma_wait3A_46 : memref<1x80x128xi32, #tpu.memory_space<hbm>> -> memref<80x128xi32, #tpu.memory_space<hbm>>
      tpu.wait_dma2 semaphore(%run_scoped3A : memref<!tpu.dma_semaphore, #tpu.memory_space<semaphore_mem>>) src(%dma_wait3A_47 : memref<80x128xi32, #tpu.memory_space<hbm>>) dst(%arg4 : memref<80x128xi32, #tpu.memory_space<vmem>>)
      tpu.yield
    }) : () -> ()
    %scan3A = arith.constant 0 : i32
    %scan3A_0 = arith.constant 0 : i32
    %scan3A_1 = arith.constant 128 : i32
    %scan3A_2 = arith.addi %scan3A_0, %scan3A_1 : i32
    %scan3A_3 = arith.constant 1 : i32
    %scan3A_4 = scf.for %scan3A_34 = %scan3A_0 to %scan3A_2 step %scan3A_3 iter_args(%scan3A_35 = %scan3A) -> (i32)  : i32 {
      %broadcast_in_dim3A = arith.constant 0.000000e+00 : f32
      %broadcast_in_dim3A_36 = vector.broadcast %broadcast_in_dim3A : f32 to vector<16xf32>
      %swap3A = arith.index_cast %scan3A_34 : i32 to index
      %swap3A_37 = arith.constant 0 : index
      %swap3A_38 = tpu.vector_load %arg7[%swap3A, %swap3A_37] {strides = array<i32>} : memref<128x16xf32, #tpu.memory_space<vmem>>, vector<1x16xf32>,
      %swap3A_39 = vector.shape_cast %swap3A_38 : vector<1x16xf32> to vector<16xf32>
      %swap3A_40 = vector.shape_cast %broadcast_in_dim3A_36 : vector<16xf32> to vector<1x16xf32>
      tpu.vector_store %arg7[%swap3A, %swap3A_37], %swap3A_40 {strides = array<i32>} : memref<128x16xf32, #tpu.memory_space<vmem>>, vector<1x16xf32>,
      %broadcast_in_dim3A_41 = arith.constant 1.000000e+00 : f32
      %broadcast_in_dim3A_42 = vector.broadcast %broadcast_in_dim3A_41 : f32 to vector<16xf32>
      %swap3A_43 = arith.index_cast %scan3A_34 : i32 to index
      %swap3A_44 = arith.constant 0 : index
      %swap3A_45 = tpu.vector_load %arg6[%swap3A_43, %swap3A_44] {strides = array<i32>} : memref<128x16xf32, #tpu.memory_space<vmem>>, vector<1x16xf32>,
      %swap3A_46 = vector.shape_cast %swap3A_45 : vector<1x16xf32> to vector<16xf32>
      %swap3A_47 = vector.shape_cast %broadcast_in_dim3A_42 : vector<16xf32> to vector<1x16xf32>
      tpu.vector_store %arg6[%swap3A_43, %swap3A_44], %swap3A_47 {strides = array<i32>} : memref<128x16xf32, #tpu.memory_space<vmem>>, vector<1x16xf32>,
      %scan3A_48 = arith.constant 0 : i32
      scf.yield %scan3A_48 : i32
    }
    %scan3A_5 = arith.constant 128 : i32
    %mul3A = arith.constant 640 : i32
    %mul3A_6 = arith.muli %arg1, %mul3A : i32
    %add3A = arith.constant 0 : i32
    %add3A_7 = arith.addi %mul3A_6, %add3A : i32
    "tpu.region"() ({
      %run_scoped3A = tpu.sem_alloc : memref<!tpu.dma_semaphore, #tpu.memory_space<semaphore_mem>>
      %dma_start3A = arith.constant 0 : i32
      %dma_start3A_34 = tpu.memref_slice %arg8[%add3A_7, %dma_start3A] : memref<10240x16xf32, #tpu.memory_space<vmem_shared>> -> memref<128x16xf32, #tpu.memory_space<vmem_shared>>
      %dma_start3A_35 = arith.constant 0 : i32
      %dma_start3A_36 = tpu.memref_slice %arg8[%add3A_7, %dma_start3A_35] : memref<10240x16xf32, #tpu.memory_space<vmem_shared>> -> memref<128x16xf32, #tpu.memory_space<vmem_shared>>
      tpu.enqueue_dma source(%arg7 : memref<128x16xf32, #tpu.memory_space<vmem>>) target(%dma_start3A_36 : memref<128x16xf32, #tpu.memory_space<vmem_shared>>) target_semaphore(%run_scoped3A : memref<!tpu.dma_semaphore, #tpu.memory_space<semaphore_mem>>)
      %dma_wait3A = arith.constant 0 : i32
      %dma_wait3A_37 = tpu.memref_slice %arg8[%add3A_7, %dma_wait3A] : memref<10240x16xf32, #tpu.memory_space<vmem_shared>> -> memref<128x16xf32, #tpu.memory_space<vmem_shared>>
      %dma_wait3A_38 = arith.constant 0 : i32
      %dma_wait3A_39 = tpu.memref_slice %arg8[%add3A_7, %dma_wait3A_38] : memref<10240x16xf32, #tpu.memory_space<vmem_shared>> -> memref<128x16xf32, #tpu.memory_space<vmem_shared>>
      tpu.wait_dma2 semaphore(%run_scoped3A : memref<!tpu.dma_semaphore, #tpu.memory_space<semaphore_mem>>) src(%arg7 : memref<128x16xf32, #tpu.memory_space<vmem>>) dst(%dma_wait3A_39 : memref<128x16xf32, #tpu.memory_space<vmem_shared>>)
      tpu.yield
    }) : () -> ()
    %mul3A_8 = arith.constant 640 : i32
    %mul3A_9 = arith.muli %arg1, %mul3A_8 : i32
    %add3A_10 = arith.constant 128 : i32
    %add3A_11 = arith.addi %mul3A_9, %add3A_10 : i32
    "tpu.region"() ({
      %run_scoped3A = tpu.sem_alloc : memref<!tpu.dma_semaphore, #tpu.memory_space<semaphore_mem>>
      %dma_start3A = arith.constant 0 : i32
      %dma_start3A_34 = tpu.memref_slice %arg8[%add3A_11, %dma_start3A] : memref<10240x16xf32, #tpu.memory_space<vmem_shared>> -> memref<128x16xf32, #tpu.memory_space<vmem_shared>>
      %dma_start3A_35 = arith.constant 0 : i32
      %dma_start3A_36 = tpu.memref_slice %arg8[%add3A_11, %dma_start3A_35] : memref<10240x16xf32, #tpu.memory_space<vmem_shared>> -> memref<128x16xf32, #tpu.memory_space<vmem_shared>>
      tpu.enqueue_dma source(%arg7 : memref<128x16xf32, #tpu.memory_space<vmem>>) target(%dma_start3A_36 : memref<128x16xf32, #tpu.memory_space<vmem_shared>>) target_semaphore(%run_scoped3A : memref<!tpu.dma_semaphore, #tpu.memory_space<semaphore_mem>>)
      %dma_wait3A = arith.constant 0 : i32
      %dma_wait3A_37 = tpu.memref_slice %arg8[%add3A_11, %dma_wait3A] : memref<10240x16xf32, #tpu.memory_space<vmem_shared>> -> memref<128x16xf32, #tpu.memory_space<vmem_shared>>
      %dma_wait3A_38 = arith.constant 0 : i32
      %dma_wait3A_39 = tpu.memref_slice %arg8[%add3A_11, %dma_wait3A_38] : memref<10240x16xf32, #tpu.memory_space<vmem_shared>> -> memref<128x16xf32, #tpu.memory_space<vmem_shared>>
      tpu.wait_dma2 semaphore(%run_scoped3A : memref<!tpu.dma_semaphore, #tpu.memory_space<semaphore_mem>>) src(%arg7 : memref<128x16xf32, #tpu.memory_space<vmem>>) dst(%dma_wait3A_39 : memref<128x16xf32, #tpu.memory_space<vmem_shared>>)
      tpu.yield
    }) : () -> ()
    %mul3A_12 = arith.constant 640 : i32
    %mul3A_13 = arith.muli %arg1, %mul3A_12 : i32
    %add3A_14 = arith.constant 256 : i32
    %add3A_15 = arith.addi %mul3A_13, %add3A_14 : i32
    "tpu.region"() ({
      %run_scoped3A = tpu.sem_alloc : memref<!tpu.dma_semaphore, #tpu.memory_space<semaphore_mem>>
      %dma_start3A = arith.constant 0 : i32
      %dma_start3A_34 = tpu.memref_slice %arg8[%add3A_15, %dma_start3A] : memref<10240x16xf32, #tpu.memory_space<vmem_shared>> -> memref<128x16xf32, #tpu.memory_space<vmem_shared>>
      %dma_start3A_35 = arith.constant 0 : i32
      %dma_start3A_36 = tpu.memref_slice %arg8[%add3A_15, %dma_start3A_35] : memref<10240x16xf32, #tpu.memory_space<vmem_shared>> -> memref<128x16xf32, #tpu.memory_space<vmem_shared>>
      tpu.enqueue_dma source(%arg7 : memref<128x16xf32, #tpu.memory_space<vmem>>) target(%dma_start3A_36 : memref<128x16xf32, #tpu.memory_space<vmem_shared>>) target_semaphore(%run_scoped3A : memref<!tpu.dma_semaphore, #tpu.memory_space<semaphore_mem>>)
      %dma_wait3A = arith.constant 0 : i32
      %dma_wait3A_37 = tpu.memref_slice %arg8[%add3A_15, %dma_wait3A] : memref<10240x16xf32, #tpu.memory_space<vmem_shared>> -> memref<128x16xf32, #tpu.memory_space<vmem_shared>>
      %dma_wait3A_38 = arith.constant 0 : i32
      %dma_wait3A_39 = tpu.memref_slice %arg8[%add3A_15, %dma_wait3A_38] : memref<10240x16xf32, #tpu.memory_space<vmem_shared>> -> memref<128x16xf32, #tpu.memory_space<vmem_shared>>
      tpu.wait_dma2 semaphore(%run_scoped3A : memref<!tpu.dma_semaphore, #tpu.memory_space<semaphore_mem>>) src(%arg7 : memref<128x16xf32, #tpu.memory_space<vmem>>) dst(%dma_wait3A_39 : memref<128x16xf32, #tpu.memory_space<vmem_shared>>)
      tpu.yield
    }) : () -> ()
    %mul3A_16 = arith.constant 640 : i32
    %mul3A_17 = arith.muli %arg1, %mul3A_16 : i32
    %add3A_18 = arith.constant 384 : i32
    %add3A_19 = arith.addi %mul3A_17, %add3A_18 : i32
    "tpu.region"() ({
      %run_scoped3A = tpu.sem_alloc : memref<!tpu.dma_semaphore, #tpu.memory_space<semaphore_mem>>
      %dma_start3A = arith.constant 0 : i32
      %dma_start3A_34 = tpu.memref_slice %arg8[%add3A_19, %dma_start3A] : memref<10240x16xf32, #tpu.memory_space<vmem_shared>> -> memref<128x16xf32, #tpu.memory_space<vmem_shared>>
      %dma_start3A_35 = arith.constant 0 : i32
      %dma_start3A_36 = tpu.memref_slice %arg8[%add3A_19, %dma_start3A_35] : memref<10240x16xf32, #tpu.memory_space<vmem_shared>> -> memref<128x16xf32, #tpu.memory_space<vmem_shared>>
      tpu.enqueue_dma source(%arg7 : memref<128x16xf32, #tpu.memory_space<vmem>>) target(%dma_start3A_36 : memref<128x16xf32, #tpu.memory_space<vmem_shared>>) target_semaphore(%run_scoped3A : memref<!tpu.dma_semaphore, #tpu.memory_space<semaphore_mem>>)
      %dma_wait3A = arith.constant 0 : i32
      %dma_wait3A_37 = tpu.memref_slice %arg8[%add3A_19, %dma_wait3A] : memref<10240x16xf32, #tpu.memory_space<vmem_shared>> -> memref<128x16xf32, #tpu.memory_space<vmem_shared>>
      %dma_wait3A_38 = arith.constant 0 : i32
      %dma_wait3A_39 = tpu.memref_slice %arg8[%add3A_19, %dma_wait3A_38] : memref<10240x16xf32, #tpu.memory_space<vmem_shared>> -> memref<128x16xf32, #tpu.memory_space<vmem_shared>>
      tpu.wait_dma2 semaphore(%run_scoped3A : memref<!tpu.dma_semaphore, #tpu.memory_space<semaphore_mem>>) src(%arg7 : memref<128x16xf32, #tpu.memory_space<vmem>>) dst(%dma_wait3A_39 : memref<128x16xf32, #tpu.memory_space<vmem_shared>>)
      tpu.yield
    }) : () -> ()
    %mul3A_20 = arith.constant 640 : i32
    %mul3A_21 = arith.muli %arg1, %mul3A_20 : i32
    %add3A_22 = arith.constant 512 : i32
    %add3A_23 = arith.addi %mul3A_21, %add3A_22 : i32
    "tpu.region"() ({
      %run_scoped3A = tpu.sem_alloc : memref<!tpu.dma_semaphore, #tpu.memory_space<semaphore_mem>>
      %dma_start3A = arith.constant 0 : i32
      %dma_start3A_34 = tpu.memref_slice %arg8[%add3A_23, %dma_start3A] : memref<10240x16xf32, #tpu.memory_space<vmem_shared>> -> memref<128x16xf32, #tpu.memory_space<vmem_shared>>
      %dma_start3A_35 = arith.constant 0 : i32
      %dma_start3A_36 = tpu.memref_slice %arg8[%add3A_23, %dma_start3A_35] : memref<10240x16xf32, #tpu.memory_space<vmem_shared>> -> memref<128x16xf32, #tpu.memory_space<vmem_shared>>
      tpu.enqueue_dma source(%arg7 : memref<128x16xf32, #tpu.memory_space<vmem>>) target(%dma_start3A_36 : memref<128x16xf32, #tpu.memory_space<vmem_shared>>) target_semaphore(%run_scoped3A : memref<!tpu.dma_semaphore, #tpu.memory_space<semaphore_mem>>)
      %dma_wait3A = arith.constant 0 : i32
      %dma_wait3A_37 = tpu.memref_slice %arg8[%add3A_23, %dma_wait3A] : memref<10240x16xf32, #tpu.memory_space<vmem_shared>> -> memref<128x16xf32, #tpu.memory_space<vmem_shared>>
      %dma_wait3A_38 = arith.constant 0 : i32
      %dma_wait3A_39 = tpu.memref_slice %arg8[%add3A_23, %dma_wait3A_38] : memref<10240x16xf32, #tpu.memory_space<vmem_shared>> -> memref<128x16xf32, #tpu.memory_space<vmem_shared>>
      tpu.wait_dma2 semaphore(%run_scoped3A : memref<!tpu.dma_semaphore, #tpu.memory_space<semaphore_mem>>) src(%arg7 : memref<128x16xf32, #tpu.memory_space<vmem>>) dst(%dma_wait3A_39 : memref<128x16xf32, #tpu.memory_space<vmem_shared>>)
      tpu.yield
    }) : () -> ()
    %barrier3A = arith.constant 0 : index
    tpu.barrier barrier_id(%barrier3A)
    %scan3A_24 = arith.constant 0 : i32
    %scan3A_25 = arith.constant 0 : i32
    %scan3A_26 = arith.constant 80 : i32
    %scan3A_27 = arith.addi %scan3A_25, %scan3A_26 : i32
    %scan3A_28 = arith.constant 1 : i32
    %scan3A_29 = scf.for %scan3A_34 = %scan3A_25 to %scan3A_27 step %scan3A_28 iter_args(%scan3A_35 = %scan3A_24) -> (i32)  : i32 {
      %get3A = arith.index_cast %scan3A_34 : i32 to index
      %get3A_36 = arith.constant 0 : index
      %get3A_37 = tpu.vector_load %arg4[%get3A, %get3A_36] {strides = array<i32>} : memref<80x128xi32, #tpu.memory_space<vmem>>, vector<1x16xi32>,
      %get3A_38 = vector.shape_cast %get3A_37 : vector<1x16xi32> to vector<16xi32>
      %and3A = arith.constant 32767 : i32
      %and3A_39 = vector.broadcast %and3A : i32 to vector<16xi32>
      %and3A_40 = arith.andi %get3A_38, %and3A_39 : vector<16xi32>
      %swap3A = arith.constant 0 : i32
      %swap3A_41 = arith.index_cast %swap3A : i32 to index
      %swap3A_42 = arith.constant 0 : index
      %swap3A_43 = tpu.vector_load %arg5[%swap3A_41, %swap3A_42] {strides = array<i32>} : memref<1x128xi32, #tpu.memory_space<vmem>>, vector<1x16xi32>,
      %swap3A_44 = vector.shape_cast %swap3A_43 : vector<1x16xi32> to vector<16xi32>
      %swap3A_45 = vector.shape_cast %and3A_40 : vector<16xi32> to vector<1x16xi32>
      tpu.vector_store %arg5[%swap3A_41, %swap3A_42], %swap3A_45 {strides = array<i32>} : memref<1x128xi32, #tpu.memory_space<vmem>>, vector<1x16xi32>,
      %get3A_46 = arith.index_cast %scan3A_34 : i32 to index
      %get3A_47 = arith.constant 16 : index
      %get3A_48 = tpu.vector_load %arg4[%get3A_46, %get3A_47] {strides = array<i32>} : memref<80x128xi32, #tpu.memory_space<vmem>>, vector<1x16xi32>,
      %get3A_49 = vector.shape_cast %get3A_48 : vector<1x16xi32> to vector<16xi32>
      %and3A_50 = arith.constant 32767 : i32
      %and3A_51 = vector.broadcast %and3A_50 : i32 to vector<16xi32>
      %and3A_52 = arith.andi %get3A_49, %and3A_51 : vector<16xi32>
      %swap3A_53 = arith.constant 0 : i32
      %swap3A_54 = arith.index_cast %swap3A_53 : i32 to index
      %swap3A_55 = arith.constant 16 : index
      %swap3A_56 = tpu.vector_load %arg5[%swap3A_54, %swap3A_55] {strides = array<i32>} : memref<1x128xi32, #tpu.memory_space<vmem>>, vector<1x16xi32>,
      %swap3A_57 = vector.shape_cast %swap3A_56 : vector<1x16xi32> to vector<16xi32>
      %swap3A_58 = vector.shape_cast %and3A_52 : vector<16xi32> to vector<1x16xi32>
      tpu.vector_store %arg5[%swap3A_54, %swap3A_55], %swap3A_58 {strides = array<i32>} : memref<1x128xi32, #tpu.memory_space<vmem>>, vector<1x16xi32>,
      %get3A_59 = arith.index_cast %scan3A_34 : i32 to index
      %get3A_60 = arith.constant 32 : index
      %get3A_61 = tpu.vector_load %arg4[%get3A_59, %get3A_60] {strides = array<i32>} : memref<80x128xi32, #tpu.memory_space<vmem>>, vector<1x16xi32>,
      %get3A_62 = vector.shape_cast %get3A_61 : vector<1x16xi32> to vector<16xi32>
      %and3A_63 = arith.constant 32767 : i32
      %and3A_64 = vector.broadcast %and3A_63 : i32 to vector<16xi32>
      %and3A_65 = arith.andi %get3A_62, %and3A_64 : vector<16xi32>
      %swap3A_66 = arith.constant 0 : i32
      %swap3A_67 = arith.index_cast %swap3A_66 : i32 to index
      %swap3A_68 = arith.constant 32 : index
      %swap3A_69 = tpu.vector_load %arg5[%swap3A_67, %swap3A_68] {strides = array<i32>} : memref<1x128xi32, #tpu.memory_space<vmem>>, vector<1x16xi32>,
      %swap3A_70 = vector.shape_cast %swap3A_69 : vector<1x16xi32> to vector<16xi32>
      %swap3A_71 = vector.shape_cast %and3A_65 : vector<16xi32> to vector<1x16xi32>
      tpu.vector_store %arg5[%swap3A_67, %swap3A_68], %swap3A_71 {strides = array<i32>} : memref<1x128xi32, #tpu.memory_space<vmem>>, vector<1x16xi32>,
      %get3A_72 = arith.index_cast %scan3A_34 : i32 to index
      %get3A_73 = arith.constant 48 : index
      %get3A_74 = tpu.vector_load %arg4[%get3A_72, %get3A_73] {strides = array<i32>} : memref<80x128xi32, #tpu.memory_space<vmem>>, vector<1x16xi32>,
      %get3A_75 = vector.shape_cast %get3A_74 : vector<1x16xi32> to vector<16xi32>
      %and3A_76 = arith.constant 32767 : i32
      %and3A_77 = vector.broadcast %and3A_76 : i32 to vector<16xi32>
      %and3A_78 = arith.andi %get3A_75, %and3A_77 : vector<16xi32>
      %swap3A_79 = arith.constant 0 : i32
      %swap3A_80 = arith.index_cast %swap3A_79 : i32 to index
      %swap3A_81 = arith.constant 48 : index
      %swap3A_82 = tpu.vector_load %arg5[%swap3A_80, %swap3A_81] {strides = array<i32>} : memref<1x128xi32, #tpu.memory_space<vmem>>, vector<1x16xi32>,
      %swap3A_83 = vector.shape_cast %swap3A_82 : vector<1x16xi32> to vector<16xi32>
      %swap3A_84 = vector.shape_cast %and3A_78 : vector<16xi32> to vector<1x16xi32>
      tpu.vector_store %arg5[%swap3A_80, %swap3A_81], %swap3A_84 {strides = array<i32>} : memref<1x128xi32, #tpu.memory_space<vmem>>, vector<1x16xi32>,
      %get3A_85 = arith.index_cast %scan3A_34 : i32 to index
      %get3A_86 = arith.constant 64 : index
      %get3A_87 = tpu.vector_load %arg4[%get3A_85, %get3A_86] {strides = array<i32>} : memref<80x128xi32, #tpu.memory_space<vmem>>, vector<1x16xi32>,
      %get3A_88 = vector.shape_cast %get3A_87 : vector<1x16xi32> to vector<16xi32>
      %and3A_89 = arith.constant 32767 : i32
      %and3A_90 = vector.broadcast %and3A_89 : i32 to vector<16xi32>
      %and3A_91 = arith.andi %get3A_88, %and3A_90 : vector<16xi32>
      %swap3A_92 = arith.constant 0 : i32
      %swap3A_93 = arith.index_cast %swap3A_92 : i32 to index
      %swap3A_94 = arith.constant 64 : index
      %swap3A_95 = tpu.vector_load %arg5[%swap3A_93, %swap3A_94] {strides = array<i32>} : memref<1x128xi32, #tpu.memory_space<vmem>>, vector<1x16xi32>,
      %swap3A_96 = vector.shape_cast %swap3A_95 : vector<1x16xi32> to vector<16xi32>
      %swap3A_97 = vector.shape_cast %and3A_91 : vector<16xi32> to vector<1x16xi32>
      tpu.vector_store %arg5[%swap3A_93, %swap3A_94], %swap3A_97 {strides = array<i32>} : memref<1x128xi32, #tpu.memory_space<vmem>>, vector<1x16xi32>,
      %get3A_98 = arith.index_cast %scan3A_34 : i32 to index
      %get3A_99 = arith.constant 80 : index
      %get3A_100 = tpu.vector_load %arg4[%get3A_98, %get3A_99] {strides = array<i32>} : memref<80x128xi32, #tpu.memory_space<vmem>>, vector<1x16xi32>,
      %get3A_101 = vector.shape_cast %get3A_100 : vector<1x16xi32> to vector<16xi32>
      %and3A_102 = arith.constant 32767 : i32
      %and3A_103 = vector.broadcast %and3A_102 : i32 to vector<16xi32>
      %and3A_104 = arith.andi %get3A_101, %and3A_103 : vector<16xi32>
      %swap3A_105 = arith.constant 0 : i32
      %swap3A_106 = arith.index_cast %swap3A_105 : i32 to index
      %swap3A_107 = arith.constant 80 : index
      %swap3A_108 = tpu.vector_load %arg5[%swap3A_106, %swap3A_107] {strides = array<i32>} : memref<1x128xi32, #tpu.memory_space<vmem>>, vector<1x16xi32>,
      %swap3A_109 = vector.shape_cast %swap3A_108 : vector<1x16xi32> to vector<16xi32>
      %swap3A_110 = vector.shape_cast %and3A_104 : vector<16xi32> to vector<1x16xi32>
      tpu.vector_store %arg5[%swap3A_106, %swap3A_107], %swap3A_110 {strides = array<i32>} : memref<1x128xi32, #tpu.memory_space<vmem>>, vector<1x16xi32>,
      %get3A_111 = arith.index_cast %scan3A_34 : i32 to index
      %get3A_112 = arith.constant 96 : index
      %get3A_113 = tpu.vector_load %arg4[%get3A_111, %get3A_112] {strides = array<i32>} : memref<80x128xi32, #tpu.memory_space<vmem>>, vector<1x16xi32>,
      %get3A_114 = vector.shape_cast %get3A_113 : vector<1x16xi32> to vector<16xi32>
      %and3A_115 = arith.constant 32767 : i32
      %and3A_116 = vector.broadcast %and3A_115 : i32 to vector<16xi32>
      %and3A_117 = arith.andi %get3A_114, %and3A_116 : vector<16xi32>
      %swap3A_118 = arith.constant 0 : i32
      %swap3A_119 = arith.index_cast %swap3A_118 : i32 to index
      %swap3A_120 = arith.constant 96 : index
      %swap3A_121 = tpu.vector_load %arg5[%swap3A_119, %swap3A_120] {strides = array<i32>} : memref<1x128xi32, #tpu.memory_space<vmem>>, vector<1x16xi32>,
      %swap3A_122 = vector.shape_cast %swap3A_121 : vector<1x16xi32> to vector<16xi32>
      %swap3A_123 = vector.shape_cast %and3A_117 : vector<16xi32> to vector<1x16xi32>
      tpu.vector_store %arg5[%swap3A_119, %swap3A_120], %swap3A_123 {strides = array<i32>} : memref<1x128xi32, #tpu.memory_space<vmem>>, vector<1x16xi32>,
      %get3A_124 = arith.index_cast %scan3A_34 : i32 to index
      %get3A_125 = arith.constant 112 : index
      %get3A_126 = tpu.vector_load %arg4[%get3A_124, %get3A_125] {strides = array<i32>} : memref<80x128xi32, #tpu.memory_space<vmem>>, vector<1x16xi32>,
      %get3A_127 = vector.shape_cast %get3A_126 : vector<1x16xi32> to vector<16xi32>
      %and3A_128 = arith.constant 32767 : i32
      %and3A_129 = vector.broadcast %and3A_128 : i32 to vector<16xi32>
      %and3A_130 = arith.andi %get3A_127, %and3A_129 : vector<16xi32>
      %swap3A_131 = arith.constant 0 : i32
      %swap3A_132 = arith.index_cast %swap3A_131 : i32 to index
      %swap3A_133 = arith.constant 112 : index
      %swap3A_134 = tpu.vector_load %arg5[%swap3A_132, %swap3A_133] {strides = array<i32>} : memref<1x128xi32, #tpu.memory_space<vmem>>, vector<1x16xi32>,
      %swap3A_135 = vector.shape_cast %swap3A_134 : vector<1x16xi32> to vector<16xi32>
      %swap3A_136 = vector.shape_cast %and3A_130 : vector<16xi32> to vector<1x16xi32>
      tpu.vector_store %arg5[%swap3A_132, %swap3A_133], %swap3A_136 {strides = array<i32>} : memref<1x128xi32, #tpu.memory_space<vmem>>, vector<1x16xi32>,
      %run_scoped3A = arith.constant 0 : i32
      "tpu.region"() ({
        %run_scoped3A_138 = tpu.sem_alloc : memref<!tpu.dma_semaphore, #tpu.memory_space<semaphore_mem>>
        %dma_start3A = arith.constant 0 : i32
        %dma_start3A_139 = tpu.memref_slice %arg5[%run_scoped3A, %dma_start3A] : memref<1x128xi32, #tpu.memory_space<vmem>> -> memref<1x128xi32, #tpu.memory_space<vmem>>
        %dma_start3A_140 = tpu.memref_squeeze %dma_start3A_139 : memref<1x128xi32, #tpu.memory_space<vmem>> -> memref<128xi32, #tpu.memory_space<vmem>>
        %dma_start3A_141 = arith.constant 0 : i32
        %dma_start3A_142 = arith.constant 0 : i32
        %dma_start3A_143 = tpu.memref_slice %arg8[%dma_start3A_141, %dma_start3A_142] : memref<10240x16xf32, #tpu.memory_space<vmem_shared>> -> memref<10240x16xf32, #tpu.memory_space<vmem_shared>>
        tpu.enqueue_indirect_dma source(%arg6 : memref<128x16xf32, #tpu.memory_space<vmem>>) target(%dma_start3A_143 : memref<10240x16xf32, #tpu.memory_space<vmem_shared>>) offsets(%dma_start3A_140 : memref<128xi32, #tpu.memory_space<vmem>>) semaphore(%run_scoped3A_138 : memref<!tpu.dma_semaphore, #tpu.memory_space<semaphore_mem>>) {add = true}
        %dma_wait3A = arith.constant 0 : i32
        %dma_wait3A_144 = tpu.memref_slice %arg5[%run_scoped3A, %dma_wait3A] : memref<1x128xi32, #tpu.memory_space<vmem>> -> memref<1x128xi32, #tpu.memory_space<vmem>>
        %dma_wait3A_145 = tpu.memref_squeeze %dma_wait3A_144 : memref<1x128xi32, #tpu.memory_space<vmem>> -> memref<128xi32, #tpu.memory_space<vmem>>
        %dma_wait3A_146 = arith.constant 0 : i32
        %dma_wait3A_147 = arith.constant 0 : i32
        %dma_wait3A_148 = tpu.memref_slice %arg8[%dma_wait3A_146, %dma_wait3A_147] : memref<10240x16xf32, #tpu.memory_space<vmem_shared>> -> memref<10240x16xf32, #tpu.memory_space<vmem_shared>>
        tpu.wait_indirect_dma semaphore(%run_scoped3A_138 : memref<!tpu.dma_semaphore, #tpu.memory_space<semaphore_mem>>) src(%arg6 : memref<128x16xf32, #tpu.memory_space<vmem>>) dst(%dma_wait3A_148 : memref<10240x16xf32, #tpu.memory_space<vmem_shared>>)
        tpu.yield
      }) : () -> ()
      %scan3A_137 = arith.constant 0 : i32
      scf.yield %scan3A_137 : i32
    }
    %scan3A_30 = arith.constant 80 : i32
    %barrier3A_31 = arith.constant 0 : index
    tpu.barrier barrier_id(%barrier3A_31)
    %eq3A = arith.constant 0 : i32
    %eq3A_32 = arith.cmpi eq, %arg0, %eq3A : i32
    %convert_element_type3A = arith.extui %eq3A_32 : i1 to i32
    %cond3A = arith.constant 0 : i32
    %cond3A_33 = arith.cmpi ne, %convert_element_type3A, %cond3A : i32
    scf.if %cond3A_33 {
      %mul3A_34 = arith.constant 640 : i32
      %mul3A_35 = arith.muli %arg1, %mul3A_34 : i32
      %mul3A_36 = arith.constant 640 : i32
      %mul3A_37 = arith.muli %arg1, %mul3A_36 : i32
      "tpu.region"() ({
        %run_scoped3A = tpu.sem_alloc : memref<!tpu.dma_semaphore, #tpu.memory_space<semaphore_mem>>
        %dma_start3A = arith.constant 0 : i32
        %dma_start3A_38 = tpu.memref_slice %arg3[%mul3A_37, %dma_start3A] : memref<10240x16xf32, #tpu.memory_space<hbm>> -> memref<640x16xf32, #tpu.memory_space<hbm>>
        %dma_start3A_39 = arith.constant 0 : i32
        %dma_start3A_40 = tpu.memref_slice %arg8[%mul3A_35, %dma_start3A_39] : memref<10240x16xf32, #tpu.memory_space<vmem_shared>> -> memref<640x16xf32, #tpu.memory_space<vmem_shared>>
        tpu.enqueue_dma source(%dma_start3A_40 : memref<640x16xf32, #tpu.memory_space<vmem_shared>>) target(%dma_start3A_38 : memref<640x16xf32, #tpu.memory_space<hbm>>) target_semaphore(%run_scoped3A : memref<!tpu.dma_semaphore, #tpu.memory_space<semaphore_mem>>)
        %dma_wait3A = arith.constant 0 : i32
        %dma_wait3A_41 = tpu.memref_slice %arg3[%mul3A_37, %dma_wait3A] : memref<10240x16xf32, #tpu.memory_space<hbm>> -> memref<640x16xf32, #tpu.memory_space<hbm>>
        %dma_wait3A_42 = arith.constant 0 : i32
        %dma_wait3A_43 = tpu.memref_slice %arg8[%mul3A_35, %dma_wait3A_42] : memref<10240x16xf32, #tpu.memory_space<vmem_shared>> -> memref<640x16xf32, #tpu.memory_space<vmem_shared>>
        tpu.wait_dma2 semaphore(%run_scoped3A : memref<!tpu.dma_semaphore, #tpu.memory_space<semaphore_mem>>) src(%dma_wait3A_43 : memref<640x16xf32, #tpu.memory_space<vmem_shared>>) dst(%dma_wait3A_41 : memref<640x16xf32, #tpu.memory_space<hbm>>)
        tpu.yield
      }) : () -> ()
    } else {
    }
    return
  }
}

#map = affine_map<(d0, d1) -> (0, 0)>
#map1 = affine_map<(d0, d1) -> (0, 0, 0)>
module attributes {stable_mosaic.version = 14 : i64} {
  func.func @_agg_body(%arg0: i32, %arg1: i32, %arg2: memref<20000x128xf32, #tpu.memory_space<hbm>>, %arg3: memref<16x80x128xi32, #tpu.memory_space<hbm>>, %arg4: memref<2x10240x128xf32, #tpu.memory_space<hbm>>, %arg5: memref<80x128xi32, #tpu.memory_space<vmem>>, %arg6: memref<2x128xi32, #tpu.memory_space<vmem>>, %arg7: memref<2x128xi32, #tpu.memory_space<vmem>>, %arg8: memref<2x128x128xf32, #tpu.memory_space<vmem>>, %arg9: memref<10240x128xf32, #tpu.memory_space<vmem_shared>>, %arg10: memref<2x!tpu.dma_semaphore, #tpu.memory_space<semaphore_mem>>) attributes {dimension_semantics = [#tpu.dimension_semantics<core_parallel>, #tpu.dimension_semantics<subcore_parallel>], iteration_bounds = array<i64: 2, 16>, scalar_prefetch = 0 : i64, scratch_operands = 6 : i64, tpu.core_type = #tpu.core_type<sc_vector_subcore>, window_params = [{transform_indices = #map}, {transform_indices = #map1}, {transform_indices = #map1}]} {
    "tpu.region"() ({
      %run_scoped3A_248 = tpu.sem_alloc : memref<!tpu.dma_semaphore, #tpu.memory_space<semaphore_mem>>
      %dma_start3A_249 = arith.constant 0 : i32
      %dma_start3A_250 = arith.constant 0 : i32
      %dma_start3A_251 = tpu.memref_slice %arg3[%arg1, %dma_start3A_249, %dma_start3A_250] : memref<16x80x128xi32, #tpu.memory_space<hbm>> -> memref<1x80x128xi32, #tpu.memory_space<hbm>>
      %dma_start3A_252 = tpu.memref_squeeze %dma_start3A_251 : memref<1x80x128xi32, #tpu.memory_space<hbm>> -> memref<80x128xi32, #tpu.memory_space<hbm>>
      %dma_start3A_253 = arith.constant 0 : i32
      %dma_start3A_254 = arith.constant 0 : i32
      %dma_start3A_255 = tpu.memref_slice %arg3[%arg1, %dma_start3A_253, %dma_start3A_254] : memref<16x80x128xi32, #tpu.memory_space<hbm>> -> memref<1x80x128xi32, #tpu.memory_space<hbm>>
      %dma_start3A_256 = tpu.memref_squeeze %dma_start3A_255 : memref<1x80x128xi32, #tpu.memory_space<hbm>> -> memref<80x128xi32, #tpu.memory_space<hbm>>
      tpu.enqueue_dma source(%dma_start3A_256 : memref<80x128xi32, #tpu.memory_space<hbm>>) target(%arg5 : memref<80x128xi32, #tpu.memory_space<vmem>>) target_semaphore(%run_scoped3A_248 : memref<!tpu.dma_semaphore, #tpu.memory_space<semaphore_mem>>)
      %dma_wait3A = arith.constant 0 : i32
      %dma_wait3A_257 = arith.constant 0 : i32
      %dma_wait3A_258 = tpu.memref_slice %arg3[%arg1, %dma_wait3A, %dma_wait3A_257] : memref<16x80x128xi32, #tpu.memory_space<hbm>> -> memref<1x80x128xi32, #tpu.memory_space<hbm>>
      %dma_wait3A_259 = tpu.memref_squeeze %dma_wait3A_258 : memref<1x80x128xi32, #tpu.memory_space<hbm>> -> memref<80x128xi32, #tpu.memory_space<hbm>>
      %dma_wait3A_260 = arith.constant 0 : i32
      %dma_wait3A_261 = arith.constant 0 : i32
      %dma_wait3A_262 = tpu.memref_slice %arg3[%arg1, %dma_wait3A_260, %dma_wait3A_261] : memref<16x80x128xi32, #tpu.memory_space<hbm>> -> memref<1x80x128xi32, #tpu.memory_space<hbm>>
      %dma_wait3A_263 = tpu.memref_squeeze %dma_wait3A_262 : memref<1x80x128xi32, #tpu.memory_space<hbm>> -> memref<80x128xi32, #tpu.memory_space<hbm>>
      tpu.wait_dma2 semaphore(%run_scoped3A_248 : memref<!tpu.dma_semaphore, #tpu.memory_space<semaphore_mem>>) src(%dma_wait3A_263 : memref<80x128xi32, #tpu.memory_space<hbm>>) dst(%arg5 : memref<80x128xi32, #tpu.memory_space<vmem>>)
      tpu.yield
    }) : () -> ()
    %scan3A = arith.constant 0 : i32
    %scan3A_0 = arith.constant 0 : i32
    %scan3A_1 = arith.constant 128 : i32
    %scan3A_2 = arith.addi %scan3A_0, %scan3A_1 : i32
    %scan3A_3 = arith.constant 1 : i32
    %scan3A_4 = scf.for %scan3A_248 = %scan3A_0 to %scan3A_2 step %scan3A_3 iter_args(%scan3A_249 = %scan3A) -> (i32)  : i32 {
      %broadcast_in_dim3A = arith.constant 0.000000e+00 : f32
      %broadcast_in_dim3A_250 = vector.broadcast %broadcast_in_dim3A : f32 to vector<16xf32>
      %swap3A_251 = arith.constant 0 : i32
      %swap3A_252 = arith.index_cast %swap3A_251 : i32 to index
      %swap3A_253 = arith.index_cast %scan3A_248 : i32 to index
      %swap3A_254 = arith.constant 0 : index
      %swap3A_255 = tpu.vector_load %arg8[%swap3A_252, %swap3A_253, %swap3A_254] {strides = array<i32>} : memref<2x128x128xf32, #tpu.memory_space<vmem>>, vector<1x1x16xf32>,
      %swap3A_256 = vector.shape_cast %swap3A_255 : vector<1x1x16xf32> to vector<16xf32>
      %swap3A_257 = vector.shape_cast %broadcast_in_dim3A_250 : vector<16xf32> to vector<1x1x16xf32>
      tpu.vector_store %arg8[%swap3A_252, %swap3A_253, %swap3A_254], %swap3A_257 {strides = array<i32>} : memref<2x128x128xf32, #tpu.memory_space<vmem>>, vector<1x1x16xf32>,
      %broadcast_in_dim3A_258 = arith.constant 0.000000e+00 : f32
      %broadcast_in_dim3A_259 = vector.broadcast %broadcast_in_dim3A_258 : f32 to vector<16xf32>
      %swap3A_260 = arith.constant 0 : i32
      %swap3A_261 = arith.index_cast %swap3A_260 : i32 to index
      %swap3A_262 = arith.index_cast %scan3A_248 : i32 to index
      %swap3A_263 = arith.constant 16 : index
      %swap3A_264 = tpu.vector_load %arg8[%swap3A_261, %swap3A_262, %swap3A_263] {strides = array<i32>} : memref<2x128x128xf32, #tpu.memory_space<vmem>>, vector<1x1x16xf32>,
      %swap3A_265 = vector.shape_cast %swap3A_264 : vector<1x1x16xf32> to vector<16xf32>
      %swap3A_266 = vector.shape_cast %broadcast_in_dim3A_259 : vector<16xf32> to vector<1x1x16xf32>
      tpu.vector_store %arg8[%swap3A_261, %swap3A_262, %swap3A_263], %swap3A_266 {strides = array<i32>} : memref<2x128x128xf32, #tpu.memory_space<vmem>>, vector<1x1x16xf32>,
      %broadcast_in_dim3A_267 = arith.constant 0.000000e+00 : f32
      %broadcast_in_dim3A_268 = vector.broadcast %broadcast_in_dim3A_267 : f32 to vector<16xf32>
      %swap3A_269 = arith.constant 0 : i32
      %swap3A_270 = arith.index_cast %swap3A_269 : i32 to index
      %swap3A_271 = arith.index_cast %scan3A_248 : i32 to index
      %swap3A_272 = arith.constant 32 : index
      %swap3A_273 = tpu.vector_load %arg8[%swap3A_270, %swap3A_271, %swap3A_272] {strides = array<i32>} : memref<2x128x128xf32, #tpu.memory_space<vmem>>, vector<1x1x16xf32>,
      %swap3A_274 = vector.shape_cast %swap3A_273 : vector<1x1x16xf32> to vector<16xf32>
      %swap3A_275 = vector.shape_cast %broadcast_in_dim3A_268 : vector<16xf32> to vector<1x1x16xf32>
      tpu.vector_store %arg8[%swap3A_270, %swap3A_271, %swap3A_272], %swap3A_275 {strides = array<i32>} : memref<2x128x128xf32, #tpu.memory_space<vmem>>, vector<1x1x16xf32>,
      %broadcast_in_dim3A_276 = arith.constant 0.000000e+00 : f32
      %broadcast_in_dim3A_277 = vector.broadcast %broadcast_in_dim3A_276 : f32 to vector<16xf32>
      %swap3A_278 = arith.constant 0 : i32
      %swap3A_279 = arith.index_cast %swap3A_278 : i32 to index
      %swap3A_280 = arith.index_cast %scan3A_248 : i32 to index
      %swap3A_281 = arith.constant 48 : index
      %swap3A_282 = tpu.vector_load %arg8[%swap3A_279, %swap3A_280, %swap3A_281] {strides = array<i32>} : memref<2x128x128xf32, #tpu.memory_space<vmem>>, vector<1x1x16xf32>,
      %swap3A_283 = vector.shape_cast %swap3A_282 : vector<1x1x16xf32> to vector<16xf32>
      %swap3A_284 = vector.shape_cast %broadcast_in_dim3A_277 : vector<16xf32> to vector<1x1x16xf32>
      tpu.vector_store %arg8[%swap3A_279, %swap3A_280, %swap3A_281], %swap3A_284 {strides = array<i32>} : memref<2x128x128xf32, #tpu.memory_space<vmem>>, vector<1x1x16xf32>,
      %broadcast_in_dim3A_285 = arith.constant 0.000000e+00 : f32
      %broadcast_in_dim3A_286 = vector.broadcast %broadcast_in_dim3A_285 : f32 to vector<16xf32>
      %swap3A_287 = arith.constant 0 : i32
      %swap3A_288 = arith.index_cast %swap3A_287 : i32 to index
      %swap3A_289 = arith.index_cast %scan3A_248 : i32 to index
      %swap3A_290 = arith.constant 64 : index
      %swap3A_291 = tpu.vector_load %arg8[%swap3A_288, %swap3A_289, %swap3A_290] {strides = array<i32>} : memref<2x128x128xf32, #tpu.memory_space<vmem>>, vector<1x1x16xf32>,
      %swap3A_292 = vector.shape_cast %swap3A_291 : vector<1x1x16xf32> to vector<16xf32>
      %swap3A_293 = vector.shape_cast %broadcast_in_dim3A_286 : vector<16xf32> to vector<1x1x16xf32>
      tpu.vector_store %arg8[%swap3A_288, %swap3A_289, %swap3A_290], %swap3A_293 {strides = array<i32>} : memref<2x128x128xf32, #tpu.memory_space<vmem>>, vector<1x1x16xf32>,
      %broadcast_in_dim3A_294 = arith.constant 0.000000e+00 : f32
      %broadcast_in_dim3A_295 = vector.broadcast %broadcast_in_dim3A_294 : f32 to vector<16xf32>
      %swap3A_296 = arith.constant 0 : i32
      %swap3A_297 = arith.index_cast %swap3A_296 : i32 to index
      %swap3A_298 = arith.index_cast %scan3A_248 : i32 to index
      %swap3A_299 = arith.constant 80 : index
      %swap3A_300 = tpu.vector_load %arg8[%swap3A_297, %swap3A_298, %swap3A_299] {strides = array<i32>} : memref<2x128x128xf32, #tpu.memory_space<vmem>>, vector<1x1x16xf32>,
      %swap3A_301 = vector.shape_cast %swap3A_300 : vector<1x1x16xf32> to vector<16xf32>
      %swap3A_302 = vector.shape_cast %broadcast_in_dim3A_295 : vector<16xf32> to vector<1x1x16xf32>
      tpu.vector_store %arg8[%swap3A_297, %swap3A_298, %swap3A_299], %swap3A_302 {strides = array<i32>} : memref<2x128x128xf32, #tpu.memory_space<vmem>>, vector<1x1x16xf32>,
      %broadcast_in_dim3A_303 = arith.constant 0.000000e+00 : f32
      %broadcast_in_dim3A_304 = vector.broadcast %broadcast_in_dim3A_303 : f32 to vector<16xf32>
      %swap3A_305 = arith.constant 0 : i32
      %swap3A_306 = arith.index_cast %swap3A_305 : i32 to index
      %swap3A_307 = arith.index_cast %scan3A_248 : i32 to index
      %swap3A_308 = arith.constant 96 : index
      %swap3A_309 = tpu.vector_load %arg8[%swap3A_306, %swap3A_307, %swap3A_308] {strides = array<i32>} : memref<2x128x128xf32, #tpu.memory_space<vmem>>, vector<1x1x16xf32>,
      %swap3A_310 = vector.shape_cast %swap3A_309 : vector<1x1x16xf32> to vector<16xf32>
      %swap3A_311 = vector.shape_cast %broadcast_in_dim3A_304 : vector<16xf32> to vector<1x1x16xf32>
      tpu.vector_store %arg8[%swap3A_306, %swap3A_307, %swap3A_308], %swap3A_311 {strides = array<i32>} : memref<2x128x128xf32, #tpu.memory_space<vmem>>, vector<1x1x16xf32>,
      %broadcast_in_dim3A_312 = arith.constant 0.000000e+00 : f32
      %broadcast_in_dim3A_313 = vector.broadcast %broadcast_in_dim3A_312 : f32 to vector<16xf32>
      %swap3A_314 = arith.constant 0 : i32
      %swap3A_315 = arith.index_cast %swap3A_314 : i32 to index
      %swap3A_316 = arith.index_cast %scan3A_248 : i32 to index
      %swap3A_317 = arith.constant 112 : index
      %swap3A_318 = tpu.vector_load %arg8[%swap3A_315, %swap3A_316, %swap3A_317] {strides = array<i32>} : memref<2x128x128xf32, #tpu.memory_space<vmem>>, vector<1x1x16xf32>,
      %swap3A_319 = vector.shape_cast %swap3A_318 : vector<1x1x16xf32> to vector<16xf32>
      %swap3A_320 = vector.shape_cast %broadcast_in_dim3A_313 : vector<16xf32> to vector<1x1x16xf32>
      tpu.vector_store %arg8[%swap3A_315, %swap3A_316, %swap3A_317], %swap3A_320 {strides = array<i32>} : memref<2x128x128xf32, #tpu.memory_space<vmem>>, vector<1x1x16xf32>,
      %scan3A_321 = arith.constant 0 : i32
      scf.yield %scan3A_321 : i32
    }
    %scan3A_5 = arith.constant 128 : i32
    %mul3A = arith.constant 640 : i32
    %mul3A_6 = arith.muli %arg1, %mul3A : i32
    %add3A = arith.constant 0 : i32
    %add3A_7 = arith.addi %mul3A_6, %add3A : i32
    %run_scoped3A = arith.constant 0 : i32
    "tpu.region"() ({
      %run_scoped3A_248 = tpu.sem_alloc : memref<!tpu.dma_semaphore, #tpu.memory_space<semaphore_mem>>
      %dma_start3A_249 = arith.constant 0 : i32
      %dma_start3A_250 = arith.constant 0 : i32
      %dma_start3A_251 = tpu.memref_slice %arg8[%run_scoped3A, %dma_start3A_249, %dma_start3A_250] : memref<2x128x128xf32, #tpu.memory_space<vmem>> -> memref<1x128x128xf32, #tpu.memory_space<vmem>>
      %dma_start3A_252 = tpu.memref_squeeze %dma_start3A_251 : memref<1x128x128xf32, #tpu.memory_space<vmem>> -> memref<128x128xf32, #tpu.memory_space<vmem>>
      %dma_start3A_253 = arith.constant 0 : i32
      %dma_start3A_254 = tpu.memref_slice %arg9[%add3A_7, %dma_start3A_253] : memref<10240x128xf32, #tpu.memory_space<vmem_shared>> -> memref<128x128xf32, #tpu.memory_space<vmem_shared>>
      %dma_start3A_255 = arith.constant 0 : i32
      %dma_start3A_256 = tpu.memref_slice %arg9[%add3A_7, %dma_start3A_255] : memref<10240x128xf32, #tpu.memory_space<vmem_shared>> -> memref<128x128xf32, #tpu.memory_space<vmem_shared>>
      %dma_start3A_257 = arith.constant 0 : i32
      %dma_start3A_258 = arith.constant 0 : i32
      %dma_start3A_259 = tpu.memref_slice %arg8[%run_scoped3A, %dma_start3A_257, %dma_start3A_258] : memref<2x128x128xf32, #tpu.memory_space<vmem>> -> memref<1x128x128xf32, #tpu.memory_space<vmem>>
      %dma_start3A_260 = tpu.memref_squeeze %dma_start3A_259 : memref<1x128x128xf32, #tpu.memory_space<vmem>> -> memref<128x128xf32, #tpu.memory_space<vmem>>
      tpu.enqueue_dma source(%dma_start3A_260 : memref<128x128xf32, #tpu.memory_space<vmem>>) target(%dma_start3A_256 : memref<128x128xf32, #tpu.memory_space<vmem_shared>>) target_semaphore(%run_scoped3A_248 : memref<!tpu.dma_semaphore, #tpu.memory_space<semaphore_mem>>)
      %dma_wait3A = arith.constant 0 : i32
      %dma_wait3A_261 = arith.constant 0 : i32
      %dma_wait3A_262 = tpu.memref_slice %arg8[%run_scoped3A, %dma_wait3A, %dma_wait3A_261] : memref<2x128x128xf32, #tpu.memory_space<vmem>> -> memref<1x128x128xf32, #tpu.memory_space<vmem>>
      %dma_wait3A_263 = tpu.memref_squeeze %dma_wait3A_262 : memref<1x128x128xf32, #tpu.memory_space<vmem>> -> memref<128x128xf32, #tpu.memory_space<vmem>>
      %dma_wait3A_264 = arith.constant 0 : i32
      %dma_wait3A_265 = tpu.memref_slice %arg9[%add3A_7, %dma_wait3A_264] : memref<10240x128xf32, #tpu.memory_space<vmem_shared>> -> memref<128x128xf32, #tpu.memory_space<vmem_shared>>
      %dma_wait3A_266 = arith.constant 0 : i32
      %dma_wait3A_267 = tpu.memref_slice %arg9[%add3A_7, %dma_wait3A_266] : memref<10240x128xf32, #tpu.memory_space<vmem_shared>> -> memref<128x128xf32, #tpu.memory_space<vmem_shared>>
      %dma_wait3A_268 = arith.constant 0 : i32
      %dma_wait3A_269 = arith.constant 0 : i32
      %dma_wait3A_270 = tpu.memref_slice %arg8[%run_scoped3A, %dma_wait3A_268, %dma_wait3A_269] : memref<2x128x128xf32, #tpu.memory_space<vmem>> -> memref<1x128x128xf32, #tpu.memory_space<vmem>>
      %dma_wait3A_271 = tpu.memref_squeeze %dma_wait3A_270 : memref<1x128x128xf32, #tpu.memory_space<vmem>> -> memref<128x128xf32, #tpu.memory_space<vmem>>
      tpu.wait_dma2 semaphore(%run_scoped3A_248 : memref<!tpu.dma_semaphore, #tpu.memory_space<semaphore_mem>>) src(%dma_wait3A_271 : memref<128x128xf32, #tpu.memory_space<vmem>>) dst(%dma_wait3A_267 : memref<128x128xf32, #tpu.memory_space<vmem_shared>>)
      tpu.yield
    }) : () -> ()
    %mul3A_8 = arith.constant 640 : i32
    %mul3A_9 = arith.muli %arg1, %mul3A_8 : i32
    %add3A_10 = arith.constant 128 : i32
    %add3A_11 = arith.addi %mul3A_9, %add3A_10 : i32
    %run_scoped3A_12 = arith.constant 0 : i32
    "tpu.region"() ({
      %run_scoped3A_248 = tpu.sem_alloc : memref<!tpu.dma_semaphore, #tpu.memory_space<semaphore_mem>>
      %dma_start3A_249 = arith.constant 0 : i32
      %dma_start3A_250 = arith.constant 0 : i32
      %dma_start3A_251 = tpu.memref_slice %arg8[%run_scoped3A_12, %dma_start3A_249, %dma_start3A_250] : memref<2x128x128xf32, #tpu.memory_space<vmem>> -> memref<1x128x128xf32, #tpu.memory_space<vmem>>
      %dma_start3A_252 = tpu.memref_squeeze %dma_start3A_251 : memref<1x128x128xf32, #tpu.memory_space<vmem>> -> memref<128x128xf32, #tpu.memory_space<vmem>>
      %dma_start3A_253 = arith.constant 0 : i32
      %dma_start3A_254 = tpu.memref_slice %arg9[%add3A_11, %dma_start3A_253] : memref<10240x128xf32, #tpu.memory_space<vmem_shared>> -> memref<128x128xf32, #tpu.memory_space<vmem_shared>>
      %dma_start3A_255 = arith.constant 0 : i32
      %dma_start3A_256 = tpu.memref_slice %arg9[%add3A_11, %dma_start3A_255] : memref<10240x128xf32, #tpu.memory_space<vmem_shared>> -> memref<128x128xf32, #tpu.memory_space<vmem_shared>>
      %dma_start3A_257 = arith.constant 0 : i32
      %dma_start3A_258 = arith.constant 0 : i32
      %dma_start3A_259 = tpu.memref_slice %arg8[%run_scoped3A_12, %dma_start3A_257, %dma_start3A_258] : memref<2x128x128xf32, #tpu.memory_space<vmem>> -> memref<1x128x128xf32, #tpu.memory_space<vmem>>
      %dma_start3A_260 = tpu.memref_squeeze %dma_start3A_259 : memref<1x128x128xf32, #tpu.memory_space<vmem>> -> memref<128x128xf32, #tpu.memory_space<vmem>>
      tpu.enqueue_dma source(%dma_start3A_260 : memref<128x128xf32, #tpu.memory_space<vmem>>) target(%dma_start3A_256 : memref<128x128xf32, #tpu.memory_space<vmem_shared>>) target_semaphore(%run_scoped3A_248 : memref<!tpu.dma_semaphore, #tpu.memory_space<semaphore_mem>>)
      %dma_wait3A = arith.constant 0 : i32
      %dma_wait3A_261 = arith.constant 0 : i32
      %dma_wait3A_262 = tpu.memref_slice %arg8[%run_scoped3A_12, %dma_wait3A, %dma_wait3A_261] : memref<2x128x128xf32, #tpu.memory_space<vmem>> -> memref<1x128x128xf32, #tpu.memory_space<vmem>>
      %dma_wait3A_263 = tpu.memref_squeeze %dma_wait3A_262 : memref<1x128x128xf32, #tpu.memory_space<vmem>> -> memref<128x128xf32, #tpu.memory_space<vmem>>
      %dma_wait3A_264 = arith.constant 0 : i32
      %dma_wait3A_265 = tpu.memref_slice %arg9[%add3A_11, %dma_wait3A_264] : memref<10240x128xf32, #tpu.memory_space<vmem_shared>> -> memref<128x128xf32, #tpu.memory_space<vmem_shared>>
      %dma_wait3A_266 = arith.constant 0 : i32
      %dma_wait3A_267 = tpu.memref_slice %arg9[%add3A_11, %dma_wait3A_266] : memref<10240x128xf32, #tpu.memory_space<vmem_shared>> -> memref<128x128xf32, #tpu.memory_space<vmem_shared>>
      %dma_wait3A_268 = arith.constant 0 : i32
      %dma_wait3A_269 = arith.constant 0 : i32
      %dma_wait3A_270 = tpu.memref_slice %arg8[%run_scoped3A_12, %dma_wait3A_268, %dma_wait3A_269] : memref<2x128x128xf32, #tpu.memory_space<vmem>> -> memref<1x128x128xf32, #tpu.memory_space<vmem>>
      %dma_wait3A_271 = tpu.memref_squeeze %dma_wait3A_270 : memref<1x128x128xf32, #tpu.memory_space<vmem>> -> memref<128x128xf32, #tpu.memory_space<vmem>>
      tpu.wait_dma2 semaphore(%run_scoped3A_248 : memref<!tpu.dma_semaphore, #tpu.memory_space<semaphore_mem>>) src(%dma_wait3A_271 : memref<128x128xf32, #tpu.memory_space<vmem>>) dst(%dma_wait3A_267 : memref<128x128xf32, #tpu.memory_space<vmem_shared>>)
      tpu.yield
    }) : () -> ()
    %mul3A_13 = arith.constant 640 : i32
    %mul3A_14 = arith.muli %arg1, %mul3A_13 : i32
    %add3A_15 = arith.constant 256 : i32
    %add3A_16 = arith.addi %mul3A_14, %add3A_15 : i32
    %run_scoped3A_17 = arith.constant 0 : i32
    "tpu.region"() ({
      %run_scoped3A_248 = tpu.sem_alloc : memref<!tpu.dma_semaphore, #tpu.memory_space<semaphore_mem>>
      %dma_start3A_249 = arith.constant 0 : i32
      %dma_start3A_250 = arith.constant 0 : i32
      %dma_start3A_251 = tpu.memref_slice %arg8[%run_scoped3A_17, %dma_start3A_249, %dma_start3A_250] : memref<2x128x128xf32, #tpu.memory_space<vmem>> -> memref<1x128x128xf32, #tpu.memory_space<vmem>>
      %dma_start3A_252 = tpu.memref_squeeze %dma_start3A_251 : memref<1x128x128xf32, #tpu.memory_space<vmem>> -> memref<128x128xf32, #tpu.memory_space<vmem>>
      %dma_start3A_253 = arith.constant 0 : i32
      %dma_start3A_254 = tpu.memref_slice %arg9[%add3A_16, %dma_start3A_253] : memref<10240x128xf32, #tpu.memory_space<vmem_shared>> -> memref<128x128xf32, #tpu.memory_space<vmem_shared>>
      %dma_start3A_255 = arith.constant 0 : i32
      %dma_start3A_256 = tpu.memref_slice %arg9[%add3A_16, %dma_start3A_255] : memref<10240x128xf32, #tpu.memory_space<vmem_shared>> -> memref<128x128xf32, #tpu.memory_space<vmem_shared>>
      %dma_start3A_257 = arith.constant 0 : i32
      %dma_start3A_258 = arith.constant 0 : i32
      %dma_start3A_259 = tpu.memref_slice %arg8[%run_scoped3A_17, %dma_start3A_257, %dma_start3A_258] : memref<2x128x128xf32, #tpu.memory_space<vmem>> -> memref<1x128x128xf32, #tpu.memory_space<vmem>>
      %dma_start3A_260 = tpu.memref_squeeze %dma_start3A_259 : memref<1x128x128xf32, #tpu.memory_space<vmem>> -> memref<128x128xf32, #tpu.memory_space<vmem>>
      tpu.enqueue_dma source(%dma_start3A_260 : memref<128x128xf32, #tpu.memory_space<vmem>>) target(%dma_start3A_256 : memref<128x128xf32, #tpu.memory_space<vmem_shared>>) target_semaphore(%run_scoped3A_248 : memref<!tpu.dma_semaphore, #tpu.memory_space<semaphore_mem>>)
      %dma_wait3A = arith.constant 0 : i32
      %dma_wait3A_261 = arith.constant 0 : i32
      %dma_wait3A_262 = tpu.memref_slice %arg8[%run_scoped3A_17, %dma_wait3A, %dma_wait3A_261] : memref<2x128x128xf32, #tpu.memory_space<vmem>> -> memref<1x128x128xf32, #tpu.memory_space<vmem>>
      %dma_wait3A_263 = tpu.memref_squeeze %dma_wait3A_262 : memref<1x128x128xf32, #tpu.memory_space<vmem>> -> memref<128x128xf32, #tpu.memory_space<vmem>>
      %dma_wait3A_264 = arith.constant 0 : i32
      %dma_wait3A_265 = tpu.memref_slice %arg9[%add3A_16, %dma_wait3A_264] : memref<10240x128xf32, #tpu.memory_space<vmem_shared>> -> memref<128x128xf32, #tpu.memory_space<vmem_shared>>
      %dma_wait3A_266 = arith.constant 0 : i32
      %dma_wait3A_267 = tpu.memref_slice %arg9[%add3A_16, %dma_wait3A_266] : memref<10240x128xf32, #tpu.memory_space<vmem_shared>> -> memref<128x128xf32, #tpu.memory_space<vmem_shared>>
      %dma_wait3A_268 = arith.constant 0 : i32
      %dma_wait3A_269 = arith.constant 0 : i32
      %dma_wait3A_270 = tpu.memref_slice %arg8[%run_scoped3A_17, %dma_wait3A_268, %dma_wait3A_269] : memref<2x128x128xf32, #tpu.memory_space<vmem>> -> memref<1x128x128xf32, #tpu.memory_space<vmem>>
      %dma_wait3A_271 = tpu.memref_squeeze %dma_wait3A_270 : memref<1x128x128xf32, #tpu.memory_space<vmem>> -> memref<128x128xf32, #tpu.memory_space<vmem>>
      tpu.wait_dma2 semaphore(%run_scoped3A_248 : memref<!tpu.dma_semaphore, #tpu.memory_space<semaphore_mem>>) src(%dma_wait3A_271 : memref<128x128xf32, #tpu.memory_space<vmem>>) dst(%dma_wait3A_267 : memref<128x128xf32, #tpu.memory_space<vmem_shared>>)
      tpu.yield
    }) : () -> ()
    %mul3A_18 = arith.constant 640 : i32
    %mul3A_19 = arith.muli %arg1, %mul3A_18 : i32
    %add3A_20 = arith.constant 384 : i32
    %add3A_21 = arith.addi %mul3A_19, %add3A_20 : i32
    %run_scoped3A_22 = arith.constant 0 : i32
    "tpu.region"() ({
      %run_scoped3A_248 = tpu.sem_alloc : memref<!tpu.dma_semaphore, #tpu.memory_space<semaphore_mem>>
      %dma_start3A_249 = arith.constant 0 : i32
      %dma_start3A_250 = arith.constant 0 : i32
      %dma_start3A_251 = tpu.memref_slice %arg8[%run_scoped3A_22, %dma_start3A_249, %dma_start3A_250] : memref<2x128x128xf32, #tpu.memory_space<vmem>> -> memref<1x128x128xf32, #tpu.memory_space<vmem>>
      %dma_start3A_252 = tpu.memref_squeeze %dma_start3A_251 : memref<1x128x128xf32, #tpu.memory_space<vmem>> -> memref<128x128xf32, #tpu.memory_space<vmem>>
      %dma_start3A_253 = arith.constant 0 : i32
      %dma_start3A_254 = tpu.memref_slice %arg9[%add3A_21, %dma_start3A_253] : memref<10240x128xf32, #tpu.memory_space<vmem_shared>> -> memref<128x128xf32, #tpu.memory_space<vmem_shared>>
      %dma_start3A_255 = arith.constant 0 : i32
      %dma_start3A_256 = tpu.memref_slice %arg9[%add3A_21, %dma_start3A_255] : memref<10240x128xf32, #tpu.memory_space<vmem_shared>> -> memref<128x128xf32, #tpu.memory_space<vmem_shared>>
      %dma_start3A_257 = arith.constant 0 : i32
      %dma_start3A_258 = arith.constant 0 : i32
      %dma_start3A_259 = tpu.memref_slice %arg8[%run_scoped3A_22, %dma_start3A_257, %dma_start3A_258] : memref<2x128x128xf32, #tpu.memory_space<vmem>> -> memref<1x128x128xf32, #tpu.memory_space<vmem>>
      %dma_start3A_260 = tpu.memref_squeeze %dma_start3A_259 : memref<1x128x128xf32, #tpu.memory_space<vmem>> -> memref<128x128xf32, #tpu.memory_space<vmem>>
      tpu.enqueue_dma source(%dma_start3A_260 : memref<128x128xf32, #tpu.memory_space<vmem>>) target(%dma_start3A_256 : memref<128x128xf32, #tpu.memory_space<vmem_shared>>) target_semaphore(%run_scoped3A_248 : memref<!tpu.dma_semaphore, #tpu.memory_space<semaphore_mem>>)
      %dma_wait3A = arith.constant 0 : i32
      %dma_wait3A_261 = arith.constant 0 : i32
      %dma_wait3A_262 = tpu.memref_slice %arg8[%run_scoped3A_22, %dma_wait3A, %dma_wait3A_261] : memref<2x128x128xf32, #tpu.memory_space<vmem>> -> memref<1x128x128xf32, #tpu.memory_space<vmem>>
      %dma_wait3A_263 = tpu.memref_squeeze %dma_wait3A_262 : memref<1x128x128xf32, #tpu.memory_space<vmem>> -> memref<128x128xf32, #tpu.memory_space<vmem>>
      %dma_wait3A_264 = arith.constant 0 : i32
      %dma_wait3A_265 = tpu.memref_slice %arg9[%add3A_21, %dma_wait3A_264] : memref<10240x128xf32, #tpu.memory_space<vmem_shared>> -> memref<128x128xf32, #tpu.memory_space<vmem_shared>>
      %dma_wait3A_266 = arith.constant 0 : i32
      %dma_wait3A_267 = tpu.memref_slice %arg9[%add3A_21, %dma_wait3A_266] : memref<10240x128xf32, #tpu.memory_space<vmem_shared>> -> memref<128x128xf32, #tpu.memory_space<vmem_shared>>
      %dma_wait3A_268 = arith.constant 0 : i32
      %dma_wait3A_269 = arith.constant 0 : i32
      %dma_wait3A_270 = tpu.memref_slice %arg8[%run_scoped3A_22, %dma_wait3A_268, %dma_wait3A_269] : memref<2x128x128xf32, #tpu.memory_space<vmem>> -> memref<1x128x128xf32, #tpu.memory_space<vmem>>
      %dma_wait3A_271 = tpu.memref_squeeze %dma_wait3A_270 : memref<1x128x128xf32, #tpu.memory_space<vmem>> -> memref<128x128xf32, #tpu.memory_space<vmem>>
      tpu.wait_dma2 semaphore(%run_scoped3A_248 : memref<!tpu.dma_semaphore, #tpu.memory_space<semaphore_mem>>) src(%dma_wait3A_271 : memref<128x128xf32, #tpu.memory_space<vmem>>) dst(%dma_wait3A_267 : memref<128x128xf32, #tpu.memory_space<vmem_shared>>)
      tpu.yield
    }) : () -> ()
    %mul3A_23 = arith.constant 640 : i32
    %mul3A_24 = arith.muli %arg1, %mul3A_23 : i32
    %add3A_25 = arith.constant 512 : i32
    %add3A_26 = arith.addi %mul3A_24, %add3A_25 : i32
    %run_scoped3A_27 = arith.constant 0 : i32
    "tpu.region"() ({
      %run_scoped3A_248 = tpu.sem_alloc : memref<!tpu.dma_semaphore, #tpu.memory_space<semaphore_mem>>
      %dma_start3A_249 = arith.constant 0 : i32
      %dma_start3A_250 = arith.constant 0 : i32
      %dma_start3A_251 = tpu.memref_slice %arg8[%run_scoped3A_27, %dma_start3A_249, %dma_start3A_250] : memref<2x128x128xf32, #tpu.memory_space<vmem>> -> memref<1x128x128xf32, #tpu.memory_space<vmem>>
      %dma_start3A_252 = tpu.memref_squeeze %dma_start3A_251 : memref<1x128x128xf32, #tpu.memory_space<vmem>> -> memref<128x128xf32, #tpu.memory_space<vmem>>
      %dma_start3A_253 = arith.constant 0 : i32
      %dma_start3A_254 = tpu.memref_slice %arg9[%add3A_26, %dma_start3A_253] : memref<10240x128xf32, #tpu.memory_space<vmem_shared>> -> memref<128x128xf32, #tpu.memory_space<vmem_shared>>
      %dma_start3A_255 = arith.constant 0 : i32
      %dma_start3A_256 = tpu.memref_slice %arg9[%add3A_26, %dma_start3A_255] : memref<10240x128xf32, #tpu.memory_space<vmem_shared>> -> memref<128x128xf32, #tpu.memory_space<vmem_shared>>
      %dma_start3A_257 = arith.constant 0 : i32
      %dma_start3A_258 = arith.constant 0 : i32
      %dma_start3A_259 = tpu.memref_slice %arg8[%run_scoped3A_27, %dma_start3A_257, %dma_start3A_258] : memref<2x128x128xf32, #tpu.memory_space<vmem>> -> memref<1x128x128xf32, #tpu.memory_space<vmem>>
      %dma_start3A_260 = tpu.memref_squeeze %dma_start3A_259 : memref<1x128x128xf32, #tpu.memory_space<vmem>> -> memref<128x128xf32, #tpu.memory_space<vmem>>
      tpu.enqueue_dma source(%dma_start3A_260 : memref<128x128xf32, #tpu.memory_space<vmem>>) target(%dma_start3A_256 : memref<128x128xf32, #tpu.memory_space<vmem_shared>>) target_semaphore(%run_scoped3A_248 : memref<!tpu.dma_semaphore, #tpu.memory_space<semaphore_mem>>)
      %dma_wait3A = arith.constant 0 : i32
      %dma_wait3A_261 = arith.constant 0 : i32
      %dma_wait3A_262 = tpu.memref_slice %arg8[%run_scoped3A_27, %dma_wait3A, %dma_wait3A_261] : memref<2x128x128xf32, #tpu.memory_space<vmem>> -> memref<1x128x128xf32, #tpu.memory_space<vmem>>
      %dma_wait3A_263 = tpu.memref_squeeze %dma_wait3A_262 : memref<1x128x128xf32, #tpu.memory_space<vmem>> -> memref<128x128xf32, #tpu.memory_space<vmem>>
      %dma_wait3A_264 = arith.constant 0 : i32
      %dma_wait3A_265 = tpu.memref_slice %arg9[%add3A_26, %dma_wait3A_264] : memref<10240x128xf32, #tpu.memory_space<vmem_shared>> -> memref<128x128xf32, #tpu.memory_space<vmem_shared>>
      %dma_wait3A_266 = arith.constant 0 : i32
      %dma_wait3A_267 = tpu.memref_slice %arg9[%add3A_26, %dma_wait3A_266] : memref<10240x128xf32, #tpu.memory_space<vmem_shared>> -> memref<128x128xf32, #tpu.memory_space<vmem_shared>>
      %dma_wait3A_268 = arith.constant 0 : i32
      %dma_wait3A_269 = arith.constant 0 : i32
      %dma_wait3A_270 = tpu.memref_slice %arg8[%run_scoped3A_27, %dma_wait3A_268, %dma_wait3A_269] : memref<2x128x128xf32, #tpu.memory_space<vmem>> -> memref<1x128x128xf32, #tpu.memory_space<vmem>>
      %dma_wait3A_271 = tpu.memref_squeeze %dma_wait3A_270 : memref<1x128x128xf32, #tpu.memory_space<vmem>> -> memref<128x128xf32, #tpu.memory_space<vmem>>
      tpu.wait_dma2 semaphore(%run_scoped3A_248 : memref<!tpu.dma_semaphore, #tpu.memory_space<semaphore_mem>>) src(%dma_wait3A_271 : memref<128x128xf32, #tpu.memory_space<vmem>>) dst(%dma_wait3A_267 : memref<128x128xf32, #tpu.memory_space<vmem_shared>>)
      tpu.yield
    }) : () -> ()
    %get3A = arith.constant 0 : i32
    %get3A_28 = arith.index_cast %get3A : i32 to index
    %get3A_29 = arith.constant 0 : index
    %get3A_30 = tpu.vector_load %arg5[%get3A_28, %get3A_29] {strides = array<i32>} : memref<80x128xi32, #tpu.memory_space<vmem>>, vector<1x16xi32>,
    %get3A_31 = vector.shape_cast %get3A_30 : vector<1x16xi32> to vector<16xi32>
    %shift_right_arithmetic3A = arith.constant 15 : i32
    %shift_right_arithmetic3A_32 = vector.broadcast %shift_right_arithmetic3A : i32 to vector<16xi32>
    %shift_right_arithmetic3A_33 = arith.shrsi %get3A_31, %shift_right_arithmetic3A_32 : vector<16xi32>
    %add3A_34 = vector.broadcast %arg0 : i32 to vector<16xi32>
    %add3A_35 = arith.addi %shift_right_arithmetic3A_33, %add3A_34 : vector<16xi32>
    %swap3A = arith.constant 0 : i32
    %swap3A_36 = arith.index_cast %swap3A : i32 to index
    %swap3A_37 = arith.constant 0 : index
    %swap3A_38 = tpu.vector_load %arg6[%swap3A_36, %swap3A_37] {strides = array<i32>} : memref<2x128xi32, #tpu.memory_space<vmem>>, vector<1x16xi32>,
    %swap3A_39 = vector.shape_cast %swap3A_38 : vector<1x16xi32> to vector<16xi32>
    %swap3A_40 = vector.shape_cast %add3A_35 : vector<16xi32> to vector<1x16xi32>
    tpu.vector_store %arg6[%swap3A_36, %swap3A_37], %swap3A_40 {strides = array<i32>} : memref<2x128xi32, #tpu.memory_space<vmem>>, vector<1x16xi32>,
    %and3A = arith.constant 32767 : i32
    %and3A_41 = vector.broadcast %and3A : i32 to vector<16xi32>
    %and3A_42 = arith.andi %get3A_31, %and3A_41 : vector<16xi32>
    %swap3A_43 = arith.constant 0 : i32
    %swap3A_44 = arith.index_cast %swap3A_43 : i32 to index
    %swap3A_45 = arith.constant 0 : index
    %swap3A_46 = tpu.vector_load %arg7[%swap3A_44, %swap3A_45] {strides = array<i32>} : memref<2x128xi32, #tpu.memory_space<vmem>>, vector<1x16xi32>,
    %swap3A_47 = vector.shape_cast %swap3A_46 : vector<1x16xi32> to vector<16xi32>
    %swap3A_48 = vector.shape_cast %and3A_42 : vector<16xi32> to vector<1x16xi32>
    tpu.vector_store %arg7[%swap3A_44, %swap3A_45], %swap3A_48 {strides = array<i32>} : memref<2x128xi32, #tpu.memory_space<vmem>>, vector<1x16xi32>,
    %get3A_49 = arith.constant 0 : i32
    %get3A_50 = arith.index_cast %get3A_49 : i32 to index
    %get3A_51 = arith.constant 16 : index
    %get3A_52 = tpu.vector_load %arg5[%get3A_50, %get3A_51] {strides = array<i32>} : memref<80x128xi32, #tpu.memory_space<vmem>>, vector<1x16xi32>,
    %get3A_53 = vector.shape_cast %get3A_52 : vector<1x16xi32> to vector<16xi32>
    %shift_right_arithmetic3A_54 = arith.constant 15 : i32
    %shift_right_arithmetic3A_55 = vector.broadcast %shift_right_arithmetic3A_54 : i32 to vector<16xi32>
    %shift_right_arithmetic3A_56 = arith.shrsi %get3A_53, %shift_right_arithmetic3A_55 : vector<16xi32>
    %add3A_57 = vector.broadcast %arg0 : i32 to vector<16xi32>
    %add3A_58 = arith.addi %shift_right_arithmetic3A_56, %add3A_57 : vector<16xi32>
    %swap3A_59 = arith.constant 0 : i32
    %swap3A_60 = arith.index_cast %swap3A_59 : i32 to index
    %swap3A_61 = arith.constant 16 : index
    %swap3A_62 = tpu.vector_load %arg6[%swap3A_60, %swap3A_61] {strides = array<i32>} : memref<2x128xi32, #tpu.memory_space<vmem>>, vector<1x16xi32>,
    %swap3A_63 = vector.shape_cast %swap3A_62 : vector<1x16xi32> to vector<16xi32>
    %swap3A_64 = vector.shape_cast %add3A_58 : vector<16xi32> to vector<1x16xi32>
    tpu.vector_store %arg6[%swap3A_60, %swap3A_61], %swap3A_64 {strides = array<i32>} : memref<2x128xi32, #tpu.memory_space<vmem>>, vector<1x16xi32>,
    %and3A_65 = arith.constant 32767 : i32
    %and3A_66 = vector.broadcast %and3A_65 : i32 to vector<16xi32>
    %and3A_67 = arith.andi %get3A_53, %and3A_66 : vector<16xi32>
    %swap3A_68 = arith.constant 0 : i32
    %swap3A_69 = arith.index_cast %swap3A_68 : i32 to index
    %swap3A_70 = arith.constant 16 : index
    %swap3A_71 = tpu.vector_load %arg7[%swap3A_69, %swap3A_70] {strides = array<i32>} : memref<2x128xi32, #tpu.memory_space<vmem>>, vector<1x16xi32>,
    %swap3A_72 = vector.shape_cast %swap3A_71 : vector<1x16xi32> to vector<16xi32>
    %swap3A_73 = vector.shape_cast %and3A_67 : vector<16xi32> to vector<1x16xi32>
    tpu.vector_store %arg7[%swap3A_69, %swap3A_70], %swap3A_73 {strides = array<i32>} : memref<2x128xi32, #tpu.memory_space<vmem>>, vector<1x16xi32>,
    %get3A_74 = arith.constant 0 : i32
    %get3A_75 = arith.index_cast %get3A_74 : i32 to index
    %get3A_76 = arith.constant 32 : index
    %get3A_77 = tpu.vector_load %arg5[%get3A_75, %get3A_76] {strides = array<i32>} : memref<80x128xi32, #tpu.memory_space<vmem>>, vector<1x16xi32>,
    %get3A_78 = vector.shape_cast %get3A_77 : vector<1x16xi32> to vector<16xi32>
    %shift_right_arithmetic3A_79 = arith.constant 15 : i32
    %shift_right_arithmetic3A_80 = vector.broadcast %shift_right_arithmetic3A_79 : i32 to vector<16xi32>
    %shift_right_arithmetic3A_81 = arith.shrsi %get3A_78, %shift_right_arithmetic3A_80 : vector<16xi32>
    %add3A_82 = vector.broadcast %arg0 : i32 to vector<16xi32>
    %add3A_83 = arith.addi %shift_right_arithmetic3A_81, %add3A_82 : vector<16xi32>
    %swap3A_84 = arith.constant 0 : i32
    %swap3A_85 = arith.index_cast %swap3A_84 : i32 to index
    %swap3A_86 = arith.constant 32 : index
    %swap3A_87 = tpu.vector_load %arg6[%swap3A_85, %swap3A_86] {strides = array<i32>} : memref<2x128xi32, #tpu.memory_space<vmem>>, vector<1x16xi32>,
    %swap3A_88 = vector.shape_cast %swap3A_87 : vector<1x16xi32> to vector<16xi32>
    %swap3A_89 = vector.shape_cast %add3A_83 : vector<16xi32> to vector<1x16xi32>
    tpu.vector_store %arg6[%swap3A_85, %swap3A_86], %swap3A_89 {strides = array<i32>} : memref<2x128xi32, #tpu.memory_space<vmem>>, vector<1x16xi32>,
    %and3A_90 = arith.constant 32767 : i32
    %and3A_91 = vector.broadcast %and3A_90 : i32 to vector<16xi32>
    %and3A_92 = arith.andi %get3A_78, %and3A_91 : vector<16xi32>
    %swap3A_93 = arith.constant 0 : i32
    %swap3A_94 = arith.index_cast %swap3A_93 : i32 to index
    %swap3A_95 = arith.constant 32 : index
    %swap3A_96 = tpu.vector_load %arg7[%swap3A_94, %swap3A_95] {strides = array<i32>} : memref<2x128xi32, #tpu.memory_space<vmem>>, vector<1x16xi32>,
    %swap3A_97 = vector.shape_cast %swap3A_96 : vector<1x16xi32> to vector<16xi32>
    %swap3A_98 = vector.shape_cast %and3A_92 : vector<16xi32> to vector<1x16xi32>
    tpu.vector_store %arg7[%swap3A_94, %swap3A_95], %swap3A_98 {strides = array<i32>} : memref<2x128xi32, #tpu.memory_space<vmem>>, vector<1x16xi32>,
    %get3A_99 = arith.constant 0 : i32
    %get3A_100 = arith.index_cast %get3A_99 : i32 to index
    %get3A_101 = arith.constant 48 : index
    %get3A_102 = tpu.vector_load %arg5[%get3A_100, %get3A_101] {strides = array<i32>} : memref<80x128xi32, #tpu.memory_space<vmem>>, vector<1x16xi32>,
    %get3A_103 = vector.shape_cast %get3A_102 : vector<1x16xi32> to vector<16xi32>
    %shift_right_arithmetic3A_104 = arith.constant 15 : i32
    %shift_right_arithmetic3A_105 = vector.broadcast %shift_right_arithmetic3A_104 : i32 to vector<16xi32>
    %shift_right_arithmetic3A_106 = arith.shrsi %get3A_103, %shift_right_arithmetic3A_105 : vector<16xi32>
    %add3A_107 = vector.broadcast %arg0 : i32 to vector<16xi32>
    %add3A_108 = arith.addi %shift_right_arithmetic3A_106, %add3A_107 : vector<16xi32>
    %swap3A_109 = arith.constant 0 : i32
    %swap3A_110 = arith.index_cast %swap3A_109 : i32 to index
    %swap3A_111 = arith.constant 48 : index
    %swap3A_112 = tpu.vector_load %arg6[%swap3A_110, %swap3A_111] {strides = array<i32>} : memref<2x128xi32, #tpu.memory_space<vmem>>, vector<1x16xi32>,
    %swap3A_113 = vector.shape_cast %swap3A_112 : vector<1x16xi32> to vector<16xi32>
    %swap3A_114 = vector.shape_cast %add3A_108 : vector<16xi32> to vector<1x16xi32>
    tpu.vector_store %arg6[%swap3A_110, %swap3A_111], %swap3A_114 {strides = array<i32>} : memref<2x128xi32, #tpu.memory_space<vmem>>, vector<1x16xi32>,
    %and3A_115 = arith.constant 32767 : i32
    %and3A_116 = vector.broadcast %and3A_115 : i32 to vector<16xi32>
    %and3A_117 = arith.andi %get3A_103, %and3A_116 : vector<16xi32>
    %swap3A_118 = arith.constant 0 : i32
    %swap3A_119 = arith.index_cast %swap3A_118 : i32 to index
    %swap3A_120 = arith.constant 48 : index
    %swap3A_121 = tpu.vector_load %arg7[%swap3A_119, %swap3A_120] {strides = array<i32>} : memref<2x128xi32, #tpu.memory_space<vmem>>, vector<1x16xi32>,
    %swap3A_122 = vector.shape_cast %swap3A_121 : vector<1x16xi32> to vector<16xi32>
    %swap3A_123 = vector.shape_cast %and3A_117 : vector<16xi32> to vector<1x16xi32>
    tpu.vector_store %arg7[%swap3A_119, %swap3A_120], %swap3A_123 {strides = array<i32>} : memref<2x128xi32, #tpu.memory_space<vmem>>, vector<1x16xi32>,
    %get3A_124 = arith.constant 0 : i32
    %get3A_125 = arith.index_cast %get3A_124 : i32 to index
    %get3A_126 = arith.constant 64 : index
    %get3A_127 = tpu.vector_load %arg5[%get3A_125, %get3A_126] {strides = array<i32>} : memref<80x128xi32, #tpu.memory_space<vmem>>, vector<1x16xi32>,
    %get3A_128 = vector.shape_cast %get3A_127 : vector<1x16xi32> to vector<16xi32>
    %shift_right_arithmetic3A_129 = arith.constant 15 : i32
    %shift_right_arithmetic3A_130 = vector.broadcast %shift_right_arithmetic3A_129 : i32 to vector<16xi32>
    %shift_right_arithmetic3A_131 = arith.shrsi %get3A_128, %shift_right_arithmetic3A_130 : vector<16xi32>
    %add3A_132 = vector.broadcast %arg0 : i32 to vector<16xi32>
    %add3A_133 = arith.addi %shift_right_arithmetic3A_131, %add3A_132 : vector<16xi32>
    %swap3A_134 = arith.constant 0 : i32
    %swap3A_135 = arith.index_cast %swap3A_134 : i32 to index
    %swap3A_136 = arith.constant 64 : index
    %swap3A_137 = tpu.vector_load %arg6[%swap3A_135, %swap3A_136] {strides = array<i32>} : memref<2x128xi32, #tpu.memory_space<vmem>>, vector<1x16xi32>,
    %swap3A_138 = vector.shape_cast %swap3A_137 : vector<1x16xi32> to vector<16xi32>
    %swap3A_139 = vector.shape_cast %add3A_133 : vector<16xi32> to vector<1x16xi32>
    tpu.vector_store %arg6[%swap3A_135, %swap3A_136], %swap3A_139 {strides = array<i32>} : memref<2x128xi32, #tpu.memory_space<vmem>>, vector<1x16xi32>,
    %and3A_140 = arith.constant 32767 : i32
    %and3A_141 = vector.broadcast %and3A_140 : i32 to vector<16xi32>
    %and3A_142 = arith.andi %get3A_128, %and3A_141 : vector<16xi32>
    %swap3A_143 = arith.constant 0 : i32
    %swap3A_144 = arith.index_cast %swap3A_143 : i32 to index
    %swap3A_145 = arith.constant 64 : index
    %swap3A_146 = tpu.vector_load %arg7[%swap3A_144, %swap3A_145] {strides = array<i32>} : memref<2x128xi32, #tpu.memory_space<vmem>>, vector<1x16xi32>,
    %swap3A_147 = vector.shape_cast %swap3A_146 : vector<1x16xi32> to vector<16xi32>
    %swap3A_148 = vector.shape_cast %and3A_142 : vector<16xi32> to vector<1x16xi32>
    tpu.vector_store %arg7[%swap3A_144, %swap3A_145], %swap3A_148 {strides = array<i32>} : memref<2x128xi32, #tpu.memory_space<vmem>>, vector<1x16xi32>,
    %get3A_149 = arith.constant 0 : i32
    %get3A_150 = arith.index_cast %get3A_149 : i32 to index
    %get3A_151 = arith.constant 80 : index
    %get3A_152 = tpu.vector_load %arg5[%get3A_150, %get3A_151] {strides = array<i32>} : memref<80x128xi32, #tpu.memory_space<vmem>>, vector<1x16xi32>,
    %get3A_153 = vector.shape_cast %get3A_152 : vector<1x16xi32> to vector<16xi32>
    %shift_right_arithmetic3A_154 = arith.constant 15 : i32
    %shift_right_arithmetic3A_155 = vector.broadcast %shift_right_arithmetic3A_154 : i32 to vector<16xi32>
    %shift_right_arithmetic3A_156 = arith.shrsi %get3A_153, %shift_right_arithmetic3A_155 : vector<16xi32>
    %add3A_157 = vector.broadcast %arg0 : i32 to vector<16xi32>
    %add3A_158 = arith.addi %shift_right_arithmetic3A_156, %add3A_157 : vector<16xi32>
    %swap3A_159 = arith.constant 0 : i32
    %swap3A_160 = arith.index_cast %swap3A_159 : i32 to index
    %swap3A_161 = arith.constant 80 : index
    %swap3A_162 = tpu.vector_load %arg6[%swap3A_160, %swap3A_161] {strides = array<i32>} : memref<2x128xi32, #tpu.memory_space<vmem>>, vector<1x16xi32>,
    %swap3A_163 = vector.shape_cast %swap3A_162 : vector<1x16xi32> to vector<16xi32>
    %swap3A_164 = vector.shape_cast %add3A_158 : vector<16xi32> to vector<1x16xi32>
    tpu.vector_store %arg6[%swap3A_160, %swap3A_161], %swap3A_164 {strides = array<i32>} : memref<2x128xi32, #tpu.memory_space<vmem>>, vector<1x16xi32>,
    %and3A_165 = arith.constant 32767 : i32
    %and3A_166 = vector.broadcast %and3A_165 : i32 to vector<16xi32>
    %and3A_167 = arith.andi %get3A_153, %and3A_166 : vector<16xi32>
    %swap3A_168 = arith.constant 0 : i32
    %swap3A_169 = arith.index_cast %swap3A_168 : i32 to index
    %swap3A_170 = arith.constant 80 : index
    %swap3A_171 = tpu.vector_load %arg7[%swap3A_169, %swap3A_170] {strides = array<i32>} : memref<2x128xi32, #tpu.memory_space<vmem>>, vector<1x16xi32>,
    %swap3A_172 = vector.shape_cast %swap3A_171 : vector<1x16xi32> to vector<16xi32>
    %swap3A_173 = vector.shape_cast %and3A_167 : vector<16xi32> to vector<1x16xi32>
    tpu.vector_store %arg7[%swap3A_169, %swap3A_170], %swap3A_173 {strides = array<i32>} : memref<2x128xi32, #tpu.memory_space<vmem>>, vector<1x16xi32>,
    %get3A_174 = arith.constant 0 : i32
    %get3A_175 = arith.index_cast %get3A_174 : i32 to index
    %get3A_176 = arith.constant 96 : index
    %get3A_177 = tpu.vector_load %arg5[%get3A_175, %get3A_176] {strides = array<i32>} : memref<80x128xi32, #tpu.memory_space<vmem>>, vector<1x16xi32>,
    %get3A_178 = vector.shape_cast %get3A_177 : vector<1x16xi32> to vector<16xi32>
    %shift_right_arithmetic3A_179 = arith.constant 15 : i32
    %shift_right_arithmetic3A_180 = vector.broadcast %shift_right_arithmetic3A_179 : i32 to vector<16xi32>
    %shift_right_arithmetic3A_181 = arith.shrsi %get3A_178, %shift_right_arithmetic3A_180 : vector<16xi32>
    %add3A_182 = vector.broadcast %arg0 : i32 to vector<16xi32>
    %add3A_183 = arith.addi %shift_right_arithmetic3A_181, %add3A_182 : vector<16xi32>
    %swap3A_184 = arith.constant 0 : i32
    %swap3A_185 = arith.index_cast %swap3A_184 : i32 to index
    %swap3A_186 = arith.constant 96 : index
    %swap3A_187 = tpu.vector_load %arg6[%swap3A_185, %swap3A_186] {strides = array<i32>} : memref<2x128xi32, #tpu.memory_space<vmem>>, vector<1x16xi32>,
    %swap3A_188 = vector.shape_cast %swap3A_187 : vector<1x16xi32> to vector<16xi32>
    %swap3A_189 = vector.shape_cast %add3A_183 : vector<16xi32> to vector<1x16xi32>
    tpu.vector_store %arg6[%swap3A_185, %swap3A_186], %swap3A_189 {strides = array<i32>} : memref<2x128xi32, #tpu.memory_space<vmem>>, vector<1x16xi32>,
    %and3A_190 = arith.constant 32767 : i32
    %and3A_191 = vector.broadcast %and3A_190 : i32 to vector<16xi32>
    %and3A_192 = arith.andi %get3A_178, %and3A_191 : vector<16xi32>
    %swap3A_193 = arith.constant 0 : i32
    %swap3A_194 = arith.index_cast %swap3A_193 : i32 to index
    %swap3A_195 = arith.constant 96 : index
    %swap3A_196 = tpu.vector_load %arg7[%swap3A_194, %swap3A_195] {strides = array<i32>} : memref<2x128xi32, #tpu.memory_space<vmem>>, vector<1x16xi32>,
    %swap3A_197 = vector.shape_cast %swap3A_196 : vector<1x16xi32> to vector<16xi32>
    %swap3A_198 = vector.shape_cast %and3A_192 : vector<16xi32> to vector<1x16xi32>
    tpu.vector_store %arg7[%swap3A_194, %swap3A_195], %swap3A_198 {strides = array<i32>} : memref<2x128xi32, #tpu.memory_space<vmem>>, vector<1x16xi32>,
    %get3A_199 = arith.constant 0 : i32
    %get3A_200 = arith.index_cast %get3A_199 : i32 to index
    %get3A_201 = arith.constant 112 : index
    %get3A_202 = tpu.vector_load %arg5[%get3A_200, %get3A_201] {strides = array<i32>} : memref<80x128xi32, #tpu.memory_space<vmem>>, vector<1x16xi32>,
    %get3A_203 = vector.shape_cast %get3A_202 : vector<1x16xi32> to vector<16xi32>
    %shift_right_arithmetic3A_204 = arith.constant 15 : i32
    %shift_right_arithmetic3A_205 = vector.broadcast %shift_right_arithmetic3A_204 : i32 to vector<16xi32>
    %shift_right_arithmetic3A_206 = arith.shrsi %get3A_203, %shift_right_arithmetic3A_205 : vector<16xi32>
    %add3A_207 = vector.broadcast %arg0 : i32 to vector<16xi32>
    %add3A_208 = arith.addi %shift_right_arithmetic3A_206, %add3A_207 : vector<16xi32>
    %swap3A_209 = arith.constant 0 : i32
    %swap3A_210 = arith.index_cast %swap3A_209 : i32 to index
    %swap3A_211 = arith.constant 112 : index
    %swap3A_212 = tpu.vector_load %arg6[%swap3A_210, %swap3A_211] {strides = array<i32>} : memref<2x128xi32, #tpu.memory_space<vmem>>, vector<1x16xi32>,
    %swap3A_213 = vector.shape_cast %swap3A_212 : vector<1x16xi32> to vector<16xi32>
    %swap3A_214 = vector.shape_cast %add3A_208 : vector<16xi32> to vector<1x16xi32>
    tpu.vector_store %arg6[%swap3A_210, %swap3A_211], %swap3A_214 {strides = array<i32>} : memref<2x128xi32, #tpu.memory_space<vmem>>, vector<1x16xi32>,
    %and3A_215 = arith.constant 32767 : i32
    %and3A_216 = vector.broadcast %and3A_215 : i32 to vector<16xi32>
    %and3A_217 = arith.andi %get3A_203, %and3A_216 : vector<16xi32>
    %swap3A_218 = arith.constant 0 : i32
    %swap3A_219 = arith.index_cast %swap3A_218 : i32 to index
    %swap3A_220 = arith.constant 112 : index
    %swap3A_221 = tpu.vector_load %arg7[%swap3A_219, %swap3A_220] {strides = array<i32>} : memref<2x128xi32, #tpu.memory_space<vmem>>, vector<1x16xi32>,
    %swap3A_222 = vector.shape_cast %swap3A_221 : vector<1x16xi32> to vector<16xi32>
    %swap3A_223 = vector.shape_cast %and3A_217 : vector<16xi32> to vector<1x16xi32>
    tpu.vector_store %arg7[%swap3A_219, %swap3A_220], %swap3A_223 {strides = array<i32>} : memref<2x128xi32, #tpu.memory_space<vmem>>, vector<1x16xi32>,
    %dma_start3A = arith.constant 0 : i32
    %dma_start3A_224 = arith.constant 0 : i32
    %dma_start3A_225 = arith.constant 0 : i32
    %dma_start3A_226 = arith.constant 0 : i32
    %dma_start3A_227 = arith.constant 0 : i32
    %dma_start3A_228 = tpu.memref_slice %arg8[%dma_start3A_224, %dma_start3A_226, %dma_start3A_227] : memref<2x128x128xf32, #tpu.memory_space<vmem>> -> memref<1x128x128xf32, #tpu.memory_space<vmem>>
    %dma_start3A_229 = tpu.memref_squeeze %dma_start3A_228 : memref<1x128x128xf32, #tpu.memory_space<vmem>> -> memref<128x128xf32, #tpu.memory_space<vmem>>
    %dma_start3A_230 = arith.constant 0 : i32
    %dma_start3A_231 = tpu.memref_slice %arg6[%dma_start3A, %dma_start3A_230] : memref<2x128xi32, #tpu.memory_space<vmem>> -> memref<1x128xi32, #tpu.memory_space<vmem>>
    %dma_start3A_232 = tpu.memref_squeeze %dma_start3A_231 : memref<1x128xi32, #tpu.memory_space<vmem>> -> memref<128xi32, #tpu.memory_space<vmem>>
    %dma_start3A_233 = arith.constant 0 : i32
    %dma_start3A_234 = arith.constant 0 : i32
    %dma_start3A_235 = tpu.memref_slice %arg2[%dma_start3A_233, %dma_start3A_234] : memref<20000x128xf32, #tpu.memory_space<hbm>> -> memref<20000x128xf32, #tpu.memory_space<hbm>>
    %dma_start3A_236 = tpu.memref_slice %arg10[%dma_start3A_225] : memref<2x!tpu.dma_semaphore, #tpu.memory_space<semaphore_mem>> -> memref<1x!tpu.dma_semaphore, #tpu.memory_space<semaphore_mem>>
    %dma_start3A_237 = tpu.memref_squeeze %dma_start3A_236 : memref<1x!tpu.dma_semaphore, #tpu.memory_space<semaphore_mem>> -> memref<!tpu.dma_semaphore, #tpu.memory_space<semaphore_mem>>
    tpu.enqueue_indirect_dma source(%dma_start3A_235 : memref<20000x128xf32, #tpu.memory_space<hbm>>) target(%dma_start3A_229 : memref<128x128xf32, #tpu.memory_space<vmem>>) offsets(%dma_start3A_232 : memref<128xi32, #tpu.memory_space<vmem>>) semaphore(%dma_start3A_237 : memref<!tpu.dma_semaphore, #tpu.memory_space<semaphore_mem>>)
    %barrier3A = arith.constant 0 : index
    tpu.barrier barrier_id(%barrier3A)
    %scan3A_238 = arith.constant 0 : i32
    %scan3A_239 = arith.constant 40 : i32
    %scan3A_240 = arith.addi %scan3A_238, %scan3A_239 : i32
    %scan3A_241 = arith.constant 1 : i32
    scf.for %scan3A_248 = %scan3A_238 to %scan3A_240 step %scan3A_241  : i32 {
      %mul3A_249 = arith.constant 2 : i32
      %mul3A_250 = arith.muli %scan3A_248, %mul3A_249 : i32
      %add3A_251 = arith.constant 0 : i32
      %add3A_252 = arith.addi %add3A_251, %mul3A_250 : i32
      %add3A_253 = arith.constant 1 : i32
      %add3A_254 = arith.addi %add3A_252, %add3A_253 : i32
      %get3A_255 = arith.index_cast %add3A_254 : i32 to index
      %get3A_256 = arith.constant 0 : index
      %get3A_257 = tpu.vector_load %arg5[%get3A_255, %get3A_256] {strides = array<i32>} : memref<80x128xi32, #tpu.memory_space<vmem>>, vector<1x16xi32>,
      %get3A_258 = vector.shape_cast %get3A_257 : vector<1x16xi32> to vector<16xi32>
      %shift_right_arithmetic3A_259 = arith.constant 15 : i32
      %shift_right_arithmetic3A_260 = vector.broadcast %shift_right_arithmetic3A_259 : i32 to vector<16xi32>
      %shift_right_arithmetic3A_261 = arith.shrsi %get3A_258, %shift_right_arithmetic3A_260 : vector<16xi32>
      %add3A_262 = vector.broadcast %arg0 : i32 to vector<16xi32>
      %add3A_263 = arith.addi %shift_right_arithmetic3A_261, %add3A_262 : vector<16xi32>
      %swap3A_264 = arith.constant 1 : i32
      %swap3A_265 = arith.index_cast %swap3A_264 : i32 to index
      %swap3A_266 = arith.constant 0 : index
      %swap3A_267 = tpu.vector_load %arg6[%swap3A_265, %swap3A_266] {strides = array<i32>} : memref<2x128xi32, #tpu.memory_space<vmem>>, vector<1x16xi32>,
      %swap3A_268 = vector.shape_cast %swap3A_267 : vector<1x16xi32> to vector<16xi32>
      %swap3A_269 = vector.shape_cast %add3A_263 : vector<16xi32> to vector<1x16xi32>
      tpu.vector_store %arg6[%swap3A_265, %swap3A_266], %swap3A_269 {strides = array<i32>} : memref<2x128xi32, #tpu.memory_space<vmem>>, vector<1x16xi32>,
      %and3A_270 = arith.constant 32767 : i32
      %and3A_271 = vector.broadcast %and3A_270 : i32 to vector<16xi32>
      %and3A_272 = arith.andi %get3A_258, %and3A_271 : vector<16xi32>
      %swap3A_273 = arith.constant 1 : i32
      %swap3A_274 = arith.index_cast %swap3A_273 : i32 to index
      %swap3A_275 = arith.constant 0 : index
      %swap3A_276 = tpu.vector_load %arg7[%swap3A_274, %swap3A_275] {strides = array<i32>} : memref<2x128xi32, #tpu.memory_space<vmem>>, vector<1x16xi32>,
      %swap3A_277 = vector.shape_cast %swap3A_276 : vector<1x16xi32> to vector<16xi32>
      %swap3A_278 = vector.shape_cast %and3A_272 : vector<16xi32> to vector<1x16xi32>
      tpu.vector_store %arg7[%swap3A_274, %swap3A_275], %swap3A_278 {strides = array<i32>} : memref<2x128xi32, #tpu.memory_space<vmem>>, vector<1x16xi32>,
      %get3A_279 = arith.index_cast %add3A_254 : i32 to index
      %get3A_280 = arith.constant 16 : index
      %get3A_281 = tpu.vector_load %arg5[%get3A_279, %get3A_280] {strides = array<i32>} : memref<80x128xi32, #tpu.memory_space<vmem>>, vector<1x16xi32>,
      %get3A_282 = vector.shape_cast %get3A_281 : vector<1x16xi32> to vector<16xi32>
      %shift_right_arithmetic3A_283 = arith.constant 15 : i32
      %shift_right_arithmetic3A_284 = vector.broadcast %shift_right_arithmetic3A_283 : i32 to vector<16xi32>
      %shift_right_arithmetic3A_285 = arith.shrsi %get3A_282, %shift_right_arithmetic3A_284 : vector<16xi32>
      %add3A_286 = vector.broadcast %arg0 : i32 to vector<16xi32>
      %add3A_287 = arith.addi %shift_right_arithmetic3A_285, %add3A_286 : vector<16xi32>
      %swap3A_288 = arith.constant 1 : i32
      %swap3A_289 = arith.index_cast %swap3A_288 : i32 to index
      %swap3A_290 = arith.constant 16 : index
      %swap3A_291 = tpu.vector_load %arg6[%swap3A_289, %swap3A_290] {strides = array<i32>} : memref<2x128xi32, #tpu.memory_space<vmem>>, vector<1x16xi32>,
      %swap3A_292 = vector.shape_cast %swap3A_291 : vector<1x16xi32> to vector<16xi32>
      %swap3A_293 = vector.shape_cast %add3A_287 : vector<16xi32> to vector<1x16xi32>
      tpu.vector_store %arg6[%swap3A_289, %swap3A_290], %swap3A_293 {strides = array<i32>} : memref<2x128xi32, #tpu.memory_space<vmem>>, vector<1x16xi32>,
      %and3A_294 = arith.constant 32767 : i32
      %and3A_295 = vector.broadcast %and3A_294 : i32 to vector<16xi32>
      %and3A_296 = arith.andi %get3A_282, %and3A_295 : vector<16xi32>
      %swap3A_297 = arith.constant 1 : i32
      %swap3A_298 = arith.index_cast %swap3A_297 : i32 to index
      %swap3A_299 = arith.constant 16 : index
      %swap3A_300 = tpu.vector_load %arg7[%swap3A_298, %swap3A_299] {strides = array<i32>} : memref<2x128xi32, #tpu.memory_space<vmem>>, vector<1x16xi32>,
      %swap3A_301 = vector.shape_cast %swap3A_300 : vector<1x16xi32> to vector<16xi32>
      %swap3A_302 = vector.shape_cast %and3A_296 : vector<16xi32> to vector<1x16xi32>
      tpu.vector_store %arg7[%swap3A_298, %swap3A_299], %swap3A_302 {strides = array<i32>} : memref<2x128xi32, #tpu.memory_space<vmem>>, vector<1x16xi32>,
      %get3A_303 = arith.index_cast %add3A_254 : i32 to index
      %get3A_304 = arith.constant 32 : index
      %get3A_305 = tpu.vector_load %arg5[%get3A_303, %get3A_304] {strides = array<i32>} : memref<80x128xi32, #tpu.memory_space<vmem>>, vector<1x16xi32>,
      %get3A_306 = vector.shape_cast %get3A_305 : vector<1x16xi32> to vector<16xi32>
      %shift_right_arithmetic3A_307 = arith.constant 15 : i32
      %shift_right_arithmetic3A_308 = vector.broadcast %shift_right_arithmetic3A_307 : i32 to vector<16xi32>
      %shift_right_arithmetic3A_309 = arith.shrsi %get3A_306, %shift_right_arithmetic3A_308 : vector<16xi32>
      %add3A_310 = vector.broadcast %arg0 : i32 to vector<16xi32>
      %add3A_311 = arith.addi %shift_right_arithmetic3A_309, %add3A_310 : vector<16xi32>
      %swap3A_312 = arith.constant 1 : i32
      %swap3A_313 = arith.index_cast %swap3A_312 : i32 to index
      %swap3A_314 = arith.constant 32 : index
      %swap3A_315 = tpu.vector_load %arg6[%swap3A_313, %swap3A_314] {strides = array<i32>} : memref<2x128xi32, #tpu.memory_space<vmem>>, vector<1x16xi32>,
      %swap3A_316 = vector.shape_cast %swap3A_315 : vector<1x16xi32> to vector<16xi32>
      %swap3A_317 = vector.shape_cast %add3A_311 : vector<16xi32> to vector<1x16xi32>
      tpu.vector_store %arg6[%swap3A_313, %swap3A_314], %swap3A_317 {strides = array<i32>} : memref<2x128xi32, #tpu.memory_space<vmem>>, vector<1x16xi32>,
      %and3A_318 = arith.constant 32767 : i32
      %and3A_319 = vector.broadcast %and3A_318 : i32 to vector<16xi32>
      %and3A_320 = arith.andi %get3A_306, %and3A_319 : vector<16xi32>
      %swap3A_321 = arith.constant 1 : i32
      %swap3A_322 = arith.index_cast %swap3A_321 : i32 to index
      %swap3A_323 = arith.constant 32 : index
      %swap3A_324 = tpu.vector_load %arg7[%swap3A_322, %swap3A_323] {strides = array<i32>} : memref<2x128xi32, #tpu.memory_space<vmem>>, vector<1x16xi32>,
      %swap3A_325 = vector.shape_cast %swap3A_324 : vector<1x16xi32> to vector<16xi32>
      %swap3A_326 = vector.shape_cast %and3A_320 : vector<16xi32> to vector<1x16xi32>
      tpu.vector_store %arg7[%swap3A_322, %swap3A_323], %swap3A_326 {strides = array<i32>} : memref<2x128xi32, #tpu.memory_space<vmem>>, vector<1x16xi32>,
      %get3A_327 = arith.index_cast %add3A_254 : i32 to index
      %get3A_328 = arith.constant 48 : index
      %get3A_329 = tpu.vector_load %arg5[%get3A_327, %get3A_328] {strides = array<i32>} : memref<80x128xi32, #tpu.memory_space<vmem>>, vector<1x16xi32>,
      %get3A_330 = vector.shape_cast %get3A_329 : vector<1x16xi32> to vector<16xi32>
      %shift_right_arithmetic3A_331 = arith.constant 15 : i32
      %shift_right_arithmetic3A_332 = vector.broadcast %shift_right_arithmetic3A_331 : i32 to vector<16xi32>
      %shift_right_arithmetic3A_333 = arith.shrsi %get3A_330, %shift_right_arithmetic3A_332 : vector<16xi32>
      %add3A_334 = vector.broadcast %arg0 : i32 to vector<16xi32>
      %add3A_335 = arith.addi %shift_right_arithmetic3A_333, %add3A_334 : vector<16xi32>
      %swap3A_336 = arith.constant 1 : i32
      %swap3A_337 = arith.index_cast %swap3A_336 : i32 to index
      %swap3A_338 = arith.constant 48 : index
      %swap3A_339 = tpu.vector_load %arg6[%swap3A_337, %swap3A_338] {strides = array<i32>} : memref<2x128xi32, #tpu.memory_space<vmem>>, vector<1x16xi32>,
      %swap3A_340 = vector.shape_cast %swap3A_339 : vector<1x16xi32> to vector<16xi32>
      %swap3A_341 = vector.shape_cast %add3A_335 : vector<16xi32> to vector<1x16xi32>
      tpu.vector_store %arg6[%swap3A_337, %swap3A_338], %swap3A_341 {strides = array<i32>} : memref<2x128xi32, #tpu.memory_space<vmem>>, vector<1x16xi32>,
      %and3A_342 = arith.constant 32767 : i32
      %and3A_343 = vector.broadcast %and3A_342 : i32 to vector<16xi32>
      %and3A_344 = arith.andi %get3A_330, %and3A_343 : vector<16xi32>
      %swap3A_345 = arith.constant 1 : i32
      %swap3A_346 = arith.index_cast %swap3A_345 : i32 to index
      %swap3A_347 = arith.constant 48 : index
      %swap3A_348 = tpu.vector_load %arg7[%swap3A_346, %swap3A_347] {strides = array<i32>} : memref<2x128xi32, #tpu.memory_space<vmem>>, vector<1x16xi32>,
      %swap3A_349 = vector.shape_cast %swap3A_348 : vector<1x16xi32> to vector<16xi32>
      %swap3A_350 = vector.shape_cast %and3A_344 : vector<16xi32> to vector<1x16xi32>
      tpu.vector_store %arg7[%swap3A_346, %swap3A_347], %swap3A_350 {strides = array<i32>} : memref<2x128xi32, #tpu.memory_space<vmem>>, vector<1x16xi32>,
      %get3A_351 = arith.index_cast %add3A_254 : i32 to index
      %get3A_352 = arith.constant 64 : index
      %get3A_353 = tpu.vector_load %arg5[%get3A_351, %get3A_352] {strides = array<i32>} : memref<80x128xi32, #tpu.memory_space<vmem>>, vector<1x16xi32>,
      %get3A_354 = vector.shape_cast %get3A_353 : vector<1x16xi32> to vector<16xi32>
      %shift_right_arithmetic3A_355 = arith.constant 15 : i32
      %shift_right_arithmetic3A_356 = vector.broadcast %shift_right_arithmetic3A_355 : i32 to vector<16xi32>
      %shift_right_arithmetic3A_357 = arith.shrsi %get3A_354, %shift_right_arithmetic3A_356 : vector<16xi32>
      %add3A_358 = vector.broadcast %arg0 : i32 to vector<16xi32>
      %add3A_359 = arith.addi %shift_right_arithmetic3A_357, %add3A_358 : vector<16xi32>
      %swap3A_360 = arith.constant 1 : i32
      %swap3A_361 = arith.index_cast %swap3A_360 : i32 to index
      %swap3A_362 = arith.constant 64 : index
      %swap3A_363 = tpu.vector_load %arg6[%swap3A_361, %swap3A_362] {strides = array<i32>} : memref<2x128xi32, #tpu.memory_space<vmem>>, vector<1x16xi32>,
      %swap3A_364 = vector.shape_cast %swap3A_363 : vector<1x16xi32> to vector<16xi32>
      %swap3A_365 = vector.shape_cast %add3A_359 : vector<16xi32> to vector<1x16xi32>
      tpu.vector_store %arg6[%swap3A_361, %swap3A_362], %swap3A_365 {strides = array<i32>} : memref<2x128xi32, #tpu.memory_space<vmem>>, vector<1x16xi32>,
      %and3A_366 = arith.constant 32767 : i32
      %and3A_367 = vector.broadcast %and3A_366 : i32 to vector<16xi32>
      %and3A_368 = arith.andi %get3A_354, %and3A_367 : vector<16xi32>
      %swap3A_369 = arith.constant 1 : i32
      %swap3A_370 = arith.index_cast %swap3A_369 : i32 to index
      %swap3A_371 = arith.constant 64 : index
      %swap3A_372 = tpu.vector_load %arg7[%swap3A_370, %swap3A_371] {strides = array<i32>} : memref<2x128xi32, #tpu.memory_space<vmem>>, vector<1x16xi32>,
      %swap3A_373 = vector.shape_cast %swap3A_372 : vector<1x16xi32> to vector<16xi32>
      %swap3A_374 = vector.shape_cast %and3A_368 : vector<16xi32> to vector<1x16xi32>
      tpu.vector_store %arg7[%swap3A_370, %swap3A_371], %swap3A_374 {strides = array<i32>} : memref<2x128xi32, #tpu.memory_space<vmem>>, vector<1x16xi32>,
      %get3A_375 = arith.index_cast %add3A_254 : i32 to index
      %get3A_376 = arith.constant 80 : index
      %get3A_377 = tpu.vector_load %arg5[%get3A_375, %get3A_376] {strides = array<i32>} : memref<80x128xi32, #tpu.memory_space<vmem>>, vector<1x16xi32>,
      %get3A_378 = vector.shape_cast %get3A_377 : vector<1x16xi32> to vector<16xi32>
      %shift_right_arithmetic3A_379 = arith.constant 15 : i32
      %shift_right_arithmetic3A_380 = vector.broadcast %shift_right_arithmetic3A_379 : i32 to vector<16xi32>
      %shift_right_arithmetic3A_381 = arith.shrsi %get3A_378, %shift_right_arithmetic3A_380 : vector<16xi32>
      %add3A_382 = vector.broadcast %arg0 : i32 to vector<16xi32>
      %add3A_383 = arith.addi %shift_right_arithmetic3A_381, %add3A_382 : vector<16xi32>
      %swap3A_384 = arith.constant 1 : i32
      %swap3A_385 = arith.index_cast %swap3A_384 : i32 to index
      %swap3A_386 = arith.constant 80 : index
      %swap3A_387 = tpu.vector_load %arg6[%swap3A_385, %swap3A_386] {strides = array<i32>} : memref<2x128xi32, #tpu.memory_space<vmem>>, vector<1x16xi32>,
      %swap3A_388 = vector.shape_cast %swap3A_387 : vector<1x16xi32> to vector<16xi32>
      %swap3A_389 = vector.shape_cast %add3A_383 : vector<16xi32> to vector<1x16xi32>
      tpu.vector_store %arg6[%swap3A_385, %swap3A_386], %swap3A_389 {strides = array<i32>} : memref<2x128xi32, #tpu.memory_space<vmem>>, vector<1x16xi32>,
      %and3A_390 = arith.constant 32767 : i32
      %and3A_391 = vector.broadcast %and3A_390 : i32 to vector<16xi32>
      %and3A_392 = arith.andi %get3A_378, %and3A_391 : vector<16xi32>
      %swap3A_393 = arith.constant 1 : i32
      %swap3A_394 = arith.index_cast %swap3A_393 : i32 to index
      %swap3A_395 = arith.constant 80 : index
      %swap3A_396 = tpu.vector_load %arg7[%swap3A_394, %swap3A_395] {strides = array<i32>} : memref<2x128xi32, #tpu.memory_space<vmem>>, vector<1x16xi32>,
      %swap3A_397 = vector.shape_cast %swap3A_396 : vector<1x16xi32> to vector<16xi32>
      %swap3A_398 = vector.shape_cast %and3A_392 : vector<16xi32> to vector<1x16xi32>
      tpu.vector_store %arg7[%swap3A_394, %swap3A_395], %swap3A_398 {strides = array<i32>} : memref<2x128xi32, #tpu.memory_space<vmem>>, vector<1x16xi32>,
      %get3A_399 = arith.index_cast %add3A_254 : i32 to index
      %get3A_400 = arith.constant 96 : index
      %get3A_401 = tpu.vector_load %arg5[%get3A_399, %get3A_400] {strides = array<i32>} : memref<80x128xi32, #tpu.memory_space<vmem>>, vector<1x16xi32>,
      %get3A_402 = vector.shape_cast %get3A_401 : vector<1x16xi32> to vector<16xi32>
      %shift_right_arithmetic3A_403 = arith.constant 15 : i32
      %shift_right_arithmetic3A_404 = vector.broadcast %shift_right_arithmetic3A_403 : i32 to vector<16xi32>
      %shift_right_arithmetic3A_405 = arith.shrsi %get3A_402, %shift_right_arithmetic3A_404 : vector<16xi32>
      %add3A_406 = vector.broadcast %arg0 : i32 to vector<16xi32>
      %add3A_407 = arith.addi %shift_right_arithmetic3A_405, %add3A_406 : vector<16xi32>
      %swap3A_408 = arith.constant 1 : i32
      %swap3A_409 = arith.index_cast %swap3A_408 : i32 to index
      %swap3A_410 = arith.constant 96 : index
      %swap3A_411 = tpu.vector_load %arg6[%swap3A_409, %swap3A_410] {strides = array<i32>} : memref<2x128xi32, #tpu.memory_space<vmem>>, vector<1x16xi32>,
      %swap3A_412 = vector.shape_cast %swap3A_411 : vector<1x16xi32> to vector<16xi32>
      %swap3A_413 = vector.shape_cast %add3A_407 : vector<16xi32> to vector<1x16xi32>
      tpu.vector_store %arg6[%swap3A_409, %swap3A_410], %swap3A_413 {strides = array<i32>} : memref<2x128xi32, #tpu.memory_space<vmem>>, vector<1x16xi32>,
      %and3A_414 = arith.constant 32767 : i32
      %and3A_415 = vector.broadcast %and3A_414 : i32 to vector<16xi32>
      %and3A_416 = arith.andi %get3A_402, %and3A_415 : vector<16xi32>
      %swap3A_417 = arith.constant 1 : i32
      %swap3A_418 = arith.index_cast %swap3A_417 : i32 to index
      %swap3A_419 = arith.constant 96 : index
      %swap3A_420 = tpu.vector_load %arg7[%swap3A_418, %swap3A_419] {strides = array<i32>} : memref<2x128xi32, #tpu.memory_space<vmem>>, vector<1x16xi32>,
      %swap3A_421 = vector.shape_cast %swap3A_420 : vector<1x16xi32> to vector<16xi32>
      %swap3A_422 = vector.shape_cast %and3A_416 : vector<16xi32> to vector<1x16xi32>
      tpu.vector_store %arg7[%swap3A_418, %swap3A_419], %swap3A_422 {strides = array<i32>} : memref<2x128xi32, #tpu.memory_space<vmem>>, vector<1x16xi32>,
      %get3A_423 = arith.index_cast %add3A_254 : i32 to index
      %get3A_424 = arith.constant 112 : index
      %get3A_425 = tpu.vector_load %arg5[%get3A_423, %get3A_424] {strides = array<i32>} : memref<80x128xi32, #tpu.memory_space<vmem>>, vector<1x16xi32>,
      %get3A_426 = vector.shape_cast %get3A_425 : vector<1x16xi32> to vector<16xi32>
      %shift_right_arithmetic3A_427 = arith.constant 15 : i32
      %shift_right_arithmetic3A_428 = vector.broadcast %shift_right_arithmetic3A_427 : i32 to vector<16xi32>
      %shift_right_arithmetic3A_429 = arith.shrsi %get3A_426, %shift_right_arithmetic3A_428 : vector<16xi32>
      %add3A_430 = vector.broadcast %arg0 : i32 to vector<16xi32>
      %add3A_431 = arith.addi %shift_right_arithmetic3A_429, %add3A_430 : vector<16xi32>
      %swap3A_432 = arith.constant 1 : i32
      %swap3A_433 = arith.index_cast %swap3A_432 : i32 to index
      %swap3A_434 = arith.constant 112 : index
      %swap3A_435 = tpu.vector_load %arg6[%swap3A_433, %swap3A_434] {strides = array<i32>} : memref<2x128xi32, #tpu.memory_space<vmem>>, vector<1x16xi32>,
      %swap3A_436 = vector.shape_cast %swap3A_435 : vector<1x16xi32> to vector<16xi32>
      %swap3A_437 = vector.shape_cast %add3A_431 : vector<16xi32> to vector<1x16xi32>
      tpu.vector_store %arg6[%swap3A_433, %swap3A_434], %swap3A_437 {strides = array<i32>} : memref<2x128xi32, #tpu.memory_space<vmem>>, vector<1x16xi32>,
      %and3A_438 = arith.constant 32767 : i32
      %and3A_439 = vector.broadcast %and3A_438 : i32 to vector<16xi32>
      %and3A_440 = arith.andi %get3A_426, %and3A_439 : vector<16xi32>
      %swap3A_441 = arith.constant 1 : i32
      %swap3A_442 = arith.index_cast %swap3A_441 : i32 to index
      %swap3A_443 = arith.constant 112 : index
      %swap3A_444 = tpu.vector_load %arg7[%swap3A_442, %swap3A_443] {strides = array<i32>} : memref<2x128xi32, #tpu.memory_space<vmem>>, vector<1x16xi32>,
      %swap3A_445 = vector.shape_cast %swap3A_444 : vector<1x16xi32> to vector<16xi32>
      %swap3A_446 = vector.shape_cast %and3A_440 : vector<16xi32> to vector<1x16xi32>
      tpu.vector_store %arg7[%swap3A_442, %swap3A_443], %swap3A_446 {strides = array<i32>} : memref<2x128xi32, #tpu.memory_space<vmem>>, vector<1x16xi32>,
      %dma_start3A_447 = arith.constant 1 : i32
      %dma_start3A_448 = arith.constant 1 : i32
      %dma_start3A_449 = arith.constant 1 : i32
      %dma_start3A_450 = arith.constant 0 : i32
      %dma_start3A_451 = arith.constant 0 : i32
      %dma_start3A_452 = tpu.memref_slice %arg8[%dma_start3A_448, %dma_start3A_450, %dma_start3A_451] : memref<2x128x128xf32, #tpu.memory_space<vmem>> -> memref<1x128x128xf32, #tpu.memory_space<vmem>>
      %dma_start3A_453 = tpu.memref_squeeze %dma_start3A_452 : memref<1x128x128xf32, #tpu.memory_space<vmem>> -> memref<128x128xf32, #tpu.memory_space<vmem>>
      %dma_start3A_454 = arith.constant 0 : i32
      %dma_start3A_455 = tpu.memref_slice %arg6[%dma_start3A_447, %dma_start3A_454] : memref<2x128xi32, #tpu.memory_space<vmem>> -> memref<1x128xi32, #tpu.memory_space<vmem>>
      %dma_start3A_456 = tpu.memref_squeeze %dma_start3A_455 : memref<1x128xi32, #tpu.memory_space<vmem>> -> memref<128xi32, #tpu.memory_space<vmem>>
      %dma_start3A_457 = arith.constant 0 : i32
      %dma_start3A_458 = arith.constant 0 : i32
      %dma_start3A_459 = tpu.memref_slice %arg2[%dma_start3A_457, %dma_start3A_458] : memref<20000x128xf32, #tpu.memory_space<hbm>> -> memref<20000x128xf32, #tpu.memory_space<hbm>>
      %dma_start3A_460 = tpu.memref_slice %arg10[%dma_start3A_449] : memref<2x!tpu.dma_semaphore, #tpu.memory_space<semaphore_mem>> -> memref<1x!tpu.dma_semaphore, #tpu.memory_space<semaphore_mem>>
      %dma_start3A_461 = tpu.memref_squeeze %dma_start3A_460 : memref<1x!tpu.dma_semaphore, #tpu.memory_space<semaphore_mem>> -> memref<!tpu.dma_semaphore, #tpu.memory_space<semaphore_mem>>
      tpu.enqueue_indirect_dma source(%dma_start3A_459 : memref<20000x128xf32, #tpu.memory_space<hbm>>) target(%dma_start3A_453 : memref<128x128xf32, #tpu.memory_space<vmem>>) offsets(%dma_start3A_456 : memref<128xi32, #tpu.memory_space<vmem>>) semaphore(%dma_start3A_461 : memref<!tpu.dma_semaphore, #tpu.memory_space<semaphore_mem>>)
      %dma_wait3A = arith.constant 0 : i32
      %dma_wait3A_462 = arith.constant 0 : i32
      %dma_wait3A_463 = arith.constant 0 : i32
      %dma_wait3A_464 = arith.constant 0 : i32
      %dma_wait3A_465 = arith.constant 0 : i32
      %dma_wait3A_466 = tpu.memref_slice %arg8[%dma_wait3A_462, %dma_wait3A_464, %dma_wait3A_465] : memref<2x128x128xf32, #tpu.memory_space<vmem>> -> memref<1x128x128xf32, #tpu.memory_space<vmem>>
      %dma_wait3A_467 = tpu.memref_squeeze %dma_wait3A_466 : memref<1x128x128xf32, #tpu.memory_space<vmem>> -> memref<128x128xf32, #tpu.memory_space<vmem>>
      %dma_wait3A_468 = arith.constant 0 : i32
      %dma_wait3A_469 = tpu.memref_slice %arg6[%dma_wait3A, %dma_wait3A_468] : memref<2x128xi32, #tpu.memory_space<vmem>> -> memref<1x128xi32, #tpu.memory_space<vmem>>
      %dma_wait3A_470 = tpu.memref_squeeze %dma_wait3A_469 : memref<1x128xi32, #tpu.memory_space<vmem>> -> memref<128xi32, #tpu.memory_space<vmem>>
      %dma_wait3A_471 = arith.constant 0 : i32
      %dma_wait3A_472 = arith.constant 0 : i32
      %dma_wait3A_473 = tpu.memref_slice %arg2[%dma_wait3A_471, %dma_wait3A_472] : memref<20000x128xf32, #tpu.memory_space<hbm>> -> memref<20000x128xf32, #tpu.memory_space<hbm>>
      %dma_wait3A_474 = tpu.memref_slice %arg10[%dma_wait3A_463] : memref<2x!tpu.dma_semaphore, #tpu.memory_space<semaphore_mem>> -> memref<1x!tpu.dma_semaphore, #tpu.memory_space<semaphore_mem>>
      %dma_wait3A_475 = tpu.memref_squeeze %dma_wait3A_474 : memref<1x!tpu.dma_semaphore, #tpu.memory_space<semaphore_mem>> -> memref<!tpu.dma_semaphore, #tpu.memory_space<semaphore_mem>>
      tpu.wait_indirect_dma semaphore(%dma_wait3A_475 : memref<!tpu.dma_semaphore, #tpu.memory_space<semaphore_mem>>) src(%dma_wait3A_473 : memref<20000x128xf32, #tpu.memory_space<hbm>>) dst(%dma_wait3A_467 : memref<128x128xf32, #tpu.memory_space<vmem>>)
      %run_scoped3A_476 = arith.constant 0 : i32
      %run_scoped3A_477 = arith.constant 0 : i32
      "tpu.region"() ({
        %run_scoped3A_499 = tpu.sem_alloc : memref<!tpu.dma_semaphore, #tpu.memory_space<semaphore_mem>>
        %dma_start3A_500 = arith.constant 0 : i32
        %dma_start3A_501 = arith.constant 0 : i32
        %dma_start3A_502 = tpu.memref_slice %arg8[%run_scoped3A_476, %dma_start3A_500, %dma_start3A_501] : memref<2x128x128xf32, #tpu.memory_space<vmem>> -> memref<1x128x128xf32, #tpu.memory_space<vmem>>
        %dma_start3A_503 = tpu.memref_squeeze %dma_start3A_502 : memref<1x128x128xf32, #tpu.memory_space<vmem>> -> memref<128x128xf32, #tpu.memory_space<vmem>>
        %dma_start3A_504 = arith.constant 0 : i32
        %dma_start3A_505 = tpu.memref_slice %arg7[%run_scoped3A_477, %dma_start3A_504] : memref<2x128xi32, #tpu.memory_space<vmem>> -> memref<1x128xi32, #tpu.memory_space<vmem>>
        %dma_start3A_506 = tpu.memref_squeeze %dma_start3A_505 : memref<1x128xi32, #tpu.memory_space<vmem>> -> memref<128xi32, #tpu.memory_space<vmem>>
        %dma_start3A_507 = arith.constant 0 : i32
        %dma_start3A_508 = arith.constant 0 : i32
        %dma_start3A_509 = tpu.memref_slice %arg9[%dma_start3A_507, %dma_start3A_508] : memref<10240x128xf32, #tpu.memory_space<vmem_shared>> -> memref<10240x128xf32, #tpu.memory_space<vmem_shared>>
        tpu.enqueue_indirect_dma source(%dma_start3A_503 : memref<128x128xf32, #tpu.memory_space<vmem>>) target(%dma_start3A_509 : memref<10240x128xf32, #tpu.memory_space<vmem_shared>>) offsets(%dma_start3A_506 : memref<128xi32, #tpu.memory_space<vmem>>) semaphore(%run_scoped3A_499 : memref<!tpu.dma_semaphore, #tpu.memory_space<semaphore_mem>>) {add = true}
        %dma_wait3A_510 = arith.constant 0 : i32
        %dma_wait3A_511 = arith.constant 0 : i32
        %dma_wait3A_512 = tpu.memref_slice %arg8[%run_scoped3A_476, %dma_wait3A_510, %dma_wait3A_511] : memref<2x128x128xf32, #tpu.memory_space<vmem>> -> memref<1x128x128xf32, #tpu.memory_space<vmem>>
        %dma_wait3A_513 = tpu.memref_squeeze %dma_wait3A_512 : memref<1x128x128xf32, #tpu.memory_space<vmem>> -> memref<128x128xf32, #tpu.memory_space<vmem>>
        %dma_wait3A_514 = arith.constant 0 : i32
        %dma_wait3A_515 = tpu.memref_slice %arg7[%run_scoped3A_477, %dma_wait3A_514] : memref<2x128xi32, #tpu.memory_space<vmem>> -> memref<1x128xi32, #tpu.memory_space<vmem>>
        %dma_wait3A_516 = tpu.memref_squeeze %dma_wait3A_515 : memref<1x128xi32, #tpu.memory_space<vmem>> -> memref<128xi32, #tpu.memory_space<vmem>>
        %dma_wait3A_517 = arith.constant 0 : i32
        %dma_wait3A_518 = arith.constant 0 : i32
        %dma_wait3A_519 = tpu.memref_slice %arg9[%dma_wait3A_517, %dma_wait3A_518] : memref<10240x128xf32, #tpu.memory_space<vmem_shared>> -> memref<10240x128xf32, #tpu.memory_space<vmem_shared>>
        tpu.wait_indirect_dma semaphore(%run_scoped3A_499 : memref<!tpu.dma_semaphore, #tpu.memory_space<semaphore_mem>>) src(%dma_wait3A_513 : memref<128x128xf32, #tpu.memory_space<vmem>>) dst(%dma_wait3A_519 : memref<10240x128xf32, #tpu.memory_space<vmem_shared>>)
        tpu.yield
      }) : () -> ()
      %add3A_478 = arith.constant 2 : i32
      %add3A_479 = arith.addi %add3A_252, %add3A_478 : i32
      %lt3A = arith.constant 80 : i32
      %lt3A_480 = arith.cmpi slt, %add3A_479, %lt3A : i32
      %convert_element_type3A = arith.extui %lt3A_480 : i1 to i32
      %cond3A = arith.constant 0 : i32
      %cond3A_481 = arith.cmpi ne, %convert_element_type3A, %cond3A : i32
      scf.if %cond3A_481 {
        %add3A_499 = arith.constant 2 : i32
        %add3A_500 = arith.addi %add3A_252, %add3A_499 : i32
        %get3A_501 = arith.index_cast %add3A_500 : i32 to index
        %get3A_502 = arith.constant 0 : index
        %get3A_503 = tpu.vector_load %arg5[%get3A_501, %get3A_502] {strides = array<i32>} : memref<80x128xi32, #tpu.memory_space<vmem>>, vector<1x16xi32>,
        %get3A_504 = vector.shape_cast %get3A_503 : vector<1x16xi32> to vector<16xi32>
        %shift_right_arithmetic3A_505 = arith.constant 15 : i32
        %shift_right_arithmetic3A_506 = vector.broadcast %shift_right_arithmetic3A_505 : i32 to vector<16xi32>
        %shift_right_arithmetic3A_507 = arith.shrsi %get3A_504, %shift_right_arithmetic3A_506 : vector<16xi32>
        %add3A_508 = vector.broadcast %arg0 : i32 to vector<16xi32>
        %add3A_509 = arith.addi %shift_right_arithmetic3A_507, %add3A_508 : vector<16xi32>
        %swap3A_510 = arith.constant 0 : i32
        %swap3A_511 = arith.index_cast %swap3A_510 : i32 to index
        %swap3A_512 = arith.constant 0 : index
        %swap3A_513 = tpu.vector_load %arg6[%swap3A_511, %swap3A_512] {strides = array<i32>} : memref<2x128xi32, #tpu.memory_space<vmem>>, vector<1x16xi32>,
        %swap3A_514 = vector.shape_cast %swap3A_513 : vector<1x16xi32> to vector<16xi32>
        %swap3A_515 = vector.shape_cast %add3A_509 : vector<16xi32> to vector<1x16xi32>
        tpu.vector_store %arg6[%swap3A_511, %swap3A_512], %swap3A_515 {strides = array<i32>} : memref<2x128xi32, #tpu.memory_space<vmem>>, vector<1x16xi32>,
        %and3A_516 = arith.constant 32767 : i32
        %and3A_517 = vector.broadcast %and3A_516 : i32 to vector<16xi32>
        %and3A_518 = arith.andi %get3A_504, %and3A_517 : vector<16xi32>
        %swap3A_519 = arith.constant 0 : i32
        %swap3A_520 = arith.index_cast %swap3A_519 : i32 to index
        %swap3A_521 = arith.constant 0 : index
        %swap3A_522 = tpu.vector_load %arg7[%swap3A_520, %swap3A_521] {strides = array<i32>} : memref<2x128xi32, #tpu.memory_space<vmem>>, vector<1x16xi32>,
        %swap3A_523 = vector.shape_cast %swap3A_522 : vector<1x16xi32> to vector<16xi32>
        %swap3A_524 = vector.shape_cast %and3A_518 : vector<16xi32> to vector<1x16xi32>
        tpu.vector_store %arg7[%swap3A_520, %swap3A_521], %swap3A_524 {strides = array<i32>} : memref<2x128xi32, #tpu.memory_space<vmem>>, vector<1x16xi32>,
        %get3A_525 = arith.index_cast %add3A_500 : i32 to index
        %get3A_526 = arith.constant 16 : index
        %get3A_527 = tpu.vector_load %arg5[%get3A_525, %get3A_526] {strides = array<i32>} : memref<80x128xi32, #tpu.memory_space<vmem>>, vector<1x16xi32>,
        %get3A_528 = vector.shape_cast %get3A_527 : vector<1x16xi32> to vector<16xi32>
        %shift_right_arithmetic3A_529 = arith.constant 15 : i32
        %shift_right_arithmetic3A_530 = vector.broadcast %shift_right_arithmetic3A_529 : i32 to vector<16xi32>
        %shift_right_arithmetic3A_531 = arith.shrsi %get3A_528, %shift_right_arithmetic3A_530 : vector<16xi32>
        %add3A_532 = vector.broadcast %arg0 : i32 to vector<16xi32>
        %add3A_533 = arith.addi %shift_right_arithmetic3A_531, %add3A_532 : vector<16xi32>
        %swap3A_534 = arith.constant 0 : i32
        %swap3A_535 = arith.index_cast %swap3A_534 : i32 to index
        %swap3A_536 = arith.constant 16 : index
        %swap3A_537 = tpu.vector_load %arg6[%swap3A_535, %swap3A_536] {strides = array<i32>} : memref<2x128xi32, #tpu.memory_space<vmem>>, vector<1x16xi32>,
        %swap3A_538 = vector.shape_cast %swap3A_537 : vector<1x16xi32> to vector<16xi32>
        %swap3A_539 = vector.shape_cast %add3A_533 : vector<16xi32> to vector<1x16xi32>
        tpu.vector_store %arg6[%swap3A_535, %swap3A_536], %swap3A_539 {strides = array<i32>} : memref<2x128xi32, #tpu.memory_space<vmem>>, vector<1x16xi32>,
        %and3A_540 = arith.constant 32767 : i32
        %and3A_541 = vector.broadcast %and3A_540 : i32 to vector<16xi32>
        %and3A_542 = arith.andi %get3A_528, %and3A_541 : vector<16xi32>
        %swap3A_543 = arith.constant 0 : i32
        %swap3A_544 = arith.index_cast %swap3A_543 : i32 to index
        %swap3A_545 = arith.constant 16 : index
        %swap3A_546 = tpu.vector_load %arg7[%swap3A_544, %swap3A_545] {strides = array<i32>} : memref<2x128xi32, #tpu.memory_space<vmem>>, vector<1x16xi32>,
        %swap3A_547 = vector.shape_cast %swap3A_546 : vector<1x16xi32> to vector<16xi32>
        %swap3A_548 = vector.shape_cast %and3A_542 : vector<16xi32> to vector<1x16xi32>
        tpu.vector_store %arg7[%swap3A_544, %swap3A_545], %swap3A_548 {strides = array<i32>} : memref<2x128xi32, #tpu.memory_space<vmem>>, vector<1x16xi32>,
        %get3A_549 = arith.index_cast %add3A_500 : i32 to index
        %get3A_550 = arith.constant 32 : index
        %get3A_551 = tpu.vector_load %arg5[%get3A_549, %get3A_550] {strides = array<i32>} : memref<80x128xi32, #tpu.memory_space<vmem>>, vector<1x16xi32>,
        %get3A_552 = vector.shape_cast %get3A_551 : vector<1x16xi32> to vector<16xi32>
        %shift_right_arithmetic3A_553 = arith.constant 15 : i32
        %shift_right_arithmetic3A_554 = vector.broadcast %shift_right_arithmetic3A_553 : i32 to vector<16xi32>
        %shift_right_arithmetic3A_555 = arith.shrsi %get3A_552, %shift_right_arithmetic3A_554 : vector<16xi32>
        %add3A_556 = vector.broadcast %arg0 : i32 to vector<16xi32>
        %add3A_557 = arith.addi %shift_right_arithmetic3A_555, %add3A_556 : vector<16xi32>
        %swap3A_558 = arith.constant 0 : i32
        %swap3A_559 = arith.index_cast %swap3A_558 : i32 to index
        %swap3A_560 = arith.constant 32 : index
        %swap3A_561 = tpu.vector_load %arg6[%swap3A_559, %swap3A_560] {strides = array<i32>} : memref<2x128xi32, #tpu.memory_space<vmem>>, vector<1x16xi32>,
        %swap3A_562 = vector.shape_cast %swap3A_561 : vector<1x16xi32> to vector<16xi32>
        %swap3A_563 = vector.shape_cast %add3A_557 : vector<16xi32> to vector<1x16xi32>
        tpu.vector_store %arg6[%swap3A_559, %swap3A_560], %swap3A_563 {strides = array<i32>} : memref<2x128xi32, #tpu.memory_space<vmem>>, vector<1x16xi32>,
        %and3A_564 = arith.constant 32767 : i32
        %and3A_565 = vector.broadcast %and3A_564 : i32 to vector<16xi32>
        %and3A_566 = arith.andi %get3A_552, %and3A_565 : vector<16xi32>
        %swap3A_567 = arith.constant 0 : i32
        %swap3A_568 = arith.index_cast %swap3A_567 : i32 to index
        %swap3A_569 = arith.constant 32 : index
        %swap3A_570 = tpu.vector_load %arg7[%swap3A_568, %swap3A_569] {strides = array<i32>} : memref<2x128xi32, #tpu.memory_space<vmem>>, vector<1x16xi32>,
        %swap3A_571 = vector.shape_cast %swap3A_570 : vector<1x16xi32> to vector<16xi32>
        %swap3A_572 = vector.shape_cast %and3A_566 : vector<16xi32> to vector<1x16xi32>
        tpu.vector_store %arg7[%swap3A_568, %swap3A_569], %swap3A_572 {strides = array<i32>} : memref<2x128xi32, #tpu.memory_space<vmem>>, vector<1x16xi32>,
        %get3A_573 = arith.index_cast %add3A_500 : i32 to index
        %get3A_574 = arith.constant 48 : index
        %get3A_575 = tpu.vector_load %arg5[%get3A_573, %get3A_574] {strides = array<i32>} : memref<80x128xi32, #tpu.memory_space<vmem>>, vector<1x16xi32>,
        %get3A_576 = vector.shape_cast %get3A_575 : vector<1x16xi32> to vector<16xi32>
        %shift_right_arithmetic3A_577 = arith.constant 15 : i32
        %shift_right_arithmetic3A_578 = vector.broadcast %shift_right_arithmetic3A_577 : i32 to vector<16xi32>
        %shift_right_arithmetic3A_579 = arith.shrsi %get3A_576, %shift_right_arithmetic3A_578 : vector<16xi32>
        %add3A_580 = vector.broadcast %arg0 : i32 to vector<16xi32>
        %add3A_581 = arith.addi %shift_right_arithmetic3A_579, %add3A_580 : vector<16xi32>
        %swap3A_582 = arith.constant 0 : i32
        %swap3A_583 = arith.index_cast %swap3A_582 : i32 to index
        %swap3A_584 = arith.constant 48 : index
        %swap3A_585 = tpu.vector_load %arg6[%swap3A_583, %swap3A_584] {strides = array<i32>} : memref<2x128xi32, #tpu.memory_space<vmem>>, vector<1x16xi32>,
        %swap3A_586 = vector.shape_cast %swap3A_585 : vector<1x16xi32> to vector<16xi32>
        %swap3A_587 = vector.shape_cast %add3A_581 : vector<16xi32> to vector<1x16xi32>
        tpu.vector_store %arg6[%swap3A_583, %swap3A_584], %swap3A_587 {strides = array<i32>} : memref<2x128xi32, #tpu.memory_space<vmem>>, vector<1x16xi32>,
        %and3A_588 = arith.constant 32767 : i32
        %and3A_589 = vector.broadcast %and3A_588 : i32 to vector<16xi32>
        %and3A_590 = arith.andi %get3A_576, %and3A_589 : vector<16xi32>
        %swap3A_591 = arith.constant 0 : i32
        %swap3A_592 = arith.index_cast %swap3A_591 : i32 to index
        %swap3A_593 = arith.constant 48 : index
        %swap3A_594 = tpu.vector_load %arg7[%swap3A_592, %swap3A_593] {strides = array<i32>} : memref<2x128xi32, #tpu.memory_space<vmem>>, vector<1x16xi32>,
        %swap3A_595 = vector.shape_cast %swap3A_594 : vector<1x16xi32> to vector<16xi32>
        %swap3A_596 = vector.shape_cast %and3A_590 : vector<16xi32> to vector<1x16xi32>
        tpu.vector_store %arg7[%swap3A_592, %swap3A_593], %swap3A_596 {strides = array<i32>} : memref<2x128xi32, #tpu.memory_space<vmem>>, vector<1x16xi32>,
        %get3A_597 = arith.index_cast %add3A_500 : i32 to index
        %get3A_598 = arith.constant 64 : index
        %get3A_599 = tpu.vector_load %arg5[%get3A_597, %get3A_598] {strides = array<i32>} : memref<80x128xi32, #tpu.memory_space<vmem>>, vector<1x16xi32>,
        %get3A_600 = vector.shape_cast %get3A_599 : vector<1x16xi32> to vector<16xi32>
        %shift_right_arithmetic3A_601 = arith.constant 15 : i32
        %shift_right_arithmetic3A_602 = vector.broadcast %shift_right_arithmetic3A_601 : i32 to vector<16xi32>
        %shift_right_arithmetic3A_603 = arith.shrsi %get3A_600, %shift_right_arithmetic3A_602 : vector<16xi32>
        %add3A_604 = vector.broadcast %arg0 : i32 to vector<16xi32>
        %add3A_605 = arith.addi %shift_right_arithmetic3A_603, %add3A_604 : vector<16xi32>
        %swap3A_606 = arith.constant 0 : i32
        %swap3A_607 = arith.index_cast %swap3A_606 : i32 to index
        %swap3A_608 = arith.constant 64 : index
        %swap3A_609 = tpu.vector_load %arg6[%swap3A_607, %swap3A_608] {strides = array<i32>} : memref<2x128xi32, #tpu.memory_space<vmem>>, vector<1x16xi32>,
        %swap3A_610 = vector.shape_cast %swap3A_609 : vector<1x16xi32> to vector<16xi32>
        %swap3A_611 = vector.shape_cast %add3A_605 : vector<16xi32> to vector<1x16xi32>
        tpu.vector_store %arg6[%swap3A_607, %swap3A_608], %swap3A_611 {strides = array<i32>} : memref<2x128xi32, #tpu.memory_space<vmem>>, vector<1x16xi32>,
        %and3A_612 = arith.constant 32767 : i32
        %and3A_613 = vector.broadcast %and3A_612 : i32 to vector<16xi32>
        %and3A_614 = arith.andi %get3A_600, %and3A_613 : vector<16xi32>
        %swap3A_615 = arith.constant 0 : i32
        %swap3A_616 = arith.index_cast %swap3A_615 : i32 to index
        %swap3A_617 = arith.constant 64 : index
        %swap3A_618 = tpu.vector_load %arg7[%swap3A_616, %swap3A_617] {strides = array<i32>} : memref<2x128xi32, #tpu.memory_space<vmem>>, vector<1x16xi32>,
        %swap3A_619 = vector.shape_cast %swap3A_618 : vector<1x16xi32> to vector<16xi32>
        %swap3A_620 = vector.shape_cast %and3A_614 : vector<16xi32> to vector<1x16xi32>
        tpu.vector_store %arg7[%swap3A_616, %swap3A_617], %swap3A_620 {strides = array<i32>} : memref<2x128xi32, #tpu.memory_space<vmem>>, vector<1x16xi32>,
        %get3A_621 = arith.index_cast %add3A_500 : i32 to index
        %get3A_622 = arith.constant 80 : index
        %get3A_623 = tpu.vector_load %arg5[%get3A_621, %get3A_622] {strides = array<i32>} : memref<80x128xi32, #tpu.memory_space<vmem>>, vector<1x16xi32>,
        %get3A_624 = vector.shape_cast %get3A_623 : vector<1x16xi32> to vector<16xi32>
        %shift_right_arithmetic3A_625 = arith.constant 15 : i32
        %shift_right_arithmetic3A_626 = vector.broadcast %shift_right_arithmetic3A_625 : i32 to vector<16xi32>
        %shift_right_arithmetic3A_627 = arith.shrsi %get3A_624, %shift_right_arithmetic3A_626 : vector<16xi32>
        %add3A_628 = vector.broadcast %arg0 : i32 to vector<16xi32>
        %add3A_629 = arith.addi %shift_right_arithmetic3A_627, %add3A_628 : vector<16xi32>
        %swap3A_630 = arith.constant 0 : i32
        %swap3A_631 = arith.index_cast %swap3A_630 : i32 to index
        %swap3A_632 = arith.constant 80 : index
        %swap3A_633 = tpu.vector_load %arg6[%swap3A_631, %swap3A_632] {strides = array<i32>} : memref<2x128xi32, #tpu.memory_space<vmem>>, vector<1x16xi32>,
        %swap3A_634 = vector.shape_cast %swap3A_633 : vector<1x16xi32> to vector<16xi32>
        %swap3A_635 = vector.shape_cast %add3A_629 : vector<16xi32> to vector<1x16xi32>
        tpu.vector_store %arg6[%swap3A_631, %swap3A_632], %swap3A_635 {strides = array<i32>} : memref<2x128xi32, #tpu.memory_space<vmem>>, vector<1x16xi32>,
        %and3A_636 = arith.constant 32767 : i32
        %and3A_637 = vector.broadcast %and3A_636 : i32 to vector<16xi32>
        %and3A_638 = arith.andi %get3A_624, %and3A_637 : vector<16xi32>
        %swap3A_639 = arith.constant 0 : i32
        %swap3A_640 = arith.index_cast %swap3A_639 : i32 to index
        %swap3A_641 = arith.constant 80 : index
        %swap3A_642 = tpu.vector_load %arg7[%swap3A_640, %swap3A_641] {strides = array<i32>} : memref<2x128xi32, #tpu.memory_space<vmem>>, vector<1x16xi32>,
        %swap3A_643 = vector.shape_cast %swap3A_642 : vector<1x16xi32> to vector<16xi32>
        %swap3A_644 = vector.shape_cast %and3A_638 : vector<16xi32> to vector<1x16xi32>
        tpu.vector_store %arg7[%swap3A_640, %swap3A_641], %swap3A_644 {strides = array<i32>} : memref<2x128xi32, #tpu.memory_space<vmem>>, vector<1x16xi32>,
        %get3A_645 = arith.index_cast %add3A_500 : i32 to index
        %get3A_646 = arith.constant 96 : index
        %get3A_647 = tpu.vector_load %arg5[%get3A_645, %get3A_646] {strides = array<i32>} : memref<80x128xi32, #tpu.memory_space<vmem>>, vector<1x16xi32>,
        %get3A_648 = vector.shape_cast %get3A_647 : vector<1x16xi32> to vector<16xi32>
        %shift_right_arithmetic3A_649 = arith.constant 15 : i32
        %shift_right_arithmetic3A_650 = vector.broadcast %shift_right_arithmetic3A_649 : i32 to vector<16xi32>
        %shift_right_arithmetic3A_651 = arith.shrsi %get3A_648, %shift_right_arithmetic3A_650 : vector<16xi32>
        %add3A_652 = vector.broadcast %arg0 : i32 to vector<16xi32>
        %add3A_653 = arith.addi %shift_right_arithmetic3A_651, %add3A_652 : vector<16xi32>
        %swap3A_654 = arith.constant 0 : i32
        %swap3A_655 = arith.index_cast %swap3A_654 : i32 to index
        %swap3A_656 = arith.constant 96 : index
        %swap3A_657 = tpu.vector_load %arg6[%swap3A_655, %swap3A_656] {strides = array<i32>} : memref<2x128xi32, #tpu.memory_space<vmem>>, vector<1x16xi32>,
        %swap3A_658 = vector.shape_cast %swap3A_657 : vector<1x16xi32> to vector<16xi32>
        %swap3A_659 = vector.shape_cast %add3A_653 : vector<16xi32> to vector<1x16xi32>
        tpu.vector_store %arg6[%swap3A_655, %swap3A_656], %swap3A_659 {strides = array<i32>} : memref<2x128xi32, #tpu.memory_space<vmem>>, vector<1x16xi32>,
        %and3A_660 = arith.constant 32767 : i32
        %and3A_661 = vector.broadcast %and3A_660 : i32 to vector<16xi32>
        %and3A_662 = arith.andi %get3A_648, %and3A_661 : vector<16xi32>
        %swap3A_663 = arith.constant 0 : i32
        %swap3A_664 = arith.index_cast %swap3A_663 : i32 to index
        %swap3A_665 = arith.constant 96 : index
        %swap3A_666 = tpu.vector_load %arg7[%swap3A_664, %swap3A_665] {strides = array<i32>} : memref<2x128xi32, #tpu.memory_space<vmem>>, vector<1x16xi32>,
        %swap3A_667 = vector.shape_cast %swap3A_666 : vector<1x16xi32> to vector<16xi32>
        %swap3A_668 = vector.shape_cast %and3A_662 : vector<16xi32> to vector<1x16xi32>
        tpu.vector_store %arg7[%swap3A_664, %swap3A_665], %swap3A_668 {strides = array<i32>} : memref<2x128xi32, #tpu.memory_space<vmem>>, vector<1x16xi32>,
        %get3A_669 = arith.index_cast %add3A_500 : i32 to index
        %get3A_670 = arith.constant 112 : index
        %get3A_671 = tpu.vector_load %arg5[%get3A_669, %get3A_670] {strides = array<i32>} : memref<80x128xi32, #tpu.memory_space<vmem>>, vector<1x16xi32>,
        %get3A_672 = vector.shape_cast %get3A_671 : vector<1x16xi32> to vector<16xi32>
        %shift_right_arithmetic3A_673 = arith.constant 15 : i32
        %shift_right_arithmetic3A_674 = vector.broadcast %shift_right_arithmetic3A_673 : i32 to vector<16xi32>
        %shift_right_arithmetic3A_675 = arith.shrsi %get3A_672, %shift_right_arithmetic3A_674 : vector<16xi32>
        %add3A_676 = vector.broadcast %arg0 : i32 to vector<16xi32>
        %add3A_677 = arith.addi %shift_right_arithmetic3A_675, %add3A_676 : vector<16xi32>
        %swap3A_678 = arith.constant 0 : i32
        %swap3A_679 = arith.index_cast %swap3A_678 : i32 to index
        %swap3A_680 = arith.constant 112 : index
        %swap3A_681 = tpu.vector_load %arg6[%swap3A_679, %swap3A_680] {strides = array<i32>} : memref<2x128xi32, #tpu.memory_space<vmem>>, vector<1x16xi32>,
        %swap3A_682 = vector.shape_cast %swap3A_681 : vector<1x16xi32> to vector<16xi32>
        %swap3A_683 = vector.shape_cast %add3A_677 : vector<16xi32> to vector<1x16xi32>
        tpu.vector_store %arg6[%swap3A_679, %swap3A_680], %swap3A_683 {strides = array<i32>} : memref<2x128xi32, #tpu.memory_space<vmem>>, vector<1x16xi32>,
        %and3A_684 = arith.constant 32767 : i32
        %and3A_685 = vector.broadcast %and3A_684 : i32 to vector<16xi32>
        %and3A_686 = arith.andi %get3A_672, %and3A_685 : vector<16xi32>
        %swap3A_687 = arith.constant 0 : i32
        %swap3A_688 = arith.index_cast %swap3A_687 : i32 to index
        %swap3A_689 = arith.constant 112 : index
        %swap3A_690 = tpu.vector_load %arg7[%swap3A_688, %swap3A_689] {strides = array<i32>} : memref<2x128xi32, #tpu.memory_space<vmem>>, vector<1x16xi32>,
        %swap3A_691 = vector.shape_cast %swap3A_690 : vector<1x16xi32> to vector<16xi32>
        %swap3A_692 = vector.shape_cast %and3A_686 : vector<16xi32> to vector<1x16xi32>
        tpu.vector_store %arg7[%swap3A_688, %swap3A_689], %swap3A_692 {strides = array<i32>} : memref<2x128xi32, #tpu.memory_space<vmem>>, vector<1x16xi32>,
        %dma_start3A_693 = arith.constant 0 : i32
        %dma_start3A_694 = arith.constant 0 : i32
        %dma_start3A_695 = arith.constant 0 : i32
        %dma_start3A_696 = arith.constant 0 : i32
        %dma_start3A_697 = arith.constant 0 : i32
        %dma_start3A_698 = tpu.memref_slice %arg8[%dma_start3A_694, %dma_start3A_696, %dma_start3A_697] : memref<2x128x128xf32, #tpu.memory_space<vmem>> -> memref<1x128x128xf32, #tpu.memory_space<vmem>>
        %dma_start3A_699 = tpu.memref_squeeze %dma_start3A_698 : memref<1x128x128xf32, #tpu.memory_space<vmem>> -> memref<128x128xf32, #tpu.memory_space<vmem>>
        %dma_start3A_700 = arith.constant 0 : i32
        %dma_start3A_701 = tpu.memref_slice %arg6[%dma_start3A_693, %dma_start3A_700] : memref<2x128xi32, #tpu.memory_space<vmem>> -> memref<1x128xi32, #tpu.memory_space<vmem>>
        %dma_start3A_702 = tpu.memref_squeeze %dma_start3A_701 : memref<1x128xi32, #tpu.memory_space<vmem>> -> memref<128xi32, #tpu.memory_space<vmem>>
        %dma_start3A_703 = arith.constant 0 : i32
        %dma_start3A_704 = arith.constant 0 : i32
        %dma_start3A_705 = tpu.memref_slice %arg2[%dma_start3A_703, %dma_start3A_704] : memref<20000x128xf32, #tpu.memory_space<hbm>> -> memref<20000x128xf32, #tpu.memory_space<hbm>>
        %dma_start3A_706 = tpu.memref_slice %arg10[%dma_start3A_695] : memref<2x!tpu.dma_semaphore, #tpu.memory_space<semaphore_mem>> -> memref<1x!tpu.dma_semaphore, #tpu.memory_space<semaphore_mem>>
        %dma_start3A_707 = tpu.memref_squeeze %dma_start3A_706 : memref<1x!tpu.dma_semaphore, #tpu.memory_space<semaphore_mem>> -> memref<!tpu.dma_semaphore, #tpu.memory_space<semaphore_mem>>
        tpu.enqueue_indirect_dma source(%dma_start3A_705 : memref<20000x128xf32, #tpu.memory_space<hbm>>) target(%dma_start3A_699 : memref<128x128xf32, #tpu.memory_space<vmem>>) offsets(%dma_start3A_702 : memref<128xi32, #tpu.memory_space<vmem>>) semaphore(%dma_start3A_707 : memref<!tpu.dma_semaphore, #tpu.memory_space<semaphore_mem>>)
      } else {
      }
      %dma_wait3A_482 = arith.constant 1 : i32
      %dma_wait3A_483 = arith.constant 1 : i32
      %dma_wait3A_484 = arith.constant 1 : i32
      %dma_wait3A_485 = arith.constant 0 : i32
      %dma_wait3A_486 = arith.constant 0 : i32
      %dma_wait3A_487 = tpu.memref_slice %arg8[%dma_wait3A_483, %dma_wait3A_485, %dma_wait3A_486] : memref<2x128x128xf32, #tpu.memory_space<vmem>> -> memref<1x128x128xf32, #tpu.memory_space<vmem>>
      %dma_wait3A_488 = tpu.memref_squeeze %dma_wait3A_487 : memref<1x128x128xf32, #tpu.memory_space<vmem>> -> memref<128x128xf32, #tpu.memory_space<vmem>>
      %dma_wait3A_489 = arith.constant 0 : i32
      %dma_wait3A_490 = tpu.memref_slice %arg6[%dma_wait3A_482, %dma_wait3A_489] : memref<2x128xi32, #tpu.memory_space<vmem>> -> memref<1x128xi32, #tpu.memory_space<vmem>>
      %dma_wait3A_491 = tpu.memref_squeeze %dma_wait3A_490 : memref<1x128xi32, #tpu.memory_space<vmem>> -> memref<128xi32, #tpu.memory_space<vmem>>
      %dma_wait3A_492 = arith.constant 0 : i32
      %dma_wait3A_493 = arith.constant 0 : i32
      %dma_wait3A_494 = tpu.memref_slice %arg2[%dma_wait3A_492, %dma_wait3A_493] : memref<20000x128xf32, #tpu.memory_space<hbm>> -> memref<20000x128xf32, #tpu.memory_space<hbm>>
      %dma_wait3A_495 = tpu.memref_slice %arg10[%dma_wait3A_484] : memref<2x!tpu.dma_semaphore, #tpu.memory_space<semaphore_mem>> -> memref<1x!tpu.dma_semaphore, #tpu.memory_space<semaphore_mem>>
      %dma_wait3A_496 = tpu.memref_squeeze %dma_wait3A_495 : memref<1x!tpu.dma_semaphore, #tpu.memory_space<semaphore_mem>> -> memref<!tpu.dma_semaphore, #tpu.memory_space<semaphore_mem>>
      tpu.wait_indirect_dma semaphore(%dma_wait3A_496 : memref<!tpu.dma_semaphore, #tpu.memory_space<semaphore_mem>>) src(%dma_wait3A_494 : memref<20000x128xf32, #tpu.memory_space<hbm>>) dst(%dma_wait3A_488 : memref<128x128xf32, #tpu.memory_space<vmem>>)
      %run_scoped3A_497 = arith.constant 1 : i32
      %run_scoped3A_498 = arith.constant 1 : i32
      "tpu.region"() ({
        %run_scoped3A_499 = tpu.sem_alloc : memref<!tpu.dma_semaphore, #tpu.memory_space<semaphore_mem>>
        %dma_start3A_500 = arith.constant 0 : i32
        %dma_start3A_501 = arith.constant 0 : i32
        %dma_start3A_502 = tpu.memref_slice %arg8[%run_scoped3A_497, %dma_start3A_500, %dma_start3A_501] : memref<2x128x128xf32, #tpu.memory_space<vmem>> -> memref<1x128x128xf32, #tpu.memory_space<vmem>>
        %dma_start3A_503 = tpu.memref_squeeze %dma_start3A_502 : memref<1x128x128xf32, #tpu.memory_space<vmem>> -> memref<128x128xf32, #tpu.memory_space<vmem>>
        %dma_start3A_504 = arith.constant 0 : i32
        %dma_start3A_505 = tpu.memref_slice %arg7[%run_scoped3A_498, %dma_start3A_504] : memref<2x128xi32, #tpu.memory_space<vmem>> -> memref<1x128xi32, #tpu.memory_space<vmem>>
        %dma_start3A_506 = tpu.memref_squeeze %dma_start3A_505 : memref<1x128xi32, #tpu.memory_space<vmem>> -> memref<128xi32, #tpu.memory_space<vmem>>
        %dma_start3A_507 = arith.constant 0 : i32
        %dma_start3A_508 = arith.constant 0 : i32
        %dma_start3A_509 = tpu.memref_slice %arg9[%dma_start3A_507, %dma_start3A_508] : memref<10240x128xf32, #tpu.memory_space<vmem_shared>> -> memref<10240x128xf32, #tpu.memory_space<vmem_shared>>
        tpu.enqueue_indirect_dma source(%dma_start3A_503 : memref<128x128xf32, #tpu.memory_space<vmem>>) target(%dma_start3A_509 : memref<10240x128xf32, #tpu.memory_space<vmem_shared>>) offsets(%dma_start3A_506 : memref<128xi32, #tpu.memory_space<vmem>>) semaphore(%run_scoped3A_499 : memref<!tpu.dma_semaphore, #tpu.memory_space<semaphore_mem>>) {add = true}
        %dma_wait3A_510 = arith.constant 0 : i32
        %dma_wait3A_511 = arith.constant 0 : i32
        %dma_wait3A_512 = tpu.memref_slice %arg8[%run_scoped3A_497, %dma_wait3A_510, %dma_wait3A_511] : memref<2x128x128xf32, #tpu.memory_space<vmem>> -> memref<1x128x128xf32, #tpu.memory_space<vmem>>
        %dma_wait3A_513 = tpu.memref_squeeze %dma_wait3A_512 : memref<1x128x128xf32, #tpu.memory_space<vmem>> -> memref<128x128xf32, #tpu.memory_space<vmem>>
        %dma_wait3A_514 = arith.constant 0 : i32
        %dma_wait3A_515 = tpu.memref_slice %arg7[%run_scoped3A_498, %dma_wait3A_514] : memref<2x128xi32, #tpu.memory_space<vmem>> -> memref<1x128xi32, #tpu.memory_space<vmem>>
        %dma_wait3A_516 = tpu.memref_squeeze %dma_wait3A_515 : memref<1x128xi32, #tpu.memory_space<vmem>> -> memref<128xi32, #tpu.memory_space<vmem>>
        %dma_wait3A_517 = arith.constant 0 : i32
        %dma_wait3A_518 = arith.constant 0 : i32
        %dma_wait3A_519 = tpu.memref_slice %arg9[%dma_wait3A_517, %dma_wait3A_518] : memref<10240x128xf32, #tpu.memory_space<vmem_shared>> -> memref<10240x128xf32, #tpu.memory_space<vmem_shared>>
        tpu.wait_indirect_dma semaphore(%run_scoped3A_499 : memref<!tpu.dma_semaphore, #tpu.memory_space<semaphore_mem>>) src(%dma_wait3A_513 : memref<128x128xf32, #tpu.memory_space<vmem>>) dst(%dma_wait3A_519 : memref<10240x128xf32, #tpu.memory_space<vmem_shared>>)
        tpu.yield
      }) : () -> ()
    }
    %scan3A_242 = arith.constant 40 : i32
    %barrier3A_243 = arith.constant 0 : index
    tpu.barrier barrier_id(%barrier3A_243)
    %mul3A_244 = arith.constant 640 : i32
    %mul3A_245 = arith.muli %arg1, %mul3A_244 : i32
    %mul3A_246 = arith.constant 640 : i32
    %mul3A_247 = arith.muli %arg1, %mul3A_246 : i32
    "tpu.region"() ({
      %run_scoped3A_248 = tpu.sem_alloc : memref<!tpu.dma_semaphore, #tpu.memory_space<semaphore_mem>>
      %dma_start3A_249 = arith.constant 0 : i32
      %dma_start3A_250 = tpu.memref_slice %arg4[%arg0, %mul3A_247, %dma_start3A_249] : memref<2x10240x128xf32, #tpu.memory_space<hbm>> -> memref<1x640x128xf32, #tpu.memory_space<hbm>>
      %dma_start3A_251 = tpu.memref_squeeze %dma_start3A_250 : memref<1x640x128xf32, #tpu.memory_space<hbm>> -> memref<640x128xf32, #tpu.memory_space<hbm>>
      %dma_start3A_252 = arith.constant 0 : i32
      %dma_start3A_253 = tpu.memref_slice %arg9[%mul3A_245, %dma_start3A_252] : memref<10240x128xf32, #tpu.memory_space<vmem_shared>> -> memref<640x128xf32, #tpu.memory_space<vmem_shared>>
      tpu.enqueue_dma source(%dma_start3A_253 : memref<640x128xf32, #tpu.memory_space<vmem_shared>>) target(%dma_start3A_251 : memref<640x128xf32, #tpu.memory_space<hbm>>) target_semaphore(%run_scoped3A_248 : memref<!tpu.dma_semaphore, #tpu.memory_space<semaphore_mem>>)
      %dma_wait3A = arith.constant 0 : i32
      %dma_wait3A_254 = tpu.memref_slice %arg4[%arg0, %mul3A_247, %dma_wait3A] : memref<2x10240x128xf32, #tpu.memory_space<hbm>> -> memref<1x640x128xf32, #tpu.memory_space<hbm>>
      %dma_wait3A_255 = tpu.memref_squeeze %dma_wait3A_254 : memref<1x640x128xf32, #tpu.memory_space<hbm>> -> memref<640x128xf32, #tpu.memory_space<hbm>>
      %dma_wait3A_256 = arith.constant 0 : i32
      %dma_wait3A_257 = tpu.memref_slice %arg9[%mul3A_245, %dma_wait3A_256] : memref<10240x128xf32, #tpu.memory_space<vmem_shared>> -> memref<640x128xf32, #tpu.memory_space<vmem_shared>>
      tpu.wait_dma2 semaphore(%run_scoped3A_248 : memref<!tpu.dma_semaphore, #tpu.memory_space<semaphore_mem>>) src(%dma_wait3A_257 : memref<640x128xf32, #tpu.memory_space<vmem_shared>>) dst(%dma_wait3A_255 : memref<640x128xf32, #tpu.memory_space<hbm>>)
      tpu.yield
    }) : () -> ()
    return
  }
}

module attributes {stable_mosaic.version = 14 : i64} {
  func.func @_tc1_body(%arg0: i32, %arg1: memref<1000x256xf32, #tpu.memory_space<vmem>>, %arg2: memref<256x256xf32, #tpu.memory_space<vmem>>, %arg3: memref<1000x16xf32, #tpu.memory_space<vmem>>, %arg4: memref<1000x2x128xf32, #tpu.memory_space<vmem>>, %arg5: memref<1000x1xf32, #tpu.memory_space<vmem>>) attributes {dimension_semantics = [#tpu.dimension_semantics<arbitrary>], iteration_bounds = array<i64: 10>, scalar_prefetch = 0 : i64, scratch_operands = 0 : i64, tpu.core_type = #tpu.core_type<tc>, window_params = [{transform_indices = @transform_0, window_bounds = array<i64: 1000, 256>}, {pipeline_mode = #tpu.pipeline_mode<synchronous>, transform_indices = @transform_1, window_bounds = array<i64: 256, 256>}, {transform_indices = @transform_2, window_bounds = array<i64: 1000, 16>}, {transform_indices = @transform_3, window_bounds = array<i64: 1000, 2, 128>}, {transform_indices = @transform_4, window_bounds = array<i64: 1000, 1>}]} {
    %get3A = arith.constant 0 : index
    %get3A_0 = arith.constant 0 : index
    %get3A_1 = vector.load %arg3[%get3A, %get3A_0] : memref<1000x16xf32, #tpu.memory_space<vmem>>, vector<1000x1xf32>
    %add3A = arith.constant 1.000000e+00 : f32
    %add3A_2 = vector.broadcast %add3A : f32 to vector<1000x1xf32>
    %add3A_3 = arith.addf %get3A_1, %add3A_2 : vector<1000x1xf32>
    %rsqrt3A = math.rsqrt %add3A_3 : vector<1000x1xf32>
    %get3A_4 = arith.constant 0 : index
    %get3A_5 = arith.constant 0 : index
    %get3A_6 = vector.load %arg1[%get3A_4, %get3A_5] : memref<1000x256xf32, #tpu.memory_space<vmem>>, vector<1000x256xf32>
    %get3A_7 = arith.constant 0 : index
    %get3A_8 = arith.constant 0 : index
    %get3A_9 = vector.load %arg2[%get3A_7, %get3A_8] : memref<256x256xf32, #tpu.memory_space<vmem>>, vector<256x256xf32>
    %dot_general3A = arith.constant dense<0.000000e+00> : vector<1000x256xf32>
    %dot_general3A_10 = tpu.matmul %get3A_6, %get3A_9, %dot_general3A {dimension_numbers = #tpu.dot_dimension_numbers<[1], [0], [0], [1], [0, 0, 1, 1], [], []>, transpose_lhs_hint = false} : vector<1000x256xf32>, vector<256x256xf32>, vector<1000x256xf32> -> vector<1000x256xf32>
    %mul3A = vector.broadcast %rsqrt3A : vector<1000x1xf32> to vector<1000x256xf32>
    %mul3A_11 = arith.mulf %dot_general3A_10, %mul3A : vector<1000x256xf32>
    %slice3A = vector.extract_strided_slice %mul3A_11 {offsets = [0, 0], sizes = [1000, 128], strides = [1, 1]} : vector<1000x256xf32> to vector<1000x128xf32>
    %swap3A = arith.constant 0 : index
    %swap3A_12 = arith.constant 0 : index
    %swap3A_13 = arith.constant 0 : index
    %swap3A_14 = vector.load %arg4[%swap3A, %swap3A_12, %swap3A_13] : memref<1000x2x128xf32, #tpu.memory_space<vmem>>, vector<1000x1x128xf32>
    %swap3A_15 = vector.shape_cast %swap3A_14 : vector<1000x1x128xf32> to vector<1000x128xf32>
    %swap3A_16 = vector.shape_cast %slice3A : vector<1000x128xf32> to vector<1000x1x128xf32>
    tpu.vector_store %arg4[%swap3A, %swap3A_12, %swap3A_13], %swap3A_16 {strides = array<i32>} : memref<1000x2x128xf32, #tpu.memory_space<vmem>>, vector<1000x1x128xf32>,
    %slice3A_17 = vector.extract_strided_slice %mul3A_11 {offsets = [0, 128], sizes = [1000, 128], strides = [1, 1]} : vector<1000x256xf32> to vector<1000x128xf32>
    %swap3A_18 = arith.constant 0 : index
    %swap3A_19 = arith.constant 1 : index
    %swap3A_20 = arith.constant 0 : index
    %swap3A_21 = vector.load %arg4[%swap3A_18, %swap3A_19, %swap3A_20] : memref<1000x2x128xf32, #tpu.memory_space<vmem>>, vector<1000x1x128xf32>
    %swap3A_22 = vector.shape_cast %swap3A_21 : vector<1000x1x128xf32> to vector<1000x128xf32>
    %swap3A_23 = vector.shape_cast %slice3A_17 : vector<1000x128xf32> to vector<1000x1x128xf32>
    tpu.vector_store %arg4[%swap3A_18, %swap3A_19, %swap3A_20], %swap3A_23 {strides = array<i32>} : memref<1000x2x128xf32, #tpu.memory_space<vmem>>, vector<1000x1x128xf32>,
    %swap3A_24 = arith.constant 0 : index
    %swap3A_25 = arith.constant 0 : index
    %swap3A_26 = vector.load %arg5[%swap3A_24, %swap3A_25] : memref<1000x1xf32, #tpu.memory_space<vmem>>, vector<1000x1xf32>
    tpu.vector_store %arg5[%swap3A_24, %swap3A_25], %rsqrt3A {strides = array<i32>} : memref<1000x1xf32, #tpu.memory_space<vmem>>, vector<1000x1xf32>,
    return
  }
  func.func @transform_0(%arg0: i32) -> (i32, i32) {
    %c0_i32 = arith.constant 0 : i32
    %c0_i32_0 = arith.constant 0 : i32
    return %arg0, %c0_i32 : i32, i32
  }
  func.func @transform_1(%arg0: i32) -> (i32, i32) {
    %c0_i32 = arith.constant 0 : i32
    %c0_i32_0 = arith.constant 0 : i32
    %c0_i32_1 = arith.constant 0 : i32
    return %c0_i32, %c0_i32_0 : i32, i32
  }
  func.func @transform_2(%arg0: i32) -> (i32, i32) {
    %c0_i32 = arith.constant 0 : i32
    %c0_i32_0 = arith.constant 0 : i32
    return %arg0, %c0_i32 : i32, i32
  }
  func.func @transform_3(%arg0: i32) -> (i32, i32, i32) {
    %c0_i32 = arith.constant 0 : i32
    %c0_i32_0 = arith.constant 0 : i32
    %c0_i32_1 = arith.constant 0 : i32
    return %arg0, %c0_i32, %c0_i32_0 : i32, i32, i32
  }
  func.func @transform_4(%arg0: i32) -> (i32, i32) {
    %c0_i32 = arith.constant 0 : i32
    %c0_i32_0 = arith.constant 0 : i32
    return %arg0, %c0_i32 : i32, i32
  }
}

module attributes {stable_mosaic.version = 14 : i64} {
  func.func @_tc2_body(%arg0: i32, %arg1: memref<1x1000x128xf32, #tpu.memory_space<vmem>>, %arg2: memref<1x1000x128xf32, #tpu.memory_space<vmem>>, %arg3: memref<1000x2x128xf32, #tpu.memory_space<vmem>>, %arg4: memref<1000x1xf32, #tpu.memory_space<vmem>>, %arg5: memref<256xf32, #tpu.memory_space<vmem>>, %arg6: memref<256x256xf32, #tpu.memory_space<vmem>>, %arg7: memref<1000x2x128xf32, #tpu.memory_space<vmem>>) attributes {dimension_semantics = [#tpu.dimension_semantics<arbitrary>], iteration_bounds = array<i64: 10>, scalar_prefetch = 0 : i64, scratch_operands = 0 : i64, tpu.core_type = #tpu.core_type<tc>, window_params = [{transform_indices = @transform_0, window_bounds = array<i64: 1, 1000, 128>}, {transform_indices = @transform_1, window_bounds = array<i64: 1, 1000, 128>}, {transform_indices = @transform_2, window_bounds = array<i64: 1000, 2, 128>}, {transform_indices = @transform_3, window_bounds = array<i64: 1000, 1>}, {pipeline_mode = #tpu.pipeline_mode<synchronous>, transform_indices = @transform_4, window_bounds = array<i64: 256>}, {pipeline_mode = #tpu.pipeline_mode<synchronous>, transform_indices = @transform_5, window_bounds = array<i64: 256, 256>}, {transform_indices = @transform_6, window_bounds = array<i64: 1000, 2, 128>}]} {
    %get3A = arith.constant 0 : index
    %get3A_0 = arith.constant 0 : index
    %get3A_1 = vector.load %arg4[%get3A, %get3A_0] : memref<1000x1xf32, #tpu.memory_space<vmem>>, vector<1000x1xf32>
    %get3A_2 = arith.constant 0 : index
    %get3A_3 = arith.constant 0 : index
    %get3A_4 = arith.constant 0 : index
    %get3A_5 = vector.load %arg1[%get3A_2, %get3A_3, %get3A_4] : memref<1x1000x128xf32, #tpu.memory_space<vmem>>, vector<1x1000x128xf32>
    %get3A_6 = vector.shape_cast %get3A_5 : vector<1x1000x128xf32> to vector<1000x128xf32>
    %get3A_7 = arith.constant 0 : index
    %get3A_8 = arith.constant 0 : index
    %get3A_9 = arith.constant 0 : index
    %get3A_10 = vector.load %arg2[%get3A_7, %get3A_8, %get3A_9] : memref<1x1000x128xf32, #tpu.memory_space<vmem>>, vector<1x1000x128xf32>
    %get3A_11 = vector.shape_cast %get3A_10 : vector<1x1000x128xf32> to vector<1000x128xf32>
    %concatenate3A = tpu.concatenate %get3A_6, %get3A_11 in 1 : vector<1000x128xf32>, vector<1000x128xf32> -> vector<1000x256xf32>
    %get3A_12 = arith.constant 0 : index
    %get3A_13 = arith.constant 0 : index
    %get3A_14 = arith.constant 0 : index
    %get3A_15 = vector.load %arg3[%get3A_12, %get3A_13, %get3A_14] : memref<1000x2x128xf32, #tpu.memory_space<vmem>>, vector<1000x1x128xf32>
    %get3A_16 = vector.shape_cast %get3A_15 : vector<1000x1x128xf32> to vector<1000x128xf32>
    %get3A_17 = arith.constant 0 : index
    %get3A_18 = arith.constant 1 : index
    %get3A_19 = arith.constant 0 : index
    %get3A_20 = vector.load %arg3[%get3A_17, %get3A_18, %get3A_19] : memref<1000x2x128xf32, #tpu.memory_space<vmem>>, vector<1000x1x128xf32>
    %get3A_21 = vector.shape_cast %get3A_20 : vector<1000x1x128xf32> to vector<1000x128xf32>
    %concatenate3A_22 = tpu.concatenate %get3A_16, %get3A_21 in 1 : vector<1000x128xf32>, vector<1000x128xf32> -> vector<1000x256xf32>
    %add3A = arith.addf %concatenate3A, %concatenate3A_22 : vector<1000x256xf32>
    %mul3A = vector.broadcast %get3A_1 : vector<1000x1xf32> to vector<1000x256xf32>
    %mul3A_23 = arith.mulf %add3A, %mul3A : vector<1000x256xf32>
    %get3A_24 = arith.constant 0 : index
    %get3A_25 = vector.load %arg5[%get3A_24] : memref<256xf32, #tpu.memory_space<vmem>>, vector<256xf32>
    %broadcast_in_dim3A = vector.shape_cast %get3A_25 : vector<256xf32> to vector<1x256xf32>
    %add3A_26 = vector.broadcast %broadcast_in_dim3A : vector<1x256xf32> to vector<1000x256xf32>
    %add3A_27 = arith.addf %mul3A_23, %add3A_26 : vector<1000x256xf32>
    %max3A = arith.constant 0.000000e+00 : f32
    %max3A_28 = vector.broadcast %max3A : f32 to vector<1000x256xf32>
    %max3A_29 = arith.maximumf %add3A_27, %max3A_28 : vector<1000x256xf32>
    %get3A_30 = arith.constant 0 : index
    %get3A_31 = arith.constant 0 : index
    %get3A_32 = vector.load %arg6[%get3A_30, %get3A_31] : memref<256x256xf32, #tpu.memory_space<vmem>>, vector<256x256xf32>
    %dot_general3A = arith.constant dense<0.000000e+00> : vector<1000x256xf32>
    %dot_general3A_33 = tpu.matmul %max3A_29, %get3A_32, %dot_general3A {dimension_numbers = #tpu.dot_dimension_numbers<[1], [0], [0], [1], [0, 0, 1, 1], [], []>, transpose_lhs_hint = false} : vector<1000x256xf32>, vector<256x256xf32>, vector<1000x256xf32> -> vector<1000x256xf32>
    %mul3A_34 = vector.broadcast %get3A_1 : vector<1000x1xf32> to vector<1000x256xf32>
    %mul3A_35 = arith.mulf %dot_general3A_33, %mul3A_34 : vector<1000x256xf32>
    %slice3A = vector.extract_strided_slice %mul3A_35 {offsets = [0, 0], sizes = [1000, 128], strides = [1, 1]} : vector<1000x256xf32> to vector<1000x128xf32>
    %swap3A = arith.constant 0 : index
    %swap3A_36 = arith.constant 0 : index
    %swap3A_37 = arith.constant 0 : index
    %swap3A_38 = vector.load %arg7[%swap3A, %swap3A_36, %swap3A_37] : memref<1000x2x128xf32, #tpu.memory_space<vmem>>, vector<1000x1x128xf32>
    %swap3A_39 = vector.shape_cast %swap3A_38 : vector<1000x1x128xf32> to vector<1000x128xf32>
    %swap3A_40 = vector.shape_cast %slice3A : vector<1000x128xf32> to vector<1000x1x128xf32>
    tpu.vector_store %arg7[%swap3A, %swap3A_36, %swap3A_37], %swap3A_40 {strides = array<i32>} : memref<1000x2x128xf32, #tpu.memory_space<vmem>>, vector<1000x1x128xf32>,
    %slice3A_41 = vector.extract_strided_slice %mul3A_35 {offsets = [0, 128], sizes = [1000, 128], strides = [1, 1]} : vector<1000x256xf32> to vector<1000x128xf32>
    %swap3A_42 = arith.constant 0 : index
    %swap3A_43 = arith.constant 1 : index
    %swap3A_44 = arith.constant 0 : index
    %swap3A_45 = vector.load %arg7[%swap3A_42, %swap3A_43, %swap3A_44] : memref<1000x2x128xf32, #tpu.memory_space<vmem>>, vector<1000x1x128xf32>
    %swap3A_46 = vector.shape_cast %swap3A_45 : vector<1000x1x128xf32> to vector<1000x128xf32>
    %swap3A_47 = vector.shape_cast %slice3A_41 : vector<1000x128xf32> to vector<1000x1x128xf32>
    tpu.vector_store %arg7[%swap3A_42, %swap3A_43, %swap3A_44], %swap3A_47 {strides = array<i32>} : memref<1000x2x128xf32, #tpu.memory_space<vmem>>, vector<1000x1x128xf32>,
    return
  }
  func.func @transform_0(%arg0: i32) -> (i32, i32, i32) {
    %c0_i32 = arith.constant 0 : i32
    %c0_i32_0 = arith.constant 0 : i32
    %c0_i32_1 = arith.constant 0 : i32
    return %c0_i32, %arg0, %c0_i32_0 : i32, i32, i32
  }
  func.func @transform_1(%arg0: i32) -> (i32, i32, i32) {
    %c1_i32 = arith.constant 1 : i32
    %c0_i32 = arith.constant 0 : i32
    %c0_i32_0 = arith.constant 0 : i32
    return %c1_i32, %arg0, %c0_i32 : i32, i32, i32
  }
  func.func @transform_2(%arg0: i32) -> (i32, i32, i32) {
    %c0_i32 = arith.constant 0 : i32
    %c0_i32_0 = arith.constant 0 : i32
    %c0_i32_1 = arith.constant 0 : i32
    return %arg0, %c0_i32, %c0_i32_0 : i32, i32, i32
  }
  func.func @transform_3(%arg0: i32) -> (i32, i32) {
    %c0_i32 = arith.constant 0 : i32
    %c0_i32_0 = arith.constant 0 : i32
    return %arg0, %c0_i32 : i32, i32
  }
  func.func @transform_4(%arg0: i32) -> i32 {
    %c0_i32 = arith.constant 0 : i32
    %c0_i32_0 = arith.constant 0 : i32
    return %c0_i32 : i32
  }
  func.func @transform_5(%arg0: i32) -> (i32, i32) {
    %c0_i32 = arith.constant 0 : i32
    %c0_i32_0 = arith.constant 0 : i32
    %c0_i32_1 = arith.constant 0 : i32
    return %c0_i32, %c0_i32_0 : i32, i32
  }
  func.func @transform_6(%arg0: i32) -> (i32, i32, i32) {
    %c0_i32 = arith.constant 0 : i32
    %c0_i32_0 = arith.constant 0 : i32
    %c0_i32_1 = arith.constant 0 : i32
    return %arg0, %c0_i32, %c0_i32_0 : i32, i32, i32
  }
}

module attributes {stable_mosaic.version = 14 : i64} {
  func.func @_tc3_body(%arg0: i32, %arg1: memref<1x1000x128xf32, #tpu.memory_space<vmem>>, %arg2: memref<1x1000x128xf32, #tpu.memory_space<vmem>>, %arg3: memref<1000x2x128xf32, #tpu.memory_space<vmem>>, %arg4: memref<1000x1xf32, #tpu.memory_space<vmem>>, %arg5: memref<256xf32, #tpu.memory_space<vmem>>, %arg6: memref<256x256xf32, #tpu.memory_space<vmem>>, %arg7: memref<256xf32, #tpu.memory_space<vmem>>, %arg8: memref<256x4xf32, #tpu.memory_space<vmem>>, %arg9: memref<4xf32, #tpu.memory_space<vmem>>, %arg10: memref<1000x4xf32, #tpu.memory_space<vmem>>) attributes {dimension_semantics = [#tpu.dimension_semantics<arbitrary>], iteration_bounds = array<i64: 10>, scalar_prefetch = 0 : i64, scratch_operands = 0 : i64, tpu.core_type = #tpu.core_type<tc>, window_params = [{transform_indices = @transform_0, window_bounds = array<i64: 1, 1000, 128>}, {transform_indices = @transform_1, window_bounds = array<i64: 1, 1000, 128>}, {transform_indices = @transform_2, window_bounds = array<i64: 1000, 2, 128>}, {transform_indices = @transform_3, window_bounds = array<i64: 1000, 1>}, {pipeline_mode = #tpu.pipeline_mode<synchronous>, transform_indices = @transform_4, window_bounds = array<i64: 256>}, {pipeline_mode = #tpu.pipeline_mode<synchronous>, transform_indices = @transform_5, window_bounds = array<i64: 256, 256>}, {pipeline_mode = #tpu.pipeline_mode<synchronous>, transform_indices = @transform_6, window_bounds = array<i64: 256>}, {pipeline_mode = #tpu.pipeline_mode<synchronous>, transform_indices = @transform_7, window_bounds = array<i64: 256, 4>}, {pipeline_mode = #tpu.pipeline_mode<synchronous>, transform_indices = @transform_8, window_bounds = array<i64: 4>}, {transform_indices = @transform_9, window_bounds = array<i64: 1000, 4>}]} {
    %get3A = arith.constant 0 : index
    %get3A_0 = arith.constant 0 : index
    %get3A_1 = vector.load %arg4[%get3A, %get3A_0] : memref<1000x1xf32, #tpu.memory_space<vmem>>, vector<1000x1xf32>
    %get3A_2 = arith.constant 0 : index
    %get3A_3 = arith.constant 0 : index
    %get3A_4 = arith.constant 0 : index
    %get3A_5 = vector.load %arg1[%get3A_2, %get3A_3, %get3A_4] : memref<1x1000x128xf32, #tpu.memory_space<vmem>>, vector<1x1000x128xf32>
    %get3A_6 = vector.shape_cast %get3A_5 : vector<1x1000x128xf32> to vector<1000x128xf32>
    %get3A_7 = arith.constant 0 : index
    %get3A_8 = arith.constant 0 : index
    %get3A_9 = arith.constant 0 : index
    %get3A_10 = vector.load %arg2[%get3A_7, %get3A_8, %get3A_9] : memref<1x1000x128xf32, #tpu.memory_space<vmem>>, vector<1x1000x128xf32>
    %get3A_11 = vector.shape_cast %get3A_10 : vector<1x1000x128xf32> to vector<1000x128xf32>
    %concatenate3A = tpu.concatenate %get3A_6, %get3A_11 in 1 : vector<1000x128xf32>, vector<1000x128xf32> -> vector<1000x256xf32>
    %get3A_12 = arith.constant 0 : index
    %get3A_13 = arith.constant 0 : index
    %get3A_14 = arith.constant 0 : index
    %get3A_15 = vector.load %arg3[%get3A_12, %get3A_13, %get3A_14] : memref<1000x2x128xf32, #tpu.memory_space<vmem>>, vector<1000x1x128xf32>
    %get3A_16 = vector.shape_cast %get3A_15 : vector<1000x1x128xf32> to vector<1000x128xf32>
    %get3A_17 = arith.constant 0 : index
    %get3A_18 = arith.constant 1 : index
    %get3A_19 = arith.constant 0 : index
    %get3A_20 = vector.load %arg3[%get3A_17, %get3A_18, %get3A_19] : memref<1000x2x128xf32, #tpu.memory_space<vmem>>, vector<1000x1x128xf32>
    %get3A_21 = vector.shape_cast %get3A_20 : vector<1000x1x128xf32> to vector<1000x128xf32>
    %concatenate3A_22 = tpu.concatenate %get3A_16, %get3A_21 in 1 : vector<1000x128xf32>, vector<1000x128xf32> -> vector<1000x256xf32>
    %add3A = arith.addf %concatenate3A, %concatenate3A_22 : vector<1000x256xf32>
    %mul3A = vector.broadcast %get3A_1 : vector<1000x1xf32> to vector<1000x256xf32>
    %mul3A_23 = arith.mulf %add3A, %mul3A : vector<1000x256xf32>
    %get3A_24 = arith.constant 0 : index
    %get3A_25 = vector.load %arg5[%get3A_24] : memref<256xf32, #tpu.memory_space<vmem>>, vector<256xf32>
    %broadcast_in_dim3A = vector.shape_cast %get3A_25 : vector<256xf32> to vector<1x256xf32>
    %add3A_26 = vector.broadcast %broadcast_in_dim3A : vector<1x256xf32> to vector<1000x256xf32>
    %add3A_27 = arith.addf %mul3A_23, %add3A_26 : vector<1000x256xf32>
    %tanh3A = math.tanh %add3A_27 : vector<1000x256xf32>
    %get3A_28 = arith.constant 0 : index
    %get3A_29 = arith.constant 0 : index
    %get3A_30 = vector.load %arg6[%get3A_28, %get3A_29] : memref<256x256xf32, #tpu.memory_space<vmem>>, vector<256x256xf32>
    %dot_general3A = arith.constant dense<0.000000e+00> : vector<1000x256xf32>
    %dot_general3A_31 = tpu.matmul %tanh3A, %get3A_30, %dot_general3A {dimension_numbers = #tpu.dot_dimension_numbers<[1], [0], [0], [1], [0, 0, 1, 1], [], []>, transpose_lhs_hint = false} : vector<1000x256xf32>, vector<256x256xf32>, vector<1000x256xf32> -> vector<1000x256xf32>
    %get3A_32 = arith.constant 0 : index
    %get3A_33 = vector.load %arg7[%get3A_32] : memref<256xf32, #tpu.memory_space<vmem>>, vector<256xf32>
    %broadcast_in_dim3A_34 = vector.shape_cast %get3A_33 : vector<256xf32> to vector<1x256xf32>
    %add3A_35 = vector.broadcast %broadcast_in_dim3A_34 : vector<1x256xf32> to vector<1000x256xf32>
    %add3A_36 = arith.addf %dot_general3A_31, %add3A_35 : vector<1000x256xf32>
    %max3A = arith.constant 0.000000e+00 : f32
    %max3A_37 = vector.broadcast %max3A : f32 to vector<1000x256xf32>
    %max3A_38 = arith.maximumf %add3A_36, %max3A_37 : vector<1000x256xf32>
    %get3A_39 = arith.constant 0 : index
    %get3A_40 = arith.constant 0 : index
    %get3A_41 = vector.load %arg8[%get3A_39, %get3A_40] : memref<256x4xf32, #tpu.memory_space<vmem>>, vector<256x4xf32>
    %dot_general3A_42 = arith.constant dense<0.000000e+00> : vector<1000x4xf32>
    %dot_general3A_43 = tpu.matmul %max3A_38, %get3A_41, %dot_general3A_42 {dimension_numbers = #tpu.dot_dimension_numbers<[1], [0], [0], [1], [0, 0, 1, 1], [], []>, transpose_lhs_hint = false} : vector<1000x256xf32>, vector<256x4xf32>, vector<1000x4xf32> -> vector<1000x4xf32>
    %get3A_44 = arith.constant 0 : index
    %get3A_45 = vector.load %arg9[%get3A_44] : memref<4xf32, #tpu.memory_space<vmem>>, vector<4xf32>
    %broadcast_in_dim3A_46 = vector.shape_cast %get3A_45 : vector<4xf32> to vector<1x4xf32>
    %add3A_47 = vector.broadcast %broadcast_in_dim3A_46 : vector<1x4xf32> to vector<1000x4xf32>
    %add3A_48 = arith.addf %dot_general3A_43, %add3A_47 : vector<1000x4xf32>
    %max3A_49 = arith.constant 0.000000e+00 : f32
    %max3A_50 = vector.broadcast %max3A_49 : f32 to vector<1000x4xf32>
    %max3A_51 = arith.maximumf %add3A_48, %max3A_50 : vector<1000x4xf32>
    %swap3A = arith.constant 0 : index
    %swap3A_52 = arith.constant 0 : index
    %swap3A_53 = vector.load %arg10[%swap3A, %swap3A_52] : memref<1000x4xf32, #tpu.memory_space<vmem>>, vector<1000x4xf32>
    tpu.vector_store %arg10[%swap3A, %swap3A_52], %max3A_51 {strides = array<i32>} : memref<1000x4xf32, #tpu.memory_space<vmem>>, vector<1000x4xf32>,
    return
  }
  func.func @transform_0(%arg0: i32) -> (i32, i32, i32) {
    %c0_i32 = arith.constant 0 : i32
    %c0_i32_0 = arith.constant 0 : i32
    %c0_i32_1 = arith.constant 0 : i32
    return %c0_i32, %arg0, %c0_i32_0 : i32, i32, i32
  }
  func.func @transform_1(%arg0: i32) -> (i32, i32, i32) {
    %c1_i32 = arith.constant 1 : i32
    %c0_i32 = arith.constant 0 : i32
    %c0_i32_0 = arith.constant 0 : i32
    return %c1_i32, %arg0, %c0_i32 : i32, i32, i32
  }
  func.func @transform_2(%arg0: i32) -> (i32, i32, i32) {
    %c0_i32 = arith.constant 0 : i32
    %c0_i32_0 = arith.constant 0 : i32
    %c0_i32_1 = arith.constant 0 : i32
    return %arg0, %c0_i32, %c0_i32_0 : i32, i32, i32
  }
  func.func @transform_3(%arg0: i32) -> (i32, i32) {
    %c0_i32 = arith.constant 0 : i32
    %c0_i32_0 = arith.constant 0 : i32
    return %arg0, %c0_i32 : i32, i32
  }
  func.func @transform_4(%arg0: i32) -> i32 {
    %c0_i32 = arith.constant 0 : i32
    %c0_i32_0 = arith.constant 0 : i32
    return %c0_i32 : i32
  }
  func.func @transform_5(%arg0: i32) -> (i32, i32) {
    %c0_i32 = arith.constant 0 : i32
    %c0_i32_0 = arith.constant 0 : i32
    %c0_i32_1 = arith.constant 0 : i32
    return %c0_i32, %c0_i32_0 : i32, i32
  }
  func.func @transform_6(%arg0: i32) -> i32 {
    %c0_i32 = arith.constant 0 : i32
    %c0_i32_0 = arith.constant 0 : i32
    return %c0_i32 : i32
  }
  func.func @transform_7(%arg0: i32) -> (i32, i32) {
    %c0_i32 = arith.constant 0 : i32
    %c0_i32_0 = arith.constant 0 : i32
    %c0_i32_1 = arith.constant 0 : i32
    return %c0_i32, %c0_i32_0 : i32, i32
  }
  func.func @transform_8(%arg0: i32) -> i32 {
    %c0_i32 = arith.constant 0 : i32
    %c0_i32_0 = arith.constant 0 : i32
    return %c0_i32 : i32
  }
  func.func @transform_9(%arg0: i32) -> (i32, i32) {
    %c0_i32 = arith.constant 0 : i32
    %c0_i32_0 = arith.constant 0 : i32
    return %arg0, %c0_i32 : i32, i32
  }
}

</mosaic_0001>

<sc_bundles>
// kernel: kernel.11.cloned.1.call-start
scs
__scs_entry_jumppad:
0x0: {  	(pc) =	sbr.rel $0x88, $3  }
0x1: {  	(tag) =	ssettag $0x0;
	lr =	simm.s32 $0x1  }
0x2: {  	[smem:$0x3F97] =	sst lr;
	_ =	strace $0xD0000000  }
0x3: {  	_ = 	snop  }
0x4: {  	_ = 	snop  }
0x5: {  	_ = 	snop  }
0x6: {  	_ = 	snop  }
0x7: {  	_ = 	snop  }
__scs_overlays_trampoline_lowered:
0x8: {  	[smem:$0x3FA6] =	sst s0  }
0x9: {  	[smem:$0x3FA7] =	sst s1  }
0xa: {  	[smem:$0x3FA8] =	sst s2  }
0xb: {  	[smem:$0x3FA9] =	sst s3  }
0xc: {  	[smem:$0x3FAA] =	sst s4  }
0xd: {  	[smem:$0x3FAB] =	sst s5  }
0xe: {  	[smem:$0x3FAC] =	sst s6  }
0xf: {  	[smem:$0x3FAD] =	sst s7  }
0x10: {  	[smem:$0x3FAE] =	sst s8  }
0x11: {  	[smem:$0x3FAF] =	sst s9;
	s0 =	simm.s32 @!p0 $0x0  }
0x12: {  	s1 =	sld [smem:$0x3F95];
	s0 =	simm.s32 @p0 $0x1  }
0x13: {  	[smem:$0x3FB0] =	sst s0;
	s0 =	simm.s32 @!p1 $0x0  }
0x14: {  	s2 =	sld [smem:$0x3F94];
	s0 =	simm.s32 @p1 $0x1  }
0x15: {  	[smem:$0x3FB1] =	sst s0;
	s0 =	simm.s32 @!p2 $0x0  }
0x16: {  	s3 =	sld [smem:$0x3FDB];
	s0 =	simm.s32 @p2 $0x1  }
0x17: {  	s4 =	simm.s32 $0x1BF5;
	[smem:$0x3FB3] =	sst s0  }
0x18: {  	s0 =	sld [smem:$0x3F96];
	_ =	swait.ge [sflag:s4], $0x0  }
0x19: {  	s7 =	sld [smem:$0x3F97]  }
0x1a: {  	s8 =	sadd.s32 $0xFFFFE003, lr  }
0x1b: {  	s9 =	sadd.s32 $0xFFFFFEF7, lr;
	s5 =	simm.s32 $0xFFFFFFFF;
	p2 =	slt.u32 s8, $0xFFFFF086  }
0x1c: {  	p1 =	slt.u32 s9, $0xF7A;
	s5 =	simm.s32 @!p2 $0x0  }
0x1d: {  	s5 =	simm.s32 @p1 $0x1;
	p0 =	seq.s32 s7, s2  }
0x1e: {  	s7 =	smul.u32 @!p0 $0xF7A, s2;
	p2 =	seq.s32 @!p0 s5, $0x0  }
0x1f: {  	s9 =	smul.u32 $0xF7A, s1;
	s8 =	simm.s32 @!p0 $0x1BF5;
	p2 =	por !p2, p0  }
0x20: {  	[sflag:s8] =	ssyncset.s32 @!p0 $0xFFFFF086;
	s6 =	sadd.s32 @!p0 s3, s7;
	s7 =	simm.s32 @!p0 $0x108  }
0x21: {  	s3 =	sadd.s32 s3, s9;
	s6 =	sadd.s32 @!p0 $0x88, s6;
	s7 =	simm.s32 @p2 $0x1082  }
0x22: {  	[simem:s7], [sflag:s8] =	dma.local @!p0 [hbm:s6], $0xF7A  }
0x23: {  	s9 =	sor.u32 $0xD0000000, s2;
	s6 =	simm.s32 $0x108;
	_ =	swait.ge @!p0 [sflag:s8], $0x0  }
0x24: {  	s3 =	sadd.s32 $0x88, s3;
	s6 =	simm.s32 @!p1 $0x1082;
	[sflag:s4] =	ssyncset.s32 $0xFFFFF086  }
0x25: {  	[simem:s6], [sflag:s4] =	dma.local [hbm:s3], $0xF7A  }
0x26: {  	[smem:$0x3F97] =	sst s1;
	(tag) =	ssettag s2;
	_ =	strace s9  }
0x27: {  	s1 =	sld [smem:$0x3FA7]  }
0x28: {  	s2 =	sld [smem:$0x3FA8]  }
0x29: {  	s4 =	sld [smem:$0x3FAA]  }
0x2a: {  	p0 =	seq.s32 s5, $0x0;
	s5 =	sld [smem:$0x3FAB]  }
0x2b: {  	s6 =	sld [smem:$0x3FAC]  }
0x2c: {  	s7 =	sld [smem:$0x3FAD]  }
0x2d: {  	s3 =	simm.s32 $0x108;
	s8 =	sld [smem:$0x3FAE]  }
0x2e: {  	s3 =	simm.s32 @!p0 $0x1082;
	s9 =	sld [smem:$0x3FAF]  }
0x2f: {  	lr =	sadd.s32 s0, s3;
	s0 =	sld [smem:$0x3FA6]  }
0x30: {  	s3 =	sld [smem:$0x3FA9]  }
0x31: {  	[smem:$0x3FB2] =	sst s10  }
0x32: {  	s10 =	sld [smem:$0x3FB0];
	_ =	sdelay $0x3  }
0x33: {  	p0 =	seq.s32 s10, $0x1;
	s10 =	sld [smem:$0x3FB2];
	_ =	sdelay $0x3  }
0x34: {  	[smem:$0x3FB2] =	sst s10  }
0x35: {  	s10 =	sld [smem:$0x3FB1];
	_ =	sdelay $0x3  }
0x36: {  	p1 =	seq.s32 s10, $0x1;
	s10 =	sld [smem:$0x3FB2];
	_ =	sdelay $0x3  }
0x37: {  	[smem:$0x3FB2] =	sst s10  }
0x38: {  	s10 =	sld [smem:$0x3FB3]  }
0x39: {  	_ = 	snop;
	(pc) =	sbr.ind lr, $3  }
0x3a: {  	_ = 	snop  }
0x3b: {  	_ = 	snop  }
0x3c: {  	p2 =	seq.s32 s10, $0x1;
	s10 =	sld [smem:$0x3FB2]  }
0x3d: {  	_ =	shalt  }
0x3e: {  	_ =	shalt  }
0x3f: {  	_ =	shalt  }
0x40: {  	_ =	shalt  }
0x41: {  	_ =	shalt  }
0x42: {  	_ =	shalt  }
0x43: {  	_ =	shalt  }
0x44: {  	_ =	shalt  }
0x45: {  	_ =	shalt  }
0x46: {  	_ =	shalt  }
0x47: {  	_ =	shalt  }
0x48: {  	_ =	shalt  }
0x49: {  	_ =	shalt  }
0x4a: {  	_ =	shalt  }
0x4b: {  	_ =	shalt  }
0x4c: {  	_ =	shalt  }
0x4d: {  	_ =	shalt  }
0x4e: {  	_ =	shalt  }
0x4f: {  	_ =	shalt  }
0x50: {  	_ =	shalt  }
0x51: {  	_ =	shalt  }
0x52: {  	_ =	shalt  }
0x53: {  	_ =	shalt  }
0x54: {  	_ =	shalt  }
0x55: {  	_ =	shalt  }
0x56: {  	_ =	shalt  }
0x57: {  	_ =	shalt  }
0x58: {  	_ =	shalt  }
0x59: {  	_ =	shalt  }
0x5a: {  	_ =	shalt  }
0x5b: {  	_ =	shalt  }
0x5c: {  	_ =	shalt  }
0x5d: {  	_ =	shalt  }
0x5e: {  	_ =	shalt  }
0x5f: {  	_ =	shalt  }
0x60: {  	_ =	shalt  }
0x61: {  	_ =	shalt  }
0x62: {  	_ =	shalt  }
0x63: {  	_ =	shalt  }
0x64: {  	_ =	shalt  }
0x65: {  	_ =	shalt  }
0x66: {  	_ =	shalt  }
0x67: {  	_ =	shalt  }
0x68: {  	_ =	shalt  }
0x69: {  	_ =	shalt  }
0x6a: {  	_ =	shalt  }
0x6b: {  	_ =	shalt  }
0x6c: {  	_ =	shalt  }
0x6d: {  	_ =	shalt  }
0x6e: {  	_ =	shalt  }
0x6f: {  	_ =	shalt  }
0x70: {  	_ =	shalt  }
0x71: {  	_ =	shalt  }
0x72: {  	_ =	shalt  }
0x73: {  	_ =	shalt  }
0x74: {  	_ =	shalt  }
0x75: {  	_ =	shalt  }
0x76: {  	_ =	shalt  }
0x77: {  	_ =	shalt  }
0x78: {  	_ =	shalt  }
0x79: {  	_ =	shalt  }
0x7a: {  	_ =	shalt  }
0x7b: {  	_ =	shalt  }
0x7c: {  	_ =	shalt  }
0x7d: {  	_ =	shalt  }
0x7e: {  	_ =	shalt  }
0x7f: {  	_ =	shalt  }
0x80: {  	_ =	shalt  }
0x81: {  	_ =	shalt  }
0x82: {  	_ =	shalt  }
0x83: {  	_ =	shalt  }
0x84: {  	_ =	shalt  }
0x85: {  	_ =	shalt  }
0x86: {  	_ =	shalt  }
0x87: {  	_ =	shalt  }
.Lfunc_end0:
.L_simem_size_0:
called_computation.1_lowered:
.L_overlay_start_0:
0x88: {  	s2 =	sld [smem:$0x3FD9]  }
0x89: {  	s3 =	sld [smem:$0x3FFE];
	_ =	sdelay $0x1  }
0x8a: {  	s1 =	srdreg.scid  }
0x8b: {  	s0 =	sand.u32 $0x1, s1  }
0x8c: {  	s16 =	sshll.u32 s0, $0xA;
	s2 =	sadd.s32 s3, s2  }
0x8d: {  	s2 =	sadd.s32 s2, s16  }
0x8e: {  	[smem:$0x3FBE] =	sst s2  }
0x8f: {  	_ = 	snop  }
0x90: {  	(tm) =	ssettm $0x1  }
0x91: {  	s17 =	sld [smem:$0x3FFB];
	_ =	sdelay $0x3  }
0x92: {  	_ =	strace s17  }
0x93: {  	s2 =	sld [smem:$0x3FFC];
	_ =	sdelay $0x3  }
0x94: {  	_ =	strace s2  }
0x95: {  	s2 =	sld [smem:$0x3FFD];
	_ =	sdelay $0x3  }
0x96: {  	_ =	strace s2  }
0x97: {  	_ =	strace $0x8FFFFFFF  }
0x98: {  	s18 =	sld [smem:$0x3FDB];
	_ =	sdelay $0x1  }
0x99: {  	s19 =	simm.s32 $_scs_section_size  }
0x9a: {  	s4 =	simm.s32 $_size__tile_overlayer_lowered;
	s5 =	simm.s32 $_tile_overlayer_lowered  }
0x9b: {  	s22 =	simm.s32 $0x1BFF;
	s21 =	sshll.u32 s5, $0x1;
	s2 =	sadd.s32 s19, s18  }
0x9c: {  	s6 =	simm.s32 $0x0;
	s20 =	sshll.u32 s4, $0x1;
	s4 =	sadd.s32 s21, s2  }
0x9d: {  	[timem:s6], [sflag:s22] =	dma.local [hbm:s4], s20  }
0x9e: {  	_ =	swait.ge [sflag:s22], s20  }
0x9f: {  	s3 =	ssub.s32 $0x0, s20;
	[sflag:s22] =	ssyncset.done $0x0  }
0xa0: {  	[sflag:s22] =	ssyncadd.s32 s3;
	_ =	sdelay $0x1  }
0xa1: {  	s23 =	simm.s32 $0x1B8B  }
0xa2: {  	_ =	swait.ge [sflag:s23], $0x1  }
0xa3: {  	[sflag:s23] =	ssyncset.done $0x0  }
0xa4: {  	s25 =	simm.s32 $0x1B8E;
	s24 =	sld [smem:$0x3FFE];
	[sflag:s23] =	ssyncadd.s32 $0xFFFFFFFF  }
0xa5: {  	s26 =	simm.s32 $execute0_lowered;
	[smem:$0x3FD2] =	sst s25  }
0xa6: {  	s4 =	sshll.u32 s26, $0x1;
	_ =	strace $0x80000049;
	[dreg:$0x1] =	wrdreg $0xFFFFFFFF  }
0xa7: {  	s28 =	simm.s32 $_size_execute0_lowered;
	s2 =	sadd.s32 s2, s4;
	[dreg:$0x0] =	wrdreg $0x0  }
0xa8: {  	s4 =	sshll.u32 s28, $0x1;
	[dreg:$0x2] =	wrdreg s2  }
0xa9: {  	[dreg:$0x3] =	wrdreg s4  }
0xaa: {  	[dreg:$0x4] =	wrdreg $0xC0  }
0xab: {  	_ =	task [dreg:s6], $0x5FFFF  }
0xac: {  	[dreg:$0x1] =	wrdreg $0xFFFFFFFF  }
0xad: {  	[dreg:$0x0] =	wrdreg $0x60  }
0xae: {  	[dreg:$0x2] =	wrdreg s24  }
0xaf: {  	[dreg:$0x3] =	wrdreg $0xAA000  }
0xb0: {  	[dreg:$0x4] =	wrdreg $0x9  }
0xb1: {  	_ =	task.clear_ibuf [dreg:s6], $0x5FFFF;
	_ =	strace $0x90000049  }
0xb2: {  	s29 =	simm.s32 $0x9;
	_ =	strace $0x8000004B  }
0xb3: {  	_ =	swait.ge [sflag:s29], $0x1  }
0xb4: {  	[sflag:s29] =	ssyncadd.s32 $0xFFFFFFFF  }
0xb5: {  	_ =	strace $0x9000004B  }
0xb6: {  	_ =	sfence  }
0xb7: {  	s30 =	sld [smem:$0x0];
	_ =	sdelay $0x2  }
0xb8: {  	s31 =	sshll.u32 s1, $0xD;
	s1 =	sshrl.u32 s1, $0x2  }
0xb9: {  	s3 =	sand.u32 $0x4000, s31;
	s1 =	sadd.s32 s1, s30  }
0xba: {  	s0 =	sor.u32 s3, s0;
	s1 =	sshll.u32 s1, $0x11  }
0xbb: {  	s0 =	sor.u32 s1, s0  }
0xbc: {  	s0 =	sadd.s32 $0x8F2B, s0  }
0xbd: {  	[sflag:s0] =	ssyncadd.remote.s32 $0x1  }
0xbe: {  	_ =	sfence.sel $0xFFFF  }
0xbf: {  	[dreg:$0x0] =	wrdreg $0xFFFFFFFF;
	(pc) =	sbr.abs _section_cstart, $3  }
0xc0: {  	[dreg:$0x1] =	wrdreg $0xFFFFFFFF  }
0xc1: {  	_ =	task.clear_ibuf [dreg:s6], $0x2FFFF;
	_ =	strace $0x9FFFFFFF  }
0xc2: {  	(tm) =	ssettm $0x7FFFFFFF  }
0xc3: {  	_ =	shalt  }
tec
execute0_lowered:
.L_overlay_start_1:
0x0: {  	(tag) =	ssettag $0x1  }
0x1: {  	s5 =	rddreg [dreg:$0x0]  }
0x2: {  	s2 =	rddreg [dreg:$0x1]  }
0x3: {  	s0 =	rddreg [dreg:$0x2]  }
0x4: {  	s1 =	stileid.u32;
	s4 =	srdreg.scid;
	s3 =	simm.s32 $0x0  }
0x5: {  	s13 =	simm.s32 $0x3;
	s14 =	simm.s32 $0x2A00;
	s15 =	simm.s32 $0x80  }
0x6: {  	s16 =	simm.s32 $0x2800;
	s17 =	simm.s32 $0x2880;
	s18 =	simm.s32 $0x6A00  }
0x7: {  	s19 =	simm.s32 $0x1;
	s20 =	simm.s32 $0x2900;
	s6 =	smul.u32 $0x14000, s1  }
0x8: {  	s22 =	simm.s32 $0x2980;
	s23 =	simm.s32 $0x0;
	s8 =	smul.u32 $0x500, s1  }
0x9: {  	s21 =	sand.u32 $0x1, s4;
	[smem:$0x7FF] =	sst s3;
	s9 =	smul.u32 $0x50000, s1  }
0xa: {  	s4 =	sadd.s32 $0x7000, s5;
	s7 =	smul.u32 $0x140000, s21;
	_ =	strace $0x8000004A  }
0xb: {  	s10 =	ssub.s32 $0x2, s21;
	v0 =	vmov s21;
	s21 =	simm.s32 $0x2;
	s8 =	sadd.s32 s8, s5  }
0xc: {  	s29 =	sshrl.u32 s10, $0x1;
	s30 =	sshrl.u32 s9, $0x2;
	s7 =	sadd.s32 s6, s7  }
0xd: {  	s12 =	ssub.s32 s10, s29;
	s31 =	sadd.s32 s30, s2;
	s6 =	sadd.s32 s6, s2  }
0xe: {  	s7 =	sshrl.u32 s7, $0x3;
	s9 =	sadd.s32 $0xC000, s31;
	s10 =	sadd.s32 $0x10000, s31  }
0xf: {  	s12 =	smax.u32 s12, $0x1;
	s11 =	sadd.s32 s7, s5;
	s5 =	sadd.s32 $0x2000, s8  }
0x10: {  	v1 =	vimm.f32 $0.0e+00;
	s7 =	sadd.s32 $0x4000, s31;
	s8 =	sadd.s32 $0x8000, s31;
	s11 =	sadd.s32 $0x55200, s11  }
.LBB2_1:
0x11: {  	[tilespmem:s3], [sflag:$0x3] =	stream.linear.gather [hbm4b:s5+s3], $0x2800, $0x38;
	[tilespmem:$0x1EA00] =	vst v63  }
0x12: {  	_ =	swait.ge [sflag:s13], $0x2800  }
0x13: {  	[sflag:s13] =	ssyncset.done $0x0  }
0x14: {  	s24 =	simm.s32 $0x0;
	s25 =	simm.s32 $0x200;
	[sflag:s13] =	ssyncadd.s32 $0xFFFFD800  }
.LBB2_2:
0x15: {  	p0 =	sne.s32 s25, $0xFE00;
	[tilespmem:s24+$0x2A70] =	vst v1  }
0x16: {  	[tilespmem:s24+$0x2A00] =	vst v1  }
0x17: {  	[tilespmem:s24+$0x2A10] =	vst v1  }
.Ltmp0:
0x18: {  	[tilespmem:s24+$0x2A20] =	vst v1;
	(pc) =	sbr.rel @p0 .LBB2_2-.Ltmp0, $4  }
0x19: {  	[tilespmem:s24+$0x2A30] =	vst v1  }
0x1a: {  	[tilespmem:s24+$0x2A40] =	vst v1  }
0x1b: {  	[tilespmem:s24+$0x2A50] =	vst v1  }
0x1c: {  	[tilespmem:s24+$0x2A60] =	vst v1;
	s24 =	sshra.s32 s25, $0x2;
	s25 =	sadd.s32 $0x200, s25  }
0x1d: {  	[tilespmem:s24+$0x2A70] =	vst v1  }
0x1e: {  	[tilespmem:s24+$0x2A00] =	vst v1  }
0x1f: {  	[tilespmem:s24+$0x2A10] =	vst v1  }
0x20: {  	[tilespmem:s24+$0x2A20] =	vst v1  }
0x21: {  	[tilespmem:s24+$0x2A30] =	vst v1  }
0x22: {  	[tilespmem:s24+$0x2A40] =	vst v1  }
0x23: {  	[tilespmem:s24+$0x2A50] =	vst v1  }
0x24: {  	[tilespmem:s24+$0x2A60] =	vst v1  }
0x25: {  	[spmem:s6] =	stream.linear.scatter [tilespmem:s14], [sflag:$0x3], $0x4000, $0x38;
	[tilespmem:$0x1EA00] =	vst v63  }
0x26: {  	_ =	swait.ge [sflag:s13], $0x4000  }
0x27: {  	[sflag:s13] =	ssyncset.done $0x0  }
0x28: {  	[sflag:s13] =	ssyncadd.s32 $0xFFFFC000  }
0x29: {  	[spmem:s7] =	stream.linear.scatter [tilespmem:s14], [sflag:$0x3], $0x4000, $0x38;
	[tilespmem:$0x1EA00] =	vst v63  }
0x2a: {  	_ =	swait.ge [sflag:s13], $0x4000  }
0x2b: {  	[sflag:s13] =	ssyncset.done $0x0  }
0x2c: {  	[sflag:s13] =	ssyncadd.s32 $0xFFFFC000  }
0x2d: {  	[spmem:s8] =	stream.linear.scatter [tilespmem:s14], [sflag:$0x3], $0x4000, $0x38;
	[tilespmem:$0x1EA00] =	vst v63  }
0x2e: {  	_ =	swait.ge [sflag:s13], $0x4000  }
0x2f: {  	[sflag:s13] =	ssyncset.done $0x0  }
0x30: {  	[sflag:s13] =	ssyncadd.s32 $0xFFFFC000  }
0x31: {  	[spmem:s9] =	stream.linear.scatter [tilespmem:s14], [sflag:$0x3], $0x4000, $0x38;
	[tilespmem:$0x1EA00] =	vst v63  }
0x32: {  	_ =	swait.ge [sflag:s13], $0x4000  }
0x33: {  	[sflag:s13] =	ssyncset.done $0x0  }
0x34: {  	[sflag:s13] =	ssyncadd.s32 $0xFFFFC000  }
0x35: {  	[spmem:s10] =	stream.linear.scatter [tilespmem:s14], [sflag:$0x3], $0x4000, $0x38;
	[tilespmem:$0x1EA00] =	vst v63  }
0x36: {  	_ =	swait.ge [sflag:s13], $0x4000  }
0x37: {  	[sflag:s13] =	ssyncset.done $0x0  }
0x38: {  	[sflag:s13] =	ssyncadd.s32 $0xFFFFC000  }
0x39: {  	v2 =	vld [tilespmem:$0x0]  }
0x3a: {  	v3 =	vld [tilespmem:$0x10];
	_ =	sdelay $0x1  }
0x3b: {  	v4 =	vld [tilespmem:$0x20];
	_ =	sdelay $0x1  }
0x3c: {  	v6 =	vld [tilespmem:$0x30];
	v5 =	vshra.s32 v2, $0xF;
	v2 =	vand.u32 $0x7FFF, v2  }
0x3d: {  	v57 =	vshra.s32 v3, $0xF;
	v5 =	vadd.s32 v0, v5;
	[tilespmem:$0x2900] =	vst v2  }
0x3e: {  	v58 =	vld [tilespmem:$0x40];
	v2 =	vadd.s32 v0, v57;
	[tilespmem:$0x2800] =	vst v5  }
0x3f: {  	[tilespmem:$0x2810] =	vst v2;
	v2 =	vand.u32 $0x7FFF, v3;
	v3 =	vshra.s32 v4, $0xF  }
0x40: {  	[tilespmem:$0x2910] =	vst v2;
	v2 =	vadd.s32 v0, v3;
	v3 =	vld [tilespmem:$0x50]  }
0x41: {  	v59 =	vshra.s32 v6, $0xF;
	[tilespmem:$0x2820] =	vst v2;
	v2 =	vand.u32 $0x7FFF, v4  }
0x42: {  	v60 =	vld [tilespmem:$0x60];
	[tilespmem:$0x2920] =	vst v2;
	v2 =	vadd.s32 v0, v59  }
0x43: {  	v61 =	vshra.s32 v58, $0xF;
	[tilespmem:$0x2830] =	vst v2;
	v2 =	vand.u32 $0x7FFF, v6  }
0x44: {  	v62 =	vld [tilespmem:$0x70];
	[tilespmem:$0x2930] =	vst v2;
	v2 =	vadd.s32 v0, v61  }
0x45: {  	[tilespmem:$0x2840] =	vst v2;
	v2 =	vand.u32 $0x7FFF, v58;
	v63 =	vshra.s32 v3, $0xF  }
0x46: {  	[tilespmem:$0x2940] =	vst v2;
	v2 =	vadd.s32 v0, v63  }
0x47: {  	[tilespmem:$0x2850] =	vst v2;
	v2 =	vand.u32 $0x7FFF, v3;
	v3 =	vshra.s32 v60, $0xF  }
0x48: {  	[tilespmem:$0x2950] =	vst v2;
	v2 =	vadd.s32 v0, v3  }
0x49: {  	v3 =	vshra.s32 v62, $0xF;
	[tilespmem:$0x2860] =	vst v2;
	v2 =	vand.u32 $0x7FFF, v60  }
0x4a: {  	[tilespmem:$0x2960] =	vst v2;
	v2 =	vadd.s32 v0, v3  }
0x4b: {  	[tilespmem:$0x2870] =	vst v2;
	v2 =	vand.u32 $0x7FFF, v62  }
0x4c: {  	[tilespmem:$0x2970] =	vst v2  }
0x4d: {  	[tilespmem:s14], [sflag:$0x1] =	stream.indirect.gather [hbm4b:s4+s15], $0x80, s16, s15, $0xb8;
	[tilespmem:$0x1EA00] =	vst v63  }
0x4e: {  	s31 =	simm.s32 $0x0;
	[bflag:$0x0] =	sbarrier.arrive $0xFFFF  }
0x4f: {  	v2 =	vld [tilespmem:s31+$0x80];
	_ =	sdelay $0x4  }
0x50: {  	v3 =	vshra.s32 v2, $0xF;
	v2 =	vand.u32 $0x7FFF, v2  }
0x51: {  	v3 =	vadd.s32 v0, v3;
	[tilespmem:$0x2980] =	vst v2  }
0x52: {  	[tilespmem:$0x2880] =	vst v3  }
0x53: {  	v2 =	vld [tilespmem:s31+$0x90];
	_ =	sdelay $0x4  }
0x54: {  	v3 =	vshra.s32 v2, $0xF;
	v2 =	vand.u32 $0x7FFF, v2  }
0x55: {  	v3 =	vadd.s32 v0, v3;
	[tilespmem:$0x2990] =	vst v2  }
0x56: {  	[tilespmem:$0x2890] =	vst v3  }
0x57: {  	v2 =	vld [tilespmem:s31+$0xA0];
	_ =	sdelay $0x4  }
0x58: {  	v3 =	vshra.s32 v2, $0xF;
	v2 =	vand.u32 $0x7FFF, v2  }
0x59: {  	v3 =	vadd.s32 v0, v3;
	[tilespmem:$0x29A0] =	vst v2  }
0x5a: {  	[tilespmem:$0x28A0] =	vst v3  }
0x5b: {  	v2 =	vld [tilespmem:s31+$0xB0];
	_ =	sdelay $0x4  }
0x5c: {  	v3 =	vshra.s32 v2, $0xF;
	v2 =	vand.u32 $0x7FFF, v2  }
0x5d: {  	v3 =	vadd.s32 v0, v3;
	[tilespmem:$0x29B0] =	vst v2  }
0x5e: {  	[tilespmem:$0x28B0] =	vst v3  }
0x5f: {  	v2 =	vld [tilespmem:s31+$0xC0];
	_ =	sdelay $0x4  }
0x60: {  	v3 =	vshra.s32 v2, $0xF;
	v2 =	vand.u32 $0x7FFF, v2  }
0x61: {  	v3 =	vadd.s32 v0, v3;
	[tilespmem:$0x29C0] =	vst v2  }
0x62: {  	[tilespmem:$0x28C0] =	vst v3  }
0x63: {  	v2 =	vld [tilespmem:s31+$0xD0];
	_ =	sdelay $0x4  }
0x64: {  	v3 =	vshra.s32 v2, $0xF;
	v2 =	vand.u32 $0x7FFF, v2  }
0x65: {  	v3 =	vadd.s32 v0, v3;
	[tilespmem:$0x29D0] =	vst v2  }
0x66: {  	[tilespmem:$0x28D0] =	vst v3  }
0x67: {  	v2 =	vld [tilespmem:s31+$0xE0];
	_ =	sdelay $0x4  }
0x68: {  	v3 =	vshra.s32 v2, $0xF;
	v2 =	vand.u32 $0x7FFF, v2  }
0x69: {  	v3 =	vadd.s32 v0, v3;
	[tilespmem:$0x29E0] =	vst v2  }
0x6a: {  	[tilespmem:$0x28E0] =	vst v3  }
0x6b: {  	v2 =	vld [tilespmem:s31+$0xF0];
	_ =	sdelay $0x4  }
0x6c: {  	v3 =	vshra.s32 v2, $0xF;
	v2 =	vand.u32 $0x7FFF, v2  }
0x6d: {  	v3 =	vadd.s32 v0, v3;
	[tilespmem:$0x29F0] =	vst v2  }
0x6e: {  	[tilespmem:$0x28F0] =	vst v3  }
0x6f: {  	[tilespmem:s18], [sflag:$0x2] =	stream.indirect.gather [hbm4b:s4+s15], $0x80, s17, s15, $0xb8;
	[tilespmem:$0x1EA00] =	vst v63  }
0x70: {  	_ =	swait.ge [sflag:s19], $0x4000  }
0x71: {  	[sflag:s19] =	ssyncset.done $0x0  }
0x72: {  	[sflag:s19] =	ssyncadd.s32 $0xFFFFC000  }
0x73: {  	[spmem:s2] =	stream.indirect.scatter.add.f32 [tilespmem:s14], [sflag:$0x3], $0x80, s20, s15, $0xb8;
	[tilespmem:$0x1EA00] =	vst v63  }
0x74: {  	_ =	swait.ge [sflag:s13], $0x4000  }
0x75: {  	p0 =	por $0x0, $0x0;
	[sflag:s13] =	ssyncset.done $0x0  }
0x76: {  	s24 =	simm.s32 @!p0 $0x0;
	[sflag:s13] =	ssyncadd.s32 $0xFFFFC000  }
0x77: {  	v2 =	vld @!p0 [tilespmem:s24+$0x100];
	_ =	sdelay $0x4  }
0x78: {  	v3 =	vshra.s32 @!p0 v2, $0xF;
	v2 =	vand.u32 @!p0 $0x7FFF, v2  }
0x79: {  	v3 =	vadd.s32 @!p0 v0, v3;
	[tilespmem:$0x2900] =	vst @!p0 v2  }
0x7a: {  	[tilespmem:$0x2800] =	vst @!p0 v3  }
0x7b: {  	v2 =	vld @!p0 [tilespmem:s24+$0x110];
	_ =	sdelay $0x4  }
0x7c: {  	v3 =	vshra.s32 @!p0 v2, $0xF;
	v2 =	vand.u32 @!p0 $0x7FFF, v2  }
0x7d: {  	v3 =	vadd.s32 @!p0 v0, v3;
	[tilespmem:$0x2910] =	vst @!p0 v2  }
0x7e: {  	[tilespmem:$0x2810] =	vst @!p0 v3  }
0x7f: {  	v2 =	vld @!p0 [tilespmem:s24+$0x120];
	_ =	sdelay $0x4  }
0x80: {  	v3 =	vshra.s32 @!p0 v2, $0xF;
	v2 =	vand.u32 @!p0 $0x7FFF, v2  }
0x81: {  	v3 =	vadd.s32 @!p0 v0, v3;
	[tilespmem:$0x2920] =	vst @!p0 v2  }
0x82: {  	[tilespmem:$0x2820] =	vst @!p0 v3  }
0x83: {  	v2 =	vld @!p0 [tilespmem:s24+$0x130];
	_ =	sdelay $0x4  }
0x84: {  	v3 =	vshra.s32 @!p0 v2, $0xF;
	v2 =	vand.u32 @!p0 $0x7FFF, v2  }
0x85: {  	v3 =	vadd.s32 @!p0 v0, v3;
	[tilespmem:$0x2930] =	vst @!p0 v2  }
0x86: {  	[tilespmem:$0x2830] =	vst @!p0 v3  }
0x87: {  	v2 =	vld @!p0 [tilespmem:s24+$0x140];
	_ =	sdelay $0x4  }
0x88: {  	v3 =	vshra.s32 @!p0 v2, $0xF;
	v2 =	vand.u32 @!p0 $0x7FFF, v2  }
0x89: {  	v3 =	vadd.s32 @!p0 v0, v3;
	[tilespmem:$0x2940] =	vst @!p0 v2  }
0x8a: {  	[tilespmem:$0x2840] =	vst @!p0 v3  }
0x8b: {  	v2 =	vld @!p0 [tilespmem:s24+$0x150];
	_ =	sdelay $0x4  }
0x8c: {  	v3 =	vshra.s32 @!p0 v2, $0xF;
	v2 =	vand.u32 @!p0 $0x7FFF, v2  }
0x8d: {  	v3 =	vadd.s32 @!p0 v0, v3;
	[tilespmem:$0x2950] =	vst @!p0 v2  }
0x8e: {  	[tilespmem:$0x2850] =	vst @!p0 v3  }
0x8f: {  	v2 =	vld @!p0 [tilespmem:s24+$0x160];
	_ =	sdelay $0x4  }
0x90: {  	v3 =	vshra.s32 @!p0 v2, $0xF;
	v2 =	vand.u32 @!p0 $0x7FFF, v2  }
0x91: {  	v3 =	vadd.s32 @!p0 v0, v3;
	[tilespmem:$0x2960] =	vst @!p0 v2  }
0x92: {  	[tilespmem:$0x2860] =	vst @!p0 v3  }
0x93: {  	v2 =	vld @!p0 [tilespmem:s24+$0x170];
	_ =	sdelay $0x4  }
0x94: {  	v3 =	vshra.s32 @!p0 v2, $0xF;
	v2 =	vand.u32 @!p0 $0x7FFF, v2  }
0x95: {  	v3 =	vadd.s32 @!p0 v0, v3;
	[tilespmem:$0x2970] =	vst @!p0 v2  }
0x96: {  	s25 =	simm.s32 @!p0 $0x2800;
	s26 =	simm.s32 @!p0 $0x2A00;
	s24 =	simm.s32 @!p0 $0x80;
	[tilespmem:$0x2870] =	vst @!p0 v3  }
0x97: {  	[tilespmem:s26], [sflag:$0x1] =	stream.indirect.gather @!p0 [hbm4b:s4+s24], $0x80, s25, s24, $0xb8;
	[tilespmem:$0x1EA00] =	vst v63  }
0x98: {  	_ =	swait.ge [sflag:s21], $0x4000  }
0x99: {  	[sflag:s21] =	ssyncset.done $0x0  }
0x9a: {  	[sflag:s21] =	ssyncadd.s32 $0xFFFFC000  }
0x9b: {  	[spmem:s2] =	stream.indirect.scatter.add.f32 [tilespmem:s18], [sflag:$0x3], $0x80, s22, s15, $0xb8;
	[tilespmem:$0x1EA00] =	vst v63  }
0x9c: {  	_ =	swait.ge [sflag:s13], $0x4000  }
0x9d: {  	s24 =	simm.s32 $0x400;
	s25 =	simm.s32 $0x800;
	[sflag:s13] =	ssyncset.done $0x0  }
.LBB2_4:
0x9e: {  	s28 =	sshra.s32 s24, $0x2  }
0x9f: {  	[sflag:s13] =	ssyncadd.s32 $0xFFFFC000;
	s26 =	smov.u32 s25;
	s25 =	sadd.s32 $0x400, s25  }
0xa0: {  	p0 =	sne.s32 s25, $0xA000;
	v2 =	vld [tilespmem:s28+$0x80];
	_ =	sdelay $0x4  }
0xa1: {  	v3 =	vshra.s32 v2, $0xF;
	v2 =	vand.u32 $0x7FFF, v2  }
0xa2: {  	v3 =	vadd.s32 v0, v3;
	[tilespmem:$0x2980] =	vst v2  }
0xa3: {  	[tilespmem:$0x2880] =	vst v3  }
0xa4: {  	v2 =	vld [tilespmem:s28+$0x90];
	_ =	sdelay $0x4  }
0xa5: {  	v3 =	vshra.s32 v2, $0xF;
	v2 =	vand.u32 $0x7FFF, v2  }
0xa6: {  	v3 =	vadd.s32 v0, v3;
	[tilespmem:$0x2990] =	vst v2  }
0xa7: {  	[tilespmem:$0x2890] =	vst v3  }
0xa8: {  	v2 =	vld [tilespmem:s28+$0xA0];
	_ =	sdelay $0x4  }
0xa9: {  	v3 =	vshra.s32 v2, $0xF;
	v2 =	vand.u32 $0x7FFF, v2  }
0xaa: {  	v3 =	vadd.s32 v0, v3;
	[tilespmem:$0x29A0] =	vst v2  }
0xab: {  	[tilespmem:$0x28A0] =	vst v3  }
0xac: {  	v2 =	vld [tilespmem:s28+$0xB0];
	_ =	sdelay $0x4  }
0xad: {  	v3 =	vshra.s32 v2, $0xF;
	v2 =	vand.u32 $0x7FFF, v2  }
0xae: {  	v3 =	vadd.s32 v0, v3;
	[tilespmem:$0x29B0] =	vst v2  }
0xaf: {  	[tilespmem:$0x28B0] =	vst v3  }
0xb0: {  	v2 =	vld [tilespmem:s28+$0xC0];
	_ =	sdelay $0x4  }
0xb1: {  	v3 =	vshra.s32 v2, $0xF;
	v2 =	vand.u32 $0x7FFF, v2  }
0xb2: {  	v3 =	vadd.s32 v0, v3;
	[tilespmem:$0x29C0] =	vst v2  }
0xb3: {  	[tilespmem:$0x28C0] =	vst v3  }
0xb4: {  	v2 =	vld [tilespmem:s28+$0xD0];
	_ =	sdelay $0x4  }
0xb5: {  	v3 =	vshra.s32 v2, $0xF;
	v2 =	vand.u32 $0x7FFF, v2  }
0xb6: {  	v3 =	vadd.s32 v0, v3;
	[tilespmem:$0x29D0] =	vst v2  }
0xb7: {  	[tilespmem:$0x28D0] =	vst v3  }
0xb8: {  	v2 =	vld [tilespmem:s28+$0xE0];
	_ =	sdelay $0x4  }
0xb9: {  	v3 =	vshra.s32 v2, $0xF;
	v2 =	vand.u32 $0x7FFF, v2  }
0xba: {  	v3 =	vadd.s32 v0, v3;
	[tilespmem:$0x29E0] =	vst v2  }
0xbb: {  	[tilespmem:$0x28E0] =	vst v3  }
0xbc: {  	v2 =	vld [tilespmem:s28+$0xF0];
	_ =	sdelay $0x4  }
0xbd: {  	v3 =	vshra.s32 v2, $0xF;
	v2 =	vand.u32 $0x7FFF, v2  }
0xbe: {  	v3 =	vadd.s32 v0, v3;
	[tilespmem:$0x29F0] =	vst v2  }
0xbf: {  	[tilespmem:$0x28F0] =	vst v3  }
0xc0: {  	[tilespmem:s18], [sflag:$0x2] =	stream.indirect.gather [hbm4b:s4+s15], $0x80, s17, s15, $0xb8;
	[tilespmem:$0x1EA00] =	vst v63  }
0xc1: {  	_ =	swait.ge [sflag:s19], $0x4000  }
0xc2: {  	[sflag:s19] =	ssyncset.done $0x0  }
0xc3: {  	[sflag:s19] =	ssyncadd.s32 $0xFFFFC000  }
0xc4: {  	[spmem:s2] =	stream.indirect.scatter.add.f32 [tilespmem:s14], [sflag:$0x3], $0x80, s20, s15, $0xb8;
	[tilespmem:$0x1EA00] =	vst v63  }
0xc5: {  	_ =	swait.ge [sflag:s13], $0x4000  }
0xc6: {  	p1 =	seq.s32 s24, $0x9C00;
	[sflag:s13] =	ssyncset.done $0x0  }
0xc7: {  	s28 =	sshra.s32 @!p1 s24, $0x2;
	s24 =	smov.u32 s26;
	[sflag:s13] =	ssyncadd.s32 $0xFFFFC000  }
0xc8: {  	v2 =	vld @!p1 [tilespmem:s28+$0x100];
	_ =	sdelay $0x4  }
0xc9: {  	v3 =	vshra.s32 @!p1 v2, $0xF;
	v2 =	vand.u32 @!p1 $0x7FFF, v2  }
0xca: {  	v3 =	vadd.s32 @!p1 v0, v3;
	[tilespmem:$0x2900] =	vst @!p1 v2  }
0xcb: {  	[tilespmem:$0x2800] =	vst @!p1 v3  }
0xcc: {  	v2 =	vld @!p1 [tilespmem:s28+$0x110];
	_ =	sdelay $0x4  }
0xcd: {  	v3 =	vshra.s32 @!p1 v2, $0xF;
	v2 =	vand.u32 @!p1 $0x7FFF, v2  }
0xce: {  	v3 =	vadd.s32 @!p1 v0, v3;
	[tilespmem:$0x2910] =	vst @!p1 v2  }
0xcf: {  	[tilespmem:$0x2810] =	vst @!p1 v3  }
0xd0: {  	v2 =	vld @!p1 [tilespmem:s28+$0x120];
	_ =	sdelay $0x4  }
0xd1: {  	v3 =	vshra.s32 @!p1 v2, $0xF;
	v2 =	vand.u32 @!p1 $0x7FFF, v2  }
0xd2: {  	v3 =	vadd.s32 @!p1 v0, v3;
	[tilespmem:$0x2920] =	vst @!p1 v2  }
0xd3: {  	[tilespmem:$0x2820] =	vst @!p1 v3  }
0xd4: {  	v2 =	vld @!p1 [tilespmem:s28+$0x130];
	_ =	sdelay $0x4  }
0xd5: {  	v3 =	vshra.s32 @!p1 v2, $0xF;
	v2 =	vand.u32 @!p1 $0x7FFF, v2  }
0xd6: {  	v3 =	vadd.s32 @!p1 v0, v3;
	[tilespmem:$0x2930] =	vst @!p1 v2  }
0xd7: {  	[tilespmem:$0x2830] =	vst @!p1 v3  }
0xd8: {  	v2 =	vld @!p1 [tilespmem:s28+$0x140];
	_ =	sdelay $0x4  }
0xd9: {  	v3 =	vshra.s32 @!p1 v2, $0xF;
	v2 =	vand.u32 @!p1 $0x7FFF, v2  }
0xda: {  	v3 =	vadd.s32 @!p1 v0, v3;
	[tilespmem:$0x2940] =	vst @!p1 v2  }
0xdb: {  	[tilespmem:$0x2840] =	vst @!p1 v3  }
0xdc: {  	v2 =	vld @!p1 [tilespmem:s28+$0x150];
	_ =	sdelay $0x4  }
0xdd: {  	v3 =	vshra.s32 @!p1 v2, $0xF;
	v2 =	vand.u32 @!p1 $0x7FFF, v2  }
0xde: {  	v3 =	vadd.s32 @!p1 v0, v3;
	[tilespmem:$0x2950] =	vst @!p1 v2  }
0xdf: {  	[tilespmem:$0x2850] =	vst @!p1 v3  }
0xe0: {  	v2 =	vld @!p1 [tilespmem:s28+$0x160];
	_ =	sdelay $0x4  }
0xe1: {  	v3 =	vshra.s32 @!p1 v2, $0xF;
	v2 =	vand.u32 @!p1 $0x7FFF, v2  }
0xe2: {  	v3 =	vadd.s32 @!p1 v0, v3;
	[tilespmem:$0x2960] =	vst @!p1 v2  }
0xe3: {  	[tilespmem:$0x2860] =	vst @!p1 v3  }
0xe4: {  	v2 =	vld @!p1 [tilespmem:s28+$0x170];
	_ =	sdelay $0x4  }
0xe5: {  	v3 =	vshra.s32 @!p1 v2, $0xF;
	v2 =	vand.u32 @!p1 $0x7FFF, v2  }
0xe6: {  	v3 =	vadd.s32 @!p1 v0, v3;
	[tilespmem:$0x2970] =	vst @!p1 v2  }
0xe7: {  	s29 =	simm.s32 @!p1 $0x2A00;
	s26 =	simm.s32 @!p1 $0x80;
	s28 =	simm.s32 @!p1 $0x2800;
	[tilespmem:$0x2870] =	vst @!p1 v3  }
0xe8: {  	[tilespmem:s29], [sflag:$0x1] =	stream.indirect.gather @!p1 [hbm4b:s4+s26], $0x80, s28, s26, $0xb8;
	[tilespmem:$0x1EA00] =	vst v63  }
0xe9: {  	_ =	swait.ge [sflag:s21], $0x4000  }
.Ltmp1:
0xea: {  	[sflag:s21] =	ssyncset.done $0x0;
	(pc) =	sbr.rel @p0 .LBB2_4-.Ltmp1, $4  }
0xeb: {  	[sflag:s21] =	ssyncadd.s32 $0xFFFFC000  }
0xec: {  	[spmem:s2] =	stream.indirect.scatter.add.f32 [tilespmem:s18], [sflag:$0x3], $0x80, s22, s15, $0xb8;
	[tilespmem:$0x1EA00] =	vst v63  }
0xed: {  	_ =	swait.ge [sflag:s13], $0x4000  }
0xee: {  	[sflag:s13] =	ssyncset.done $0x0  }
0xef: {  	s25 =	sshra.s32 s24, $0x2;
	[sflag:s13] =	ssyncadd.s32 $0xFFFFC000  }
0xf0: {  	v2 =	vld [tilespmem:s25+$0x80];
	_ =	sdelay $0x4  }
0xf1: {  	v3 =	vshra.s32 v2, $0xF;
	v2 =	vand.u32 $0x7FFF, v2  }
0xf2: {  	v3 =	vadd.s32 v0, v3;
	[tilespmem:$0x2980] =	vst v2  }
0xf3: {  	[tilespmem:$0x2880] =	vst v3  }
0xf4: {  	v2 =	vld [tilespmem:s25+$0x90];
	_ =	sdelay $0x4  }
0xf5: {  	v3 =	vshra.s32 v2, $0xF;
	v2 =	vand.u32 $0x7FFF, v2  }
0xf6: {  	v3 =	vadd.s32 v0, v3;
	[tilespmem:$0x2990] =	vst v2  }
0xf7: {  	[tilespmem:$0x2890] =	vst v3  }
0xf8: {  	v2 =	vld [tilespmem:s25+$0xA0];
	_ =	sdelay $0x4  }
0xf9: {  	v3 =	vshra.s32 v2, $0xF;
	v2 =	vand.u32 $0x7FFF, v2  }
0xfa: {  	v3 =	vadd.s32 v0, v3;
	[tilespmem:$0x29A0] =	vst v2  }
0xfb: {  	[tilespmem:$0x28A0] =	vst v3  }
0xfc: {  	v2 =	vld [tilespmem:s25+$0xB0];
	_ =	sdelay $0x4  }
0xfd: {  	v3 =	vshra.s32 v2, $0xF;
	v2 =	vand.u32 $0x7FFF, v2  }
0xfe: {  	v3 =	vadd.s32 v0, v3;
	[tilespmem:$0x29B0] =	vst v2  }
0xff: {  	[tilespmem:$0x28B0] =	vst v3  }
0x100: {  	v2 =	vld [tilespmem:s25+$0xC0];
	_ =	sdelay $0x4  }
0x101: {  	v3 =	vshra.s32 v2, $0xF;
	v2 =	vand.u32 $0x7FFF, v2  }
0x102: {  	v3 =	vadd.s32 v0, v3;
	[tilespmem:$0x29C0] =	vst v2  }
0x103: {  	[tilespmem:$0x28C0] =	vst v3  }
0x104: {  	v2 =	vld [tilespmem:s25+$0xD0];
	_ =	sdelay $0x4  }
0x105: {  	v3 =	vshra.s32 v2, $0xF;
	v2 =	vand.u32 $0x7FFF, v2  }
0x106: {  	v3 =	vadd.s32 v0, v3;
	[tilespmem:$0x29D0] =	vst v2  }
0x107: {  	[tilespmem:$0x28D0] =	vst v3  }
0x108: {  	v2 =	vld [tilespmem:s25+$0xE0];
	_ =	sdelay $0x4  }
0x109: {  	v3 =	vshra.s32 v2, $0xF;
	v2 =	vand.u32 $0x7FFF, v2  }
0x10a: {  	v3 =	vadd.s32 v0, v3;
	[tilespmem:$0x29E0] =	vst v2  }
0x10b: {  	[tilespmem:$0x28E0] =	vst v3  }
0x10c: {  	v2 =	vld [tilespmem:s25+$0xF0];
	_ =	sdelay $0x4  }
0x10d: {  	v3 =	vshra.s32 v2, $0xF;
	v2 =	vand.u32 $0x7FFF, v2  }
0x10e: {  	v3 =	vadd.s32 v0, v3;
	[tilespmem:$0x29F0] =	vst v2  }
0x10f: {  	[tilespmem:$0x28F0] =	vst v3  }
0x110: {  	[tilespmem:s18], [sflag:$0x2] =	stream.indirect.gather [hbm4b:s4+s15], $0x80, s17, s15, $0xb8;
	[tilespmem:$0x1EA00] =	vst v63  }
0x111: {  	_ =	swait.ge [sflag:s19], $0x4000  }
0x112: {  	[sflag:s19] =	ssyncset.done $0x0  }
0x113: {  	[sflag:s19] =	ssyncadd.s32 $0xFFFFC000  }
0x114: {  	[spmem:s2] =	stream.indirect.scatter.add.f32 [tilespmem:s14], [sflag:$0x3], $0x80, s20, s15, $0xb8;
	[tilespmem:$0x1EA00] =	vst v63  }
0x115: {  	_ =	swait.ge [sflag:s13], $0x4000  }
0x116: {  	p0 =	seq.s32 s24, $0x9C00;
	[sflag:s13] =	ssyncset.done $0x0  }
0x117: {  	s24 =	sshra.s32 @!p0 s24, $0x2;
	[sflag:s13] =	ssyncadd.s32 $0xFFFFC000  }
0x118: {  	v2 =	vld @!p0 [tilespmem:s24+$0x100];
	_ =	sdelay $0x4  }
0x119: {  	v3 =	vshra.s32 @!p0 v2, $0xF;
	v2 =	vand.u32 @!p0 $0x7FFF, v2  }
0x11a: {  	v3 =	vadd.s32 @!p0 v0, v3;
	[tilespmem:$0x2900] =	vst @!p0 v2  }
0x11b: {  	[tilespmem:$0x2800] =	vst @!p0 v3  }
0x11c: {  	v2 =	vld @!p0 [tilespmem:s24+$0x110];
	_ =	sdelay $0x4  }
0x11d: {  	v3 =	vshra.s32 @!p0 v2, $0xF;
	v2 =	vand.u32 @!p0 $0x7FFF, v2  }
0x11e: {  	v3 =	vadd.s32 @!p0 v0, v3;
	[tilespmem:$0x2910] =	vst @!p0 v2  }
0x11f: {  	[tilespmem:$0x2810] =	vst @!p0 v3  }
0x120: {  	v2 =	vld @!p0 [tilespmem:s24+$0x120];
	_ =	sdelay $0x4  }
0x121: {  	v3 =	vshra.s32 @!p0 v2, $0xF;
	v2 =	vand.u32 @!p0 $0x7FFF, v2  }
0x122: {  	v3 =	vadd.s32 @!p0 v0, v3;
	[tilespmem:$0x2920] =	vst @!p0 v2  }
0x123: {  	[tilespmem:$0x2820] =	vst @!p0 v3  }
0x124: {  	v2 =	vld @!p0 [tilespmem:s24+$0x130];
	_ =	sdelay $0x4  }
0x125: {  	v3 =	vshra.s32 @!p0 v2, $0xF;
	v2 =	vand.u32 @!p0 $0x7FFF, v2  }
0x126: {  	v3 =	vadd.s32 @!p0 v0, v3;
	[tilespmem:$0x2930] =	vst @!p0 v2  }
0x127: {  	[tilespmem:$0x2830] =	vst @!p0 v3  }
0x128: {  	v2 =	vld @!p0 [tilespmem:s24+$0x140];
	_ =	sdelay $0x4  }
0x129: {  	v3 =	vshra.s32 @!p0 v2, $0xF;
	v2 =	vand.u32 @!p0 $0x7FFF, v2  }
0x12a: {  	v3 =	vadd.s32 @!p0 v0, v3;
	[tilespmem:$0x2940] =	vst @!p0 v2  }
0x12b: {  	[tilespmem:$0x2840] =	vst @!p0 v3  }
0x12c: {  	v2 =	vld @!p0 [tilespmem:s24+$0x150];
	_ =	sdelay $0x4  }
0x12d: {  	v3 =	vshra.s32 @!p0 v2, $0xF;
	v2 =	vand.u32 @!p0 $0x7FFF, v2  }
0x12e: {  	v3 =	vadd.s32 @!p0 v0, v3;
	[tilespmem:$0x2950] =	vst @!p0 v2  }
0x12f: {  	[tilespmem:$0x2850] =	vst @!p0 v3  }
0x130: {  	v2 =	vld @!p0 [tilespmem:s24+$0x160];
	_ =	sdelay $0x4  }
0x131: {  	v3 =	vshra.s32 @!p0 v2, $0xF;
	v2 =	vand.u32 @!p0 $0x7FFF, v2  }
0x132: {  	v3 =	vadd.s32 @!p0 v0, v3;
	[tilespmem:$0x2960] =	vst @!p0 v2  }
0x133: {  	[tilespmem:$0x2860] =	vst @!p0 v3  }
0x134: {  	v2 =	vld @!p0 [tilespmem:s24+$0x170];
	_ =	sdelay $0x4  }
0x135: {  	v3 =	vshra.s32 @!p0 v2, $0xF;
	v2 =	vand.u32 @!p0 $0x7FFF, v2  }
0x136: {  	v3 =	vadd.s32 @!p0 v0, v3;
	[tilespmem:$0x2970] =	vst @!p0 v2  }
0x137: {  	s26 =	simm.s32 @!p0 $0x2A00;
	s25 =	simm.s32 @!p0 $0x2800;
	s24 =	simm.s32 @!p0 $0x80;
	[tilespmem:$0x2870] =	vst @!p0 v3  }
0x138: {  	[tilespmem:s26], [sflag:$0x1] =	stream.indirect.gather @!p0 [hbm4b:s4+s24], $0x80, s25, s24, $0xb8;
	[tilespmem:$0x1EA00] =	vst v63  }
0x139: {  	_ =	swait.ge [sflag:s21], $0x4000  }
0x13a: {  	[sflag:s21] =	ssyncset.done $0x0  }
0x13b: {  	[sflag:s21] =	ssyncadd.s32 $0xFFFFC000  }
0x13c: {  	[spmem:s2] =	stream.indirect.scatter.add.f32 [tilespmem:s18], [sflag:$0x3], $0x80, s22, s15, $0xb8;
	[tilespmem:$0x1EA00] =	vst v63  }
0x13d: {  	_ =	swait.ge [sflag:s13], $0x4000  }
0x13e: {  	s30 =	sshll.u32 s1, $0x6;
	s23 =	sadd.s32 $0x1, s23;
	[sflag:s13] =	ssyncset.done $0x0  }
0x13f: {  	s31 =	sshrl.u32 s6, $0x3;
	p0 =	sne.s32 s23, s12;
	[sflag:s13] =	ssyncadd.s32 $0xFFFFC000  }
.Ltmp2:
0x140: {  	s24 =	sor.u32 $0x1C03, s30;
	[bflag:$0x0] =	sbarrier.arrive $0xFFFF;
	(pc) =	sbr.rel @p0 .LBB2_1-.Ltmp2, $4  }
0x141: {  	[hbm:s11], [sflag:s24] =	dma.local [spmem:s31], $0x2800  }
0x142: {  	_ =	swait.ge [sflag:s13], $0x2800  }
0x143: {  	[sflag:s13] =	ssyncset.done $0x0  }
0x144: {  	[sflag:s13] =	ssyncadd.s32 $0xFFFFD800  }
0x145: {  	_ =	sfence.sel $0x180000  }
0x146: {  	[bflag:$0x0] =	sbarrier.arrive $0xFFFF  }
0x147: {  	p0 =	sne.s32 s1, $0x0;
	_ =	strace $0x9000004A  }
0x148: {  	s0 =	sadd.s32 @!p0 $0x100000, s0;
	[bflag:$0x2] =	sbarrier.arrive $0xFFFF  }
0x149: {  	[sflag:s0] =	ssyncadd.tile.s32 @!p0 $0x1;
	_ =	shalt  }
.Lfunc_end2:
_tile_overlayer_lowered:
.L_overlay_start_2:
0x14a: {  	(tag) =	ssettag $0x2  }
0x14b: {  	s0 =	rddreg [dreg:$0x0];
	s2 =	stileid.u32  }
0x14c: {  	s1 =	rddreg [dreg:$0x1];
	p0 =	sne.s32 s2, $0x0  }
0x14d: {  	s3 =	rddreg [dreg:$0x2];
	[bflag:$0x3] =	sbarrier.arrive $0xFFFF;
	s2 =	simm.s32 @!p0 $0x1C03  }
0x14e: {  	[timem:s3], [sflag:s2] =	dma.local @!p0 [hbm:s0], s1  }
0x14f: {  	s0 =	simm.s32 @!p0 $0x3  }
0x150: {  	_ =	swait.ge @!p0 [sflag:s0], s1  }
0x151: {  	s1 =	ssub.s32 @!p0 $0x0, s1;
	[sflag:s0] =	ssyncset.done @!p0 $0x0  }
0x152: {  	[sflag:s0] =	ssyncadd.s32 @!p0 s1  }
0x153: {  	[bflag:$0x3] =	sbarrier.arrive $0xFFFF  }
0x154: {  	_ =	shalt  }

// kernel: kernel.14.cloned.1.call-start
scs
__scs_entry_jumppad:
0x0: {  	(pc) =	sbr.rel $0x88, $3  }
0x1: {  	(tag) =	ssettag $0x0;
	lr =	simm.s32 $0x1  }
0x2: {  	[smem:$0x3F97] =	sst lr;
	_ =	strace $0xD0000000  }
0x3: {  	_ = 	snop  }
0x4: {  	_ = 	snop  }
0x5: {  	_ = 	snop  }
0x6: {  	_ = 	snop  }
0x7: {  	_ = 	snop  }
__scs_overlays_trampoline_lowered:
0x8: {  	[smem:$0x3FA6] =	sst s0  }
0x9: {  	[smem:$0x3FA7] =	sst s1  }
0xa: {  	[smem:$0x3FA8] =	sst s2  }
0xb: {  	[smem:$0x3FA9] =	sst s3  }
0xc: {  	[smem:$0x3FAA] =	sst s4  }
0xd: {  	[smem:$0x3FAB] =	sst s5  }
0xe: {  	[smem:$0x3FAC] =	sst s6  }
0xf: {  	[smem:$0x3FAD] =	sst s7  }
0x10: {  	[smem:$0x3FAE] =	sst s8  }
0x11: {  	[smem:$0x3FAF] =	sst s9;
	s0 =	simm.s32 @!p0 $0x0  }
0x12: {  	s1 =	sld [smem:$0x3F95];
	s0 =	simm.s32 @p0 $0x1  }
0x13: {  	[smem:$0x3FB0] =	sst s0;
	s0 =	simm.s32 @!p1 $0x0  }
0x14: {  	s2 =	sld [smem:$0x3F94];
	s0 =	simm.s32 @p1 $0x1  }
0x15: {  	[smem:$0x3FB1] =	sst s0;
	s0 =	simm.s32 @!p2 $0x0  }
0x16: {  	s3 =	sld [smem:$0x3FDB];
	s0 =	simm.s32 @p2 $0x1  }
0x17: {  	s4 =	simm.s32 $0x1BF5;
	[smem:$0x3FB3] =	sst s0  }
0x18: {  	s0 =	sld [smem:$0x3F96];
	_ =	swait.ge [sflag:s4], $0x0  }
0x19: {  	s7 =	sld [smem:$0x3F97]  }
0x1a: {  	s8 =	sadd.s32 $0xFFFFE003, lr  }
0x1b: {  	s9 =	sadd.s32 $0xFFFFFEF7, lr;
	s5 =	simm.s32 $0xFFFFFFFF;
	p2 =	slt.u32 s8, $0xFFFFF086  }
0x1c: {  	p1 =	slt.u32 s9, $0xF7A;
	s5 =	simm.s32 @!p2 $0x0  }
0x1d: {  	s5 =	simm.s32 @p1 $0x1;
	p0 =	seq.s32 s7, s2  }
0x1e: {  	s7 =	smul.u32 @!p0 $0xF7A, s2;
	p2 =	seq.s32 @!p0 s5, $0x0  }
0x1f: {  	s9 =	smul.u32 $0xF7A, s1;
	s8 =	simm.s32 @!p0 $0x1BF5;
	p2 =	por !p2, p0  }
0x20: {  	[sflag:s8] =	ssyncset.s32 @!p0 $0xFFFFF086;
	s6 =	sadd.s32 @!p0 s3, s7;
	s7 =	simm.s32 @!p0 $0x108  }
0x21: {  	s3 =	sadd.s32 s3, s9;
	s6 =	sadd.s32 @!p0 $0x88, s6;
	s7 =	simm.s32 @p2 $0x1082  }
0x22: {  	[simem:s7], [sflag:s8] =	dma.local @!p0 [hbm:s6], $0xF7A  }
0x23: {  	s9 =	sor.u32 $0xD0000000, s2;
	s6 =	simm.s32 $0x108;
	_ =	swait.ge @!p0 [sflag:s8], $0x0  }
0x24: {  	s3 =	sadd.s32 $0x88, s3;
	s6 =	simm.s32 @!p1 $0x1082;
	[sflag:s4] =	ssyncset.s32 $0xFFFFF086  }
0x25: {  	[simem:s6], [sflag:s4] =	dma.local [hbm:s3], $0xF7A  }
0x26: {  	[smem:$0x3F97] =	sst s1;
	(tag) =	ssettag s2;
	_ =	strace s9  }
0x27: {  	s1 =	sld [smem:$0x3FA7]  }
0x28: {  	s2 =	sld [smem:$0x3FA8]  }
0x29: {  	s4 =	sld [smem:$0x3FAA]  }
0x2a: {  	p0 =	seq.s32 s5, $0x0;
	s5 =	sld [smem:$0x3FAB]  }
0x2b: {  	s6 =	sld [smem:$0x3FAC]  }
0x2c: {  	s7 =	sld [smem:$0x3FAD]  }
0x2d: {  	s3 =	simm.s32 $0x108;
	s8 =	sld [smem:$0x3FAE]  }
0x2e: {  	s3 =	simm.s32 @!p0 $0x1082;
	s9 =	sld [smem:$0x3FAF]  }
0x2f: {  	lr =	sadd.s32 s0, s3;
	s0 =	sld [smem:$0x3FA6]  }
0x30: {  	s3 =	sld [smem:$0x3FA9]  }
0x31: {  	[smem:$0x3FB2] =	sst s10  }
0x32: {  	s10 =	sld [smem:$0x3FB0];
	_ =	sdelay $0x3  }
0x33: {  	p0 =	seq.s32 s10, $0x1;
	s10 =	sld [smem:$0x3FB2];
	_ =	sdelay $0x3  }
0x34: {  	[smem:$0x3FB2] =	sst s10  }
0x35: {  	s10 =	sld [smem:$0x3FB1];
	_ =	sdelay $0x3  }
0x36: {  	p1 =	seq.s32 s10, $0x1;
	s10 =	sld [smem:$0x3FB2];
	_ =	sdelay $0x3  }
0x37: {  	[smem:$0x3FB2] =	sst s10  }
0x38: {  	s10 =	sld [smem:$0x3FB3]  }
0x39: {  	_ = 	snop;
	(pc) =	sbr.ind lr, $3  }
0x3a: {  	_ = 	snop  }
0x3b: {  	_ = 	snop  }
0x3c: {  	p2 =	seq.s32 s10, $0x1;
	s10 =	sld [smem:$0x3FB2]  }
0x3d: {  	_ =	shalt  }
0x3e: {  	_ =	shalt  }
0x3f: {  	_ =	shalt  }
0x40: {  	_ =	shalt  }
0x41: {  	_ =	shalt  }
0x42: {  	_ =	shalt  }
0x43: {  	_ =	shalt  }
0x44: {  	_ =	shalt  }
0x45: {  	_ =	shalt  }
0x46: {  	_ =	shalt  }
0x47: {  	_ =	shalt  }
0x48: {  	_ =	shalt  }
0x49: {  	_ =	shalt  }
0x4a: {  	_ =	shalt  }
0x4b: {  	_ =	shalt  }
0x4c: {  	_ =	shalt  }
0x4d: {  	_ =	shalt  }
0x4e: {  	_ =	shalt  }
0x4f: {  	_ =	shalt  }
0x50: {  	_ =	shalt  }
0x51: {  	_ =	shalt  }
0x52: {  	_ =	shalt  }
0x53: {  	_ =	shalt  }
0x54: {  	_ =	shalt  }
0x55: {  	_ =	shalt  }
0x56: {  	_ =	shalt  }
0x57: {  	_ =	shalt  }
0x58: {  	_ =	shalt  }
0x59: {  	_ =	shalt  }
0x5a: {  	_ =	shalt  }
0x5b: {  	_ =	shalt  }
0x5c: {  	_ =	shalt  }
0x5d: {  	_ =	shalt  }
0x5e: {  	_ =	shalt  }
0x5f: {  	_ =	shalt  }
0x60: {  	_ =	shalt  }
0x61: {  	_ =	shalt  }
0x62: {  	_ =	shalt  }
0x63: {  	_ =	shalt  }
0x64: {  	_ =	shalt  }
0x65: {  	_ =	shalt  }
0x66: {  	_ =	shalt  }
0x67: {  	_ =	shalt  }
0x68: {  	_ =	shalt  }
0x69: {  	_ =	shalt  }
0x6a: {  	_ =	shalt  }
0x6b: {  	_ =	shalt  }
0x6c: {  	_ =	shalt  }
0x6d: {  	_ =	shalt  }
0x6e: {  	_ =	shalt  }
0x6f: {  	_ =	shalt  }
0x70: {  	_ =	shalt  }
0x71: {  	_ =	shalt  }
0x72: {  	_ =	shalt  }
0x73: {  	_ =	shalt  }
0x74: {  	_ =	shalt  }
0x75: {  	_ =	shalt  }
0x76: {  	_ =	shalt  }
0x77: {  	_ =	shalt  }
0x78: {  	_ =	shalt  }
0x79: {  	_ =	shalt  }
0x7a: {  	_ =	shalt  }
0x7b: {  	_ =	shalt  }
0x7c: {  	_ =	shalt  }
0x7d: {  	_ =	shalt  }
0x7e: {  	_ =	shalt  }
0x7f: {  	_ =	shalt  }
0x80: {  	_ =	shalt  }
0x81: {  	_ =	shalt  }
0x82: {  	_ =	shalt  }
0x83: {  	_ =	shalt  }
0x84: {  	_ =	shalt  }
0x85: {  	_ =	shalt  }
0x86: {  	_ =	shalt  }
0x87: {  	_ =	shalt  }
.Lfunc_end0:
.L_simem_size_0:
called_computation.2_lowered:
.L_overlay_start_0:
0x88: {  	s2 =	sld [smem:$0x3FD9]  }
0x89: {  	s3 =	sld [smem:$0x3FFE];
	_ =	sdelay $0x1  }
0x8a: {  	s1 =	srdreg.scid  }
0x8b: {  	s0 =	sand.u32 $0x1, s1  }
0x8c: {  	s16 =	sshll.u32 s0, $0xA;
	s2 =	sadd.s32 s3, s2  }
0x8d: {  	s2 =	sadd.s32 s2, s16  }
0x8e: {  	[smem:$0x3FBE] =	sst s2  }
0x8f: {  	_ = 	snop  }
0x90: {  	(tm) =	ssettm $0x1  }
0x91: {  	s17 =	sld [smem:$0x3FFB];
	_ =	sdelay $0x3  }
0x92: {  	_ =	strace s17  }
0x93: {  	s2 =	sld [smem:$0x3FFC];
	_ =	sdelay $0x3  }
0x94: {  	_ =	strace s2  }
0x95: {  	s2 =	sld [smem:$0x3FFD];
	_ =	sdelay $0x3  }
0x96: {  	_ =	strace s2  }
0x97: {  	_ =	strace $0x8FFFFFFF  }
0x98: {  	s18 =	sld [smem:$0x3FDB];
	_ =	sdelay $0x1  }
0x99: {  	s19 =	simm.s32 $_scs_section_size  }
0x9a: {  	s4 =	simm.s32 $_size__tile_overlayer_lowered;
	s5 =	simm.s32 $_tile_overlayer_lowered  }
0x9b: {  	s22 =	simm.s32 $0x1BFF;
	s21 =	sshll.u32 s5, $0x1;
	s2 =	sadd.s32 s19, s18  }
0x9c: {  	s6 =	simm.s32 $0x0;
	s20 =	sshll.u32 s4, $0x1;
	s4 =	sadd.s32 s21, s2  }
0x9d: {  	[timem:s6], [sflag:s22] =	dma.local [hbm:s4], s20  }
0x9e: {  	_ =	swait.ge [sflag:s22], s20  }
0x9f: {  	s3 =	ssub.s32 $0x0, s20;
	[sflag:s22] =	ssyncset.done $0x0  }
0xa0: {  	[sflag:s22] =	ssyncadd.s32 s3;
	_ =	sdelay $0x1  }
0xa1: {  	s23 =	simm.s32 $0x1B8B  }
0xa2: {  	_ =	swait.ge [sflag:s23], $0x1  }
0xa3: {  	[sflag:s23] =	ssyncset.done $0x0  }
0xa4: {  	s25 =	simm.s32 $0x1B8E;
	s24 =	sld [smem:$0x3FFE];
	[sflag:s23] =	ssyncadd.s32 $0xFFFFFFFF  }
0xa5: {  	s26 =	simm.s32 $execute0_lowered;
	[smem:$0x3FD2] =	sst s25  }
0xa6: {  	s4 =	sshll.u32 s26, $0x1;
	_ =	strace $0x8000004C;
	[dreg:$0x1] =	wrdreg $0xFFFFFFFF  }
0xa7: {  	s28 =	simm.s32 $_size_execute0_lowered;
	s2 =	sadd.s32 s2, s4;
	[dreg:$0x0] =	wrdreg $0x0  }
0xa8: {  	s4 =	sshll.u32 s28, $0x1;
	[dreg:$0x2] =	wrdreg s2  }
0xa9: {  	[dreg:$0x3] =	wrdreg s4  }
0xaa: {  	[dreg:$0x4] =	wrdreg $0xC0  }
0xab: {  	_ =	task [dreg:s6], $0x5FFFF  }
0xac: {  	[dreg:$0x1] =	wrdreg $0xFFFFFFFF  }
0xad: {  	[dreg:$0x0] =	wrdreg $0x60  }
0xae: {  	[dreg:$0x2] =	wrdreg s24  }
0xaf: {  	[dreg:$0x3] =	wrdreg $0xAA000  }
0xb0: {  	[dreg:$0x4] =	wrdreg $0x9  }
0xb1: {  	_ =	task.clear_ibuf [dreg:s6], $0x5FFFF;
	_ =	strace $0x9000004C  }
0xb2: {  	s29 =	simm.s32 $0x9;
	_ =	strace $0x8000004E  }
0xb3: {  	_ =	swait.ge [sflag:s29], $0x1  }
0xb4: {  	[sflag:s29] =	ssyncadd.s32 $0xFFFFFFFF  }
0xb5: {  	_ =	strace $0x9000004E  }
0xb6: {  	_ =	sfence  }
0xb7: {  	s30 =	sld [smem:$0x0];
	_ =	sdelay $0x2  }
0xb8: {  	s31 =	sshll.u32 s1, $0xD;
	s1 =	sshrl.u32 s1, $0x2  }
0xb9: {  	s3 =	sand.u32 $0x4000, s31;
	s1 =	sadd.s32 s1, s30  }
0xba: {  	s0 =	sor.u32 s3, s0;
	s1 =	sshll.u32 s1, $0x11  }
0xbb: {  	s0 =	sor.u32 s1, s0  }
0xbc: {  	s0 =	sadd.s32 $0x8F2B, s0  }
0xbd: {  	[sflag:s0] =	ssyncadd.remote.s32 $0x1  }
0xbe: {  	_ =	sfence.sel $0xFFFF  }
0xbf: {  	[dreg:$0x0] =	wrdreg $0xFFFFFFFF;
	(pc) =	sbr.abs _section_cstart, $3  }
0xc0: {  	[dreg:$0x1] =	wrdreg $0xFFFFFFFF  }
0xc1: {  	_ =	task.clear_ibuf [dreg:s6], $0x2FFFF;
	_ =	strace $0x9FFFFFFF  }
0xc2: {  	(tm) =	ssettm $0x7FFFFFFF  }
0xc3: {  	_ =	shalt  }
tec
execute0_lowered:
.L_overlay_start_1:
0x0: {  	(tag) =	ssettag $0x1  }
0x1: {  	s5 =	rddreg [dreg:$0x0]  }
0x2: {  	s2 =	rddreg [dreg:$0x1]  }
0x3: {  	s0 =	rddreg [dreg:$0x2]  }
0x4: {  	s1 =	stileid.u32;
	s4 =	srdreg.scid;
	s3 =	simm.s32 $0x0  }
0x5: {  	s13 =	simm.s32 $0x3;
	s14 =	simm.s32 $0x2A00;
	s15 =	simm.s32 $0x80  }
0x6: {  	s16 =	simm.s32 $0x2800;
	s17 =	simm.s32 $0x2880;
	s18 =	simm.s32 $0x6A00  }
0x7: {  	s19 =	simm.s32 $0x1;
	s20 =	simm.s32 $0x2900;
	s6 =	smul.u32 $0x14000, s1  }
0x8: {  	s22 =	simm.s32 $0x2980;
	s23 =	simm.s32 $0x0;
	s8 =	smul.u32 $0x500, s1  }
0x9: {  	s21 =	sand.u32 $0x1, s4;
	[smem:$0x7FF] =	sst s3;
	s9 =	smul.u32 $0x50000, s1  }
0xa: {  	s4 =	sadd.s32 $0x7000, s5;
	s7 =	smul.u32 $0x140000, s21;
	_ =	strace $0x8000004D  }
0xb: {  	s10 =	ssub.s32 $0x2, s21;
	v0 =	vmov s21;
	s21 =	simm.s32 $0x2;
	s8 =	sadd.s32 s8, s5  }
0xc: {  	s29 =	sshrl.u32 s10, $0x1;
	s30 =	sshrl.u32 s9, $0x2;
	s7 =	sadd.s32 s6, s7  }
0xd: {  	s12 =	ssub.s32 s10, s29;
	s31 =	sadd.s32 s30, s2;
	s6 =	sadd.s32 s6, s2  }
0xe: {  	s7 =	sshrl.u32 s7, $0x3;
	s9 =	sadd.s32 $0xC000, s31;
	s10 =	sadd.s32 $0x10000, s31  }
0xf: {  	s12 =	smax.u32 s12, $0x1;
	s11 =	sadd.s32 s7, s5;
	s5 =	sadd.s32 $0x2000, s8  }
0x10: {  	v1 =	vimm.f32 $0.0e+00;
	s7 =	sadd.s32 $0x4000, s31;
	s8 =	sadd.s32 $0x8000, s31;
	s11 =	sadd.s32 $0x55200, s11  }
.LBB2_1:
0x11: {  	[tilespmem:s3], [sflag:$0x3] =	stream.linear.gather [hbm4b:s5+s3], $0x2800, $0x38;
	[tilespmem:$0x1EA00] =	vst v63  }
0x12: {  	_ =	swait.ge [sflag:s13], $0x2800  }
0x13: {  	[sflag:s13] =	ssyncset.done $0x0  }
0x14: {  	s24 =	simm.s32 $0x0;
	s25 =	simm.s32 $0x200;
	[sflag:s13] =	ssyncadd.s32 $0xFFFFD800  }
.LBB2_2:
0x15: {  	p0 =	sne.s32 s25, $0xFE00;
	[tilespmem:s24+$0x2A70] =	vst v1  }
0x16: {  	[tilespmem:s24+$0x2A00] =	vst v1  }
0x17: {  	[tilespmem:s24+$0x2A10] =	vst v1  }
.Ltmp0:
0x18: {  	[tilespmem:s24+$0x2A20] =	vst v1;
	(pc) =	sbr.rel @p0 .LBB2_2-.Ltmp0, $4  }
0x19: {  	[tilespmem:s24+$0x2A30] =	vst v1  }
0x1a: {  	[tilespmem:s24+$0x2A40] =	vst v1  }
0x1b: {  	[tilespmem:s24+$0x2A50] =	vst v1  }
0x1c: {  	[tilespmem:s24+$0x2A60] =	vst v1;
	s24 =	sshra.s32 s25, $0x2;
	s25 =	sadd.s32 $0x200, s25  }
0x1d: {  	[tilespmem:s24+$0x2A70] =	vst v1  }
0x1e: {  	[tilespmem:s24+$0x2A00] =	vst v1  }
0x1f: {  	[tilespmem:s24+$0x2A10] =	vst v1  }
0x20: {  	[tilespmem:s24+$0x2A20] =	vst v1  }
0x21: {  	[tilespmem:s24+$0x2A30] =	vst v1  }
0x22: {  	[tilespmem:s24+$0x2A40] =	vst v1  }
0x23: {  	[tilespmem:s24+$0x2A50] =	vst v1  }
0x24: {  	[tilespmem:s24+$0x2A60] =	vst v1  }
0x25: {  	[spmem:s6] =	stream.linear.scatter [tilespmem:s14], [sflag:$0x3], $0x4000, $0x38;
	[tilespmem:$0x1EA00] =	vst v63  }
0x26: {  	_ =	swait.ge [sflag:s13], $0x4000  }
0x27: {  	[sflag:s13] =	ssyncset.done $0x0  }
0x28: {  	[sflag:s13] =	ssyncadd.s32 $0xFFFFC000  }
0x29: {  	[spmem:s7] =	stream.linear.scatter [tilespmem:s14], [sflag:$0x3], $0x4000, $0x38;
	[tilespmem:$0x1EA00] =	vst v63  }
0x2a: {  	_ =	swait.ge [sflag:s13], $0x4000  }
0x2b: {  	[sflag:s13] =	ssyncset.done $0x0  }
0x2c: {  	[sflag:s13] =	ssyncadd.s32 $0xFFFFC000  }
0x2d: {  	[spmem:s8] =	stream.linear.scatter [tilespmem:s14], [sflag:$0x3], $0x4000, $0x38;
	[tilespmem:$0x1EA00] =	vst v63  }
0x2e: {  	_ =	swait.ge [sflag:s13], $0x4000  }
0x2f: {  	[sflag:s13] =	ssyncset.done $0x0  }
0x30: {  	[sflag:s13] =	ssyncadd.s32 $0xFFFFC000  }
0x31: {  	[spmem:s9] =	stream.linear.scatter [tilespmem:s14], [sflag:$0x3], $0x4000, $0x38;
	[tilespmem:$0x1EA00] =	vst v63  }
0x32: {  	_ =	swait.ge [sflag:s13], $0x4000  }
0x33: {  	[sflag:s13] =	ssyncset.done $0x0  }
0x34: {  	[sflag:s13] =	ssyncadd.s32 $0xFFFFC000  }
0x35: {  	[spmem:s10] =	stream.linear.scatter [tilespmem:s14], [sflag:$0x3], $0x4000, $0x38;
	[tilespmem:$0x1EA00] =	vst v63  }
0x36: {  	_ =	swait.ge [sflag:s13], $0x4000  }
0x37: {  	[sflag:s13] =	ssyncset.done $0x0  }
0x38: {  	[sflag:s13] =	ssyncadd.s32 $0xFFFFC000  }
0x39: {  	v2 =	vld [tilespmem:$0x0]  }
0x3a: {  	v3 =	vld [tilespmem:$0x10];
	_ =	sdelay $0x1  }
0x3b: {  	v4 =	vld [tilespmem:$0x20];
	_ =	sdelay $0x1  }
0x3c: {  	v6 =	vld [tilespmem:$0x30];
	v5 =	vshra.s32 v2, $0xF;
	v2 =	vand.u32 $0x7FFF, v2  }
0x3d: {  	v57 =	vshra.s32 v3, $0xF;
	v5 =	vadd.s32 v0, v5;
	[tilespmem:$0x2900] =	vst v2  }
0x3e: {  	v58 =	vld [tilespmem:$0x40];
	v2 =	vadd.s32 v0, v57;
	[tilespmem:$0x2800] =	vst v5  }
0x3f: {  	[tilespmem:$0x2810] =	vst v2;
	v2 =	vand.u32 $0x7FFF, v3;
	v3 =	vshra.s32 v4, $0xF  }
0x40: {  	[tilespmem:$0x2910] =	vst v2;
	v2 =	vadd.s32 v0, v3;
	v3 =	vld [tilespmem:$0x50]  }
0x41: {  	v59 =	vshra.s32 v6, $0xF;
	[tilespmem:$0x2820] =	vst v2;
	v2 =	vand.u32 $0x7FFF, v4  }
0x42: {  	v60 =	vld [tilespmem:$0x60];
	[tilespmem:$0x2920] =	vst v2;
	v2 =	vadd.s32 v0, v59  }
0x43: {  	v61 =	vshra.s32 v58, $0xF;
	[tilespmem:$0x2830] =	vst v2;
	v2 =	vand.u32 $0x7FFF, v6  }
0x44: {  	v62 =	vld [tilespmem:$0x70];
	[tilespmem:$0x2930] =	vst v2;
	v2 =	vadd.s32 v0, v61  }
0x45: {  	[tilespmem:$0x2840] =	vst v2;
	v2 =	vand.u32 $0x7FFF, v58;
	v63 =	vshra.s32 v3, $0xF  }
0x46: {  	[tilespmem:$0x2940] =	vst v2;
	v2 =	vadd.s32 v0, v63  }
0x47: {  	[tilespmem:$0x2850] =	vst v2;
	v2 =	vand.u32 $0x7FFF, v3;
	v3 =	vshra.s32 v60, $0xF  }
0x48: {  	[tilespmem:$0x2950] =	vst v2;
	v2 =	vadd.s32 v0, v3  }
0x49: {  	v3 =	vshra.s32 v62, $0xF;
	[tilespmem:$0x2860] =	vst v2;
	v2 =	vand.u32 $0x7FFF, v60  }
0x4a: {  	[tilespmem:$0x2960] =	vst v2;
	v2 =	vadd.s32 v0, v3  }
0x4b: {  	[tilespmem:$0x2870] =	vst v2;
	v2 =	vand.u32 $0x7FFF, v62  }
0x4c: {  	[tilespmem:$0x2970] =	vst v2  }
0x4d: {  	[tilespmem:s14], [sflag:$0x1] =	stream.indirect.gather [hbm4b:s4+s15], $0x80, s16, s15, $0xb8;
	[tilespmem:$0x1EA00] =	vst v63  }
0x4e: {  	s31 =	simm.s32 $0x0;
	[bflag:$0x0] =	sbarrier.arrive $0xFFFF  }
0x4f: {  	v2 =	vld [tilespmem:s31+$0x80];
	_ =	sdelay $0x4  }
0x50: {  	v3 =	vshra.s32 v2, $0xF;
	v2 =	vand.u32 $0x7FFF, v2  }
0x51: {  	v3 =	vadd.s32 v0, v3;
	[tilespmem:$0x2980] =	vst v2  }
0x52: {  	[tilespmem:$0x2880] =	vst v3  }
0x53: {  	v2 =	vld [tilespmem:s31+$0x90];
	_ =	sdelay $0x4  }
0x54: {  	v3 =	vshra.s32 v2, $0xF;
	v2 =	vand.u32 $0x7FFF, v2  }
0x55: {  	v3 =	vadd.s32 v0, v3;
	[tilespmem:$0x2990] =	vst v2  }
0x56: {  	[tilespmem:$0x2890] =	vst v3  }
0x57: {  	v2 =	vld [tilespmem:s31+$0xA0];
	_ =	sdelay $0x4  }
0x58: {  	v3 =	vshra.s32 v2, $0xF;
	v2 =	vand.u32 $0x7FFF, v2  }
0x59: {  	v3 =	vadd.s32 v0, v3;
	[tilespmem:$0x29A0] =	vst v2  }
0x5a: {  	[tilespmem:$0x28A0] =	vst v3  }
0x5b: {  	v2 =	vld [tilespmem:s31+$0xB0];
	_ =	sdelay $0x4  }
0x5c: {  	v3 =	vshra.s32 v2, $0xF;
	v2 =	vand.u32 $0x7FFF, v2  }
0x5d: {  	v3 =	vadd.s32 v0, v3;
	[tilespmem:$0x29B0] =	vst v2  }
0x5e: {  	[tilespmem:$0x28B0] =	vst v3  }
0x5f: {  	v2 =	vld [tilespmem:s31+$0xC0];
	_ =	sdelay $0x4  }
0x60: {  	v3 =	vshra.s32 v2, $0xF;
	v2 =	vand.u32 $0x7FFF, v2  }
0x61: {  	v3 =	vadd.s32 v0, v3;
	[tilespmem:$0x29C0] =	vst v2  }
0x62: {  	[tilespmem:$0x28C0] =	vst v3  }
0x63: {  	v2 =	vld [tilespmem:s31+$0xD0];
	_ =	sdelay $0x4  }
0x64: {  	v3 =	vshra.s32 v2, $0xF;
	v2 =	vand.u32 $0x7FFF, v2  }
0x65: {  	v3 =	vadd.s32 v0, v3;
	[tilespmem:$0x29D0] =	vst v2  }
0x66: {  	[tilespmem:$0x28D0] =	vst v3  }
0x67: {  	v2 =	vld [tilespmem:s31+$0xE0];
	_ =	sdelay $0x4  }
0x68: {  	v3 =	vshra.s32 v2, $0xF;
	v2 =	vand.u32 $0x7FFF, v2  }
0x69: {  	v3 =	vadd.s32 v0, v3;
	[tilespmem:$0x29E0] =	vst v2  }
0x6a: {  	[tilespmem:$0x28E0] =	vst v3  }
0x6b: {  	v2 =	vld [tilespmem:s31+$0xF0];
	_ =	sdelay $0x4  }
0x6c: {  	v3 =	vshra.s32 v2, $0xF;
	v2 =	vand.u32 $0x7FFF, v2  }
0x6d: {  	v3 =	vadd.s32 v0, v3;
	[tilespmem:$0x29F0] =	vst v2  }
0x6e: {  	[tilespmem:$0x28F0] =	vst v3  }
0x6f: {  	[tilespmem:s18], [sflag:$0x2] =	stream.indirect.gather [hbm4b:s4+s15], $0x80, s17, s15, $0xb8;
	[tilespmem:$0x1EA00] =	vst v63  }
0x70: {  	_ =	swait.ge [sflag:s19], $0x4000  }
0x71: {  	[sflag:s19] =	ssyncset.done $0x0  }
0x72: {  	[sflag:s19] =	ssyncadd.s32 $0xFFFFC000  }
0x73: {  	[spmem:s2] =	stream.indirect.scatter.add.f32 [tilespmem:s14], [sflag:$0x3], $0x80, s20, s15, $0xb8;
	[tilespmem:$0x1EA00] =	vst v63  }
0x74: {  	_ =	swait.ge [sflag:s13], $0x4000  }
0x75: {  	p0 =	por $0x0, $0x0;
	[sflag:s13] =	ssyncset.done $0x0  }
0x76: {  	s24 =	simm.s32 @!p0 $0x0;
	[sflag:s13] =	ssyncadd.s32 $0xFFFFC000  }
0x77: {  	v2 =	vld @!p0 [tilespmem:s24+$0x100];
	_ =	sdelay $0x4  }
0x78: {  	v3 =	vshra.s32 @!p0 v2, $0xF;
	v2 =	vand.u32 @!p0 $0x7FFF, v2  }
0x79: {  	v3 =	vadd.s32 @!p0 v0, v3;
	[tilespmem:$0x2900] =	vst @!p0 v2  }
0x7a: {  	[tilespmem:$0x2800] =	vst @!p0 v3  }
0x7b: {  	v2 =	vld @!p0 [tilespmem:s24+$0x110];
	_ =	sdelay $0x4  }
0x7c: {  	v3 =	vshra.s32 @!p0 v2, $0xF;
	v2 =	vand.u32 @!p0 $0x7FFF, v2  }
0x7d: {  	v3 =	vadd.s32 @!p0 v0, v3;
	[tilespmem:$0x2910] =	vst @!p0 v2  }
0x7e: {  	[tilespmem:$0x2810] =	vst @!p0 v3  }
0x7f: {  	v2 =	vld @!p0 [tilespmem:s24+$0x120];
	_ =	sdelay $0x4  }
0x80: {  	v3 =	vshra.s32 @!p0 v2, $0xF;
	v2 =	vand.u32 @!p0 $0x7FFF, v2  }
0x81: {  	v3 =	vadd.s32 @!p0 v0, v3;
	[tilespmem:$0x2920] =	vst @!p0 v2  }
0x82: {  	[tilespmem:$0x2820] =	vst @!p0 v3  }
0x83: {  	v2 =	vld @!p0 [tilespmem:s24+$0x130];
	_ =	sdelay $0x4  }
0x84: {  	v3 =	vshra.s32 @!p0 v2, $0xF;
	v2 =	vand.u32 @!p0 $0x7FFF, v2  }
0x85: {  	v3 =	vadd.s32 @!p0 v0, v3;
	[tilespmem:$0x2930] =	vst @!p0 v2  }
0x86: {  	[tilespmem:$0x2830] =	vst @!p0 v3  }
0x87: {  	v2 =	vld @!p0 [tilespmem:s24+$0x140];
	_ =	sdelay $0x4  }
0x88: {  	v3 =	vshra.s32 @!p0 v2, $0xF;
	v2 =	vand.u32 @!p0 $0x7FFF, v2  }
0x89: {  	v3 =	vadd.s32 @!p0 v0, v3;
	[tilespmem:$0x2940] =	vst @!p0 v2  }
0x8a: {  	[tilespmem:$0x2840] =	vst @!p0 v3  }
0x8b: {  	v2 =	vld @!p0 [tilespmem:s24+$0x150];
	_ =	sdelay $0x4  }
0x8c: {  	v3 =	vshra.s32 @!p0 v2, $0xF;
	v2 =	vand.u32 @!p0 $0x7FFF, v2  }
0x8d: {  	v3 =	vadd.s32 @!p0 v0, v3;
	[tilespmem:$0x2950] =	vst @!p0 v2  }
0x8e: {  	[tilespmem:$0x2850] =	vst @!p0 v3  }
0x8f: {  	v2 =	vld @!p0 [tilespmem:s24+$0x160];
	_ =	sdelay $0x4  }
0x90: {  	v3 =	vshra.s32 @!p0 v2, $0xF;
	v2 =	vand.u32 @!p0 $0x7FFF, v2  }
0x91: {  	v3 =	vadd.s32 @!p0 v0, v3;
	[tilespmem:$0x2960] =	vst @!p0 v2  }
0x92: {  	[tilespmem:$0x2860] =	vst @!p0 v3  }
0x93: {  	v2 =	vld @!p0 [tilespmem:s24+$0x170];
	_ =	sdelay $0x4  }
0x94: {  	v3 =	vshra.s32 @!p0 v2, $0xF;
	v2 =	vand.u32 @!p0 $0x7FFF, v2  }
0x95: {  	v3 =	vadd.s32 @!p0 v0, v3;
	[tilespmem:$0x2970] =	vst @!p0 v2  }
0x96: {  	s25 =	simm.s32 @!p0 $0x2800;
	s26 =	simm.s32 @!p0 $0x2A00;
	s24 =	simm.s32 @!p0 $0x80;
	[tilespmem:$0x2870] =	vst @!p0 v3  }
0x97: {  	[tilespmem:s26], [sflag:$0x1] =	stream.indirect.gather @!p0 [hbm4b:s4+s24], $0x80, s25, s24, $0xb8;
	[tilespmem:$0x1EA00] =	vst v63  }
0x98: {  	_ =	swait.ge [sflag:s21], $0x4000  }
0x99: {  	[sflag:s21] =	ssyncset.done $0x0  }
0x9a: {  	[sflag:s21] =	ssyncadd.s32 $0xFFFFC000  }
0x9b: {  	[spmem:s2] =	stream.indirect.scatter.add.f32 [tilespmem:s18], [sflag:$0x3], $0x80, s22, s15, $0xb8;
	[tilespmem:$0x1EA00] =	vst v63  }
0x9c: {  	_ =	swait.ge [sflag:s13], $0x4000  }
0x9d: {  	s24 =	simm.s32 $0x400;
	s25 =	simm.s32 $0x800;
	[sflag:s13] =	ssyncset.done $0x0  }
.LBB2_4:
0x9e: {  	s28 =	sshra.s32 s24, $0x2  }
0x9f: {  	[sflag:s13] =	ssyncadd.s32 $0xFFFFC000;
	s26 =	smov.u32 s25;
	s25 =	sadd.s32 $0x400, s25  }
0xa0: {  	p0 =	sne.s32 s25, $0xA000;
	v2 =	vld [tilespmem:s28+$0x80];
	_ =	sdelay $0x4  }
0xa1: {  	v3 =	vshra.s32 v2, $0xF;
	v2 =	vand.u32 $0x7FFF, v2  }
0xa2: {  	v3 =	vadd.s32 v0, v3;
	[tilespmem:$0x2980] =	vst v2  }
0xa3: {  	[tilespmem:$0x2880] =	vst v3  }
0xa4: {  	v2 =	vld [tilespmem:s28+$0x90];
	_ =	sdelay $0x4  }
0xa5: {  	v3 =	vshra.s32 v2, $0xF;
	v2 =	vand.u32 $0x7FFF, v2  }
0xa6: {  	v3 =	vadd.s32 v0, v3;
	[tilespmem:$0x2990] =	vst v2  }
0xa7: {  	[tilespmem:$0x2890] =	vst v3  }
0xa8: {  	v2 =	vld [tilespmem:s28+$0xA0];
	_ =	sdelay $0x4  }
0xa9: {  	v3 =	vshra.s32 v2, $0xF;
	v2 =	vand.u32 $0x7FFF, v2  }
0xaa: {  	v3 =	vadd.s32 v0, v3;
	[tilespmem:$0x29A0] =	vst v2  }
0xab: {  	[tilespmem:$0x28A0] =	vst v3  }
0xac: {  	v2 =	vld [tilespmem:s28+$0xB0];
	_ =	sdelay $0x4  }
0xad: {  	v3 =	vshra.s32 v2, $0xF;
	v2 =	vand.u32 $0x7FFF, v2  }
0xae: {  	v3 =	vadd.s32 v0, v3;
	[tilespmem:$0x29B0] =	vst v2  }
0xaf: {  	[tilespmem:$0x28B0] =	vst v3  }
0xb0: {  	v2 =	vld [tilespmem:s28+$0xC0];
	_ =	sdelay $0x4  }
0xb1: {  	v3 =	vshra.s32 v2, $0xF;
	v2 =	vand.u32 $0x7FFF, v2  }
0xb2: {  	v3 =	vadd.s32 v0, v3;
	[tilespmem:$0x29C0] =	vst v2  }
0xb3: {  	[tilespmem:$0x28C0] =	vst v3  }
0xb4: {  	v2 =	vld [tilespmem:s28+$0xD0];
	_ =	sdelay $0x4  }
0xb5: {  	v3 =	vshra.s32 v2, $0xF;
	v2 =	vand.u32 $0x7FFF, v2  }
0xb6: {  	v3 =	vadd.s32 v0, v3;
	[tilespmem:$0x29D0] =	vst v2  }
0xb7: {  	[tilespmem:$0x28D0] =	vst v3  }
0xb8: {  	v2 =	vld [tilespmem:s28+$0xE0];
	_ =	sdelay $0x4  }
0xb9: {  	v3 =	vshra.s32 v2, $0xF;
	v2 =	vand.u32 $0x7FFF, v2  }
0xba: {  	v3 =	vadd.s32 v0, v3;
	[tilespmem:$0x29E0] =	vst v2  }
0xbb: {  	[tilespmem:$0x28E0] =	vst v3  }
0xbc: {  	v2 =	vld [tilespmem:s28+$0xF0];
	_ =	sdelay $0x4  }
0xbd: {  	v3 =	vshra.s32 v2, $0xF;
	v2 =	vand.u32 $0x7FFF, v2  }
0xbe: {  	v3 =	vadd.s32 v0, v3;
	[tilespmem:$0x29F0] =	vst v2  }
0xbf: {  	[tilespmem:$0x28F0] =	vst v3  }
0xc0: {  	[tilespmem:s18], [sflag:$0x2] =	stream.indirect.gather [hbm4b:s4+s15], $0x80, s17, s15, $0xb8;
	[tilespmem:$0x1EA00] =	vst v63  }
0xc1: {  	_ =	swait.ge [sflag:s19], $0x4000  }
0xc2: {  	[sflag:s19] =	ssyncset.done $0x0  }
0xc3: {  	[sflag:s19] =	ssyncadd.s32 $0xFFFFC000  }
0xc4: {  	[spmem:s2] =	stream.indirect.scatter.add.f32 [tilespmem:s14], [sflag:$0x3], $0x80, s20, s15, $0xb8;
	[tilespmem:$0x1EA00] =	vst v63  }
0xc5: {  	_ =	swait.ge [sflag:s13], $0x4000  }
0xc6: {  	p1 =	seq.s32 s24, $0x9C00;
	[sflag:s13] =	ssyncset.done $0x0  }
0xc7: {  	s28 =	sshra.s32 @!p1 s24, $0x2;
	s24 =	smov.u32 s26;
	[sflag:s13] =	ssyncadd.s32 $0xFFFFC000  }
0xc8: {  	v2 =	vld @!p1 [tilespmem:s28+$0x100];
	_ =	sdelay $0x4  }
0xc9: {  	v3 =	vshra.s32 @!p1 v2, $0xF;
	v2 =	vand.u32 @!p1 $0x7FFF, v2  }
0xca: {  	v3 =	vadd.s32 @!p1 v0, v3;
	[tilespmem:$0x2900] =	vst @!p1 v2  }
0xcb: {  	[tilespmem:$0x2800] =	vst @!p1 v3  }
0xcc: {  	v2 =	vld @!p1 [tilespmem:s28+$0x110];
	_ =	sdelay $0x4  }
0xcd: {  	v3 =	vshra.s32 @!p1 v2, $0xF;
	v2 =	vand.u32 @!p1 $0x7FFF, v2  }
0xce: {  	v3 =	vadd.s32 @!p1 v0, v3;
	[tilespmem:$0x2910] =	vst @!p1 v2  }
0xcf: {  	[tilespmem:$0x2810] =	vst @!p1 v3  }
0xd0: {  	v2 =	vld @!p1 [tilespmem:s28+$0x120];
	_ =	sdelay $0x4  }
0xd1: {  	v3 =	vshra.s32 @!p1 v2, $0xF;
	v2 =	vand.u32 @!p1 $0x7FFF, v2  }
0xd2: {  	v3 =	vadd.s32 @!p1 v0, v3;
	[tilespmem:$0x2920] =	vst @!p1 v2  }
0xd3: {  	[tilespmem:$0x2820] =	vst @!p1 v3  }
0xd4: {  	v2 =	vld @!p1 [tilespmem:s28+$0x130];
	_ =	sdelay $0x4  }
0xd5: {  	v3 =	vshra.s32 @!p1 v2, $0xF;
	v2 =	vand.u32 @!p1 $0x7FFF, v2  }
0xd6: {  	v3 =	vadd.s32 @!p1 v0, v3;
	[tilespmem:$0x2930] =	vst @!p1 v2  }
0xd7: {  	[tilespmem:$0x2830] =	vst @!p1 v3  }
0xd8: {  	v2 =	vld @!p1 [tilespmem:s28+$0x140];
	_ =	sdelay $0x4  }
0xd9: {  	v3 =	vshra.s32 @!p1 v2, $0xF;
	v2 =	vand.u32 @!p1 $0x7FFF, v2  }
0xda: {  	v3 =	vadd.s32 @!p1 v0, v3;
	[tilespmem:$0x2940] =	vst @!p1 v2  }
0xdb: {  	[tilespmem:$0x2840] =	vst @!p1 v3  }
0xdc: {  	v2 =	vld @!p1 [tilespmem:s28+$0x150];
	_ =	sdelay $0x4  }
0xdd: {  	v3 =	vshra.s32 @!p1 v2, $0xF;
	v2 =	vand.u32 @!p1 $0x7FFF, v2  }
0xde: {  	v3 =	vadd.s32 @!p1 v0, v3;
	[tilespmem:$0x2950] =	vst @!p1 v2  }
0xdf: {  	[tilespmem:$0x2850] =	vst @!p1 v3  }
0xe0: {  	v2 =	vld @!p1 [tilespmem:s28+$0x160];
	_ =	sdelay $0x4  }
0xe1: {  	v3 =	vshra.s32 @!p1 v2, $0xF;
	v2 =	vand.u32 @!p1 $0x7FFF, v2  }
0xe2: {  	v3 =	vadd.s32 @!p1 v0, v3;
	[tilespmem:$0x2960] =	vst @!p1 v2  }
0xe3: {  	[tilespmem:$0x2860] =	vst @!p1 v3  }
0xe4: {  	v2 =	vld @!p1 [tilespmem:s28+$0x170];
	_ =	sdelay $0x4  }
0xe5: {  	v3 =	vshra.s32 @!p1 v2, $0xF;
	v2 =	vand.u32 @!p1 $0x7FFF, v2  }
0xe6: {  	v3 =	vadd.s32 @!p1 v0, v3;
	[tilespmem:$0x2970] =	vst @!p1 v2  }
0xe7: {  	s29 =	simm.s32 @!p1 $0x2A00;
	s26 =	simm.s32 @!p1 $0x80;
	s28 =	simm.s32 @!p1 $0x2800;
	[tilespmem:$0x2870] =	vst @!p1 v3  }
0xe8: {  	[tilespmem:s29], [sflag:$0x1] =	stream.indirect.gather @!p1 [hbm4b:s4+s26], $0x80, s28, s26, $0xb8;
	[tilespmem:$0x1EA00] =	vst v63  }
0xe9: {  	_ =	swait.ge [sflag:s21], $0x4000  }
.Ltmp1:
0xea: {  	[sflag:s21] =	ssyncset.done $0x0;
	(pc) =	sbr.rel @p0 .LBB2_4-.Ltmp1, $4  }
0xeb: {  	[sflag:s21] =	ssyncadd.s32 $0xFFFFC000  }
0xec: {  	[spmem:s2] =	stream.indirect.scatter.add.f32 [tilespmem:s18], [sflag:$0x3], $0x80, s22, s15, $0xb8;
	[tilespmem:$0x1EA00] =	vst v63  }
0xed: {  	_ =	swait.ge [sflag:s13], $0x4000  }
0xee: {  	[sflag:s13] =	ssyncset.done $0x0  }
0xef: {  	s25 =	sshra.s32 s24, $0x2;
	[sflag:s13] =	ssyncadd.s32 $0xFFFFC000  }
0xf0: {  	v2 =	vld [tilespmem:s25+$0x80];
	_ =	sdelay $0x4  }
0xf1: {  	v3 =	vshra.s32 v2, $0xF;
	v2 =	vand.u32 $0x7FFF, v2  }
0xf2: {  	v3 =	vadd.s32 v0, v3;
	[tilespmem:$0x2980] =	vst v2  }
0xf3: {  	[tilespmem:$0x2880] =	vst v3  }
0xf4: {  	v2 =	vld [tilespmem:s25+$0x90];
	_ =	sdelay $0x4  }
0xf5: {  	v3 =	vshra.s32 v2, $0xF;
	v2 =	vand.u32 $0x7FFF, v2  }
0xf6: {  	v3 =	vadd.s32 v0, v3;
	[tilespmem:$0x2990] =	vst v2  }
0xf7: {  	[tilespmem:$0x2890] =	vst v3  }
0xf8: {  	v2 =	vld [tilespmem:s25+$0xA0];
	_ =	sdelay $0x4  }
0xf9: {  	v3 =	vshra.s32 v2, $0xF;
	v2 =	vand.u32 $0x7FFF, v2  }
0xfa: {  	v3 =	vadd.s32 v0, v3;
	[tilespmem:$0x29A0] =	vst v2  }
0xfb: {  	[tilespmem:$0x28A0] =	vst v3  }
0xfc: {  	v2 =	vld [tilespmem:s25+$0xB0];
	_ =	sdelay $0x4  }
0xfd: {  	v3 =	vshra.s32 v2, $0xF;
	v2 =	vand.u32 $0x7FFF, v2  }
0xfe: {  	v3 =	vadd.s32 v0, v3;
	[tilespmem:$0x29B0] =	vst v2  }
0xff: {  	[tilespmem:$0x28B0] =	vst v3  }
0x100: {  	v2 =	vld [tilespmem:s25+$0xC0];
	_ =	sdelay $0x4  }
0x101: {  	v3 =	vshra.s32 v2, $0xF;
	v2 =	vand.u32 $0x7FFF, v2  }
0x102: {  	v3 =	vadd.s32 v0, v3;
	[tilespmem:$0x29C0] =	vst v2  }
0x103: {  	[tilespmem:$0x28C0] =	vst v3  }
0x104: {  	v2 =	vld [tilespmem:s25+$0xD0];
	_ =	sdelay $0x4  }
0x105: {  	v3 =	vshra.s32 v2, $0xF;
	v2 =	vand.u32 $0x7FFF, v2  }
0x106: {  	v3 =	vadd.s32 v0, v3;
	[tilespmem:$0x29D0] =	vst v2  }
0x107: {  	[tilespmem:$0x28D0] =	vst v3  }
0x108: {  	v2 =	vld [tilespmem:s25+$0xE0];
	_ =	sdelay $0x4  }
0x109: {  	v3 =	vshra.s32 v2, $0xF;
	v2 =	vand.u32 $0x7FFF, v2  }
0x10a: {  	v3 =	vadd.s32 v0, v3;
	[tilespmem:$0x29E0] =	vst v2  }
0x10b: {  	[tilespmem:$0x28E0] =	vst v3  }
0x10c: {  	v2 =	vld [tilespmem:s25+$0xF0];
	_ =	sdelay $0x4  }
0x10d: {  	v3 =	vshra.s32 v2, $0xF;
	v2 =	vand.u32 $0x7FFF, v2  }
0x10e: {  	v3 =	vadd.s32 v0, v3;
	[tilespmem:$0x29F0] =	vst v2  }
0x10f: {  	[tilespmem:$0x28F0] =	vst v3  }
0x110: {  	[tilespmem:s18], [sflag:$0x2] =	stream.indirect.gather [hbm4b:s4+s15], $0x80, s17, s15, $0xb8;
	[tilespmem:$0x1EA00] =	vst v63  }
0x111: {  	_ =	swait.ge [sflag:s19], $0x4000  }
0x112: {  	[sflag:s19] =	ssyncset.done $0x0  }
0x113: {  	[sflag:s19] =	ssyncadd.s32 $0xFFFFC000  }
0x114: {  	[spmem:s2] =	stream.indirect.scatter.add.f32 [tilespmem:s14], [sflag:$0x3], $0x80, s20, s15, $0xb8;
	[tilespmem:$0x1EA00] =	vst v63  }
0x115: {  	_ =	swait.ge [sflag:s13], $0x4000  }
0x116: {  	p0 =	seq.s32 s24, $0x9C00;
	[sflag:s13] =	ssyncset.done $0x0  }
0x117: {  	s24 =	sshra.s32 @!p0 s24, $0x2;
	[sflag:s13] =	ssyncadd.s32 $0xFFFFC000  }
0x118: {  	v2 =	vld @!p0 [tilespmem:s24+$0x100];
	_ =	sdelay $0x4  }
0x119: {  	v3 =	vshra.s32 @!p0 v2, $0xF;
	v2 =	vand.u32 @!p0 $0x7FFF, v2  }
0x11a: {  	v3 =	vadd.s32 @!p0 v0, v3;
	[tilespmem:$0x2900] =	vst @!p0 v2  }
0x11b: {  	[tilespmem:$0x2800] =	vst @!p0 v3  }
0x11c: {  	v2 =	vld @!p0 [tilespmem:s24+$0x110];
	_ =	sdelay $0x4  }
0x11d: {  	v3 =	vshra.s32 @!p0 v2, $0xF;
	v2 =	vand.u32 @!p0 $0x7FFF, v2  }
0x11e: {  	v3 =	vadd.s32 @!p0 v0, v3;
	[tilespmem:$0x2910] =	vst @!p0 v2  }
0x11f: {  	[tilespmem:$0x2810] =	vst @!p0 v3  }
0x120: {  	v2 =	vld @!p0 [tilespmem:s24+$0x120];
	_ =	sdelay $0x4  }
0x121: {  	v3 =	vshra.s32 @!p0 v2, $0xF;
	v2 =	vand.u32 @!p0 $0x7FFF, v2  }
0x122: {  	v3 =	vadd.s32 @!p0 v0, v3;
	[tilespmem:$0x2920] =	vst @!p0 v2  }
0x123: {  	[tilespmem:$0x2820] =	vst @!p0 v3  }
0x124: {  	v2 =	vld @!p0 [tilespmem:s24+$0x130];
	_ =	sdelay $0x4  }
0x125: {  	v3 =	vshra.s32 @!p0 v2, $0xF;
	v2 =	vand.u32 @!p0 $0x7FFF, v2  }
0x126: {  	v3 =	vadd.s32 @!p0 v0, v3;
	[tilespmem:$0x2930] =	vst @!p0 v2  }
0x127: {  	[tilespmem:$0x2830] =	vst @!p0 v3  }
0x128: {  	v2 =	vld @!p0 [tilespmem:s24+$0x140];
	_ =	sdelay $0x4  }
0x129: {  	v3 =	vshra.s32 @!p0 v2, $0xF;
	v2 =	vand.u32 @!p0 $0x7FFF, v2  }
0x12a: {  	v3 =	vadd.s32 @!p0 v0, v3;
	[tilespmem:$0x2940] =	vst @!p0 v2  }
0x12b: {  	[tilespmem:$0x2840] =	vst @!p0 v3  }
0x12c: {  	v2 =	vld @!p0 [tilespmem:s24+$0x150];
	_ =	sdelay $0x4  }
0x12d: {  	v3 =	vshra.s32 @!p0 v2, $0xF;
	v2 =	vand.u32 @!p0 $0x7FFF, v2  }
0x12e: {  	v3 =	vadd.s32 @!p0 v0, v3;
	[tilespmem:$0x2950] =	vst @!p0 v2  }
0x12f: {  	[tilespmem:$0x2850] =	vst @!p0 v3  }
0x130: {  	v2 =	vld @!p0 [tilespmem:s24+$0x160];
	_ =	sdelay $0x4  }
0x131: {  	v3 =	vshra.s32 @!p0 v2, $0xF;
	v2 =	vand.u32 @!p0 $0x7FFF, v2  }
0x132: {  	v3 =	vadd.s32 @!p0 v0, v3;
	[tilespmem:$0x2960] =	vst @!p0 v2  }
0x133: {  	[tilespmem:$0x2860] =	vst @!p0 v3  }
0x134: {  	v2 =	vld @!p0 [tilespmem:s24+$0x170];
	_ =	sdelay $0x4  }
0x135: {  	v3 =	vshra.s32 @!p0 v2, $0xF;
	v2 =	vand.u32 @!p0 $0x7FFF, v2  }
0x136: {  	v3 =	vadd.s32 @!p0 v0, v3;
	[tilespmem:$0x2970] =	vst @!p0 v2  }
0x137: {  	s26 =	simm.s32 @!p0 $0x2A00;
	s25 =	simm.s32 @!p0 $0x2800;
	s24 =	simm.s32 @!p0 $0x80;
	[tilespmem:$0x2870] =	vst @!p0 v3  }
0x138: {  	[tilespmem:s26], [sflag:$0x1] =	stream.indirect.gather @!p0 [hbm4b:s4+s24], $0x80, s25, s24, $0xb8;
	[tilespmem:$0x1EA00] =	vst v63  }
0x139: {  	_ =	swait.ge [sflag:s21], $0x4000  }
0x13a: {  	[sflag:s21] =	ssyncset.done $0x0  }
0x13b: {  	[sflag:s21] =	ssyncadd.s32 $0xFFFFC000  }
0x13c: {  	[spmem:s2] =	stream.indirect.scatter.add.f32 [tilespmem:s18], [sflag:$0x3], $0x80, s22, s15, $0xb8;
	[tilespmem:$0x1EA00] =	vst v63  }
0x13d: {  	_ =	swait.ge [sflag:s13], $0x4000  }
0x13e: {  	s30 =	sshll.u32 s1, $0x6;
	s23 =	sadd.s32 $0x1, s23;
	[sflag:s13] =	ssyncset.done $0x0  }
0x13f: {  	s31 =	sshrl.u32 s6, $0x3;
	p0 =	sne.s32 s23, s12;
	[sflag:s13] =	ssyncadd.s32 $0xFFFFC000  }
.Ltmp2:
0x140: {  	s24 =	sor.u32 $0x1C03, s30;
	[bflag:$0x0] =	sbarrier.arrive $0xFFFF;
	(pc) =	sbr.rel @p0 .LBB2_1-.Ltmp2, $4  }
0x141: {  	[hbm:s11], [sflag:s24] =	dma.local [spmem:s31], $0x2800  }
0x142: {  	_ =	swait.ge [sflag:s13], $0x2800  }
0x143: {  	[sflag:s13] =	ssyncset.done $0x0  }
0x144: {  	[sflag:s13] =	ssyncadd.s32 $0xFFFFD800  }
0x145: {  	_ =	sfence.sel $0x180000  }
0x146: {  	[bflag:$0x0] =	sbarrier.arrive $0xFFFF  }
0x147: {  	p0 =	sne.s32 s1, $0x0;
	_ =	strace $0x9000004D  }
0x148: {  	s0 =	sadd.s32 @!p0 $0x100000, s0;
	[bflag:$0x2] =	sbarrier.arrive $0xFFFF  }
0x149: {  	[sflag:s0] =	ssyncadd.tile.s32 @!p0 $0x1;
	_ =	shalt  }
.Lfunc_end2:
_tile_overlayer_lowered:
.L_overlay_start_2:
0x14a: {  	(tag) =	ssettag $0x2  }
0x14b: {  	s0 =	rddreg [dreg:$0x0];
	s2 =	stileid.u32  }
0x14c: {  	s1 =	rddreg [dreg:$0x1];
	p0 =	sne.s32 s2, $0x0  }
0x14d: {  	s3 =	rddreg [dreg:$0x2];
	[bflag:$0x3] =	sbarrier.arrive $0xFFFF;
	s2 =	simm.s32 @!p0 $0x1C03  }
0x14e: {  	[timem:s3], [sflag:s2] =	dma.local @!p0 [hbm:s0], s1  }
0x14f: {  	s0 =	simm.s32 @!p0 $0x3  }
0x150: {  	_ =	swait.ge @!p0 [sflag:s0], s1  }
0x151: {  	s1 =	ssub.s32 @!p0 $0x0, s1;
	[sflag:s0] =	ssyncset.done @!p0 $0x0  }
0x152: {  	[sflag:s0] =	ssyncadd.s32 @!p0 s1  }
0x153: {  	[bflag:$0x3] =	sbarrier.arrive $0xFFFF  }
0x154: {  	_ =	shalt  }

// kernel: kernel.8.cloned.1.call-start
scs
__scs_entry_jumppad:
0x0: {  	(pc) =	sbr.rel $0x88, $3  }
0x1: {  	(tag) =	ssettag $0x0;
	lr =	simm.s32 $0x1  }
0x2: {  	[smem:$0x3F97] =	sst lr;
	_ =	strace $0xD0000000  }
0x3: {  	_ = 	snop  }
0x4: {  	_ = 	snop  }
0x5: {  	_ = 	snop  }
0x6: {  	_ = 	snop  }
0x7: {  	_ = 	snop  }
__scs_overlays_trampoline_lowered:
0x8: {  	[smem:$0x3FA6] =	sst s0  }
0x9: {  	[smem:$0x3FA7] =	sst s1  }
0xa: {  	[smem:$0x3FA8] =	sst s2  }
0xb: {  	[smem:$0x3FA9] =	sst s3  }
0xc: {  	[smem:$0x3FAA] =	sst s4  }
0xd: {  	[smem:$0x3FAB] =	sst s5  }
0xe: {  	[smem:$0x3FAC] =	sst s6  }
0xf: {  	[smem:$0x3FAD] =	sst s7  }
0x10: {  	[smem:$0x3FAE] =	sst s8  }
0x11: {  	[smem:$0x3FAF] =	sst s9;
	s0 =	simm.s32 @!p0 $0x0  }
0x12: {  	s1 =	sld [smem:$0x3F95];
	s0 =	simm.s32 @p0 $0x1  }
0x13: {  	[smem:$0x3FB0] =	sst s0;
	s0 =	simm.s32 @!p1 $0x0  }
0x14: {  	s2 =	sld [smem:$0x3F94];
	s0 =	simm.s32 @p1 $0x1  }
0x15: {  	[smem:$0x3FB1] =	sst s0;
	s0 =	simm.s32 @!p2 $0x0  }
0x16: {  	s3 =	sld [smem:$0x3FDB];
	s0 =	simm.s32 @p2 $0x1  }
0x17: {  	s4 =	simm.s32 $0x1BF5;
	[smem:$0x3FB3] =	sst s0  }
0x18: {  	s0 =	sld [smem:$0x3F96];
	_ =	swait.ge [sflag:s4], $0x0  }
0x19: {  	s7 =	sld [smem:$0x3F97]  }
0x1a: {  	s8 =	sadd.s32 $0xFFFFE003, lr  }
0x1b: {  	s9 =	sadd.s32 $0xFFFFFEF7, lr;
	s5 =	simm.s32 $0xFFFFFFFF;
	p2 =	slt.u32 s8, $0xFFFFF086  }
0x1c: {  	p1 =	slt.u32 s9, $0xF7A;
	s5 =	simm.s32 @!p2 $0x0  }
0x1d: {  	s5 =	simm.s32 @p1 $0x1;
	p0 =	seq.s32 s7, s2  }
0x1e: {  	s7 =	smul.u32 @!p0 $0xF7A, s2;
	p2 =	seq.s32 @!p0 s5, $0x0  }
0x1f: {  	s9 =	smul.u32 $0xF7A, s1;
	s8 =	simm.s32 @!p0 $0x1BF5;
	p2 =	por !p2, p0  }
0x20: {  	[sflag:s8] =	ssyncset.s32 @!p0 $0xFFFFF086;
	s6 =	sadd.s32 @!p0 s3, s7;
	s7 =	simm.s32 @!p0 $0x108  }
0x21: {  	s3 =	sadd.s32 s3, s9;
	s6 =	sadd.s32 @!p0 $0x88, s6;
	s7 =	simm.s32 @p2 $0x1082  }
0x22: {  	[simem:s7], [sflag:s8] =	dma.local @!p0 [hbm:s6], $0xF7A  }
0x23: {  	s9 =	sor.u32 $0xD0000000, s2;
	s6 =	simm.s32 $0x108;
	_ =	swait.ge @!p0 [sflag:s8], $0x0  }
0x24: {  	s3 =	sadd.s32 $0x88, s3;
	s6 =	simm.s32 @!p1 $0x1082;
	[sflag:s4] =	ssyncset.s32 $0xFFFFF086  }
0x25: {  	[simem:s6], [sflag:s4] =	dma.local [hbm:s3], $0xF7A  }
0x26: {  	[smem:$0x3F97] =	sst s1;
	(tag) =	ssettag s2;
	_ =	strace s9  }
0x27: {  	s1 =	sld [smem:$0x3FA7]  }
0x28: {  	s2 =	sld [smem:$0x3FA8]  }
0x29: {  	s4 =	sld [smem:$0x3FAA]  }
0x2a: {  	p0 =	seq.s32 s5, $0x0;
	s5 =	sld [smem:$0x3FAB]  }
0x2b: {  	s6 =	sld [smem:$0x3FAC]  }
0x2c: {  	s7 =	sld [smem:$0x3FAD]  }
0x2d: {  	s3 =	simm.s32 $0x108;
	s8 =	sld [smem:$0x3FAE]  }
0x2e: {  	s3 =	simm.s32 @!p0 $0x1082;
	s9 =	sld [smem:$0x3FAF]  }
0x2f: {  	lr =	sadd.s32 s0, s3;
	s0 =	sld [smem:$0x3FA6]  }
0x30: {  	s3 =	sld [smem:$0x3FA9]  }
0x31: {  	[smem:$0x3FB2] =	sst s10  }
0x32: {  	s10 =	sld [smem:$0x3FB0];
	_ =	sdelay $0x3  }
0x33: {  	p0 =	seq.s32 s10, $0x1;
	s10 =	sld [smem:$0x3FB2];
	_ =	sdelay $0x3  }
0x34: {  	[smem:$0x3FB2] =	sst s10  }
0x35: {  	s10 =	sld [smem:$0x3FB1];
	_ =	sdelay $0x3  }
0x36: {  	p1 =	seq.s32 s10, $0x1;
	s10 =	sld [smem:$0x3FB2];
	_ =	sdelay $0x3  }
0x37: {  	[smem:$0x3FB2] =	sst s10  }
0x38: {  	s10 =	sld [smem:$0x3FB3]  }
0x39: {  	_ = 	snop;
	(pc) =	sbr.ind lr, $3  }
0x3a: {  	_ = 	snop  }
0x3b: {  	_ = 	snop  }
0x3c: {  	p2 =	seq.s32 s10, $0x1;
	s10 =	sld [smem:$0x3FB2]  }
0x3d: {  	_ =	shalt  }
0x3e: {  	_ =	shalt  }
0x3f: {  	_ =	shalt  }
0x40: {  	_ =	shalt  }
0x41: {  	_ =	shalt  }
0x42: {  	_ =	shalt  }
0x43: {  	_ =	shalt  }
0x44: {  	_ =	shalt  }
0x45: {  	_ =	shalt  }
0x46: {  	_ =	shalt  }
0x47: {  	_ =	shalt  }
0x48: {  	_ =	shalt  }
0x49: {  	_ =	shalt  }
0x4a: {  	_ =	shalt  }
0x4b: {  	_ =	shalt  }
0x4c: {  	_ =	shalt  }
0x4d: {  	_ =	shalt  }
0x4e: {  	_ =	shalt  }
0x4f: {  	_ =	shalt  }
0x50: {  	_ =	shalt  }
0x51: {  	_ =	shalt  }
0x52: {  	_ =	shalt  }
0x53: {  	_ =	shalt  }
0x54: {  	_ =	shalt  }
0x55: {  	_ =	shalt  }
0x56: {  	_ =	shalt  }
0x57: {  	_ =	shalt  }
0x58: {  	_ =	shalt  }
0x59: {  	_ =	shalt  }
0x5a: {  	_ =	shalt  }
0x5b: {  	_ =	shalt  }
0x5c: {  	_ =	shalt  }
0x5d: {  	_ =	shalt  }
0x5e: {  	_ =	shalt  }
0x5f: {  	_ =	shalt  }
0x60: {  	_ =	shalt  }
0x61: {  	_ =	shalt  }
0x62: {  	_ =	shalt  }
0x63: {  	_ =	shalt  }
0x64: {  	_ =	shalt  }
0x65: {  	_ =	shalt  }
0x66: {  	_ =	shalt  }
0x67: {  	_ =	shalt  }
0x68: {  	_ =	shalt  }
0x69: {  	_ =	shalt  }
0x6a: {  	_ =	shalt  }
0x6b: {  	_ =	shalt  }
0x6c: {  	_ =	shalt  }
0x6d: {  	_ =	shalt  }
0x6e: {  	_ =	shalt  }
0x6f: {  	_ =	shalt  }
0x70: {  	_ =	shalt  }
0x71: {  	_ =	shalt  }
0x72: {  	_ =	shalt  }
0x73: {  	_ =	shalt  }
0x74: {  	_ =	shalt  }
0x75: {  	_ =	shalt  }
0x76: {  	_ =	shalt  }
0x77: {  	_ =	shalt  }
0x78: {  	_ =	shalt  }
0x79: {  	_ =	shalt  }
0x7a: {  	_ =	shalt  }
0x7b: {  	_ =	shalt  }
0x7c: {  	_ =	shalt  }
0x7d: {  	_ =	shalt  }
0x7e: {  	_ =	shalt  }
0x7f: {  	_ =	shalt  }
0x80: {  	_ =	shalt  }
0x81: {  	_ =	shalt  }
0x82: {  	_ =	shalt  }
0x83: {  	_ =	shalt  }
0x84: {  	_ =	shalt  }
0x85: {  	_ =	shalt  }
0x86: {  	_ =	shalt  }
0x87: {  	_ =	shalt  }
.Lfunc_end0:
.L_simem_size_0:
called_computation_lowered:
.L_overlay_start_0:
0x88: {  	s2 =	sld [smem:$0x3FD9]  }
0x89: {  	s3 =	sld [smem:$0x3FFE];
	_ =	sdelay $0x1  }
0x8a: {  	s1 =	srdreg.scid  }
0x8b: {  	s0 =	sand.u32 $0x1, s1  }
0x8c: {  	s16 =	sshll.u32 s0, $0xA;
	s2 =	sadd.s32 s3, s2  }
0x8d: {  	s2 =	sadd.s32 s2, s16  }
0x8e: {  	[smem:$0x3FBE] =	sst s2  }
0x8f: {  	_ = 	snop  }
0x90: {  	(tm) =	ssettm $0x1  }
0x91: {  	s17 =	sld [smem:$0x3FFB];
	_ =	sdelay $0x3  }
0x92: {  	_ =	strace s17  }
0x93: {  	s2 =	sld [smem:$0x3FFC];
	_ =	sdelay $0x3  }
0x94: {  	_ =	strace s2  }
0x95: {  	s2 =	sld [smem:$0x3FFD];
	_ =	sdelay $0x3  }
0x96: {  	_ =	strace s2  }
0x97: {  	_ =	strace $0x8FFFFFFF  }
0x98: {  	s18 =	sld [smem:$0x3FDB];
	_ =	sdelay $0x1  }
0x99: {  	s19 =	simm.s32 $_scs_section_size  }
0x9a: {  	s4 =	simm.s32 $_size__tile_overlayer_lowered;
	s5 =	simm.s32 $_tile_overlayer_lowered  }
0x9b: {  	s22 =	simm.s32 $0x1BFF;
	s21 =	sshll.u32 s5, $0x1;
	s2 =	sadd.s32 s19, s18  }
0x9c: {  	s6 =	simm.s32 $0x0;
	s20 =	sshll.u32 s4, $0x1;
	s4 =	sadd.s32 s21, s2  }
0x9d: {  	[timem:s6], [sflag:s22] =	dma.local [hbm:s4], s20  }
0x9e: {  	_ =	swait.ge [sflag:s22], s20  }
0x9f: {  	s3 =	ssub.s32 $0x0, s20;
	[sflag:s22] =	ssyncset.done $0x0  }
0xa0: {  	[sflag:s22] =	ssyncadd.s32 s3;
	_ =	sdelay $0x1  }
0xa1: {  	s23 =	simm.s32 $0x1B8B  }
0xa2: {  	_ =	swait.ge [sflag:s23], $0x1  }
0xa3: {  	[sflag:s23] =	ssyncset.done $0x0  }
0xa4: {  	s25 =	simm.s32 $0x1B8E;
	s24 =	sld [smem:$0x3FFE];
	[sflag:s23] =	ssyncadd.s32 $0xFFFFFFFF  }
0xa5: {  	s26 =	simm.s32 $execute0_lowered;
	[smem:$0x3FD2] =	sst s25  }
0xa6: {  	s4 =	sshll.u32 s26, $0x1;
	_ =	strace $0x80000046;
	[dreg:$0x1] =	wrdreg $0xFFFFFFFF  }
0xa7: {  	s28 =	simm.s32 $_size_execute0_lowered;
	s2 =	sadd.s32 s2, s4;
	[dreg:$0x0] =	wrdreg $0x0  }
0xa8: {  	s4 =	sshll.u32 s28, $0x1;
	[dreg:$0x2] =	wrdreg s2  }
0xa9: {  	[dreg:$0x3] =	wrdreg s4  }
0xaa: {  	[dreg:$0x4] =	wrdreg $0xC0  }
0xab: {  	_ =	task [dreg:s6], $0x5FFFF  }
0xac: {  	[dreg:$0x1] =	wrdreg $0xFFFFFFFF  }
0xad: {  	[dreg:$0x0] =	wrdreg $0x60  }
0xae: {  	[dreg:$0x2] =	wrdreg s24  }
0xaf: {  	[dreg:$0x3] =	wrdreg $0x38800  }
0xb0: {  	[dreg:$0x4] =	wrdreg $0x9  }
0xb1: {  	_ =	task.clear_ibuf [dreg:s6], $0x5FFFF;
	_ =	strace $0x90000046  }
0xb2: {  	s29 =	simm.s32 $0x9;
	_ =	strace $0x80000048  }
0xb3: {  	_ =	swait.ge [sflag:s29], $0x1  }
0xb4: {  	[sflag:s29] =	ssyncadd.s32 $0xFFFFFFFF  }
0xb5: {  	_ =	strace $0x90000048  }
0xb6: {  	_ =	sfence  }
0xb7: {  	s30 =	sld [smem:$0x0];
	_ =	sdelay $0x2  }
0xb8: {  	s31 =	sshll.u32 s1, $0xD;
	s1 =	sshrl.u32 s1, $0x2  }
0xb9: {  	s3 =	sand.u32 $0x4000, s31;
	s1 =	sadd.s32 s1, s30  }
0xba: {  	s0 =	sor.u32 s3, s0;
	s1 =	sshll.u32 s1, $0x11  }
0xbb: {  	s0 =	sor.u32 s1, s0  }
0xbc: {  	s0 =	sadd.s32 $0x8F2B, s0  }
0xbd: {  	[sflag:s0] =	ssyncadd.remote.s32 $0x1  }
0xbe: {  	_ =	sfence.sel $0xFFFF  }
0xbf: {  	[dreg:$0x0] =	wrdreg $0xFFFFFFFF;
	(pc) =	sbr.abs _section_cstart, $3  }
0xc0: {  	[dreg:$0x1] =	wrdreg $0xFFFFFFFF  }
0xc1: {  	_ =	task.clear_ibuf [dreg:s6], $0x2FFFF;
	_ =	strace $0x9FFFFFFF  }
0xc2: {  	(tm) =	ssettm $0x7FFFFFFF  }
0xc3: {  	_ =	shalt  }
tec
execute0_lowered:
.L_overlay_start_1:
0x0: {  	(tag) =	ssettag $0x1  }
0x1: {  	s4 =	rddreg [dreg:$0x0]  }
0x2: {  	s2 =	rddreg [dreg:$0x1]  }
0x3: {  	s1 =	stileid.u32;
	s0 =	rddreg [dreg:$0x2];
	s3 =	simm.s32 $0x0  }
0x4: {  	s7 =	srdreg.scid;
	s13 =	simm.s32 $0x3080;
	s14 =	simm.s32 $0x80  }
0x5: {  	s16 =	simm.s32 $0x2880;
	s19 =	simm.s32 $0x0;
	s5 =	smul.u32 $0x500, s1  }
0x6: {  	s6 =	smul.u32 $0x2800, s1;
	[smem:$0x7FF] =	sst s3;
	s15 =	sand.u32 $0x1, s7  }
0x7: {  	s30 =	smul.u32 $0xA000, s1;
	_ =	strace $0x80000047;
	s8 =	ssub.s32 $0x2, s15  }
0x8: {  	p0 =	sne.s32 s15, $0x0;
	s15 =	simm.s32 $0x2800;
	s5 =	sadd.s32 s5, s4  }
0x9: {  	s9 =	sshrl.u32 s6, $0x3;
	s10 =	sshrl.u32 s8, $0x1;
	s7 =	sshrl.u32 s30, $0x2  }
0xa: {  	s17 =	sshll.u32 @!p0 s1, $0x6;
	s11 =	sadd.s32 s9, s4;
	s12 =	ssub.s32 s8, s10  }
0xb: {  	s31 =	sadd.s32 s7, s2;
	s4 =	sadd.s32 $0x2000, s5;
	s5 =	sadd.s32 s6, s2  }
0xc: {  	s17 =	sor.u32 @!p0 $0x1C01, s17;
	s6 =	sadd.s32 $0x800, s31;
	s7 =	sadd.s32 $0x1000, s31  }
0xd: {  	s8 =	sadd.s32 $0x1800, s31;
	s9 =	sadd.s32 $0x2000, s31;
	s10 =	sadd.s32 $0x7000, s11  }
0xe: {  	v0 =	vimm.f32 $0.0e+00;
	v1 =	vimm.f32 $1.000000000e+00;
	s11 =	smax.u32 s12, $0x1;
	s12 =	simm.s32 $0x1;
	s18 =	sshrl.u32 @!p0 s5, $0x3  }
.LBB2_1:
0xf: {  	[tilespmem:s3], [sflag:$0x1] =	stream.linear.gather [hbm4b:s4+s3], $0x2800, $0x38;
	[tilespmem:$0x6080] =	vst v63  }
0x10: {  	_ =	swait.ge [sflag:s12], $0x2800  }
0x11: {  	[sflag:s12] =	ssyncset.done $0x0  }
0x12: {  	s20 =	simm.s32 $0x40;
	s21 =	simm.s32 $0x0;
	[sflag:s12] =	ssyncadd.s32 $0xFFFFD800  }
.LBB2_2:
0x13: {  	p1 =	sne.s32 s20, $0x1FC0;
	[tilespmem:s21+$0x3080] =	vst v0;
	s22 =	smov.u32 s20;
	s20 =	sadd.s32 $0x40, s20  }
.Ltmp0:
0x14: {  	[tilespmem:s21+$0x2880] =	vst v1;
	(pc) =	sbr.rel @p1 .LBB2_2-.Ltmp0, $2  }
0x15: {  	_ =	sdelay $0x2  }
0x16: {  	s21 =	sshra.s32 s22, $0x2  }
0x17: {  	[tilespmem:s21+$0x3080] =	vst v0  }
0x18: {  	[tilespmem:s21+$0x2880] =	vst v1  }
0x19: {  	[spmem:s5] =	stream.linear.scatter [tilespmem:s13], [sflag:$0x1], $0x800, $0x38;
	[tilespmem:$0x6080] =	vst v63  }
0x1a: {  	_ =	swait.ge [sflag:s12], $0x800  }
0x1b: {  	[sflag:s12] =	ssyncset.done $0x0  }
0x1c: {  	[sflag:s12] =	ssyncadd.s32 $0xFFFFF800  }
0x1d: {  	[spmem:s6] =	stream.linear.scatter [tilespmem:s13], [sflag:$0x1], $0x800, $0x38;
	[tilespmem:$0x6080] =	vst v63  }
0x1e: {  	_ =	swait.ge [sflag:s12], $0x800  }
0x1f: {  	[sflag:s12] =	ssyncset.done $0x0  }
0x20: {  	[sflag:s12] =	ssyncadd.s32 $0xFFFFF800  }
0x21: {  	[spmem:s7] =	stream.linear.scatter [tilespmem:s13], [sflag:$0x1], $0x800, $0x38;
	[tilespmem:$0x6080] =	vst v63  }
0x22: {  	_ =	swait.ge [sflag:s12], $0x800  }
0x23: {  	[sflag:s12] =	ssyncset.done $0x0  }
0x24: {  	[sflag:s12] =	ssyncadd.s32 $0xFFFFF800  }
0x25: {  	[spmem:s8] =	stream.linear.scatter [tilespmem:s13], [sflag:$0x1], $0x800, $0x38;
	[tilespmem:$0x6080] =	vst v63  }
0x26: {  	_ =	swait.ge [sflag:s12], $0x800  }
0x27: {  	[sflag:s12] =	ssyncset.done $0x0  }
0x28: {  	[sflag:s12] =	ssyncadd.s32 $0xFFFFF800  }
0x29: {  	[spmem:s9] =	stream.linear.scatter [tilespmem:s13], [sflag:$0x1], $0x800, $0x38;
	[tilespmem:$0x6080] =	vst v63  }
0x2a: {  	_ =	swait.ge [sflag:s12], $0x800  }
0x2b: {  	[sflag:s12] =	ssyncset.done $0x0  }
0x2c: {  	[sflag:s12] =	ssyncadd.s32 $0xFFFFF800  }
0x2d: {  	s20 =	simm.s32 $0x0;
	[bflag:$0x0] =	sbarrier.arrive $0xFFFF  }
0x2e: {  	v2 =	vld [tilespmem:s20+$0x0];
	_ =	sdelay $0x4  }
0x2f: {  	v2 =	vand.u32 $0x7FFF, v2  }
0x30: {  	[tilespmem:$0x2800] =	vst v2  }
0x31: {  	v2 =	vld [tilespmem:s20+$0x10];
	_ =	sdelay $0x4  }
0x32: {  	v2 =	vand.u32 $0x7FFF, v2  }
0x33: {  	[tilespmem:$0x2810] =	vst v2  }
0x34: {  	v2 =	vld [tilespmem:s20+$0x20];
	_ =	sdelay $0x4  }
0x35: {  	v2 =	vand.u32 $0x7FFF, v2  }
0x36: {  	[tilespmem:$0x2820] =	vst v2  }
0x37: {  	v2 =	vld [tilespmem:s20+$0x30];
	_ =	sdelay $0x4  }
0x38: {  	v2 =	vand.u32 $0x7FFF, v2  }
0x39: {  	[tilespmem:$0x2830] =	vst v2  }
0x3a: {  	v2 =	vld [tilespmem:s20+$0x40];
	_ =	sdelay $0x4  }
0x3b: {  	v2 =	vand.u32 $0x7FFF, v2  }
0x3c: {  	[tilespmem:$0x2840] =	vst v2  }
0x3d: {  	v2 =	vld [tilespmem:s20+$0x50];
	_ =	sdelay $0x4  }
0x3e: {  	v2 =	vand.u32 $0x7FFF, v2  }
0x3f: {  	[tilespmem:$0x2850] =	vst v2  }
0x40: {  	v2 =	vld [tilespmem:s20+$0x60];
	_ =	sdelay $0x4  }
0x41: {  	v2 =	vand.u32 $0x7FFF, v2  }
0x42: {  	[tilespmem:$0x2860] =	vst v2  }
0x43: {  	v2 =	vld [tilespmem:s20+$0x70];
	_ =	sdelay $0x4  }
0x44: {  	v2 =	vand.u32 $0x7FFF, v2  }
0x45: {  	[tilespmem:$0x2870] =	vst v2  }
0x46: {  	[spmem:s2] =	stream.indirect.scatter.add.f32 [tilespmem:s16], [sflag:$0x1], $0x10, s15, s14, $0xb8;
	[tilespmem:$0x6080] =	vst v63  }
0x47: {  	_ =	swait.ge [sflag:s12], $0x800  }
0x48: {  	s23 =	simm.s32 $0x400;
	s20 =	simm.s32 $0x200;
	[sflag:s12] =	ssyncset.done $0x0  }
.LBB2_4:
0x49: {  	s22 =	sshra.s32 s20, $0x2  }
0x4a: {  	[sflag:s12] =	ssyncadd.s32 $0xFFFFF800;
	s20 =	smov.u32 s23;
	s21 =	sadd.s32 $0x200, s23  }
0x4b: {  	p1 =	sne.s32 s23, $0x9E00;
	v2 =	vld [tilespmem:s22+$0x0];
	_ =	sdelay $0x4  }
0x4c: {  	v2 =	vand.u32 $0x7FFF, v2  }
0x4d: {  	[tilespmem:$0x2800] =	vst v2  }
0x4e: {  	v2 =	vld [tilespmem:s22+$0x10];
	_ =	sdelay $0x4  }
0x4f: {  	v2 =	vand.u32 $0x7FFF, v2  }
0x50: {  	[tilespmem:$0x2810] =	vst v2  }
0x51: {  	v2 =	vld [tilespmem:s22+$0x20];
	_ =	sdelay $0x4  }
0x52: {  	v2 =	vand.u32 $0x7FFF, v2  }
0x53: {  	[tilespmem:$0x2820] =	vst v2  }
0x54: {  	v2 =	vld [tilespmem:s22+$0x30];
	_ =	sdelay $0x4  }
0x55: {  	v2 =	vand.u32 $0x7FFF, v2  }
0x56: {  	[tilespmem:$0x2830] =	vst v2  }
0x57: {  	v2 =	vld [tilespmem:s22+$0x40];
	_ =	sdelay $0x4  }
0x58: {  	v2 =	vand.u32 $0x7FFF, v2  }
0x59: {  	[tilespmem:$0x2840] =	vst v2  }
0x5a: {  	v2 =	vld [tilespmem:s22+$0x50];
	_ =	sdelay $0x4  }
0x5b: {  	v2 =	vand.u32 $0x7FFF, v2  }
0x5c: {  	[tilespmem:$0x2850] =	vst v2  }
0x5d: {  	v2 =	vld [tilespmem:s22+$0x60];
	_ =	sdelay $0x4  }
0x5e: {  	v2 =	vand.u32 $0x7FFF, v2  }
0x5f: {  	[tilespmem:$0x2860] =	vst v2  }
0x60: {  	v2 =	vld [tilespmem:s22+$0x70];
	_ =	sdelay $0x4  }
.Ltmp1:
0x61: {  	v2 =	vand.u32 $0x7FFF, v2;
	(pc) =	sbr.rel @p1 .LBB2_4-.Ltmp1, $4  }
0x62: {  	[tilespmem:$0x2870] =	vst v2  }
0x63: {  	[spmem:s2] =	stream.indirect.scatter.add.f32 [tilespmem:s16], [sflag:$0x1], $0x10, s15, s14, $0xb8;
	[tilespmem:$0x6080] =	vst v63  }
0x64: {  	_ =	swait.ge [sflag:s12], $0x800  }
0x65: {  	s23 =	smov.u32 s21;
	[sflag:s12] =	ssyncset.done $0x0  }
0x66: {  	s20 =	sshra.s32 s20, $0x2;
	[sflag:s12] =	ssyncadd.s32 $0xFFFFF800  }
0x67: {  	v2 =	vld [tilespmem:s20+$0x0];
	_ =	sdelay $0x4  }
0x68: {  	v2 =	vand.u32 $0x7FFF, v2  }
0x69: {  	[tilespmem:$0x2800] =	vst v2  }
0x6a: {  	v2 =	vld [tilespmem:s20+$0x10];
	_ =	sdelay $0x4  }
0x6b: {  	v2 =	vand.u32 $0x7FFF, v2  }
0x6c: {  	[tilespmem:$0x2810] =	vst v2  }
0x6d: {  	v2 =	vld [tilespmem:s20+$0x20];
	_ =	sdelay $0x4  }
0x6e: {  	v2 =	vand.u32 $0x7FFF, v2  }
0x6f: {  	[tilespmem:$0x2820] =	vst v2  }
0x70: {  	v2 =	vld [tilespmem:s20+$0x30];
	_ =	sdelay $0x4  }
0x71: {  	v2 =	vand.u32 $0x7FFF, v2  }
0x72: {  	[tilespmem:$0x2830] =	vst v2  }
0x73: {  	v2 =	vld [tilespmem:s20+$0x40];
	_ =	sdelay $0x4  }
0x74: {  	v2 =	vand.u32 $0x7FFF, v2  }
0x75: {  	[tilespmem:$0x2840] =	vst v2  }
0x76: {  	v2 =	vld [tilespmem:s20+$0x50];
	_ =	sdelay $0x4  }
0x77: {  	v2 =	vand.u32 $0x7FFF, v2  }
0x78: {  	[tilespmem:$0x2850] =	vst v2  }
0x79: {  	v2 =	vld [tilespmem:s20+$0x60];
	_ =	sdelay $0x4  }
0x7a: {  	v2 =	vand.u32 $0x7FFF, v2  }
0x7b: {  	[tilespmem:$0x2860] =	vst v2  }
0x7c: {  	v2 =	vld [tilespmem:s20+$0x70];
	_ =	sdelay $0x4  }
0x7d: {  	v2 =	vand.u32 $0x7FFF, v2  }
0x7e: {  	[tilespmem:$0x2870] =	vst v2  }
0x7f: {  	[spmem:s2] =	stream.indirect.scatter.add.f32 [tilespmem:s16], [sflag:$0x1], $0x10, s15, s14, $0xb8;
	[tilespmem:$0x6080] =	vst v63  }
0x80: {  	_ =	swait.ge [sflag:s12], $0x800  }
0x81: {  	s19 =	sadd.s32 $0x1, s19;
	[sflag:s12] =	ssyncset.done $0x0  }
0x82: {  	p1 =	sne.s32 s19, s11;
	[sflag:s12] =	ssyncadd.s32 $0xFFFFF800  }
.Ltmp2:
0x83: {  	s20 =	simm.s32 @!p0 $0x1;
	[bflag:$0x0] =	sbarrier.arrive $0xFFFF;
	(pc) =	sbr.rel @p1 .LBB2_1-.Ltmp2, $4  }
0x84: {  	[hbm:s10], [sflag:s17] =	dma.local @!p0 [spmem:s18], $0x500  }
0x85: {  	_ =	swait.ge @!p0 [sflag:s20], $0x500  }
0x86: {  	[sflag:s20] =	ssyncset.done @!p0 $0x0  }
0x87: {  	[sflag:s20] =	ssyncadd.s32 @!p0 $0xFFFFFB00  }
0x88: {  	_ =	sfence.sel $0x180000  }
0x89: {  	[bflag:$0x0] =	sbarrier.arrive $0xFFFF  }
0x8a: {  	p0 =	sne.s32 s1, $0x0;
	_ =	strace $0x90000047  }
0x8b: {  	s0 =	sadd.s32 @!p0 $0x100000, s0;
	[bflag:$0x2] =	sbarrier.arrive $0xFFFF  }
0x8c: {  	[sflag:s0] =	ssyncadd.tile.s32 @!p0 $0x1;
	_ =	shalt  }
.Lfunc_end2:
_tile_overlayer_lowered:
.L_overlay_start_2:
0x8d: {  	(tag) =	ssettag $0x2  }
0x8e: {  	s0 =	rddreg [dreg:$0x0];
	s2 =	stileid.u32  }
0x8f: {  	s1 =	rddreg [dreg:$0x1];
	p0 =	sne.s32 s2, $0x0  }
0x90: {  	s3 =	rddreg [dreg:$0x2];
	[bflag:$0x3] =	sbarrier.arrive $0xFFFF;
	s2 =	simm.s32 @!p0 $0x1C01  }
0x91: {  	[timem:s3], [sflag:s2] =	dma.local @!p0 [hbm:s0], s1  }
0x92: {  	s0 =	simm.s32 @!p0 $0x1  }
0x93: {  	_ =	swait.ge @!p0 [sflag:s0], s1  }
0x94: {  	s1 =	ssub.s32 @!p0 $0x0, s1;
	[sflag:s0] =	ssyncset.done @!p0 $0x0  }
0x95: {  	[sflag:s0] =	ssyncadd.s32 @!p0 s1  }
0x96: {  	[bflag:$0x3] =	sbarrier.arrive $0xFFFF  }
0x97: {  	_ =	shalt  }

</sc_bundles>
